<compile_context>
chip_gen: v7x
topology: tpu7x:2x2x1
jax: 0.10.2.dev20260603
libtpu: 0.0.44.dev20260713+nightly
codegen_flags: <defaults>
</compile_context>

<pallas_src>
import functools

import jax
import jax.numpy as jnp
from jax import lax
from jax.experimental import pallas as pl
from jax.experimental.pallas import tpu as pltpu, tpu_sc as plsc

N_NODES = 10000
N_EDGES = 160000
F_IN = 128
HID = 32
HEADS = 2
T = 8

N_PAD = 10240
E_REAL = N_EDGES + N_NODES
E_PAD = 172032
EC = E_PAD // 32
NJ = EC // 16
TN = T * N_NODES


_BLK_A = 3200


def _tcA_body(x_ref, wge_ref, wgo_ref, a8e_ref, a8o_ref, pk_ref, al_ref):
    xb = x_ref[...]
    hlo = lax.dot_general(wge_ref[...], xb, (((0,), (1,)), ((), ())),
                          preferred_element_type=jnp.float32)
    hhi = lax.dot_general(wgo_ref[...], xb, (((0,), (1,)), ((), ())),
                          preferred_element_type=jnp.float32)
    al = (jnp.dot(a8e_ref[...], hlo, preferred_element_type=jnp.float32)
          + jnp.dot(a8o_ref[...], hhi,
                    preferred_element_type=jnp.float32))
    alb = lax.bitcast_convert_type(al.astype(jnp.bfloat16),
                                   jnp.uint16).astype(jnp.uint32)
    pk_s = jnp.bitwise_or(alb[0:1], jnp.left_shift(alb[1:2], 16))
    pk_d = jnp.bitwise_or(alb[2:3], jnp.left_shift(alb[3:4], 16))
    al_ref[...] = lax.bitcast_convert_type(
        jnp.concatenate([pk_s, pk_d], axis=0), jnp.int32)
    blo = lax.bitcast_convert_type(hlo.astype(jnp.bfloat16),
                                   jnp.uint16).astype(jnp.uint32)
    bhi = lax.bitcast_convert_type(hhi.astype(jnp.bfloat16),
                                   jnp.uint16).astype(jnp.uint32)
    pk_ref[...] = lax.bitcast_convert_type(
        jnp.bitwise_or(blo, jnp.left_shift(bhi, 16)), jnp.int32)


def _tcA(x2d, Wg_even, Wg_odd, A8_even, A8_odd):
    return pl.pallas_call(
        _tcA_body,
        grid=(TN // _BLK_A,),
        in_specs=[
            pl.BlockSpec((_BLK_A, F_IN), lambda i: (i, 0)),
            pl.BlockSpec((F_IN, HID), lambda i: (0, 0)),
            pl.BlockSpec((F_IN, HID), lambda i: (0, 0)),
            pl.BlockSpec((8, HID), lambda i: (0, 0)),
            pl.BlockSpec((8, HID), lambda i: (0, 0)),
        ],
        out_specs=[
            pl.BlockSpec((HID, _BLK_A), lambda i: (0, i)),
            pl.BlockSpec((2, _BLK_A), lambda i: (0, i)),
        ],
        out_shape=[
            jax.ShapeDtypeStruct((HID, TN), jnp.int32),
            jax.ShapeDtypeStruct((2, TN), jnp.int32),
        ],
    )(x2d, Wg_even, Wg_odd, A8_even, A8_odd)



def _sc_b0_body(alp, ep_h, w_h, s01, d01, epv, w0, w1):
    wid = lax.axis_index("s") * 2 + lax.axis_index("c")
    base = wid * EC
    pltpu.sync_copy(ep_h.at[pl.ds(base, EC)], epv)

    izeros16 = jnp.zeros((16,), jnp.int32)

    def zero_tail(k, _):
        off = N_NODES + k * 16
        s01[pl.ds(off, 16)] = izeros16
        d01[pl.ds(off, 16)] = izeros16
        return 0

    lax.fori_loop(0, (N_PAD - N_NODES) // 16, zero_tail, 0)

    def t_loop(t, _):
        pltpu.sync_copy(alp.at[pl.ds(0 * TN + t * N_NODES, N_NODES)],
                        s01.at[pl.ds(0, N_NODES)])
        pltpu.sync_copy(alp.at[pl.ds(1 * TN + t * N_NODES, N_NODES)],
                        d01.at[pl.ds(0, N_NODES)])

        def j_body(j):
            ev = epv[pl.ds(j * 16, 16)]
            vs = jnp.bitwise_and(ev, 0x3FFF)
            vd = lax.shift_right_logical(ev, 14)
            gs = plsc.load_gather(s01, [vs])
            gd = plsc.load_gather(d01, [vd])
            e0 = (plsc.bitcast(jnp.left_shift(gs, 16), jnp.float32)
                  + plsc.bitcast(jnp.left_shift(gd, 16), jnp.float32))
            e1 = (plsc.bitcast(jnp.bitwise_and(gs, -65536), jnp.float32)
                  + plsc.bitcast(jnp.bitwise_and(gd, -65536), jnp.float32))
            e0 = jnp.where(e0 >= 0.0, e0, 0.2 * e0)
            e1 = jnp.where(e1 >= 0.0, e1, 0.2 * e1)
            w0[pl.ds(j * 16, 16)] = jnp.exp(e0)
            w1[pl.ds(j * 16, 16)] = jnp.exp(e1)

        plsc.parallel_loop(0, NJ, 1, unroll=8)(j_body)
        pltpu.sync_copy(w0, w_h.at[pl.ds((t * 2 + 0) * E_PAD + base, EC)])
        pltpu.sync_copy(w1, w_h.at[pl.ds((t * 2 + 1) * E_PAD + base, EC)])
        return 0

    lax.fori_loop(0, T, t_loop, 0)


@functools.lru_cache(maxsize=None)
def _build_sc_b0():
    mesh = plsc.VectorSubcoreMesh(core_axis_name="c", subcore_axis_name="s")
    return pl.kernel(
        _sc_b0_body,
        mesh=mesh,
        compiler_params=pltpu.CompilerParams(needs_layout_passes=False),
        out_type=jax.ShapeDtypeStruct((T * HEADS * E_PAD,), jnp.float32),
        scratch_types=[
            pltpu.VMEM((N_PAD,), jnp.int32),
            pltpu.VMEM((N_PAD,), jnp.int32),
            pltpu.VMEM((EC,), jnp.int32),
            pltpu.VMEM((EC,), jnp.float32),
            pltpu.VMEM((EC,), jnp.float32),
        ],
    )




_SEG = N_PAD // 16


def _sc_b1_body(hpk, w_h, ep_h, agg,
                tbl, acc0, acc1, accd, ep2, w2, shr, redbuf, dout,
                semA, semB):
    cid = lax.axis_index("c")
    sid = lax.axis_index("s")
    head = cid
    pk_row = cid * 16 + sid
    col0 = 2 * pk_row
    zeros16 = jnp.zeros((16,), jnp.float32)
    izeros16 = jnp.zeros((16,), jnp.int32)

    def t_loop(t, _):
        woff = (t * 2 + head) * E_PAD

        def issue(b, par, sem):
            pltpu.async_copy(ep_h.at[pl.ds(b * EC, EC)],
                             ep2.at[pl.ds(par * EC, EC)], sem)
            pltpu.async_copy(w_h.at[pl.ds(woff + b * EC, EC)],
                             w2.at[pl.ds(par * EC, EC)], sem)

        def drain(par, sem):
            pltpu.make_async_copy(ep_h.at[pl.ds(0, EC)],
                                  ep2.at[pl.ds(par * EC, EC)], sem).wait()
            pltpu.make_async_copy(w_h.at[pl.ds(0, EC)],
                                  w2.at[pl.ds(par * EC, EC)], sem).wait()

        issue(0, 0, semA)
        pltpu.sync_copy(hpk.at[pl.ds(pk_row * TN + t * N_NODES, N_NODES)],
                        tbl.at[pl.ds(0, N_NODES)])

        def zero_acc(k):
            acc0[pl.ds(k * 16, 16)] = zeros16
            acc1[pl.ds(k * 16, 16)] = zeros16
            accd[pl.ds(k * 16, 16)] = zeros16

        plsc.parallel_loop(0, N_PAD // 16, 1, unroll=4)(zero_acc)

        def zero_tail(k):
            tbl[pl.ds(N_NODES + k * 16, 16)] = izeros16

        plsc.parallel_loop(0, (N_PAD - N_NODES) // 16, 1,
                           unroll=2)(zero_tail)

        def make_j_body(par, with_den):
            def j_body(j):
                off = par * EC + j * 16
                ev = ep2[pl.ds(off, 16)]
                vs = jnp.bitwise_and(ev, 0x3FFF)
                vd = lax.shift_right_logical(ev, 14)
                wv = w2[pl.ds(off, 16)]
                g = plsc.load_gather(tbl, [vs])
                glo = plsc.bitcast(jnp.left_shift(g, 16), jnp.float32)
                ghi = plsc.bitcast(jnp.bitwise_and(g, -65536),
                                   jnp.float32)
                plsc.addupdate_scatter(acc0, [vd], wv * glo)
                plsc.addupdate_scatter(acc1, [vd], wv * ghi)
                if with_den:
                    plsc.addupdate_scatter(accd, [vd], wv)
            return j_body

        def process(par, b):
            do_den = lax.rem(b, 16) == sid

            @pl.when(do_den)
            def _():
                plsc.parallel_loop(0, NJ, 1, unroll=8)(make_j_body(par, True))

            @pl.when(jnp.logical_not(do_den))
            def _():
                plsc.parallel_loop(0, NJ, 1,
                                   unroll=8)(make_j_body(par, False))

        def bb_loop(bb, _):
            b0 = 2 * bb
            issue(b0 + 1, 1, semB)
            drain(0, semA)
            process(0, b0)

            @pl.when(bb < 15)
            def _():
                issue(b0 + 2, 0, semA)

            drain(1, semB)
            process(1, b0 + 1)
            return 0

        lax.fori_loop(0, 16, bb_loop, 0)

        pltpu.sync_copy(acc0, agg.at[pl.ds((col0 * T + t) * N_PAD, N_PAD)])
        pltpu.sync_copy(acc1, agg.at[pl.ds(((col0 + 1) * T + t) * N_PAD,
                                           N_PAD)])

        pltpu.sync_copy(accd, shr.at[pl.ds(sid * N_PAD, N_PAD)])
        plsc.subcore_barrier()
        for p in range(16):
            pltpu.sync_copy(shr.at[pl.ds(p * N_PAD + sid * _SEG, _SEG)],
                            redbuf.at[pl.ds(p * _SEG, _SEG)])

        def red_loop(k):
            s = redbuf[pl.ds(k * 16, 16)]
            for p in range(1, 16):
                s = s + redbuf[pl.ds(p * _SEG + k * 16, 16)]
            dout[pl.ds(k * 16, 16)] = s

        plsc.parallel_loop(0, _SEG // 16, 1, unroll=2)(red_loop)
        pltpu.sync_copy(
            dout,
            agg.at[pl.ds(((64 + head) * T + t) * N_PAD + sid * _SEG, _SEG)])
        plsc.subcore_barrier()
        return 0

    lax.fori_loop(0, T, t_loop, 0)


@functools.lru_cache(maxsize=None)
def _build_sc_b1():
    mesh = plsc.VectorSubcoreMesh(core_axis_name="c", subcore_axis_name="s")
    return pl.kernel(
        _sc_b1_body,
        mesh=mesh,
        compiler_params=pltpu.CompilerParams(needs_layout_passes=False),
        out_type=jax.ShapeDtypeStruct((66 * T * N_PAD,), jnp.float32),
        scratch_types=[
            pltpu.VMEM((N_PAD,), jnp.int32),
            pltpu.VMEM((N_PAD,), jnp.float32),
            pltpu.VMEM((N_PAD,), jnp.float32),
            pltpu.VMEM((N_PAD,), jnp.float32),
            pltpu.VMEM((2 * EC,), jnp.int32),
            pltpu.VMEM((2 * EC,), jnp.float32),
            pltpu.VMEM_SHARED((16 * N_PAD,), jnp.float32),
            pltpu.VMEM((16 * _SEG,), jnp.float32),
            pltpu.VMEM((_SEG,), jnp.float32),
            pltpu.SemaphoreType.DMA,
            pltpu.SemaphoreType.DMA,
        ],
    )



_BLK_B = 1280


def _tcB_body(agg_ref, wih_ref, whh_ref, bg_ref, wa1_ref, ba1_ref, wa2_ref,
              ba2_ref, wd1_ref, bd1_ref, wd2_ref, bd2_ref, bgat_ref, out_ref):
    wih = wih_ref[...]
    whh = whh_ref[...]
    bg = bg_ref[...]
    bgat = bgat_ref[...]

    h = jnp.zeros((HID, _BLK_B), jnp.float32)
    c = jnp.zeros((HID, _BLK_B), jnp.float32)
    hs = []
    for t in range(T):
        num0 = agg_ref[0:32, t, :]
        num1 = agg_ref[32:64, t, :]
        den0 = agg_ref[64, t, :]
        den1 = agg_ref[65, t, :]
        emb = 0.5 * (num0 / (den0[None, :] + 1e-16)
                     + num1 / (den1[None, :] + 1e-16)) + bgat
        emb = jnp.where(emb > 0.0, emb, jnp.exp(jnp.minimum(emb, 0.0)) - 1.0)
        gates = (jnp.dot(wih, emb, preferred_element_type=jnp.float32)
                 + jnp.dot(whh, h, preferred_element_type=jnp.float32) + bg)
        i_ = jax.nn.sigmoid(gates[0:32])
        f_ = jax.nn.sigmoid(gates[32:64])
        g_ = jnp.tanh(gates[64:96])
        o_ = jax.nn.sigmoid(gates[96:128])
        c = f_ * c + i_ * g_
        h = o_ * jnp.tanh(c)
        hs.append(h)

    wa1 = wa1_ref[...]
    ba1 = ba1_ref[...]
    wa2 = wa2_ref[...]
    ba2 = ba2_ref[...]
    scores = []
    for t in range(T):
        z = jnp.tanh(jnp.dot(wa1, hs[t], preferred_element_type=jnp.float32)
                     + ba1)
        scores.append(jnp.dot(wa2, z, preferred_element_type=jnp.float32)
                      + ba2)
    sc = jnp.concatenate(scores, axis=0)
    m = jnp.max(sc, axis=0, keepdims=True)
    ex = jnp.exp(sc - m)
    alpha = ex / jnp.sum(ex, axis=0, keepdims=True)
    h_att = alpha[0][None, :] * hs[0]
    for t in range(1, T):
        h_att = h_att + alpha[t][None, :] * hs[t]

    z = jnp.dot(wd1_ref[...], h_att, preferred_element_type=jnp.float32) \
        + bd1_ref[...]
    z = jnp.maximum(z, 0.0)
    logit = jnp.dot(wd2_ref[...], z, preferred_element_type=jnp.float32) \
        + bd2_ref[...]
    out_ref[...] = jnp.broadcast_to(logit, (8, _BLK_B))


def _tcB(agg, wih, whh, bg, wa1, ba1, wa2, ba2, wd1, bd1, wd2, bd2, bgat):
    full = lambda shape: pl.BlockSpec(shape, lambda i: tuple(0 for _ in shape))
    return pl.pallas_call(
        _tcB_body,
        grid=(N_PAD // _BLK_B,),
        in_specs=[
            pl.BlockSpec((66, T, _BLK_B), lambda i: (0, 0, i)),
            full((4 * HID, HID)),
            full((4 * HID, HID)),
            full((4 * HID, 1)),
            full((HID // 2, HID)),
            full((HID // 2, 1)),
            full((1, HID // 2)),
            full((1, 1)),
            full((HID // 2, HID)),
            full((HID // 2, 1)),
            full((1, HID // 2)),
            full((1, 1)),
            full((HID, 1)),
        ],
        out_specs=pl.BlockSpec((8, _BLK_B), lambda i: (0, i)),
        out_shape=jax.ShapeDtypeStruct((8, N_PAD), jnp.float32),
    )(agg, wih, whh, bg, wa1, ba1, wa2, ba2, wd1, bd1, wd2, bd2, bgat)




def kernel(x_sequence, edge_index, W_gat, a_src, a_dst, b_gat, W_ih, W_hh,
           b_ih, b_hh, W_att1, b_att1, W_att2, b_att2, W_dec1, b_dec1,
           W_dec2, b_dec2):
    src = jnp.concatenate([
        edge_index[0].astype(jnp.int32),
        jnp.arange(N_NODES, dtype=jnp.int32),
        jnp.full((E_PAD - E_REAL,), N_NODES, jnp.int32),
    ])
    dst = jnp.concatenate([
        edge_index[1].astype(jnp.int32),
        jnp.arange(N_NODES, dtype=jnp.int32),
        jnp.full((E_PAD - E_REAL,), N_NODES, jnp.int32),
    ])
    ep = jnp.bitwise_or(src, jnp.left_shift(dst, 14))

    A8 = jnp.zeros((8, HEADS * HID), jnp.float32)
    A8 = A8.at[0, 0:HID].set(a_src[0])
    A8 = A8.at[1, HID:2 * HID].set(a_src[1])
    A8 = A8.at[2, 0:HID].set(a_dst[0])
    A8 = A8.at[3, HID:2 * HID].set(a_dst[1])

    x2d = x_sequence.reshape(TN, F_IN)
    hpk, al8 = _tcA(x2d, W_gat[:, 0::2], W_gat[:, 1::2],
                    A8[:, 0::2], A8[:, 1::2])

    w_h = _build_sc_b0()(al8.reshape(-1), ep)
    agg = _build_sc_b1()(hpk.reshape(-1), w_h, ep)
    agg = agg.reshape(66, T, N_PAD)

    bg = (b_ih + b_hh).reshape(4 * HID, 1)
    out8 = _tcB(agg, W_ih, W_hh, bg,
                W_att1.T, b_att1.reshape(HID // 2, 1),
                W_att2.T, b_att2.reshape(1, 1),
                W_dec1.T, b_dec1.reshape(HID // 2, 1),
                W_dec2.T, b_dec2.reshape(1, 1),
                b_gat.reshape(HID, 1))
    return out8[0, :N_NODES][:, None]

# --- scband reference (transcript-rebuilt; emitter-appended) ---
"""Pipeline reference for scband-dymgnn-44229573214314 (READ-ONLY COPY).

The authoritative reference and input builder live on the scoring server;
editing this copy changes nothing except your own understanding.
"""

import jax, jax.numpy as jnp
import numpy as np

N_NODES = 10000
N_EDGES = 160000
F_IN = 128
HID = 32
HEADS = 2
T = 8

def setup_inputs(seed: int = 0) -> dict:
    key = jax.random.key(seed)
    ks = jax.random.split(key, 20)
    s = 0.05
    inp = {}
    inp['x_sequence'] = jax.random.normal(ks[0], (T, N_NODES, F_IN), dtype=jnp.float32)
    inp['edge_index'] = jax.random.randint(ks[1], (2, N_EDGES), 0, N_NODES, dtype=jnp.int64)
    inp['W_gat'] = jax.random.normal(ks[2], (F_IN, HEADS * HID), dtype=jnp.float32) * s
    inp['a_src'] = jax.random.normal(ks[3], (HEADS, HID), dtype=jnp.float32) * s
    inp['a_dst'] = jax.random.normal(ks[4], (HEADS, HID), dtype=jnp.float32) * s
    inp['b_gat'] = jnp.zeros((HID,), dtype=jnp.float32)
    inp['W_ih'] = jax.random.normal(ks[5], (4 * HID, HID), dtype=jnp.float32) * s
    inp['W_hh'] = jax.random.normal(ks[6], (4 * HID, HID), dtype=jnp.float32) * s
    inp['b_ih'] = jnp.zeros((4 * HID,), dtype=jnp.float32)
    inp['b_hh'] = jnp.zeros((4 * HID,), dtype=jnp.float32)
    inp['W_att1'] = jax.random.normal(ks[7], (HID, HID // 2), dtype=jnp.float32) * s
    inp['b_att1'] = jnp.zeros((HID // 2,), dtype=jnp.float32)
    inp['W_att2'] = jax.random.normal(ks[8], (HID // 2, 1), dtype=jnp.float32) * s
    inp['b_att2'] = jnp.zeros((1,), dtype=jnp.float32)
    inp['W_dec1'] = jax.random.normal(ks[9], (HID, HID // 2), dtype=jnp.float32) * s
    inp['b_dec1'] = jnp.zeros((HID // 2,), dtype=jnp.float32)
    inp['W_dec2'] = jax.random.normal(ks[10], (HID // 2, 1), dtype=jnp.float32) * s
    inp['b_dec2'] = jnp.zeros((1,), dtype=jnp.float32)
    return inp

def _gat(x, src, dst, W_gat, a_src, a_dst, b_gat):
    # PyG GATConv, concat=False (mean over heads), add_self_loops=True, eval mode
    h = (x @ W_gat).reshape(N_NODES, HEADS, HID)
    al_s = (h * a_src[None, :, :]).sum(-1)  # [N, H]
    al_d = (h * a_dst[None, :, :]).sum(-1)  # [N, H]
    e = al_s[src] + al_d[dst]               # [E', H]
    e = jax.nn.leaky_relu(e, negative_slope=0.2)
    m = jax.ops.segment_max(e, dst, num_segments=N_NODES)
    m = jnp.where(jnp.isfinite(m), m, 0.0)
    ex = jnp.exp(e - m[dst])
    den = jax.ops.segment_sum(ex, dst, num_segments=N_NODES)
    alpha = ex / (den[dst] + 1e-16)
    msg = alpha[:, :, None] * h[src]        # [E', H, C]
    out = jax.ops.segment_sum(msg, dst, num_segments=N_NODES)
    out = out.mean(axis=1) + b_gat[None, :]
    return out

def _lstm(seq, W_ih, W_hh, b_ih, b_hh):
    # seq: [N, T, H], batch_first LSTM; gate order i, f, g, o (PyTorch)
    N = seq.shape[0]
    xs = jnp.transpose(seq, (1, 0, 2))  # [T, N, H]
    h0 = jnp.zeros((N, HID), dtype=seq.dtype)
    c0 = jnp.zeros((N, HID), dtype=seq.dtype)
    def step(carry, x_t):
        h, c = carry
        gates = x_t @ W_ih.T + h @ W_hh.T + b_ih + b_hh
        i, f, g, o = jnp.split(gates, 4, axis=-1)
        i = jax.nn.sigmoid(i)
        f = jax.nn.sigmoid(f)
        g = jnp.tanh(g)
        o = jax.nn.sigmoid(o)
        c = f * c + i * g
        h = o * jnp.tanh(c)
        return (h, c), h
    (_, _), hs = jax.lax.scan(step, (h0, c0), xs)
    return jnp.transpose(hs, (1, 0, 2))  # [N, T, H]

def reference(x_sequence, edge_index, W_gat, a_src, a_dst, b_gat, W_ih, W_hh, b_ih, b_hh, W_att1, b_att1, W_att2, b_att2, W_dec1, b_dec1, W_dec2, b_dec2):
    loops = jnp.arange(N_NODES, dtype=edge_index.dtype)
    src = jnp.concatenate([edge_index[0], loops])
    dst = jnp.concatenate([edge_index[1], loops])
    def per_t(x_t):
        return jax.nn.elu(_gat(x_t, src, dst, W_gat, a_src, a_dst, b_gat))
    emb = jax.vmap(per_t)(x_sequence)            # [T, N, HID]
    seq_tensor = jnp.transpose(emb, (1, 0, 2))   # [N, T, HID]
    lstm_out = _lstm(seq_tensor, W_ih, W_hh, b_ih, b_hh)  # [N, T, HID]
    scores = jnp.tanh(lstm_out @ W_att1 + b_att1) @ W_att2 + b_att2  # [N, T, 1]
    alpha = jax.nn.softmax(scores, axis=1)
    h_att = jnp.sum(alpha * lstm_out, axis=1)    # [N, HID]
    logits = jax.nn.relu(h_att @ W_dec1 + b_dec1) @ W_dec2 + b_dec2  # [N, 1]
    return logits

if __name__ == "__main__":
    import jax
    _d = setup_inputs()
    print(jax.jit(kernel)(*tuple(_d.values())))

</pallas_src>

<mosaic_0001>
#map = affine_map<(d0, d1) -> (0)>
module attributes {stable_mosaic.version = 14 : i64} {
  func.func @_sc_b0_body(%arg0: i32, %arg1: i32, %arg2: memref<160000xi32, #tpu.memory_space<hbm>>, %arg3: memref<172032xi32, #tpu.memory_space<hbm>>, %arg4: memref<2752512xf32, #tpu.memory_space<hbm>>, %arg5: memref<10240xi32, #tpu.memory_space<vmem>>, %arg6: memref<10240xi32, #tpu.memory_space<vmem>>, %arg7: memref<5376xi32, #tpu.memory_space<vmem>>, %arg8: memref<5376xf32, #tpu.memory_space<vmem>>, %arg9: memref<5376xf32, #tpu.memory_space<vmem>>) attributes {dimension_semantics = [#tpu.dimension_semantics<core_parallel>, #tpu.dimension_semantics<subcore_parallel>], iteration_bounds = array<i64: 2, 16>, scalar_prefetch = 0 : i64, scratch_operands = 5 : i64, tpu.core_type = #tpu.core_type<sc_vector_subcore>, window_params = [{transform_indices = #map}, {transform_indices = #map}, {transform_indices = #map}]} {
    %mul3A = arith.constant 2 : i32
    %mul3A_0 = arith.muli %arg1, %mul3A : i32
    %add3A = arith.addi %mul3A_0, %arg0 : i32
    %mul3A_1 = arith.constant 5376 : i32
    %mul3A_2 = arith.muli %add3A, %mul3A_1 : i32
    "tpu.region"() ({
      %run_scoped3A = tpu.sem_alloc : memref<!tpu.dma_semaphore, #tpu.memory_space<semaphore_mem>>
      %dma_start3A = tpu.memref_slice %arg3[%mul3A_2] : memref<172032xi32, #tpu.memory_space<hbm>> -> memref<5376xi32, #tpu.memory_space<hbm>>
      %dma_start3A_17 = tpu.memref_slice %arg3[%mul3A_2] : memref<172032xi32, #tpu.memory_space<hbm>> -> memref<5376xi32, #tpu.memory_space<hbm>>
      tpu.enqueue_dma source(%dma_start3A_17 : memref<5376xi32, #tpu.memory_space<hbm>>) target(%arg7 : memref<5376xi32, #tpu.memory_space<vmem>>) target_semaphore(%run_scoped3A : memref<!tpu.dma_semaphore, #tpu.memory_space<semaphore_mem>>)
      %dma_wait3A = tpu.memref_slice %arg3[%mul3A_2] : memref<172032xi32, #tpu.memory_space<hbm>> -> memref<5376xi32, #tpu.memory_space<hbm>>
      %dma_wait3A_18 = tpu.memref_slice %arg3[%mul3A_2] : memref<172032xi32, #tpu.memory_space<hbm>> -> memref<5376xi32, #tpu.memory_space<hbm>>
      tpu.wait_dma2 semaphore(%run_scoped3A : memref<!tpu.dma_semaphore, #tpu.memory_space<semaphore_mem>>) src(%dma_wait3A_18 : memref<5376xi32, #tpu.memory_space<hbm>>) dst(%arg7 : memref<5376xi32, #tpu.memory_space<vmem>>)
      tpu.yield
    }) : () -> ()
    %broadcast_in_dim3A = arith.constant 0 : i32
    %broadcast_in_dim3A_3 = vector.broadcast %broadcast_in_dim3A : i32 to vector<16xi32>
    %scan3A = arith.constant 0 : i32
    %scan3A_4 = arith.constant 0 : i32
    %scan3A_5 = arith.constant 15 : i32
    %scan3A_6 = arith.addi %scan3A_4, %scan3A_5 : i32
    %scan3A_7 = arith.constant 1 : i32
    %scan3A_8 = scf.for %scan3A_17 = %scan3A_4 to %scan3A_6 step %scan3A_7 iter_args(%scan3A_18 = %scan3A) -> (i32)  : i32 {
      %mul3A_19 = arith.constant 16 : i32
      %mul3A_20 = arith.muli %scan3A_17, %mul3A_19 : i32
      %add3A_21 = arith.constant 10000 : i32
      %add3A_22 = arith.addi %add3A_21, %mul3A_20 : i32
      %swap3A = arith.index_cast %add3A_22 : i32 to index
      %swap3A_23 = tpu.vector_load %arg5[%swap3A] {strides = array<i32>} : memref<10240xi32, #tpu.memory_space<vmem>>, vector<16xi32>,
      tpu.vector_store %arg5[%swap3A], %broadcast_in_dim3A_3 {strides = array<i32>} : memref<10240xi32, #tpu.memory_space<vmem>>, vector<16xi32>,
      %swap3A_24 = arith.index_cast %add3A_22 : i32 to index
      %swap3A_25 = tpu.vector_load %arg6[%swap3A_24] {strides = array<i32>} : memref<10240xi32, #tpu.memory_space<vmem>>, vector<16xi32>,
      tpu.vector_store %arg6[%swap3A_24], %broadcast_in_dim3A_3 {strides = array<i32>} : memref<10240xi32, #tpu.memory_space<vmem>>, vector<16xi32>,
      %scan3A_26 = arith.constant 0 : i32
      scf.yield %scan3A_26 : i32
    }
    %scan3A_9 = arith.constant 15 : i32
    %scan3A_10 = arith.constant 0 : i32
    %scan3A_11 = arith.constant 0 : i32
    %scan3A_12 = arith.constant 8 : i32
    %scan3A_13 = arith.addi %scan3A_11, %scan3A_12 : i32
    %scan3A_14 = arith.constant 1 : i32
    %scan3A_15 = scf.for %scan3A_17 = %scan3A_11 to %scan3A_13 step %scan3A_14 iter_args(%scan3A_18 = %scan3A_10) -> (i32)  : i32 {
      %mul3A_19 = arith.constant 10000 : i32
      %mul3A_20 = arith.muli %scan3A_17, %mul3A_19 : i32
      %add3A_21 = arith.constant 0 : i32
      %add3A_22 = arith.addi %add3A_21, %mul3A_20 : i32
      "tpu.region"() ({
        %run_scoped3A = tpu.sem_alloc : memref<!tpu.dma_semaphore, #tpu.memory_space<semaphore_mem>>
        %dma_start3A = arith.constant 0 : i32
        %dma_start3A_44 = tpu.memref_slice %arg5[%dma_start3A] : memref<10240xi32, #tpu.memory_space<vmem>> -> memref<10000xi32, #tpu.memory_space<vmem>>
        %dma_start3A_45 = tpu.memref_slice %arg2[%add3A_22] : memref<160000xi32, #tpu.memory_space<hbm>> -> memref<10000xi32, #tpu.memory_space<hbm>>
        %dma_start3A_46 = arith.constant 0 : i32
        %dma_start3A_47 = tpu.memref_slice %arg5[%dma_start3A_46] : memref<10240xi32, #tpu.memory_space<vmem>> -> memref<10000xi32, #tpu.memory_space<vmem>>
        %dma_start3A_48 = tpu.memref_slice %arg2[%add3A_22] : memref<160000xi32, #tpu.memory_space<hbm>> -> memref<10000xi32, #tpu.memory_space<hbm>>
        tpu.enqueue_dma source(%dma_start3A_48 : memref<10000xi32, #tpu.memory_space<hbm>>) target(%dma_start3A_47 : memref<10000xi32, #tpu.memory_space<vmem>>) target_semaphore(%run_scoped3A : memref<!tpu.dma_semaphore, #tpu.memory_space<semaphore_mem>>)
        %dma_wait3A = arith.constant 0 : i32
        %dma_wait3A_49 = tpu.memref_slice %arg5[%dma_wait3A] : memref<10240xi32, #tpu.memory_space<vmem>> -> memref<10000xi32, #tpu.memory_space<vmem>>
        %dma_wait3A_50 = tpu.memref_slice %arg2[%add3A_22] : memref<160000xi32, #tpu.memory_space<hbm>> -> memref<10000xi32, #tpu.memory_space<hbm>>
        %dma_wait3A_51 = arith.constant 0 : i32
        %dma_wait3A_52 = tpu.memref_slice %arg5[%dma_wait3A_51] : memref<10240xi32, #tpu.memory_space<vmem>> -> memref<10000xi32, #tpu.memory_space<vmem>>
        %dma_wait3A_53 = tpu.memref_slice %arg2[%add3A_22] : memref<160000xi32, #tpu.memory_space<hbm>> -> memref<10000xi32, #tpu.memory_space<hbm>>
        tpu.wait_dma2 semaphore(%run_scoped3A : memref<!tpu.dma_semaphore, #tpu.memory_space<semaphore_mem>>) src(%dma_wait3A_53 : memref<10000xi32, #tpu.memory_space<hbm>>) dst(%dma_wait3A_52 : memref<10000xi32, #tpu.memory_space<vmem>>)
        tpu.yield
      }) : () -> ()
      %mul3A_23 = arith.constant 10000 : i32
      %mul3A_24 = arith.muli %scan3A_17, %mul3A_23 : i32
      %add3A_25 = arith.constant 80000 : i32
      %add3A_26 = arith.addi %add3A_25, %mul3A_24 : i32
      "tpu.region"() ({
        %run_scoped3A = tpu.sem_alloc : memref<!tpu.dma_semaphore, #tpu.memory_space<semaphore_mem>>
        %dma_start3A = arith.constant 0 : i32
        %dma_start3A_44 = tpu.memref_slice %arg6[%dma_start3A] : memref<10240xi32, #tpu.memory_space<vmem>> -> memref<10000xi32, #tpu.memory_space<vmem>>
        %dma_start3A_45 = tpu.memref_slice %arg2[%add3A_26] : memref<160000xi32, #tpu.memory_space<hbm>> -> memref<10000xi32, #tpu.memory_space<hbm>>
        %dma_start3A_46 = arith.constant 0 : i32
        %dma_start3A_47 = tpu.memref_slice %arg6[%dma_start3A_46] : memref<10240xi32, #tpu.memory_space<vmem>> -> memref<10000xi32, #tpu.memory_space<vmem>>
        %dma_start3A_48 = tpu.memref_slice %arg2[%add3A_26] : memref<160000xi32, #tpu.memory_space<hbm>> -> memref<10000xi32, #tpu.memory_space<hbm>>
        tpu.enqueue_dma source(%dma_start3A_48 : memref<10000xi32, #tpu.memory_space<hbm>>) target(%dma_start3A_47 : memref<10000xi32, #tpu.memory_space<vmem>>) target_semaphore(%run_scoped3A : memref<!tpu.dma_semaphore, #tpu.memory_space<semaphore_mem>>)
        %dma_wait3A = arith.constant 0 : i32
        %dma_wait3A_49 = tpu.memref_slice %arg6[%dma_wait3A] : memref<10240xi32, #tpu.memory_space<vmem>> -> memref<10000xi32, #tpu.memory_space<vmem>>
        %dma_wait3A_50 = tpu.memref_slice %arg2[%add3A_26] : memref<160000xi32, #tpu.memory_space<hbm>> -> memref<10000xi32, #tpu.memory_space<hbm>>
        %dma_wait3A_51 = arith.constant 0 : i32
        %dma_wait3A_52 = tpu.memref_slice %arg6[%dma_wait3A_51] : memref<10240xi32, #tpu.memory_space<vmem>> -> memref<10000xi32, #tpu.memory_space<vmem>>
        %dma_wait3A_53 = tpu.memref_slice %arg2[%add3A_26] : memref<160000xi32, #tpu.memory_space<hbm>> -> memref<10000xi32, #tpu.memory_space<hbm>>
        tpu.wait_dma2 semaphore(%run_scoped3A : memref<!tpu.dma_semaphore, #tpu.memory_space<semaphore_mem>>) src(%dma_wait3A_53 : memref<10000xi32, #tpu.memory_space<hbm>>) dst(%dma_wait3A_52 : memref<10000xi32, #tpu.memory_space<vmem>>)
        tpu.yield
      }) : () -> ()
      %parallel_loop3A = arith.constant 0 : i32
      %parallel_loop3A_27 = arith.constant 336 : i32
      %parallel_loop3A_28 = arith.constant 1 : i32
      scf.for %parallel_loop3A_44 = %parallel_loop3A to %parallel_loop3A_27 step %parallel_loop3A_28  : i32 {
        %parallel_loop3A_45 = arith.constant 16 : i32
        %parallel_loop3A_46 = arith.muli %parallel_loop3A_44, %parallel_loop3A_45 : i32
        %parallel_loop3A_47 = arith.index_cast %parallel_loop3A_46 : i32 to index
        %parallel_loop3A_48 = tpu.vector_load %arg7[%parallel_loop3A_47] {strides = array<i32>} : memref<5376xi32, #tpu.memory_space<vmem>>, vector<16xi32>,
        %parallel_loop3A_49 = arith.constant 16383 : i32
        %parallel_loop3A_50 = vector.broadcast %parallel_loop3A_49 : i32 to vector<16xi32>
        %parallel_loop3A_51 = arith.andi %parallel_loop3A_48, %parallel_loop3A_50 : vector<16xi32>
        %parallel_loop3A_52 = arith.constant 14 : i32
        %parallel_loop3A_53 = vector.broadcast %parallel_loop3A_52 : i32 to vector<16xi32>
        %parallel_loop3A_54 = arith.shrui %parallel_loop3A_48, %parallel_loop3A_53 : vector<16xi32>
        %parallel_loop3A_55 = tpu.vector_load_idx %arg5[%parallel_loop3A_51] : memref<10240xi32, #tpu.memory_space<vmem>>[vector<16xi32>], vector<16xi32>,
        %parallel_loop3A_56 = tpu.vector_load_idx %arg6[%parallel_loop3A_54] : memref<10240xi32, #tpu.memory_space<vmem>>[vector<16xi32>], vector<16xi32>,
        %parallel_loop3A_57 = arith.constant 16 : i32
        %parallel_loop3A_58 = vector.broadcast %parallel_loop3A_57 : i32 to vector<16xi32>
        %parallel_loop3A_59 = arith.shli %parallel_loop3A_55, %parallel_loop3A_58 : vector<16xi32>
        %parallel_loop3A_60 = vector.bitcast %parallel_loop3A_59 : vector<16xi32> to vector<16xf32>
        %parallel_loop3A_61 = arith.constant 16 : i32
        %parallel_loop3A_62 = vector.broadcast %parallel_loop3A_61 : i32 to vector<16xi32>
        %parallel_loop3A_63 = arith.shli %parallel_loop3A_56, %parallel_loop3A_62 : vector<16xi32>
        %parallel_loop3A_64 = vector.bitcast %parallel_loop3A_63 : vector<16xi32> to vector<16xf32>
        %parallel_loop3A_65 = arith.addf %parallel_loop3A_60, %parallel_loop3A_64 : vector<16xf32>
        %parallel_loop3A_66 = arith.constant -65536 : i32
        %parallel_loop3A_67 = vector.broadcast %parallel_loop3A_66 : i32 to vector<16xi32>
        %parallel_loop3A_68 = arith.andi %parallel_loop3A_55, %parallel_loop3A_67 : vector<16xi32>
        %parallel_loop3A_69 = vector.bitcast %parallel_loop3A_68 : vector<16xi32> to vector<16xf32>
        %parallel_loop3A_70 = arith.constant -65536 : i32
        %parallel_loop3A_71 = vector.broadcast %parallel_loop3A_70 : i32 to vector<16xi32>
        %parallel_loop3A_72 = arith.andi %parallel_loop3A_56, %parallel_loop3A_71 : vector<16xi32>
        %parallel_loop3A_73 = vector.bitcast %parallel_loop3A_72 : vector<16xi32> to vector<16xf32>
        %parallel_loop3A_74 = arith.addf %parallel_loop3A_69, %parallel_loop3A_73 : vector<16xf32>
        %parallel_loop3A_75 = arith.constant 0.000000e+00 : f32
        %parallel_loop3A_76 = vector.broadcast %parallel_loop3A_75 : f32 to vector<16xf32>
        %parallel_loop3A_77 = arith.cmpf oge, %parallel_loop3A_65, %parallel_loop3A_76 : vector<16xf32>
        %parallel_loop3A_78 = arith.constant 2.000000e-01 : f32
        %parallel_loop3A_79 = vector.broadcast %parallel_loop3A_78 : f32 to vector<16xf32>
        %parallel_loop3A_80 = arith.mulf %parallel_loop3A_79, %parallel_loop3A_65 : vector<16xf32>
        %parallel_loop3A_81 = arith.select %parallel_loop3A_77, %parallel_loop3A_65, %parallel_loop3A_80 : vector<16xi1>, vector<16xf32>
        %parallel_loop3A_82 = arith.constant 0.000000e+00 : f32
        %parallel_loop3A_83 = vector.broadcast %parallel_loop3A_82 : f32 to vector<16xf32>
        %parallel_loop3A_84 = arith.cmpf oge, %parallel_loop3A_74, %parallel_loop3A_83 : vector<16xf32>
        %parallel_loop3A_85 = arith.constant 2.000000e-01 : f32
        %parallel_loop3A_86 = vector.broadcast %parallel_loop3A_85 : f32 to vector<16xf32>
        %parallel_loop3A_87 = arith.mulf %parallel_loop3A_86, %parallel_loop3A_74 : vector<16xf32>
        %parallel_loop3A_88 = arith.select %parallel_loop3A_84, %parallel_loop3A_74, %parallel_loop3A_87 : vector<16xi1>, vector<16xf32>
        %parallel_loop3A_89 = math.exp %parallel_loop3A_81 : vector<16xf32>
        %parallel_loop3A_90 = arith.constant 16 : i32
        %parallel_loop3A_91 = arith.muli %parallel_loop3A_44, %parallel_loop3A_90 : i32
        %parallel_loop3A_92 = arith.index_cast %parallel_loop3A_91 : i32 to index
        %parallel_loop3A_93 = tpu.vector_load %arg8[%parallel_loop3A_92] {strides = array<i32>} : memref<5376xf32, #tpu.memory_space<vmem>>, vector<16xf32>,
        tpu.vector_store %arg8[%parallel_loop3A_92], %parallel_loop3A_89 {strides = array<i32>} : memref<5376xf32, #tpu.memory_space<vmem>>, vector<16xf32>,
        %parallel_loop3A_94 = math.exp %parallel_loop3A_88 : vector<16xf32>
        %parallel_loop3A_95 = arith.constant 16 : i32
        %parallel_loop3A_96 = arith.muli %parallel_loop3A_44, %parallel_loop3A_95 : i32
        %parallel_loop3A_97 = arith.index_cast %parallel_loop3A_96 : i32 to index
        %parallel_loop3A_98 = tpu.vector_load %arg9[%parallel_loop3A_97] {strides = array<i32>} : memref<5376xf32, #tpu.memory_space<vmem>>, vector<16xf32>,
        tpu.vector_store %arg9[%parallel_loop3A_97], %parallel_loop3A_94 {strides = array<i32>} : memref<5376xf32, #tpu.memory_space<vmem>>, vector<16xf32>,
      } {sc.loop_unroll_factor = 8 : i64, sc.parallel_access}
      %mul3A_29 = arith.constant 2 : i32
      %mul3A_30 = arith.muli %scan3A_17, %mul3A_29 : i32
      %add3A_31 = arith.constant 0 : i32
      %add3A_32 = arith.addi %mul3A_30, %add3A_31 : i32
      %mul3A_33 = arith.constant 172032 : i32
      %mul3A_34 = arith.muli %add3A_32, %mul3A_33 : i32
      %add3A_35 = arith.addi %mul3A_34, %mul3A_2 : i32
      "tpu.region"() ({
        %run_scoped3A = tpu.sem_alloc : memref<!tpu.dma_semaphore, #tpu.memory_space<semaphore_mem>>
        %dma_start3A = tpu.memref_slice %arg4[%add3A_35] : memref<2752512xf32, #tpu.memory_space<hbm>> -> memref<5376xf32, #tpu.memory_space<hbm>>
        %dma_start3A_44 = tpu.memref_slice %arg4[%add3A_35] : memref<2752512xf32, #tpu.memory_space<hbm>> -> memref<5376xf32, #tpu.memory_space<hbm>>
        tpu.enqueue_dma source(%arg8 : memref<5376xf32, #tpu.memory_space<vmem>>) target(%dma_start3A_44 : memref<5376xf32, #tpu.memory_space<hbm>>) target_semaphore(%run_scoped3A : memref<!tpu.dma_semaphore, #tpu.memory_space<semaphore_mem>>)
        %dma_wait3A = tpu.memref_slice %arg4[%add3A_35] : memref<2752512xf32, #tpu.memory_space<hbm>> -> memref<5376xf32, #tpu.memory_space<hbm>>
        %dma_wait3A_45 = tpu.memref_slice %arg4[%add3A_35] : memref<2752512xf32, #tpu.memory_space<hbm>> -> memref<5376xf32, #tpu.memory_space<hbm>>
        tpu.wait_dma2 semaphore(%run_scoped3A : memref<!tpu.dma_semaphore, #tpu.memory_space<semaphore_mem>>) src(%arg8 : memref<5376xf32, #tpu.memory_space<vmem>>) dst(%dma_wait3A_45 : memref<5376xf32, #tpu.memory_space<hbm>>)
        tpu.yield
      }) : () -> ()
      %mul3A_36 = arith.constant 2 : i32
      %mul3A_37 = arith.muli %scan3A_17, %mul3A_36 : i32
      %add3A_38 = arith.constant 1 : i32
      %add3A_39 = arith.addi %mul3A_37, %add3A_38 : i32
      %mul3A_40 = arith.constant 172032 : i32
      %mul3A_41 = arith.muli %add3A_39, %mul3A_40 : i32
      %add3A_42 = arith.addi %mul3A_41, %mul3A_2 : i32
      "tpu.region"() ({
        %run_scoped3A = tpu.sem_alloc : memref<!tpu.dma_semaphore, #tpu.memory_space<semaphore_mem>>
        %dma_start3A = tpu.memref_slice %arg4[%add3A_42] : memref<2752512xf32, #tpu.memory_space<hbm>> -> memref<5376xf32, #tpu.memory_space<hbm>>
        %dma_start3A_44 = tpu.memref_slice %arg4[%add3A_42] : memref<2752512xf32, #tpu.memory_space<hbm>> -> memref<5376xf32, #tpu.memory_space<hbm>>
        tpu.enqueue_dma source(%arg9 : memref<5376xf32, #tpu.memory_space<vmem>>) target(%dma_start3A_44 : memref<5376xf32, #tpu.memory_space<hbm>>) target_semaphore(%run_scoped3A : memref<!tpu.dma_semaphore, #tpu.memory_space<semaphore_mem>>)
        %dma_wait3A = tpu.memref_slice %arg4[%add3A_42] : memref<2752512xf32, #tpu.memory_space<hbm>> -> memref<5376xf32, #tpu.memory_space<hbm>>
        %dma_wait3A_45 = tpu.memref_slice %arg4[%add3A_42] : memref<2752512xf32, #tpu.memory_space<hbm>> -> memref<5376xf32, #tpu.memory_space<hbm>>
        tpu.wait_dma2 semaphore(%run_scoped3A : memref<!tpu.dma_semaphore, #tpu.memory_space<semaphore_mem>>) src(%arg9 : memref<5376xf32, #tpu.memory_space<vmem>>) dst(%dma_wait3A_45 : memref<5376xf32, #tpu.memory_space<hbm>>)
        tpu.yield
      }) : () -> ()
      %scan3A_43 = arith.constant 0 : i32
      scf.yield %scan3A_43 : i32
    }
    %scan3A_16 = arith.constant 8 : i32
    return
  }
}

#map = affine_map<(d0, d1) -> (0)>
module attributes {stable_mosaic.version = 14 : i64} {
  func.func @_sc_b1_body(%arg0: i32, %arg1: i32, %arg2: memref<2560000xi32, #tpu.memory_space<hbm>>, %arg3: memref<2752512xf32, #tpu.memory_space<hbm>>, %arg4: memref<172032xi32, #tpu.memory_space<hbm>>, %arg5: memref<5406720xf32, #tpu.memory_space<hbm>>, %arg6: memref<10240xi32, #tpu.memory_space<vmem>>, %arg7: memref<10240xf32, #tpu.memory_space<vmem>>, %arg8: memref<10240xf32, #tpu.memory_space<vmem>>, %arg9: memref<10240xf32, #tpu.memory_space<vmem>>, %arg10: memref<10752xi32, #tpu.memory_space<vmem>>, %arg11: memref<10752xf32, #tpu.memory_space<vmem>>, %arg12: memref<163840xf32, #tpu.memory_space<vmem_shared>>, %arg13: memref<10240xf32, #tpu.memory_space<vmem>>, %arg14: memref<640xf32, #tpu.memory_space<vmem>>, %arg15: memref<!tpu.dma_semaphore, #tpu.memory_space<semaphore_mem>>, %arg16: memref<!tpu.dma_semaphore, #tpu.memory_space<semaphore_mem>>) attributes {dimension_semantics = [#tpu.dimension_semantics<core_parallel>, #tpu.dimension_semantics<subcore_parallel>], iteration_bounds = array<i64: 2, 16>, scalar_prefetch = 0 : i64, scratch_operands = 11 : i64, tpu.core_type = #tpu.core_type<sc_vector_subcore>, window_params = [{transform_indices = #map}, {transform_indices = #map}, {transform_indices = #map}, {transform_indices = #map}]} {
    %mul3A = arith.constant 16 : i32
    %mul3A_0 = arith.muli %arg0, %mul3A : i32
    %add3A = arith.addi %mul3A_0, %arg1 : i32
    %mul3A_1 = arith.constant 2 : i32
    %mul3A_2 = arith.muli %mul3A_1, %add3A : i32
    %broadcast_in_dim3A = arith.constant 0.000000e+00 : f32
    %broadcast_in_dim3A_3 = vector.broadcast %broadcast_in_dim3A : f32 to vector<16xf32>
    %broadcast_in_dim3A_4 = arith.constant 0 : i32
    %broadcast_in_dim3A_5 = vector.broadcast %broadcast_in_dim3A_4 : i32 to vector<16xi32>
    %scan3A = arith.constant 0 : i32
    %scan3A_6 = arith.constant 0 : i32
    %scan3A_7 = arith.constant 8 : i32
    %scan3A_8 = arith.addi %scan3A_6, %scan3A_7 : i32
    %scan3A_9 = arith.constant 1 : i32
    %scan3A_10 = scf.for %scan3A_12 = %scan3A_6 to %scan3A_8 step %scan3A_9 iter_args(%scan3A_13 = %scan3A) -> (i32)  : i32 {
      %mul3A_14 = arith.constant 2 : i32
      %mul3A_15 = arith.muli %scan3A_12, %mul3A_14 : i32
      %add3A_16 = arith.addi %mul3A_15, %arg0 : i32
      %mul3A_17 = arith.constant 172032 : i32
      %mul3A_18 = arith.muli %add3A_16, %mul3A_17 : i32
      %dma_start3A = arith.constant 0 : i32
      %dma_start3A_19 = tpu.memref_slice %arg10[%dma_start3A] : memref<10752xi32, #tpu.memory_space<vmem>> -> memref<5376xi32, #tpu.memory_space<vmem>>
      %dma_start3A_20 = arith.constant 0 : i32
      %dma_start3A_21 = tpu.memref_slice %arg4[%dma_start3A_20] : memref<172032xi32, #tpu.memory_space<hbm>> -> memref<5376xi32, #tpu.memory_space<hbm>>
      %dma_start3A_22 = arith.constant 0 : i32
      %dma_start3A_23 = tpu.memref_slice %arg10[%dma_start3A_22] : memref<10752xi32, #tpu.memory_space<vmem>> -> memref<5376xi32, #tpu.memory_space<vmem>>
      %dma_start3A_24 = arith.constant 0 : i32
      %dma_start3A_25 = tpu.memref_slice %arg4[%dma_start3A_24] : memref<172032xi32, #tpu.memory_space<hbm>> -> memref<5376xi32, #tpu.memory_space<hbm>>
      tpu.enqueue_dma source(%dma_start3A_25 : memref<5376xi32, #tpu.memory_space<hbm>>) target(%dma_start3A_23 : memref<5376xi32, #tpu.memory_space<vmem>>) target_semaphore(%arg15 : memref<!tpu.dma_semaphore, #tpu.memory_space<semaphore_mem>>)
      %add3A_26 = arith.constant 0 : i32
      %add3A_27 = arith.addi %mul3A_18, %add3A_26 : i32
      %dma_start3A_28 = arith.constant 0 : i32
      %dma_start3A_29 = tpu.memref_slice %arg11[%dma_start3A_28] : memref<10752xf32, #tpu.memory_space<vmem>> -> memref<5376xf32, #tpu.memory_space<vmem>>
      %dma_start3A_30 = tpu.memref_slice %arg3[%add3A_27] : memref<2752512xf32, #tpu.memory_space<hbm>> -> memref<5376xf32, #tpu.memory_space<hbm>>
      %dma_start3A_31 = arith.constant 0 : i32
      %dma_start3A_32 = tpu.memref_slice %arg11[%dma_start3A_31] : memref<10752xf32, #tpu.memory_space<vmem>> -> memref<5376xf32, #tpu.memory_space<vmem>>
      %dma_start3A_33 = tpu.memref_slice %arg3[%add3A_27] : memref<2752512xf32, #tpu.memory_space<hbm>> -> memref<5376xf32, #tpu.memory_space<hbm>>
      tpu.enqueue_dma source(%dma_start3A_33 : memref<5376xf32, #tpu.memory_space<hbm>>) target(%dma_start3A_32 : memref<5376xf32, #tpu.memory_space<vmem>>) target_semaphore(%arg15 : memref<!tpu.dma_semaphore, #tpu.memory_space<semaphore_mem>>)
      %mul3A_34 = arith.constant 80000 : i32
      %mul3A_35 = arith.muli %add3A, %mul3A_34 : i32
      %mul3A_36 = arith.constant 10000 : i32
      %mul3A_37 = arith.muli %scan3A_12, %mul3A_36 : i32
      %add3A_38 = arith.addi %mul3A_35, %mul3A_37 : i32
      "tpu.region"() ({
        %run_scoped3A = tpu.sem_alloc : memref<!tpu.dma_semaphore, #tpu.memory_space<semaphore_mem>>
        %dma_start3A_144 = arith.constant 0 : i32
        %dma_start3A_145 = tpu.memref_slice %arg6[%dma_start3A_144] : memref<10240xi32, #tpu.memory_space<vmem>> -> memref<10000xi32, #tpu.memory_space<vmem>>
        %dma_start3A_146 = tpu.memref_slice %arg2[%add3A_38] : memref<2560000xi32, #tpu.memory_space<hbm>> -> memref<10000xi32, #tpu.memory_space<hbm>>
        %dma_start3A_147 = arith.constant 0 : i32
        %dma_start3A_148 = tpu.memref_slice %arg6[%dma_start3A_147] : memref<10240xi32, #tpu.memory_space<vmem>> -> memref<10000xi32, #tpu.memory_space<vmem>>
        %dma_start3A_149 = tpu.memref_slice %arg2[%add3A_38] : memref<2560000xi32, #tpu.memory_space<hbm>> -> memref<10000xi32, #tpu.memory_space<hbm>>
        tpu.enqueue_dma source(%dma_start3A_149 : memref<10000xi32, #tpu.memory_space<hbm>>) target(%dma_start3A_148 : memref<10000xi32, #tpu.memory_space<vmem>>) target_semaphore(%run_scoped3A : memref<!tpu.dma_semaphore, #tpu.memory_space<semaphore_mem>>)
        %dma_wait3A = arith.constant 0 : i32
        %dma_wait3A_150 = tpu.memref_slice %arg6[%dma_wait3A] : memref<10240xi32, #tpu.memory_space<vmem>> -> memref<10000xi32, #tpu.memory_space<vmem>>
        %dma_wait3A_151 = tpu.memref_slice %arg2[%add3A_38] : memref<2560000xi32, #tpu.memory_space<hbm>> -> memref<10000xi32, #tpu.memory_space<hbm>>
        %dma_wait3A_152 = arith.constant 0 : i32
        %dma_wait3A_153 = tpu.memref_slice %arg6[%dma_wait3A_152] : memref<10240xi32, #tpu.memory_space<vmem>> -> memref<10000xi32, #tpu.memory_space<vmem>>
        %dma_wait3A_154 = tpu.memref_slice %arg2[%add3A_38] : memref<2560000xi32, #tpu.memory_space<hbm>> -> memref<10000xi32, #tpu.memory_space<hbm>>
        tpu.wait_dma2 semaphore(%run_scoped3A : memref<!tpu.dma_semaphore, #tpu.memory_space<semaphore_mem>>) src(%dma_wait3A_154 : memref<10000xi32, #tpu.memory_space<hbm>>) dst(%dma_wait3A_153 : memref<10000xi32, #tpu.memory_space<vmem>>)
        tpu.yield
      }) : () -> ()
      %parallel_loop3A = arith.constant 0 : i32
      %parallel_loop3A_39 = arith.constant 640 : i32
      %parallel_loop3A_40 = arith.constant 1 : i32
      scf.for %parallel_loop3A_144 = %parallel_loop3A to %parallel_loop3A_39 step %parallel_loop3A_40  : i32 {
        %parallel_loop3A_145 = arith.constant 16 : i32
        %parallel_loop3A_146 = arith.muli %parallel_loop3A_144, %parallel_loop3A_145 : i32
        %parallel_loop3A_147 = arith.index_cast %parallel_loop3A_146 : i32 to index
        %parallel_loop3A_148 = tpu.vector_load %arg7[%parallel_loop3A_147] {strides = array<i32>} : memref<10240xf32, #tpu.memory_space<vmem>>, vector<16xf32>,
        tpu.vector_store %arg7[%parallel_loop3A_147], %broadcast_in_dim3A_3 {strides = array<i32>} : memref<10240xf32, #tpu.memory_space<vmem>>, vector<16xf32>,
        %parallel_loop3A_149 = arith.constant 16 : i32
        %parallel_loop3A_150 = arith.muli %parallel_loop3A_144, %parallel_loop3A_149 : i32
        %parallel_loop3A_151 = arith.index_cast %parallel_loop3A_150 : i32 to index
        %parallel_loop3A_152 = tpu.vector_load %arg8[%parallel_loop3A_151] {strides = array<i32>} : memref<10240xf32, #tpu.memory_space<vmem>>, vector<16xf32>,
        tpu.vector_store %arg8[%parallel_loop3A_151], %broadcast_in_dim3A_3 {strides = array<i32>} : memref<10240xf32, #tpu.memory_space<vmem>>, vector<16xf32>,
        %parallel_loop3A_153 = arith.constant 16 : i32
        %parallel_loop3A_154 = arith.muli %parallel_loop3A_144, %parallel_loop3A_153 : i32
        %parallel_loop3A_155 = arith.index_cast %parallel_loop3A_154 : i32 to index
        %parallel_loop3A_156 = tpu.vector_load %arg9[%parallel_loop3A_155] {strides = array<i32>} : memref<10240xf32, #tpu.memory_space<vmem>>, vector<16xf32>,
        tpu.vector_store %arg9[%parallel_loop3A_155], %broadcast_in_dim3A_3 {strides = array<i32>} : memref<10240xf32, #tpu.memory_space<vmem>>, vector<16xf32>,
      } {sc.loop_unroll_factor = 4 : i64, sc.parallel_access}
      %parallel_loop3A_41 = arith.constant 0 : i32
      %parallel_loop3A_42 = arith.constant 15 : i32
      %parallel_loop3A_43 = arith.constant 1 : i32
      scf.for %parallel_loop3A_144 = %parallel_loop3A_41 to %parallel_loop3A_42 step %parallel_loop3A_43  : i32 {
        %parallel_loop3A_145 = arith.constant 16 : i32
        %parallel_loop3A_146 = arith.muli %parallel_loop3A_144, %parallel_loop3A_145 : i32
        %parallel_loop3A_147 = arith.constant 10000 : i32
        %parallel_loop3A_148 = arith.addi %parallel_loop3A_147, %parallel_loop3A_146 : i32
        %parallel_loop3A_149 = arith.index_cast %parallel_loop3A_148 : i32 to index
        %parallel_loop3A_150 = tpu.vector_load %arg6[%parallel_loop3A_149] {strides = array<i32>} : memref<10240xi32, #tpu.memory_space<vmem>>, vector<16xi32>,
        tpu.vector_store %arg6[%parallel_loop3A_149], %broadcast_in_dim3A_5 {strides = array<i32>} : memref<10240xi32, #tpu.memory_space<vmem>>, vector<16xi32>,
      } {sc.loop_unroll_factor = 2 : i64, sc.parallel_access}
      %scan3A_44 = arith.constant 0 : i32
      %scan3A_45 = arith.constant 0 : i32
      %scan3A_46 = arith.constant 16 : i32
      %scan3A_47 = arith.addi %scan3A_45, %scan3A_46 : i32
      %scan3A_48 = arith.constant 1 : i32
      %scan3A_49 = scf.for %scan3A_144 = %scan3A_45 to %scan3A_47 step %scan3A_48 iter_args(%scan3A_145 = %scan3A_44) -> (i32)  : i32 {
        %mul3A_146 = arith.constant 2 : i32
        %mul3A_147 = arith.muli %mul3A_146, %scan3A_144 : i32
        %add3A_148 = arith.constant 1 : i32
        %add3A_149 = arith.addi %mul3A_147, %add3A_148 : i32
        %mul3A_150 = arith.constant 5376 : i32
        %mul3A_151 = arith.muli %add3A_149, %mul3A_150 : i32
        %dma_start3A_152 = arith.constant 5376 : i32
        %dma_start3A_153 = tpu.memref_slice %arg10[%dma_start3A_152] : memref<10752xi32, #tpu.memory_space<vmem>> -> memref<5376xi32, #tpu.memory_space<vmem>>
        %dma_start3A_154 = tpu.memref_slice %arg4[%mul3A_151] : memref<172032xi32, #tpu.memory_space<hbm>> -> memref<5376xi32, #tpu.memory_space<hbm>>
        %dma_start3A_155 = arith.constant 5376 : i32
        %dma_start3A_156 = tpu.memref_slice %arg10[%dma_start3A_155] : memref<10752xi32, #tpu.memory_space<vmem>> -> memref<5376xi32, #tpu.memory_space<vmem>>
        %dma_start3A_157 = tpu.memref_slice %arg4[%mul3A_151] : memref<172032xi32, #tpu.memory_space<hbm>> -> memref<5376xi32, #tpu.memory_space<hbm>>
        tpu.enqueue_dma source(%dma_start3A_157 : memref<5376xi32, #tpu.memory_space<hbm>>) target(%dma_start3A_156 : memref<5376xi32, #tpu.memory_space<vmem>>) target_semaphore(%arg16 : memref<!tpu.dma_semaphore, #tpu.memory_space<semaphore_mem>>)
        %mul3A_158 = arith.constant 5376 : i32
        %mul3A_159 = arith.muli %add3A_149, %mul3A_158 : i32
        %add3A_160 = arith.addi %mul3A_18, %mul3A_159 : i32
        %dma_start3A_161 = arith.constant 5376 : i32
        %dma_start3A_162 = tpu.memref_slice %arg11[%dma_start3A_161] : memref<10752xf32, #tpu.memory_space<vmem>> -> memref<5376xf32, #tpu.memory_space<vmem>>
        %dma_start3A_163 = tpu.memref_slice %arg3[%add3A_160] : memref<2752512xf32, #tpu.memory_space<hbm>> -> memref<5376xf32, #tpu.memory_space<hbm>>
        %dma_start3A_164 = arith.constant 5376 : i32
        %dma_start3A_165 = tpu.memref_slice %arg11[%dma_start3A_164] : memref<10752xf32, #tpu.memory_space<vmem>> -> memref<5376xf32, #tpu.memory_space<vmem>>
        %dma_start3A_166 = tpu.memref_slice %arg3[%add3A_160] : memref<2752512xf32, #tpu.memory_space<hbm>> -> memref<5376xf32, #tpu.memory_space<hbm>>
        tpu.enqueue_dma source(%dma_start3A_166 : memref<5376xf32, #tpu.memory_space<hbm>>) target(%dma_start3A_165 : memref<5376xf32, #tpu.memory_space<vmem>>) target_semaphore(%arg16 : memref<!tpu.dma_semaphore, #tpu.memory_space<semaphore_mem>>)
        %dma_wait3A = arith.constant 0 : i32
        %dma_wait3A_167 = tpu.memref_slice %arg10[%dma_wait3A] : memref<10752xi32, #tpu.memory_space<vmem>> -> memref<5376xi32, #tpu.memory_space<vmem>>
        %dma_wait3A_168 = arith.constant 0 : i32
        %dma_wait3A_169 = tpu.memref_slice %arg4[%dma_wait3A_168] : memref<172032xi32, #tpu.memory_space<hbm>> -> memref<5376xi32, #tpu.memory_space<hbm>>
        %dma_wait3A_170 = arith.constant 0 : i32
        %dma_wait3A_171 = tpu.memref_slice %arg10[%dma_wait3A_170] : memref<10752xi32, #tpu.memory_space<vmem>> -> memref<5376xi32, #tpu.memory_space<vmem>>
        %dma_wait3A_172 = arith.constant 0 : i32
        %dma_wait3A_173 = tpu.memref_slice %arg4[%dma_wait3A_172] : memref<172032xi32, #tpu.memory_space<hbm>> -> memref<5376xi32, #tpu.memory_space<hbm>>
        tpu.wait_dma2 semaphore(%arg15 : memref<!tpu.dma_semaphore, #tpu.memory_space<semaphore_mem>>) src(%dma_wait3A_173 : memref<5376xi32, #tpu.memory_space<hbm>>) dst(%dma_wait3A_171 : memref<5376xi32, #tpu.memory_space<vmem>>)
        %dma_wait3A_174 = arith.constant 0 : i32
        %dma_wait3A_175 = tpu.memref_slice %arg11[%dma_wait3A_174] : memref<10752xf32, #tpu.memory_space<vmem>> -> memref<5376xf32, #tpu.memory_space<vmem>>
        %dma_wait3A_176 = arith.constant 0 : i32
        %dma_wait3A_177 = tpu.memref_slice %arg3[%dma_wait3A_176] : memref<2752512xf32, #tpu.memory_space<hbm>> -> memref<5376xf32, #tpu.memory_space<hbm>>
        %dma_wait3A_178 = arith.constant 0 : i32
        %dma_wait3A_179 = tpu.memref_slice %arg11[%dma_wait3A_178] : memref<10752xf32, #tpu.memory_space<vmem>> -> memref<5376xf32, #tpu.memory_space<vmem>>
        %dma_wait3A_180 = arith.constant 0 : i32
        %dma_wait3A_181 = tpu.memref_slice %arg3[%dma_wait3A_180] : memref<2752512xf32, #tpu.memory_space<hbm>> -> memref<5376xf32, #tpu.memory_space<hbm>>
        tpu.wait_dma2 semaphore(%arg15 : memref<!tpu.dma_semaphore, #tpu.memory_space<semaphore_mem>>) src(%dma_wait3A_181 : memref<5376xf32, #tpu.memory_space<hbm>>) dst(%dma_wait3A_179 : memref<5376xf32, #tpu.memory_space<vmem>>)
        %rem3A = arith.constant 16 : i32
        %rem3A_182 = arith.remsi %mul3A_147, %rem3A : i32
        %eq3A = arith.cmpi eq, %rem3A_182, %arg1 : i32
        %convert_element_type3A = arith.extui %eq3A : i1 to i32
        %cond3A = arith.constant 0 : i32
        %cond3A_183 = arith.cmpi ne, %convert_element_type3A, %cond3A : i32
        scf.if %cond3A_183 {
          %parallel_loop3A_222 = arith.constant 0 : i32
          %parallel_loop3A_223 = arith.constant 336 : i32
          %parallel_loop3A_224 = arith.constant 1 : i32
          scf.for %parallel_loop3A_225 = %parallel_loop3A_222 to %parallel_loop3A_223 step %parallel_loop3A_224  : i32 {
            %parallel_loop3A_226 = arith.constant 16 : i32
            %parallel_loop3A_227 = arith.muli %parallel_loop3A_225, %parallel_loop3A_226 : i32
            %parallel_loop3A_228 = arith.constant 0 : i32
            %parallel_loop3A_229 = arith.addi %parallel_loop3A_228, %parallel_loop3A_227 : i32
            %parallel_loop3A_230 = arith.index_cast %parallel_loop3A_229 : i32 to index
            %parallel_loop3A_231 = tpu.vector_load %arg10[%parallel_loop3A_230] {strides = array<i32>} : memref<10752xi32, #tpu.memory_space<vmem>>, vector<16xi32>,
            %parallel_loop3A_232 = arith.constant 16383 : i32
            %parallel_loop3A_233 = vector.broadcast %parallel_loop3A_232 : i32 to vector<16xi32>
            %parallel_loop3A_234 = arith.andi %parallel_loop3A_231, %parallel_loop3A_233 : vector<16xi32>
            %parallel_loop3A_235 = arith.constant 14 : i32
            %parallel_loop3A_236 = vector.broadcast %parallel_loop3A_235 : i32 to vector<16xi32>
            %parallel_loop3A_237 = arith.shrui %parallel_loop3A_231, %parallel_loop3A_236 : vector<16xi32>
            %parallel_loop3A_238 = arith.index_cast %parallel_loop3A_229 : i32 to index
            %parallel_loop3A_239 = tpu.vector_load %arg11[%parallel_loop3A_238] {strides = array<i32>} : memref<10752xf32, #tpu.memory_space<vmem>>, vector<16xf32>,
            %parallel_loop3A_240 = tpu.vector_load_idx %arg6[%parallel_loop3A_234] : memref<10240xi32, #tpu.memory_space<vmem>>[vector<16xi32>], vector<16xi32>,
            %parallel_loop3A_241 = arith.constant 16 : i32
            %parallel_loop3A_242 = vector.broadcast %parallel_loop3A_241 : i32 to vector<16xi32>
            %parallel_loop3A_243 = arith.shli %parallel_loop3A_240, %parallel_loop3A_242 : vector<16xi32>
            %parallel_loop3A_244 = vector.bitcast %parallel_loop3A_243 : vector<16xi32> to vector<16xf32>
            %parallel_loop3A_245 = arith.constant -65536 : i32
            %parallel_loop3A_246 = vector.broadcast %parallel_loop3A_245 : i32 to vector<16xi32>
            %parallel_loop3A_247 = arith.andi %parallel_loop3A_240, %parallel_loop3A_246 : vector<16xi32>
            %parallel_loop3A_248 = vector.bitcast %parallel_loop3A_247 : vector<16xi32> to vector<16xf32>
            %parallel_loop3A_249 = arith.mulf %parallel_loop3A_239, %parallel_loop3A_244 : vector<16xf32>
            tpu.vector_store_idx %arg7[%parallel_loop3A_237], %parallel_loop3A_249 {add = true} : memref<10240xf32, #tpu.memory_space<vmem>>[vector<16xi32>], vector<16xf32>,
            %parallel_loop3A_250 = arith.mulf %parallel_loop3A_239, %parallel_loop3A_248 : vector<16xf32>
            tpu.vector_store_idx %arg8[%parallel_loop3A_237], %parallel_loop3A_250 {add = true} : memref<10240xf32, #tpu.memory_space<vmem>>[vector<16xi32>], vector<16xf32>,
            tpu.vector_store_idx %arg9[%parallel_loop3A_237], %parallel_loop3A_239 {add = true} : memref<10240xf32, #tpu.memory_space<vmem>>[vector<16xi32>], vector<16xf32>,
          } {sc.loop_unroll_factor = 8 : i64, sc.parallel_access}
        } else {
        }
        %not3A = arith.constant true
        %not3A_184 = arith.xori %eq3A, %not3A : i1
        %convert_element_type3A_185 = arith.extui %not3A_184 : i1 to i32
        %cond3A_186 = arith.constant 0 : i32
        %cond3A_187 = arith.cmpi ne, %convert_element_type3A_185, %cond3A_186 : i32
        scf.if %cond3A_187 {
          %parallel_loop3A_222 = arith.constant 0 : i32
          %parallel_loop3A_223 = arith.constant 336 : i32
          %parallel_loop3A_224 = arith.constant 1 : i32
          scf.for %parallel_loop3A_225 = %parallel_loop3A_222 to %parallel_loop3A_223 step %parallel_loop3A_224  : i32 {
            %parallel_loop3A_226 = arith.constant 16 : i32
            %parallel_loop3A_227 = arith.muli %parallel_loop3A_225, %parallel_loop3A_226 : i32
            %parallel_loop3A_228 = arith.constant 0 : i32
            %parallel_loop3A_229 = arith.addi %parallel_loop3A_228, %parallel_loop3A_227 : i32
            %parallel_loop3A_230 = arith.index_cast %parallel_loop3A_229 : i32 to index
            %parallel_loop3A_231 = tpu.vector_load %arg10[%parallel_loop3A_230] {strides = array<i32>} : memref<10752xi32, #tpu.memory_space<vmem>>, vector<16xi32>,
            %parallel_loop3A_232 = arith.constant 16383 : i32
            %parallel_loop3A_233 = vector.broadcast %parallel_loop3A_232 : i32 to vector<16xi32>
            %parallel_loop3A_234 = arith.andi %parallel_loop3A_231, %parallel_loop3A_233 : vector<16xi32>
            %parallel_loop3A_235 = arith.constant 14 : i32
            %parallel_loop3A_236 = vector.broadcast %parallel_loop3A_235 : i32 to vector<16xi32>
            %parallel_loop3A_237 = arith.shrui %parallel_loop3A_231, %parallel_loop3A_236 : vector<16xi32>
            %parallel_loop3A_238 = arith.index_cast %parallel_loop3A_229 : i32 to index
            %parallel_loop3A_239 = tpu.vector_load %arg11[%parallel_loop3A_238] {strides = array<i32>} : memref<10752xf32, #tpu.memory_space<vmem>>, vector<16xf32>,
            %parallel_loop3A_240 = tpu.vector_load_idx %arg6[%parallel_loop3A_234] : memref<10240xi32, #tpu.memory_space<vmem>>[vector<16xi32>], vector<16xi32>,
            %parallel_loop3A_241 = arith.constant 16 : i32
            %parallel_loop3A_242 = vector.broadcast %parallel_loop3A_241 : i32 to vector<16xi32>
            %parallel_loop3A_243 = arith.shli %parallel_loop3A_240, %parallel_loop3A_242 : vector<16xi32>
            %parallel_loop3A_244 = vector.bitcast %parallel_loop3A_243 : vector<16xi32> to vector<16xf32>
            %parallel_loop3A_245 = arith.constant -65536 : i32
            %parallel_loop3A_246 = vector.broadcast %parallel_loop3A_245 : i32 to vector<16xi32>
            %parallel_loop3A_247 = arith.andi %parallel_loop3A_240, %parallel_loop3A_246 : vector<16xi32>
            %parallel_loop3A_248 = vector.bitcast %parallel_loop3A_247 : vector<16xi32> to vector<16xf32>
            %parallel_loop3A_249 = arith.mulf %parallel_loop3A_239, %parallel_loop3A_244 : vector<16xf32>
            tpu.vector_store_idx %arg7[%parallel_loop3A_237], %parallel_loop3A_249 {add = true} : memref<10240xf32, #tpu.memory_space<vmem>>[vector<16xi32>], vector<16xf32>,
            %parallel_loop3A_250 = arith.mulf %parallel_loop3A_239, %parallel_loop3A_248 : vector<16xf32>
            tpu.vector_store_idx %arg8[%parallel_loop3A_237], %parallel_loop3A_250 {add = true} : memref<10240xf32, #tpu.memory_space<vmem>>[vector<16xi32>], vector<16xf32>,
          } {sc.loop_unroll_factor = 8 : i64, sc.parallel_access}
        } else {
        }
        %lt3A = arith.constant 15 : i32
        %lt3A_188 = arith.cmpi slt, %scan3A_144, %lt3A : i32
        %convert_element_type3A_189 = arith.extui %lt3A_188 : i1 to i32
        %cond3A_190 = arith.constant 0 : i32
        %cond3A_191 = arith.cmpi ne, %convert_element_type3A_189, %cond3A_190 : i32
        scf.if %cond3A_191 {
          %add3A_222 = arith.constant 2 : i32
          %add3A_223 = arith.addi %mul3A_147, %add3A_222 : i32
          %mul3A_224 = arith.constant 5376 : i32
          %mul3A_225 = arith.muli %add3A_223, %mul3A_224 : i32
          %dma_start3A_226 = arith.constant 0 : i32
          %dma_start3A_227 = tpu.memref_slice %arg10[%dma_start3A_226] : memref<10752xi32, #tpu.memory_space<vmem>> -> memref<5376xi32, #tpu.memory_space<vmem>>
          %dma_start3A_228 = tpu.memref_slice %arg4[%mul3A_225] : memref<172032xi32, #tpu.memory_space<hbm>> -> memref<5376xi32, #tpu.memory_space<hbm>>
          %dma_start3A_229 = arith.constant 0 : i32
          %dma_start3A_230 = tpu.memref_slice %arg10[%dma_start3A_229] : memref<10752xi32, #tpu.memory_space<vmem>> -> memref<5376xi32, #tpu.memory_space<vmem>>
          %dma_start3A_231 = tpu.memref_slice %arg4[%mul3A_225] : memref<172032xi32, #tpu.memory_space<hbm>> -> memref<5376xi32, #tpu.memory_space<hbm>>
          tpu.enqueue_dma source(%dma_start3A_231 : memref<5376xi32, #tpu.memory_space<hbm>>) target(%dma_start3A_230 : memref<5376xi32, #tpu.memory_space<vmem>>) target_semaphore(%arg15 : memref<!tpu.dma_semaphore, #tpu.memory_space<semaphore_mem>>)
          %mul3A_232 = arith.constant 5376 : i32
          %mul3A_233 = arith.muli %add3A_223, %mul3A_232 : i32
          %add3A_234 = arith.addi %mul3A_18, %mul3A_233 : i32
          %dma_start3A_235 = arith.constant 0 : i32
          %dma_start3A_236 = tpu.memref_slice %arg11[%dma_start3A_235] : memref<10752xf32, #tpu.memory_space<vmem>> -> memref<5376xf32, #tpu.memory_space<vmem>>
          %dma_start3A_237 = tpu.memref_slice %arg3[%add3A_234] : memref<2752512xf32, #tpu.memory_space<hbm>> -> memref<5376xf32, #tpu.memory_space<hbm>>
          %dma_start3A_238 = arith.constant 0 : i32
          %dma_start3A_239 = tpu.memref_slice %arg11[%dma_start3A_238] : memref<10752xf32, #tpu.memory_space<vmem>> -> memref<5376xf32, #tpu.memory_space<vmem>>
          %dma_start3A_240 = tpu.memref_slice %arg3[%add3A_234] : memref<2752512xf32, #tpu.memory_space<hbm>> -> memref<5376xf32, #tpu.memory_space<hbm>>
          tpu.enqueue_dma source(%dma_start3A_240 : memref<5376xf32, #tpu.memory_space<hbm>>) target(%dma_start3A_239 : memref<5376xf32, #tpu.memory_space<vmem>>) target_semaphore(%arg15 : memref<!tpu.dma_semaphore, #tpu.memory_space<semaphore_mem>>)
        } else {
        }
        %dma_wait3A_192 = arith.constant 5376 : i32
        %dma_wait3A_193 = tpu.memref_slice %arg10[%dma_wait3A_192] : memref<10752xi32, #tpu.memory_space<vmem>> -> memref<5376xi32, #tpu.memory_space<vmem>>
        %dma_wait3A_194 = arith.constant 0 : i32
        %dma_wait3A_195 = tpu.memref_slice %arg4[%dma_wait3A_194] : memref<172032xi32, #tpu.memory_space<hbm>> -> memref<5376xi32, #tpu.memory_space<hbm>>
        %dma_wait3A_196 = arith.constant 5376 : i32
        %dma_wait3A_197 = tpu.memref_slice %arg10[%dma_wait3A_196] : memref<10752xi32, #tpu.memory_space<vmem>> -> memref<5376xi32, #tpu.memory_space<vmem>>
        %dma_wait3A_198 = arith.constant 0 : i32
        %dma_wait3A_199 = tpu.memref_slice %arg4[%dma_wait3A_198] : memref<172032xi32, #tpu.memory_space<hbm>> -> memref<5376xi32, #tpu.memory_space<hbm>>
        tpu.wait_dma2 semaphore(%arg16 : memref<!tpu.dma_semaphore, #tpu.memory_space<semaphore_mem>>) src(%dma_wait3A_199 : memref<5376xi32, #tpu.memory_space<hbm>>) dst(%dma_wait3A_197 : memref<5376xi32, #tpu.memory_space<vmem>>)
        %dma_wait3A_200 = arith.constant 5376 : i32
        %dma_wait3A_201 = tpu.memref_slice %arg11[%dma_wait3A_200] : memref<10752xf32, #tpu.memory_space<vmem>> -> memref<5376xf32, #tpu.memory_space<vmem>>
        %dma_wait3A_202 = arith.constant 0 : i32
        %dma_wait3A_203 = tpu.memref_slice %arg3[%dma_wait3A_202] : memref<2752512xf32, #tpu.memory_space<hbm>> -> memref<5376xf32, #tpu.memory_space<hbm>>
        %dma_wait3A_204 = arith.constant 5376 : i32
        %dma_wait3A_205 = tpu.memref_slice %arg11[%dma_wait3A_204] : memref<10752xf32, #tpu.memory_space<vmem>> -> memref<5376xf32, #tpu.memory_space<vmem>>
        %dma_wait3A_206 = arith.constant 0 : i32
        %dma_wait3A_207 = tpu.memref_slice %arg3[%dma_wait3A_206] : memref<2752512xf32, #tpu.memory_space<hbm>> -> memref<5376xf32, #tpu.memory_space<hbm>>
        tpu.wait_dma2 semaphore(%arg16 : memref<!tpu.dma_semaphore, #tpu.memory_space<semaphore_mem>>) src(%dma_wait3A_207 : memref<5376xf32, #tpu.memory_space<hbm>>) dst(%dma_wait3A_205 : memref<5376xf32, #tpu.memory_space<vmem>>)
        %add3A_208 = arith.constant 1 : i32
        %add3A_209 = arith.addi %mul3A_147, %add3A_208 : i32
        %rem3A_210 = arith.constant 16 : i32
        %rem3A_211 = arith.remsi %add3A_209, %rem3A_210 : i32
        %eq3A_212 = arith.cmpi eq, %rem3A_211, %arg1 : i32
        %convert_element_type3A_213 = arith.extui %eq3A_212 : i1 to i32
        %cond3A_214 = arith.constant 0 : i32
        %cond3A_215 = arith.cmpi ne, %convert_element_type3A_213, %cond3A_214 : i32
        scf.if %cond3A_215 {
          %parallel_loop3A_222 = arith.constant 0 : i32
          %parallel_loop3A_223 = arith.constant 336 : i32
          %parallel_loop3A_224 = arith.constant 1 : i32
          scf.for %parallel_loop3A_225 = %parallel_loop3A_222 to %parallel_loop3A_223 step %parallel_loop3A_224  : i32 {
            %parallel_loop3A_226 = arith.constant 16 : i32
            %parallel_loop3A_227 = arith.muli %parallel_loop3A_225, %parallel_loop3A_226 : i32
            %parallel_loop3A_228 = arith.constant 5376 : i32
            %parallel_loop3A_229 = arith.addi %parallel_loop3A_228, %parallel_loop3A_227 : i32
            %parallel_loop3A_230 = arith.index_cast %parallel_loop3A_229 : i32 to index
            %parallel_loop3A_231 = tpu.vector_load %arg10[%parallel_loop3A_230] {strides = array<i32>} : memref<10752xi32, #tpu.memory_space<vmem>>, vector<16xi32>,
            %parallel_loop3A_232 = arith.constant 16383 : i32
            %parallel_loop3A_233 = vector.broadcast %parallel_loop3A_232 : i32 to vector<16xi32>
            %parallel_loop3A_234 = arith.andi %parallel_loop3A_231, %parallel_loop3A_233 : vector<16xi32>
            %parallel_loop3A_235 = arith.constant 14 : i32
            %parallel_loop3A_236 = vector.broadcast %parallel_loop3A_235 : i32 to vector<16xi32>
            %parallel_loop3A_237 = arith.shrui %parallel_loop3A_231, %parallel_loop3A_236 : vector<16xi32>
            %parallel_loop3A_238 = arith.index_cast %parallel_loop3A_229 : i32 to index
            %parallel_loop3A_239 = tpu.vector_load %arg11[%parallel_loop3A_238] {strides = array<i32>} : memref<10752xf32, #tpu.memory_space<vmem>>, vector<16xf32>,
            %parallel_loop3A_240 = tpu.vector_load_idx %arg6[%parallel_loop3A_234] : memref<10240xi32, #tpu.memory_space<vmem>>[vector<16xi32>], vector<16xi32>,
            %parallel_loop3A_241 = arith.constant 16 : i32
            %parallel_loop3A_242 = vector.broadcast %parallel_loop3A_241 : i32 to vector<16xi32>
            %parallel_loop3A_243 = arith.shli %parallel_loop3A_240, %parallel_loop3A_242 : vector<16xi32>
            %parallel_loop3A_244 = vector.bitcast %parallel_loop3A_243 : vector<16xi32> to vector<16xf32>
            %parallel_loop3A_245 = arith.constant -65536 : i32
            %parallel_loop3A_246 = vector.broadcast %parallel_loop3A_245 : i32 to vector<16xi32>
            %parallel_loop3A_247 = arith.andi %parallel_loop3A_240, %parallel_loop3A_246 : vector<16xi32>
            %parallel_loop3A_248 = vector.bitcast %parallel_loop3A_247 : vector<16xi32> to vector<16xf32>
            %parallel_loop3A_249 = arith.mulf %parallel_loop3A_239, %parallel_loop3A_244 : vector<16xf32>
            tpu.vector_store_idx %arg7[%parallel_loop3A_237], %parallel_loop3A_249 {add = true} : memref<10240xf32, #tpu.memory_space<vmem>>[vector<16xi32>], vector<16xf32>,
            %parallel_loop3A_250 = arith.mulf %parallel_loop3A_239, %parallel_loop3A_248 : vector<16xf32>
            tpu.vector_store_idx %arg8[%parallel_loop3A_237], %parallel_loop3A_250 {add = true} : memref<10240xf32, #tpu.memory_space<vmem>>[vector<16xi32>], vector<16xf32>,
            tpu.vector_store_idx %arg9[%parallel_loop3A_237], %parallel_loop3A_239 {add = true} : memref<10240xf32, #tpu.memory_space<vmem>>[vector<16xi32>], vector<16xf32>,
          } {sc.loop_unroll_factor = 8 : i64, sc.parallel_access}
        } else {
        }
        %not3A_216 = arith.constant true
        %not3A_217 = arith.xori %eq3A_212, %not3A_216 : i1
        %convert_element_type3A_218 = arith.extui %not3A_217 : i1 to i32
        %cond3A_219 = arith.constant 0 : i32
        %cond3A_220 = arith.cmpi ne, %convert_element_type3A_218, %cond3A_219 : i32
        scf.if %cond3A_220 {
          %parallel_loop3A_222 = arith.constant 0 : i32
          %parallel_loop3A_223 = arith.constant 336 : i32
          %parallel_loop3A_224 = arith.constant 1 : i32
          scf.for %parallel_loop3A_225 = %parallel_loop3A_222 to %parallel_loop3A_223 step %parallel_loop3A_224  : i32 {
            %parallel_loop3A_226 = arith.constant 16 : i32
            %parallel_loop3A_227 = arith.muli %parallel_loop3A_225, %parallel_loop3A_226 : i32
            %parallel_loop3A_228 = arith.constant 5376 : i32
            %parallel_loop3A_229 = arith.addi %parallel_loop3A_228, %parallel_loop3A_227 : i32
            %parallel_loop3A_230 = arith.index_cast %parallel_loop3A_229 : i32 to index
            %parallel_loop3A_231 = tpu.vector_load %arg10[%parallel_loop3A_230] {strides = array<i32>} : memref<10752xi32, #tpu.memory_space<vmem>>, vector<16xi32>,
            %parallel_loop3A_232 = arith.constant 16383 : i32
            %parallel_loop3A_233 = vector.broadcast %parallel_loop3A_232 : i32 to vector<16xi32>
            %parallel_loop3A_234 = arith.andi %parallel_loop3A_231, %parallel_loop3A_233 : vector<16xi32>
            %parallel_loop3A_235 = arith.constant 14 : i32
            %parallel_loop3A_236 = vector.broadcast %parallel_loop3A_235 : i32 to vector<16xi32>
            %parallel_loop3A_237 = arith.shrui %parallel_loop3A_231, %parallel_loop3A_236 : vector<16xi32>
            %parallel_loop3A_238 = arith.index_cast %parallel_loop3A_229 : i32 to index
            %parallel_loop3A_239 = tpu.vector_load %arg11[%parallel_loop3A_238] {strides = array<i32>} : memref<10752xf32, #tpu.memory_space<vmem>>, vector<16xf32>,
            %parallel_loop3A_240 = tpu.vector_load_idx %arg6[%parallel_loop3A_234] : memref<10240xi32, #tpu.memory_space<vmem>>[vector<16xi32>], vector<16xi32>,
            %parallel_loop3A_241 = arith.constant 16 : i32
            %parallel_loop3A_242 = vector.broadcast %parallel_loop3A_241 : i32 to vector<16xi32>
            %parallel_loop3A_243 = arith.shli %parallel_loop3A_240, %parallel_loop3A_242 : vector<16xi32>
            %parallel_loop3A_244 = vector.bitcast %parallel_loop3A_243 : vector<16xi32> to vector<16xf32>
            %parallel_loop3A_245 = arith.constant -65536 : i32
            %parallel_loop3A_246 = vector.broadcast %parallel_loop3A_245 : i32 to vector<16xi32>
            %parallel_loop3A_247 = arith.andi %parallel_loop3A_240, %parallel_loop3A_246 : vector<16xi32>
            %parallel_loop3A_248 = vector.bitcast %parallel_loop3A_247 : vector<16xi32> to vector<16xf32>
            %parallel_loop3A_249 = arith.mulf %parallel_loop3A_239, %parallel_loop3A_244 : vector<16xf32>
            tpu.vector_store_idx %arg7[%parallel_loop3A_237], %parallel_loop3A_249 {add = true} : memref<10240xf32, #tpu.memory_space<vmem>>[vector<16xi32>], vector<16xf32>,
            %parallel_loop3A_250 = arith.mulf %parallel_loop3A_239, %parallel_loop3A_248 : vector<16xf32>
            tpu.vector_store_idx %arg8[%parallel_loop3A_237], %parallel_loop3A_250 {add = true} : memref<10240xf32, #tpu.memory_space<vmem>>[vector<16xi32>], vector<16xf32>,
          } {sc.loop_unroll_factor = 8 : i64, sc.parallel_access}
        } else {
        }
        %scan3A_221 = arith.constant 0 : i32
        scf.yield %scan3A_221 : i32
      }
      %scan3A_50 = arith.constant 16 : i32
      %mul3A_51 = arith.constant 8 : i32
      %mul3A_52 = arith.muli %mul3A_2, %mul3A_51 : i32
      %add3A_53 = arith.addi %mul3A_52, %scan3A_12 : i32
      %mul3A_54 = arith.constant 10240 : i32
      %mul3A_55 = arith.muli %add3A_53, %mul3A_54 : i32
      "tpu.region"() ({
        %run_scoped3A = tpu.sem_alloc : memref<!tpu.dma_semaphore, #tpu.memory_space<semaphore_mem>>
        %dma_start3A_144 = tpu.memref_slice %arg5[%mul3A_55] : memref<5406720xf32, #tpu.memory_space<hbm>> -> memref<10240xf32, #tpu.memory_space<hbm>>
        %dma_start3A_145 = tpu.memref_slice %arg5[%mul3A_55] : memref<5406720xf32, #tpu.memory_space<hbm>> -> memref<10240xf32, #tpu.memory_space<hbm>>
        tpu.enqueue_dma source(%arg7 : memref<10240xf32, #tpu.memory_space<vmem>>) target(%dma_start3A_145 : memref<10240xf32, #tpu.memory_space<hbm>>) target_semaphore(%run_scoped3A : memref<!tpu.dma_semaphore, #tpu.memory_space<semaphore_mem>>)
        %dma_wait3A = tpu.memref_slice %arg5[%mul3A_55] : memref<5406720xf32, #tpu.memory_space<hbm>> -> memref<10240xf32, #tpu.memory_space<hbm>>
        %dma_wait3A_146 = tpu.memref_slice %arg5[%mul3A_55] : memref<5406720xf32, #tpu.memory_space<hbm>> -> memref<10240xf32, #tpu.memory_space<hbm>>
        tpu.wait_dma2 semaphore(%run_scoped3A : memref<!tpu.dma_semaphore, #tpu.memory_space<semaphore_mem>>) src(%arg7 : memref<10240xf32, #tpu.memory_space<vmem>>) dst(%dma_wait3A_146 : memref<10240xf32, #tpu.memory_space<hbm>>)
        tpu.yield
      }) : () -> ()
      %add3A_56 = arith.constant 1 : i32
      %add3A_57 = arith.addi %mul3A_2, %add3A_56 : i32
      %mul3A_58 = arith.constant 8 : i32
      %mul3A_59 = arith.muli %add3A_57, %mul3A_58 : i32
      %add3A_60 = arith.addi %mul3A_59, %scan3A_12 : i32
      %mul3A_61 = arith.constant 10240 : i32
      %mul3A_62 = arith.muli %add3A_60, %mul3A_61 : i32
      "tpu.region"() ({
        %run_scoped3A = tpu.sem_alloc : memref<!tpu.dma_semaphore, #tpu.memory_space<semaphore_mem>>
        %dma_start3A_144 = tpu.memref_slice %arg5[%mul3A_62] : memref<5406720xf32, #tpu.memory_space<hbm>> -> memref<10240xf32, #tpu.memory_space<hbm>>
        %dma_start3A_145 = tpu.memref_slice %arg5[%mul3A_62] : memref<5406720xf32, #tpu.memory_space<hbm>> -> memref<10240xf32, #tpu.memory_space<hbm>>
        tpu.enqueue_dma source(%arg8 : memref<10240xf32, #tpu.memory_space<vmem>>) target(%dma_start3A_145 : memref<10240xf32, #tpu.memory_space<hbm>>) target_semaphore(%run_scoped3A : memref<!tpu.dma_semaphore, #tpu.memory_space<semaphore_mem>>)
        %dma_wait3A = tpu.memref_slice %arg5[%mul3A_62] : memref<5406720xf32, #tpu.memory_space<hbm>> -> memref<10240xf32, #tpu.memory_space<hbm>>
        %dma_wait3A_146 = tpu.memref_slice %arg5[%mul3A_62] : memref<5406720xf32, #tpu.memory_space<hbm>> -> memref<10240xf32, #tpu.memory_space<hbm>>
        tpu.wait_dma2 semaphore(%run_scoped3A : memref<!tpu.dma_semaphore, #tpu.memory_space<semaphore_mem>>) src(%arg8 : memref<10240xf32, #tpu.memory_space<vmem>>) dst(%dma_wait3A_146 : memref<10240xf32, #tpu.memory_space<hbm>>)
        tpu.yield
      }) : () -> ()
      %mul3A_63 = arith.constant 10240 : i32
      %mul3A_64 = arith.muli %arg1, %mul3A_63 : i32
      "tpu.region"() ({
        %run_scoped3A = tpu.sem_alloc : memref<!tpu.dma_semaphore, #tpu.memory_space<semaphore_mem>>
        %dma_start3A_144 = tpu.memref_slice %arg12[%mul3A_64] : memref<163840xf32, #tpu.memory_space<vmem_shared>> -> memref<10240xf32, #tpu.memory_space<vmem_shared>>
        %dma_start3A_145 = tpu.memref_slice %arg12[%mul3A_64] : memref<163840xf32, #tpu.memory_space<vmem_shared>> -> memref<10240xf32, #tpu.memory_space<vmem_shared>>
        tpu.enqueue_dma source(%arg9 : memref<10240xf32, #tpu.memory_space<vmem>>) target(%dma_start3A_145 : memref<10240xf32, #tpu.memory_space<vmem_shared>>) target_semaphore(%run_scoped3A : memref<!tpu.dma_semaphore, #tpu.memory_space<semaphore_mem>>)
        %dma_wait3A = tpu.memref_slice %arg12[%mul3A_64] : memref<163840xf32, #tpu.memory_space<vmem_shared>> -> memref<10240xf32, #tpu.memory_space<vmem_shared>>
        %dma_wait3A_146 = tpu.memref_slice %arg12[%mul3A_64] : memref<163840xf32, #tpu.memory_space<vmem_shared>> -> memref<10240xf32, #tpu.memory_space<vmem_shared>>
        tpu.wait_dma2 semaphore(%run_scoped3A : memref<!tpu.dma_semaphore, #tpu.memory_space<semaphore_mem>>) src(%arg9 : memref<10240xf32, #tpu.memory_space<vmem>>) dst(%dma_wait3A_146 : memref<10240xf32, #tpu.memory_space<vmem_shared>>)
        tpu.yield
      }) : () -> ()
      %barrier3A = arith.constant 0 : index
      tpu.barrier barrier_id(%barrier3A)
      %mul3A_65 = arith.constant 640 : i32
      %mul3A_66 = arith.muli %arg1, %mul3A_65 : i32
      %add3A_67 = arith.constant 0 : i32
      %add3A_68 = arith.addi %add3A_67, %mul3A_66 : i32
      "tpu.region"() ({
        %run_scoped3A = tpu.sem_alloc : memref<!tpu.dma_semaphore, #tpu.memory_space<semaphore_mem>>
        %dma_start3A_144 = arith.constant 0 : i32
        %dma_start3A_145 = tpu.memref_slice %arg13[%dma_start3A_144] : memref<10240xf32, #tpu.memory_space<vmem>> -> memref<640xf32, #tpu.memory_space<vmem>>
        %dma_start3A_146 = tpu.memref_slice %arg12[%add3A_68] : memref<163840xf32, #tpu.memory_space<vmem_shared>> -> memref<640xf32, #tpu.memory_space<vmem_shared>>
        %dma_start3A_147 = arith.constant 0 : i32
        %dma_start3A_148 = tpu.memref_slice %arg13[%dma_start3A_147] : memref<10240xf32, #tpu.memory_space<vmem>> -> memref<640xf32, #tpu.memory_space<vmem>>
        %dma_start3A_149 = tpu.memref_slice %arg12[%add3A_68] : memref<163840xf32, #tpu.memory_space<vmem_shared>> -> memref<640xf32, #tpu.memory_space<vmem_shared>>
        tpu.enqueue_dma source(%dma_start3A_149 : memref<640xf32, #tpu.memory_space<vmem_shared>>) target(%dma_start3A_148 : memref<640xf32, #tpu.memory_space<vmem>>) target_semaphore(%run_scoped3A : memref<!tpu.dma_semaphore, #tpu.memory_space<semaphore_mem>>)
        %dma_wait3A = arith.constant 0 : i32
        %dma_wait3A_150 = tpu.memref_slice %arg13[%dma_wait3A] : memref<10240xf32, #tpu.memory_space<vmem>> -> memref<640xf32, #tpu.memory_space<vmem>>
        %dma_wait3A_151 = tpu.memref_slice %arg12[%add3A_68] : memref<163840xf32, #tpu.memory_space<vmem_shared>> -> memref<640xf32, #tpu.memory_space<vmem_shared>>
        %dma_wait3A_152 = arith.constant 0 : i32
        %dma_wait3A_153 = tpu.memref_slice %arg13[%dma_wait3A_152] : memref<10240xf32, #tpu.memory_space<vmem>> -> memref<640xf32, #tpu.memory_space<vmem>>
        %dma_wait3A_154 = tpu.memref_slice %arg12[%add3A_68] : memref<163840xf32, #tpu.memory_space<vmem_shared>> -> memref<640xf32, #tpu.memory_space<vmem_shared>>
        tpu.wait_dma2 semaphore(%run_scoped3A : memref<!tpu.dma_semaphore, #tpu.memory_space<semaphore_mem>>) src(%dma_wait3A_154 : memref<640xf32, #tpu.memory_space<vmem_shared>>) dst(%dma_wait3A_153 : memref<640xf32, #tpu.memory_space<vmem>>)
        tpu.yield
      }) : () -> ()
      %mul3A_69 = arith.constant 640 : i32
      %mul3A_70 = arith.muli %arg1, %mul3A_69 : i32
      %add3A_71 = arith.constant 10240 : i32
      %add3A_72 = arith.addi %add3A_71, %mul3A_70 : i32
      "tpu.region"() ({
        %run_scoped3A = tpu.sem_alloc : memref<!tpu.dma_semaphore, #tpu.memory_space<semaphore_mem>>
        %dma_start3A_144 = arith.constant 640 : i32
        %dma_start3A_145 = tpu.memref_slice %arg13[%dma_start3A_144] : memref<10240xf32, #tpu.memory_space<vmem>> -> memref<640xf32, #tpu.memory_space<vmem>>
        %dma_start3A_146 = tpu.memref_slice %arg12[%add3A_72] : memref<163840xf32, #tpu.memory_space<vmem_shared>> -> memref<640xf32, #tpu.memory_space<vmem_shared>>
        %dma_start3A_147 = arith.constant 640 : i32
        %dma_start3A_148 = tpu.memref_slice %arg13[%dma_start3A_147] : memref<10240xf32, #tpu.memory_space<vmem>> -> memref<640xf32, #tpu.memory_space<vmem>>
        %dma_start3A_149 = tpu.memref_slice %arg12[%add3A_72] : memref<163840xf32, #tpu.memory_space<vmem_shared>> -> memref<640xf32, #tpu.memory_space<vmem_shared>>
        tpu.enqueue_dma source(%dma_start3A_149 : memref<640xf32, #tpu.memory_space<vmem_shared>>) target(%dma_start3A_148 : memref<640xf32, #tpu.memory_space<vmem>>) target_semaphore(%run_scoped3A : memref<!tpu.dma_semaphore, #tpu.memory_space<semaphore_mem>>)
        %dma_wait3A = arith.constant 640 : i32
        %dma_wait3A_150 = tpu.memref_slice %arg13[%dma_wait3A] : memref<10240xf32, #tpu.memory_space<vmem>> -> memref<640xf32, #tpu.memory_space<vmem>>
        %dma_wait3A_151 = tpu.memref_slice %arg12[%add3A_72] : memref<163840xf32, #tpu.memory_space<vmem_shared>> -> memref<640xf32, #tpu.memory_space<vmem_shared>>
        %dma_wait3A_152 = arith.constant 640 : i32
        %dma_wait3A_153 = tpu.memref_slice %arg13[%dma_wait3A_152] : memref<10240xf32, #tpu.memory_space<vmem>> -> memref<640xf32, #tpu.memory_space<vmem>>
        %dma_wait3A_154 = tpu.memref_slice %arg12[%add3A_72] : memref<163840xf32, #tpu.memory_space<vmem_shared>> -> memref<640xf32, #tpu.memory_space<vmem_shared>>
        tpu.wait_dma2 semaphore(%run_scoped3A : memref<!tpu.dma_semaphore, #tpu.memory_space<semaphore_mem>>) src(%dma_wait3A_154 : memref<640xf32, #tpu.memory_space<vmem_shared>>) dst(%dma_wait3A_153 : memref<640xf32, #tpu.memory_space<vmem>>)
        tpu.yield
      }) : () -> ()
      %mul3A_73 = arith.constant 640 : i32
      %mul3A_74 = arith.muli %arg1, %mul3A_73 : i32
      %add3A_75 = arith.constant 20480 : i32
      %add3A_76 = arith.addi %add3A_75, %mul3A_74 : i32
      "tpu.region"() ({
        %run_scoped3A = tpu.sem_alloc : memref<!tpu.dma_semaphore, #tpu.memory_space<semaphore_mem>>
        %dma_start3A_144 = arith.constant 1280 : i32
        %dma_start3A_145 = tpu.memref_slice %arg13[%dma_start3A_144] : memref<10240xf32, #tpu.memory_space<vmem>> -> memref<640xf32, #tpu.memory_space<vmem>>
        %dma_start3A_146 = tpu.memref_slice %arg12[%add3A_76] : memref<163840xf32, #tpu.memory_space<vmem_shared>> -> memref<640xf32, #tpu.memory_space<vmem_shared>>
        %dma_start3A_147 = arith.constant 1280 : i32
        %dma_start3A_148 = tpu.memref_slice %arg13[%dma_start3A_147] : memref<10240xf32, #tpu.memory_space<vmem>> -> memref<640xf32, #tpu.memory_space<vmem>>
        %dma_start3A_149 = tpu.memref_slice %arg12[%add3A_76] : memref<163840xf32, #tpu.memory_space<vmem_shared>> -> memref<640xf32, #tpu.memory_space<vmem_shared>>
        tpu.enqueue_dma source(%dma_start3A_149 : memref<640xf32, #tpu.memory_space<vmem_shared>>) target(%dma_start3A_148 : memref<640xf32, #tpu.memory_space<vmem>>) target_semaphore(%run_scoped3A : memref<!tpu.dma_semaphore, #tpu.memory_space<semaphore_mem>>)
        %dma_wait3A = arith.constant 1280 : i32
        %dma_wait3A_150 = tpu.memref_slice %arg13[%dma_wait3A] : memref<10240xf32, #tpu.memory_space<vmem>> -> memref<640xf32, #tpu.memory_space<vmem>>
        %dma_wait3A_151 = tpu.memref_slice %arg12[%add3A_76] : memref<163840xf32, #tpu.memory_space<vmem_shared>> -> memref<640xf32, #tpu.memory_space<vmem_shared>>
        %dma_wait3A_152 = arith.constant 1280 : i32
        %dma_wait3A_153 = tpu.memref_slice %arg13[%dma_wait3A_152] : memref<10240xf32, #tpu.memory_space<vmem>> -> memref<640xf32, #tpu.memory_space<vmem>>
        %dma_wait3A_154 = tpu.memref_slice %arg12[%add3A_76] : memref<163840xf32, #tpu.memory_space<vmem_shared>> -> memref<640xf32, #tpu.memory_space<vmem_shared>>
        tpu.wait_dma2 semaphore(%run_scoped3A : memref<!tpu.dma_semaphore, #tpu.memory_space<semaphore_mem>>) src(%dma_wait3A_154 : memref<640xf32, #tpu.memory_space<vmem_shared>>) dst(%dma_wait3A_153 : memref<640xf32, #tpu.memory_space<vmem>>)
        tpu.yield
      }) : () -> ()
      %mul3A_77 = arith.constant 640 : i32
      %mul3A_78 = arith.muli %arg1, %mul3A_77 : i32
      %add3A_79 = arith.constant 30720 : i32
      %add3A_80 = arith.addi %add3A_79, %mul3A_78 : i32
      "tpu.region"() ({
        %run_scoped3A = tpu.sem_alloc : memref<!tpu.dma_semaphore, #tpu.memory_space<semaphore_mem>>
        %dma_start3A_144 = arith.constant 1920 : i32
        %dma_start3A_145 = tpu.memref_slice %arg13[%dma_start3A_144] : memref<10240xf32, #tpu.memory_space<vmem>> -> memref<640xf32, #tpu.memory_space<vmem>>
        %dma_start3A_146 = tpu.memref_slice %arg12[%add3A_80] : memref<163840xf32, #tpu.memory_space<vmem_shared>> -> memref<640xf32, #tpu.memory_space<vmem_shared>>
        %dma_start3A_147 = arith.constant 1920 : i32
        %dma_start3A_148 = tpu.memref_slice %arg13[%dma_start3A_147] : memref<10240xf32, #tpu.memory_space<vmem>> -> memref<640xf32, #tpu.memory_space<vmem>>
        %dma_start3A_149 = tpu.memref_slice %arg12[%add3A_80] : memref<163840xf32, #tpu.memory_space<vmem_shared>> -> memref<640xf32, #tpu.memory_space<vmem_shared>>
        tpu.enqueue_dma source(%dma_start3A_149 : memref<640xf32, #tpu.memory_space<vmem_shared>>) target(%dma_start3A_148 : memref<640xf32, #tpu.memory_space<vmem>>) target_semaphore(%run_scoped3A : memref<!tpu.dma_semaphore, #tpu.memory_space<semaphore_mem>>)
        %dma_wait3A = arith.constant 1920 : i32
        %dma_wait3A_150 = tpu.memref_slice %arg13[%dma_wait3A] : memref<10240xf32, #tpu.memory_space<vmem>> -> memref<640xf32, #tpu.memory_space<vmem>>
        %dma_wait3A_151 = tpu.memref_slice %arg12[%add3A_80] : memref<163840xf32, #tpu.memory_space<vmem_shared>> -> memref<640xf32, #tpu.memory_space<vmem_shared>>
        %dma_wait3A_152 = arith.constant 1920 : i32
        %dma_wait3A_153 = tpu.memref_slice %arg13[%dma_wait3A_152] : memref<10240xf32, #tpu.memory_space<vmem>> -> memref<640xf32, #tpu.memory_space<vmem>>
        %dma_wait3A_154 = tpu.memref_slice %arg12[%add3A_80] : memref<163840xf32, #tpu.memory_space<vmem_shared>> -> memref<640xf32, #tpu.memory_space<vmem_shared>>
        tpu.wait_dma2 semaphore(%run_scoped3A : memref<!tpu.dma_semaphore, #tpu.memory_space<semaphore_mem>>) src(%dma_wait3A_154 : memref<640xf32, #tpu.memory_space<vmem_shared>>) dst(%dma_wait3A_153 : memref<640xf32, #tpu.memory_space<vmem>>)
        tpu.yield
      }) : () -> ()
      %mul3A_81 = arith.constant 640 : i32
      %mul3A_82 = arith.muli %arg1, %mul3A_81 : i32
      %add3A_83 = arith.constant 40960 : i32
      %add3A_84 = arith.addi %add3A_83, %mul3A_82 : i32
      "tpu.region"() ({
        %run_scoped3A = tpu.sem_alloc : memref<!tpu.dma_semaphore, #tpu.memory_space<semaphore_mem>>
        %dma_start3A_144 = arith.constant 2560 : i32
        %dma_start3A_145 = tpu.memref_slice %arg13[%dma_start3A_144] : memref<10240xf32, #tpu.memory_space<vmem>> -> memref<640xf32, #tpu.memory_space<vmem>>
        %dma_start3A_146 = tpu.memref_slice %arg12[%add3A_84] : memref<163840xf32, #tpu.memory_space<vmem_shared>> -> memref<640xf32, #tpu.memory_space<vmem_shared>>
        %dma_start3A_147 = arith.constant 2560 : i32
        %dma_start3A_148 = tpu.memref_slice %arg13[%dma_start3A_147] : memref<10240xf32, #tpu.memory_space<vmem>> -> memref<640xf32, #tpu.memory_space<vmem>>
        %dma_start3A_149 = tpu.memref_slice %arg12[%add3A_84] : memref<163840xf32, #tpu.memory_space<vmem_shared>> -> memref<640xf32, #tpu.memory_space<vmem_shared>>
        tpu.enqueue_dma source(%dma_start3A_149 : memref<640xf32, #tpu.memory_space<vmem_shared>>) target(%dma_start3A_148 : memref<640xf32, #tpu.memory_space<vmem>>) target_semaphore(%run_scoped3A : memref<!tpu.dma_semaphore, #tpu.memory_space<semaphore_mem>>)
        %dma_wait3A = arith.constant 2560 : i32
        %dma_wait3A_150 = tpu.memref_slice %arg13[%dma_wait3A] : memref<10240xf32, #tpu.memory_space<vmem>> -> memref<640xf32, #tpu.memory_space<vmem>>
        %dma_wait3A_151 = tpu.memref_slice %arg12[%add3A_84] : memref<163840xf32, #tpu.memory_space<vmem_shared>> -> memref<640xf32, #tpu.memory_space<vmem_shared>>
        %dma_wait3A_152 = arith.constant 2560 : i32
        %dma_wait3A_153 = tpu.memref_slice %arg13[%dma_wait3A_152] : memref<10240xf32, #tpu.memory_space<vmem>> -> memref<640xf32, #tpu.memory_space<vmem>>
        %dma_wait3A_154 = tpu.memref_slice %arg12[%add3A_84] : memref<163840xf32, #tpu.memory_space<vmem_shared>> -> memref<640xf32, #tpu.memory_space<vmem_shared>>
        tpu.wait_dma2 semaphore(%run_scoped3A : memref<!tpu.dma_semaphore, #tpu.memory_space<semaphore_mem>>) src(%dma_wait3A_154 : memref<640xf32, #tpu.memory_space<vmem_shared>>) dst(%dma_wait3A_153 : memref<640xf32, #tpu.memory_space<vmem>>)
        tpu.yield
      }) : () -> ()
      %mul3A_85 = arith.constant 640 : i32
      %mul3A_86 = arith.muli %arg1, %mul3A_85 : i32
      %add3A_87 = arith.constant 51200 : i32
      %add3A_88 = arith.addi %add3A_87, %mul3A_86 : i32
      "tpu.region"() ({
        %run_scoped3A = tpu.sem_alloc : memref<!tpu.dma_semaphore, #tpu.memory_space<semaphore_mem>>
        %dma_start3A_144 = arith.constant 3200 : i32
        %dma_start3A_145 = tpu.memref_slice %arg13[%dma_start3A_144] : memref<10240xf32, #tpu.memory_space<vmem>> -> memref<640xf32, #tpu.memory_space<vmem>>
        %dma_start3A_146 = tpu.memref_slice %arg12[%add3A_88] : memref<163840xf32, #tpu.memory_space<vmem_shared>> -> memref<640xf32, #tpu.memory_space<vmem_shared>>
        %dma_start3A_147 = arith.constant 3200 : i32
        %dma_start3A_148 = tpu.memref_slice %arg13[%dma_start3A_147] : memref<10240xf32, #tpu.memory_space<vmem>> -> memref<640xf32, #tpu.memory_space<vmem>>
        %dma_start3A_149 = tpu.memref_slice %arg12[%add3A_88] : memref<163840xf32, #tpu.memory_space<vmem_shared>> -> memref<640xf32, #tpu.memory_space<vmem_shared>>
        tpu.enqueue_dma source(%dma_start3A_149 : memref<640xf32, #tpu.memory_space<vmem_shared>>) target(%dma_start3A_148 : memref<640xf32, #tpu.memory_space<vmem>>) target_semaphore(%run_scoped3A : memref<!tpu.dma_semaphore, #tpu.memory_space<semaphore_mem>>)
        %dma_wait3A = arith.constant 3200 : i32
        %dma_wait3A_150 = tpu.memref_slice %arg13[%dma_wait3A] : memref<10240xf32, #tpu.memory_space<vmem>> -> memref<640xf32, #tpu.memory_space<vmem>>
        %dma_wait3A_151 = tpu.memref_slice %arg12[%add3A_88] : memref<163840xf32, #tpu.memory_space<vmem_shared>> -> memref<640xf32, #tpu.memory_space<vmem_shared>>
        %dma_wait3A_152 = arith.constant 3200 : i32
        %dma_wait3A_153 = tpu.memref_slice %arg13[%dma_wait3A_152] : memref<10240xf32, #tpu.memory_space<vmem>> -> memref<640xf32, #tpu.memory_space<vmem>>
        %dma_wait3A_154 = tpu.memref_slice %arg12[%add3A_88] : memref<163840xf32, #tpu.memory_space<vmem_shared>> -> memref<640xf32, #tpu.memory_space<vmem_shared>>
        tpu.wait_dma2 semaphore(%run_scoped3A : memref<!tpu.dma_semaphore, #tpu.memory_space<semaphore_mem>>) src(%dma_wait3A_154 : memref<640xf32, #tpu.memory_space<vmem_shared>>) dst(%dma_wait3A_153 : memref<640xf32, #tpu.memory_space<vmem>>)
        tpu.yield
      }) : () -> ()
      %mul3A_89 = arith.constant 640 : i32
      %mul3A_90 = arith.muli %arg1, %mul3A_89 : i32
      %add3A_91 = arith.constant 61440 : i32
      %add3A_92 = arith.addi %add3A_91, %mul3A_90 : i32
      "tpu.region"() ({
        %run_scoped3A = tpu.sem_alloc : memref<!tpu.dma_semaphore, #tpu.memory_space<semaphore_mem>>
        %dma_start3A_144 = arith.constant 3840 : i32
        %dma_start3A_145 = tpu.memref_slice %arg13[%dma_start3A_144] : memref<10240xf32, #tpu.memory_space<vmem>> -> memref<640xf32, #tpu.memory_space<vmem>>
        %dma_start3A_146 = tpu.memref_slice %arg12[%add3A_92] : memref<163840xf32, #tpu.memory_space<vmem_shared>> -> memref<640xf32, #tpu.memory_space<vmem_shared>>
        %dma_start3A_147 = arith.constant 3840 : i32
        %dma_start3A_148 = tpu.memref_slice %arg13[%dma_start3A_147] : memref<10240xf32, #tpu.memory_space<vmem>> -> memref<640xf32, #tpu.memory_space<vmem>>
        %dma_start3A_149 = tpu.memref_slice %arg12[%add3A_92] : memref<163840xf32, #tpu.memory_space<vmem_shared>> -> memref<640xf32, #tpu.memory_space<vmem_shared>>
        tpu.enqueue_dma source(%dma_start3A_149 : memref<640xf32, #tpu.memory_space<vmem_shared>>) target(%dma_start3A_148 : memref<640xf32, #tpu.memory_space<vmem>>) target_semaphore(%run_scoped3A : memref<!tpu.dma_semaphore, #tpu.memory_space<semaphore_mem>>)
        %dma_wait3A = arith.constant 3840 : i32
        %dma_wait3A_150 = tpu.memref_slice %arg13[%dma_wait3A] : memref<10240xf32, #tpu.memory_space<vmem>> -> memref<640xf32, #tpu.memory_space<vmem>>
        %dma_wait3A_151 = tpu.memref_slice %arg12[%add3A_92] : memref<163840xf32, #tpu.memory_space<vmem_shared>> -> memref<640xf32, #tpu.memory_space<vmem_shared>>
        %dma_wait3A_152 = arith.constant 3840 : i32
        %dma_wait3A_153 = tpu.memref_slice %arg13[%dma_wait3A_152] : memref<10240xf32, #tpu.memory_space<vmem>> -> memref<640xf32, #tpu.memory_space<vmem>>
        %dma_wait3A_154 = tpu.memref_slice %arg12[%add3A_92] : memref<163840xf32, #tpu.memory_space<vmem_shared>> -> memref<640xf32, #tpu.memory_space<vmem_shared>>
        tpu.wait_dma2 semaphore(%run_scoped3A : memref<!tpu.dma_semaphore, #tpu.memory_space<semaphore_mem>>) src(%dma_wait3A_154 : memref<640xf32, #tpu.memory_space<vmem_shared>>) dst(%dma_wait3A_153 : memref<640xf32, #tpu.memory_space<vmem>>)
        tpu.yield
      }) : () -> ()
      %mul3A_93 = arith.constant 640 : i32
      %mul3A_94 = arith.muli %arg1, %mul3A_93 : i32
      %add3A_95 = arith.constant 71680 : i32
      %add3A_96 = arith.addi %add3A_95, %mul3A_94 : i32
      "tpu.region"() ({
        %run_scoped3A = tpu.sem_alloc : memref<!tpu.dma_semaphore, #tpu.memory_space<semaphore_mem>>
        %dma_start3A_144 = arith.constant 4480 : i32
        %dma_start3A_145 = tpu.memref_slice %arg13[%dma_start3A_144] : memref<10240xf32, #tpu.memory_space<vmem>> -> memref<640xf32, #tpu.memory_space<vmem>>
        %dma_start3A_146 = tpu.memref_slice %arg12[%add3A_96] : memref<163840xf32, #tpu.memory_space<vmem_shared>> -> memref<640xf32, #tpu.memory_space<vmem_shared>>
        %dma_start3A_147 = arith.constant 4480 : i32
        %dma_start3A_148 = tpu.memref_slice %arg13[%dma_start3A_147] : memref<10240xf32, #tpu.memory_space<vmem>> -> memref<640xf32, #tpu.memory_space<vmem>>
        %dma_start3A_149 = tpu.memref_slice %arg12[%add3A_96] : memref<163840xf32, #tpu.memory_space<vmem_shared>> -> memref<640xf32, #tpu.memory_space<vmem_shared>>
        tpu.enqueue_dma source(%dma_start3A_149 : memref<640xf32, #tpu.memory_space<vmem_shared>>) target(%dma_start3A_148 : memref<640xf32, #tpu.memory_space<vmem>>) target_semaphore(%run_scoped3A : memref<!tpu.dma_semaphore, #tpu.memory_space<semaphore_mem>>)
        %dma_wait3A = arith.constant 4480 : i32
        %dma_wait3A_150 = tpu.memref_slice %arg13[%dma_wait3A] : memref<10240xf32, #tpu.memory_space<vmem>> -> memref<640xf32, #tpu.memory_space<vmem>>
        %dma_wait3A_151 = tpu.memref_slice %arg12[%add3A_96] : memref<163840xf32, #tpu.memory_space<vmem_shared>> -> memref<640xf32, #tpu.memory_space<vmem_shared>>
        %dma_wait3A_152 = arith.constant 4480 : i32
        %dma_wait3A_153 = tpu.memref_slice %arg13[%dma_wait3A_152] : memref<10240xf32, #tpu.memory_space<vmem>> -> memref<640xf32, #tpu.memory_space<vmem>>
        %dma_wait3A_154 = tpu.memref_slice %arg12[%add3A_96] : memref<163840xf32, #tpu.memory_space<vmem_shared>> -> memref<640xf32, #tpu.memory_space<vmem_shared>>
        tpu.wait_dma2 semaphore(%run_scoped3A : memref<!tpu.dma_semaphore, #tpu.memory_space<semaphore_mem>>) src(%dma_wait3A_154 : memref<640xf32, #tpu.memory_space<vmem_shared>>) dst(%dma_wait3A_153 : memref<640xf32, #tpu.memory_space<vmem>>)
        tpu.yield
      }) : () -> ()
      %mul3A_97 = arith.constant 640 : i32
      %mul3A_98 = arith.muli %arg1, %mul3A_97 : i32
      %add3A_99 = arith.constant 81920 : i32
      %add3A_100 = arith.addi %add3A_99, %mul3A_98 : i32
      "tpu.region"() ({
        %run_scoped3A = tpu.sem_alloc : memref<!tpu.dma_semaphore, #tpu.memory_space<semaphore_mem>>
        %dma_start3A_144 = arith.constant 5120 : i32
        %dma_start3A_145 = tpu.memref_slice %arg13[%dma_start3A_144] : memref<10240xf32, #tpu.memory_space<vmem>> -> memref<640xf32, #tpu.memory_space<vmem>>
        %dma_start3A_146 = tpu.memref_slice %arg12[%add3A_100] : memref<163840xf32, #tpu.memory_space<vmem_shared>> -> memref<640xf32, #tpu.memory_space<vmem_shared>>
        %dma_start3A_147 = arith.constant 5120 : i32
        %dma_start3A_148 = tpu.memref_slice %arg13[%dma_start3A_147] : memref<10240xf32, #tpu.memory_space<vmem>> -> memref<640xf32, #tpu.memory_space<vmem>>
        %dma_start3A_149 = tpu.memref_slice %arg12[%add3A_100] : memref<163840xf32, #tpu.memory_space<vmem_shared>> -> memref<640xf32, #tpu.memory_space<vmem_shared>>
        tpu.enqueue_dma source(%dma_start3A_149 : memref<640xf32, #tpu.memory_space<vmem_shared>>) target(%dma_start3A_148 : memref<640xf32, #tpu.memory_space<vmem>>) target_semaphore(%run_scoped3A : memref<!tpu.dma_semaphore, #tpu.memory_space<semaphore_mem>>)
        %dma_wait3A = arith.constant 5120 : i32
        %dma_wait3A_150 = tpu.memref_slice %arg13[%dma_wait3A] : memref<10240xf32, #tpu.memory_space<vmem>> -> memref<640xf32, #tpu.memory_space<vmem>>
        %dma_wait3A_151 = tpu.memref_slice %arg12[%add3A_100] : memref<163840xf32, #tpu.memory_space<vmem_shared>> -> memref<640xf32, #tpu.memory_space<vmem_shared>>
        %dma_wait3A_152 = arith.constant 5120 : i32
        %dma_wait3A_153 = tpu.memref_slice %arg13[%dma_wait3A_152] : memref<10240xf32, #tpu.memory_space<vmem>> -> memref<640xf32, #tpu.memory_space<vmem>>
        %dma_wait3A_154 = tpu.memref_slice %arg12[%add3A_100] : memref<163840xf32, #tpu.memory_space<vmem_shared>> -> memref<640xf32, #tpu.memory_space<vmem_shared>>
        tpu.wait_dma2 semaphore(%run_scoped3A : memref<!tpu.dma_semaphore, #tpu.memory_space<semaphore_mem>>) src(%dma_wait3A_154 : memref<640xf32, #tpu.memory_space<vmem_shared>>) dst(%dma_wait3A_153 : memref<640xf32, #tpu.memory_space<vmem>>)
        tpu.yield
      }) : () -> ()
      %mul3A_101 = arith.constant 640 : i32
      %mul3A_102 = arith.muli %arg1, %mul3A_101 : i32
      %add3A_103 = arith.constant 92160 : i32
      %add3A_104 = arith.addi %add3A_103, %mul3A_102 : i32
      "tpu.region"() ({
        %run_scoped3A = tpu.sem_alloc : memref<!tpu.dma_semaphore, #tpu.memory_space<semaphore_mem>>
        %dma_start3A_144 = arith.constant 5760 : i32
        %dma_start3A_145 = tpu.memref_slice %arg13[%dma_start3A_144] : memref<10240xf32, #tpu.memory_space<vmem>> -> memref<640xf32, #tpu.memory_space<vmem>>
        %dma_start3A_146 = tpu.memref_slice %arg12[%add3A_104] : memref<163840xf32, #tpu.memory_space<vmem_shared>> -> memref<640xf32, #tpu.memory_space<vmem_shared>>
        %dma_start3A_147 = arith.constant 5760 : i32
        %dma_start3A_148 = tpu.memref_slice %arg13[%dma_start3A_147] : memref<10240xf32, #tpu.memory_space<vmem>> -> memref<640xf32, #tpu.memory_space<vmem>>
        %dma_start3A_149 = tpu.memref_slice %arg12[%add3A_104] : memref<163840xf32, #tpu.memory_space<vmem_shared>> -> memref<640xf32, #tpu.memory_space<vmem_shared>>
        tpu.enqueue_dma source(%dma_start3A_149 : memref<640xf32, #tpu.memory_space<vmem_shared>>) target(%dma_start3A_148 : memref<640xf32, #tpu.memory_space<vmem>>) target_semaphore(%run_scoped3A : memref<!tpu.dma_semaphore, #tpu.memory_space<semaphore_mem>>)
        %dma_wait3A = arith.constant 5760 : i32
        %dma_wait3A_150 = tpu.memref_slice %arg13[%dma_wait3A] : memref<10240xf32, #tpu.memory_space<vmem>> -> memref<640xf32, #tpu.memory_space<vmem>>
        %dma_wait3A_151 = tpu.memref_slice %arg12[%add3A_104] : memref<163840xf32, #tpu.memory_space<vmem_shared>> -> memref<640xf32, #tpu.memory_space<vmem_shared>>
        %dma_wait3A_152 = arith.constant 5760 : i32
        %dma_wait3A_153 = tpu.memref_slice %arg13[%dma_wait3A_152] : memref<10240xf32, #tpu.memory_space<vmem>> -> memref<640xf32, #tpu.memory_space<vmem>>
        %dma_wait3A_154 = tpu.memref_slice %arg12[%add3A_104] : memref<163840xf32, #tpu.memory_space<vmem_shared>> -> memref<640xf32, #tpu.memory_space<vmem_shared>>
        tpu.wait_dma2 semaphore(%run_scoped3A : memref<!tpu.dma_semaphore, #tpu.memory_space<semaphore_mem>>) src(%dma_wait3A_154 : memref<640xf32, #tpu.memory_space<vmem_shared>>) dst(%dma_wait3A_153 : memref<640xf32, #tpu.memory_space<vmem>>)
        tpu.yield
      }) : () -> ()
      %mul3A_105 = arith.constant 640 : i32
      %mul3A_106 = arith.muli %arg1, %mul3A_105 : i32
      %add3A_107 = arith.constant 102400 : i32
      %add3A_108 = arith.addi %add3A_107, %mul3A_106 : i32
      "tpu.region"() ({
        %run_scoped3A = tpu.sem_alloc : memref<!tpu.dma_semaphore, #tpu.memory_space<semaphore_mem>>
        %dma_start3A_144 = arith.constant 6400 : i32
        %dma_start3A_145 = tpu.memref_slice %arg13[%dma_start3A_144] : memref<10240xf32, #tpu.memory_space<vmem>> -> memref<640xf32, #tpu.memory_space<vmem>>
        %dma_start3A_146 = tpu.memref_slice %arg12[%add3A_108] : memref<163840xf32, #tpu.memory_space<vmem_shared>> -> memref<640xf32, #tpu.memory_space<vmem_shared>>
        %dma_start3A_147 = arith.constant 6400 : i32
        %dma_start3A_148 = tpu.memref_slice %arg13[%dma_start3A_147] : memref<10240xf32, #tpu.memory_space<vmem>> -> memref<640xf32, #tpu.memory_space<vmem>>
        %dma_start3A_149 = tpu.memref_slice %arg12[%add3A_108] : memref<163840xf32, #tpu.memory_space<vmem_shared>> -> memref<640xf32, #tpu.memory_space<vmem_shared>>
        tpu.enqueue_dma source(%dma_start3A_149 : memref<640xf32, #tpu.memory_space<vmem_shared>>) target(%dma_start3A_148 : memref<640xf32, #tpu.memory_space<vmem>>) target_semaphore(%run_scoped3A : memref<!tpu.dma_semaphore, #tpu.memory_space<semaphore_mem>>)
        %dma_wait3A = arith.constant 6400 : i32
        %dma_wait3A_150 = tpu.memref_slice %arg13[%dma_wait3A] : memref<10240xf32, #tpu.memory_space<vmem>> -> memref<640xf32, #tpu.memory_space<vmem>>
        %dma_wait3A_151 = tpu.memref_slice %arg12[%add3A_108] : memref<163840xf32, #tpu.memory_space<vmem_shared>> -> memref<640xf32, #tpu.memory_space<vmem_shared>>
        %dma_wait3A_152 = arith.constant 6400 : i32
        %dma_wait3A_153 = tpu.memref_slice %arg13[%dma_wait3A_152] : memref<10240xf32, #tpu.memory_space<vmem>> -> memref<640xf32, #tpu.memory_space<vmem>>
        %dma_wait3A_154 = tpu.memref_slice %arg12[%add3A_108] : memref<163840xf32, #tpu.memory_space<vmem_shared>> -> memref<640xf32, #tpu.memory_space<vmem_shared>>
        tpu.wait_dma2 semaphore(%run_scoped3A : memref<!tpu.dma_semaphore, #tpu.memory_space<semaphore_mem>>) src(%dma_wait3A_154 : memref<640xf32, #tpu.memory_space<vmem_shared>>) dst(%dma_wait3A_153 : memref<640xf32, #tpu.memory_space<vmem>>)
        tpu.yield
      }) : () -> ()
      %mul3A_109 = arith.constant 640 : i32
      %mul3A_110 = arith.muli %arg1, %mul3A_109 : i32
      %add3A_111 = arith.constant 112640 : i32
      %add3A_112 = arith.addi %add3A_111, %mul3A_110 : i32
      "tpu.region"() ({
        %run_scoped3A = tpu.sem_alloc : memref<!tpu.dma_semaphore, #tpu.memory_space<semaphore_mem>>
        %dma_start3A_144 = arith.constant 7040 : i32
        %dma_start3A_145 = tpu.memref_slice %arg13[%dma_start3A_144] : memref<10240xf32, #tpu.memory_space<vmem>> -> memref<640xf32, #tpu.memory_space<vmem>>
        %dma_start3A_146 = tpu.memref_slice %arg12[%add3A_112] : memref<163840xf32, #tpu.memory_space<vmem_shared>> -> memref<640xf32, #tpu.memory_space<vmem_shared>>
        %dma_start3A_147 = arith.constant 7040 : i32
        %dma_start3A_148 = tpu.memref_slice %arg13[%dma_start3A_147] : memref<10240xf32, #tpu.memory_space<vmem>> -> memref<640xf32, #tpu.memory_space<vmem>>
        %dma_start3A_149 = tpu.memref_slice %arg12[%add3A_112] : memref<163840xf32, #tpu.memory_space<vmem_shared>> -> memref<640xf32, #tpu.memory_space<vmem_shared>>
        tpu.enqueue_dma source(%dma_start3A_149 : memref<640xf32, #tpu.memory_space<vmem_shared>>) target(%dma_start3A_148 : memref<640xf32, #tpu.memory_space<vmem>>) target_semaphore(%run_scoped3A : memref<!tpu.dma_semaphore, #tpu.memory_space<semaphore_mem>>)
        %dma_wait3A = arith.constant 7040 : i32
        %dma_wait3A_150 = tpu.memref_slice %arg13[%dma_wait3A] : memref<10240xf32, #tpu.memory_space<vmem>> -> memref<640xf32, #tpu.memory_space<vmem>>
        %dma_wait3A_151 = tpu.memref_slice %arg12[%add3A_112] : memref<163840xf32, #tpu.memory_space<vmem_shared>> -> memref<640xf32, #tpu.memory_space<vmem_shared>>
        %dma_wait3A_152 = arith.constant 7040 : i32
        %dma_wait3A_153 = tpu.memref_slice %arg13[%dma_wait3A_152] : memref<10240xf32, #tpu.memory_space<vmem>> -> memref<640xf32, #tpu.memory_space<vmem>>
        %dma_wait3A_154 = tpu.memref_slice %arg12[%add3A_112] : memref<163840xf32, #tpu.memory_space<vmem_shared>> -> memref<640xf32, #tpu.memory_space<vmem_shared>>
        tpu.wait_dma2 semaphore(%run_scoped3A : memref<!tpu.dma_semaphore, #tpu.memory_space<semaphore_mem>>) src(%dma_wait3A_154 : memref<640xf32, #tpu.memory_space<vmem_shared>>) dst(%dma_wait3A_153 : memref<640xf32, #tpu.memory_space<vmem>>)
        tpu.yield
      }) : () -> ()
      %mul3A_113 = arith.constant 640 : i32
      %mul3A_114 = arith.muli %arg1, %mul3A_113 : i32
      %add3A_115 = arith.constant 122880 : i32
      %add3A_116 = arith.addi %add3A_115, %mul3A_114 : i32
      "tpu.region"() ({
        %run_scoped3A = tpu.sem_alloc : memref<!tpu.dma_semaphore, #tpu.memory_space<semaphore_mem>>
        %dma_start3A_144 = arith.constant 7680 : i32
        %dma_start3A_145 = tpu.memref_slice %arg13[%dma_start3A_144] : memref<10240xf32, #tpu.memory_space<vmem>> -> memref<640xf32, #tpu.memory_space<vmem>>
        %dma_start3A_146 = tpu.memref_slice %arg12[%add3A_116] : memref<163840xf32, #tpu.memory_space<vmem_shared>> -> memref<640xf32, #tpu.memory_space<vmem_shared>>
        %dma_start3A_147 = arith.constant 7680 : i32
        %dma_start3A_148 = tpu.memref_slice %arg13[%dma_start3A_147] : memref<10240xf32, #tpu.memory_space<vmem>> -> memref<640xf32, #tpu.memory_space<vmem>>
        %dma_start3A_149 = tpu.memref_slice %arg12[%add3A_116] : memref<163840xf32, #tpu.memory_space<vmem_shared>> -> memref<640xf32, #tpu.memory_space<vmem_shared>>
        tpu.enqueue_dma source(%dma_start3A_149 : memref<640xf32, #tpu.memory_space<vmem_shared>>) target(%dma_start3A_148 : memref<640xf32, #tpu.memory_space<vmem>>) target_semaphore(%run_scoped3A : memref<!tpu.dma_semaphore, #tpu.memory_space<semaphore_mem>>)
        %dma_wait3A = arith.constant 7680 : i32
        %dma_wait3A_150 = tpu.memref_slice %arg13[%dma_wait3A] : memref<10240xf32, #tpu.memory_space<vmem>> -> memref<640xf32, #tpu.memory_space<vmem>>
        %dma_wait3A_151 = tpu.memref_slice %arg12[%add3A_116] : memref<163840xf32, #tpu.memory_space<vmem_shared>> -> memref<640xf32, #tpu.memory_space<vmem_shared>>
        %dma_wait3A_152 = arith.constant 7680 : i32
        %dma_wait3A_153 = tpu.memref_slice %arg13[%dma_wait3A_152] : memref<10240xf32, #tpu.memory_space<vmem>> -> memref<640xf32, #tpu.memory_space<vmem>>
        %dma_wait3A_154 = tpu.memref_slice %arg12[%add3A_116] : memref<163840xf32, #tpu.memory_space<vmem_shared>> -> memref<640xf32, #tpu.memory_space<vmem_shared>>
        tpu.wait_dma2 semaphore(%run_scoped3A : memref<!tpu.dma_semaphore, #tpu.memory_space<semaphore_mem>>) src(%dma_wait3A_154 : memref<640xf32, #tpu.memory_space<vmem_shared>>) dst(%dma_wait3A_153 : memref<640xf32, #tpu.memory_space<vmem>>)
        tpu.yield
      }) : () -> ()
      %mul3A_117 = arith.constant 640 : i32
      %mul3A_118 = arith.muli %arg1, %mul3A_117 : i32
      %add3A_119 = arith.constant 133120 : i32
      %add3A_120 = arith.addi %add3A_119, %mul3A_118 : i32
      "tpu.region"() ({
        %run_scoped3A = tpu.sem_alloc : memref<!tpu.dma_semaphore, #tpu.memory_space<semaphore_mem>>
        %dma_start3A_144 = arith.constant 8320 : i32
        %dma_start3A_145 = tpu.memref_slice %arg13[%dma_start3A_144] : memref<10240xf32, #tpu.memory_space<vmem>> -> memref<640xf32, #tpu.memory_space<vmem>>
        %dma_start3A_146 = tpu.memref_slice %arg12[%add3A_120] : memref<163840xf32, #tpu.memory_space<vmem_shared>> -> memref<640xf32, #tpu.memory_space<vmem_shared>>
        %dma_start3A_147 = arith.constant 8320 : i32
        %dma_start3A_148 = tpu.memref_slice %arg13[%dma_start3A_147] : memref<10240xf32, #tpu.memory_space<vmem>> -> memref<640xf32, #tpu.memory_space<vmem>>
        %dma_start3A_149 = tpu.memref_slice %arg12[%add3A_120] : memref<163840xf32, #tpu.memory_space<vmem_shared>> -> memref<640xf32, #tpu.memory_space<vmem_shared>>
        tpu.enqueue_dma source(%dma_start3A_149 : memref<640xf32, #tpu.memory_space<vmem_shared>>) target(%dma_start3A_148 : memref<640xf32, #tpu.memory_space<vmem>>) target_semaphore(%run_scoped3A : memref<!tpu.dma_semaphore, #tpu.memory_space<semaphore_mem>>)
        %dma_wait3A = arith.constant 8320 : i32
        %dma_wait3A_150 = tpu.memref_slice %arg13[%dma_wait3A] : memref<10240xf32, #tpu.memory_space<vmem>> -> memref<640xf32, #tpu.memory_space<vmem>>
        %dma_wait3A_151 = tpu.memref_slice %arg12[%add3A_120] : memref<163840xf32, #tpu.memory_space<vmem_shared>> -> memref<640xf32, #tpu.memory_space<vmem_shared>>
        %dma_wait3A_152 = arith.constant 8320 : i32
        %dma_wait3A_153 = tpu.memref_slice %arg13[%dma_wait3A_152] : memref<10240xf32, #tpu.memory_space<vmem>> -> memref<640xf32, #tpu.memory_space<vmem>>
        %dma_wait3A_154 = tpu.memref_slice %arg12[%add3A_120] : memref<163840xf32, #tpu.memory_space<vmem_shared>> -> memref<640xf32, #tpu.memory_space<vmem_shared>>
        tpu.wait_dma2 semaphore(%run_scoped3A : memref<!tpu.dma_semaphore, #tpu.memory_space<semaphore_mem>>) src(%dma_wait3A_154 : memref<640xf32, #tpu.memory_space<vmem_shared>>) dst(%dma_wait3A_153 : memref<640xf32, #tpu.memory_space<vmem>>)
        tpu.yield
      }) : () -> ()
      %mul3A_121 = arith.constant 640 : i32
      %mul3A_122 = arith.muli %arg1, %mul3A_121 : i32
      %add3A_123 = arith.constant 143360 : i32
      %add3A_124 = arith.addi %add3A_123, %mul3A_122 : i32
      "tpu.region"() ({
        %run_scoped3A = tpu.sem_alloc : memref<!tpu.dma_semaphore, #tpu.memory_space<semaphore_mem>>
        %dma_start3A_144 = arith.constant 8960 : i32
        %dma_start3A_145 = tpu.memref_slice %arg13[%dma_start3A_144] : memref<10240xf32, #tpu.memory_space<vmem>> -> memref<640xf32, #tpu.memory_space<vmem>>
        %dma_start3A_146 = tpu.memref_slice %arg12[%add3A_124] : memref<163840xf32, #tpu.memory_space<vmem_shared>> -> memref<640xf32, #tpu.memory_space<vmem_shared>>
        %dma_start3A_147 = arith.constant 8960 : i32
        %dma_start3A_148 = tpu.memref_slice %arg13[%dma_start3A_147] : memref<10240xf32, #tpu.memory_space<vmem>> -> memref<640xf32, #tpu.memory_space<vmem>>
        %dma_start3A_149 = tpu.memref_slice %arg12[%add3A_124] : memref<163840xf32, #tpu.memory_space<vmem_shared>> -> memref<640xf32, #tpu.memory_space<vmem_shared>>
        tpu.enqueue_dma source(%dma_start3A_149 : memref<640xf32, #tpu.memory_space<vmem_shared>>) target(%dma_start3A_148 : memref<640xf32, #tpu.memory_space<vmem>>) target_semaphore(%run_scoped3A : memref<!tpu.dma_semaphore, #tpu.memory_space<semaphore_mem>>)
        %dma_wait3A = arith.constant 8960 : i32
        %dma_wait3A_150 = tpu.memref_slice %arg13[%dma_wait3A] : memref<10240xf32, #tpu.memory_space<vmem>> -> memref<640xf32, #tpu.memory_space<vmem>>
        %dma_wait3A_151 = tpu.memref_slice %arg12[%add3A_124] : memref<163840xf32, #tpu.memory_space<vmem_shared>> -> memref<640xf32, #tpu.memory_space<vmem_shared>>
        %dma_wait3A_152 = arith.constant 8960 : i32
        %dma_wait3A_153 = tpu.memref_slice %arg13[%dma_wait3A_152] : memref<10240xf32, #tpu.memory_space<vmem>> -> memref<640xf32, #tpu.memory_space<vmem>>
        %dma_wait3A_154 = tpu.memref_slice %arg12[%add3A_124] : memref<163840xf32, #tpu.memory_space<vmem_shared>> -> memref<640xf32, #tpu.memory_space<vmem_shared>>
        tpu.wait_dma2 semaphore(%run_scoped3A : memref<!tpu.dma_semaphore, #tpu.memory_space<semaphore_mem>>) src(%dma_wait3A_154 : memref<640xf32, #tpu.memory_space<vmem_shared>>) dst(%dma_wait3A_153 : memref<640xf32, #tpu.memory_space<vmem>>)
        tpu.yield
      }) : () -> ()
      %mul3A_125 = arith.constant 640 : i32
      %mul3A_126 = arith.muli %arg1, %mul3A_125 : i32
      %add3A_127 = arith.constant 153600 : i32
      %add3A_128 = arith.addi %add3A_127, %mul3A_126 : i32
      "tpu.region"() ({
        %run_scoped3A = tpu.sem_alloc : memref<!tpu.dma_semaphore, #tpu.memory_space<semaphore_mem>>
        %dma_start3A_144 = arith.constant 9600 : i32
        %dma_start3A_145 = tpu.memref_slice %arg13[%dma_start3A_144] : memref<10240xf32, #tpu.memory_space<vmem>> -> memref<640xf32, #tpu.memory_space<vmem>>
        %dma_start3A_146 = tpu.memref_slice %arg12[%add3A_128] : memref<163840xf32, #tpu.memory_space<vmem_shared>> -> memref<640xf32, #tpu.memory_space<vmem_shared>>
        %dma_start3A_147 = arith.constant 9600 : i32
        %dma_start3A_148 = tpu.memref_slice %arg13[%dma_start3A_147] : memref<10240xf32, #tpu.memory_space<vmem>> -> memref<640xf32, #tpu.memory_space<vmem>>
        %dma_start3A_149 = tpu.memref_slice %arg12[%add3A_128] : memref<163840xf32, #tpu.memory_space<vmem_shared>> -> memref<640xf32, #tpu.memory_space<vmem_shared>>
        tpu.enqueue_dma source(%dma_start3A_149 : memref<640xf32, #tpu.memory_space<vmem_shared>>) target(%dma_start3A_148 : memref<640xf32, #tpu.memory_space<vmem>>) target_semaphore(%run_scoped3A : memref<!tpu.dma_semaphore, #tpu.memory_space<semaphore_mem>>)
        %dma_wait3A = arith.constant 9600 : i32
        %dma_wait3A_150 = tpu.memref_slice %arg13[%dma_wait3A] : memref<10240xf32, #tpu.memory_space<vmem>> -> memref<640xf32, #tpu.memory_space<vmem>>
        %dma_wait3A_151 = tpu.memref_slice %arg12[%add3A_128] : memref<163840xf32, #tpu.memory_space<vmem_shared>> -> memref<640xf32, #tpu.memory_space<vmem_shared>>
        %dma_wait3A_152 = arith.constant 9600 : i32
        %dma_wait3A_153 = tpu.memref_slice %arg13[%dma_wait3A_152] : memref<10240xf32, #tpu.memory_space<vmem>> -> memref<640xf32, #tpu.memory_space<vmem>>
        %dma_wait3A_154 = tpu.memref_slice %arg12[%add3A_128] : memref<163840xf32, #tpu.memory_space<vmem_shared>> -> memref<640xf32, #tpu.memory_space<vmem_shared>>
        tpu.wait_dma2 semaphore(%run_scoped3A : memref<!tpu.dma_semaphore, #tpu.memory_space<semaphore_mem>>) src(%dma_wait3A_154 : memref<640xf32, #tpu.memory_space<vmem_shared>>) dst(%dma_wait3A_153 : memref<640xf32, #tpu.memory_space<vmem>>)
        tpu.yield
      }) : () -> ()
      %parallel_loop3A_129 = arith.constant 0 : i32
      %parallel_loop3A_130 = arith.constant 40 : i32
      %parallel_loop3A_131 = arith.constant 1 : i32
      scf.for %parallel_loop3A_144 = %parallel_loop3A_129 to %parallel_loop3A_130 step %parallel_loop3A_131  : i32 {
        %parallel_loop3A_145 = arith.constant 16 : i32
        %parallel_loop3A_146 = arith.muli %parallel_loop3A_144, %parallel_loop3A_145 : i32
        %parallel_loop3A_147 = arith.index_cast %parallel_loop3A_146 : i32 to index
        %parallel_loop3A_148 = tpu.vector_load %arg13[%parallel_loop3A_147] {strides = array<i32>} : memref<10240xf32, #tpu.memory_space<vmem>>, vector<16xf32>,
        %parallel_loop3A_149 = arith.constant 16 : i32
        %parallel_loop3A_150 = arith.muli %parallel_loop3A_144, %parallel_loop3A_149 : i32
        %parallel_loop3A_151 = arith.constant 640 : i32
        %parallel_loop3A_152 = arith.addi %parallel_loop3A_151, %parallel_loop3A_150 : i32
        %parallel_loop3A_153 = arith.index_cast %parallel_loop3A_152 : i32 to index
        %parallel_loop3A_154 = tpu.vector_load %arg13[%parallel_loop3A_153] {strides = array<i32>} : memref<10240xf32, #tpu.memory_space<vmem>>, vector<16xf32>,
        %parallel_loop3A_155 = arith.addf %parallel_loop3A_148, %parallel_loop3A_154 : vector<16xf32>
        %parallel_loop3A_156 = arith.constant 16 : i32
        %parallel_loop3A_157 = arith.muli %parallel_loop3A_144, %parallel_loop3A_156 : i32
        %parallel_loop3A_158 = arith.constant 1280 : i32
        %parallel_loop3A_159 = arith.addi %parallel_loop3A_158, %parallel_loop3A_157 : i32
        %parallel_loop3A_160 = arith.index_cast %parallel_loop3A_159 : i32 to index
        %parallel_loop3A_161 = tpu.vector_load %arg13[%parallel_loop3A_160] {strides = array<i32>} : memref<10240xf32, #tpu.memory_space<vmem>>, vector<16xf32>,
        %parallel_loop3A_162 = arith.addf %parallel_loop3A_155, %parallel_loop3A_161 : vector<16xf32>
        %parallel_loop3A_163 = arith.constant 16 : i32
        %parallel_loop3A_164 = arith.muli %parallel_loop3A_144, %parallel_loop3A_163 : i32
        %parallel_loop3A_165 = arith.constant 1920 : i32
        %parallel_loop3A_166 = arith.addi %parallel_loop3A_165, %parallel_loop3A_164 : i32
        %parallel_loop3A_167 = arith.index_cast %parallel_loop3A_166 : i32 to index
        %parallel_loop3A_168 = tpu.vector_load %arg13[%parallel_loop3A_167] {strides = array<i32>} : memref<10240xf32, #tpu.memory_space<vmem>>, vector<16xf32>,
        %parallel_loop3A_169 = arith.addf %parallel_loop3A_162, %parallel_loop3A_168 : vector<16xf32>
        %parallel_loop3A_170 = arith.constant 16 : i32
        %parallel_loop3A_171 = arith.muli %parallel_loop3A_144, %parallel_loop3A_170 : i32
        %parallel_loop3A_172 = arith.constant 2560 : i32
        %parallel_loop3A_173 = arith.addi %parallel_loop3A_172, %parallel_loop3A_171 : i32
        %parallel_loop3A_174 = arith.index_cast %parallel_loop3A_173 : i32 to index
        %parallel_loop3A_175 = tpu.vector_load %arg13[%parallel_loop3A_174] {strides = array<i32>} : memref<10240xf32, #tpu.memory_space<vmem>>, vector<16xf32>,
        %parallel_loop3A_176 = arith.addf %parallel_loop3A_169, %parallel_loop3A_175 : vector<16xf32>
        %parallel_loop3A_177 = arith.constant 16 : i32
        %parallel_loop3A_178 = arith.muli %parallel_loop3A_144, %parallel_loop3A_177 : i32
        %parallel_loop3A_179 = arith.constant 3200 : i32
        %parallel_loop3A_180 = arith.addi %parallel_loop3A_179, %parallel_loop3A_178 : i32
        %parallel_loop3A_181 = arith.index_cast %parallel_loop3A_180 : i32 to index
        %parallel_loop3A_182 = tpu.vector_load %arg13[%parallel_loop3A_181] {strides = array<i32>} : memref<10240xf32, #tpu.memory_space<vmem>>, vector<16xf32>,
        %parallel_loop3A_183 = arith.addf %parallel_loop3A_176, %parallel_loop3A_182 : vector<16xf32>
        %parallel_loop3A_184 = arith.constant 16 : i32
        %parallel_loop3A_185 = arith.muli %parallel_loop3A_144, %parallel_loop3A_184 : i32
        %parallel_loop3A_186 = arith.constant 3840 : i32
        %parallel_loop3A_187 = arith.addi %parallel_loop3A_186, %parallel_loop3A_185 : i32
        %parallel_loop3A_188 = arith.index_cast %parallel_loop3A_187 : i32 to index
        %parallel_loop3A_189 = tpu.vector_load %arg13[%parallel_loop3A_188] {strides = array<i32>} : memref<10240xf32, #tpu.memory_space<vmem>>, vector<16xf32>,
        %parallel_loop3A_190 = arith.addf %parallel_loop3A_183, %parallel_loop3A_189 : vector<16xf32>
        %parallel_loop3A_191 = arith.constant 16 : i32
        %parallel_loop3A_192 = arith.muli %parallel_loop3A_144, %parallel_loop3A_191 : i32
        %parallel_loop3A_193 = arith.constant 4480 : i32
        %parallel_loop3A_194 = arith.addi %parallel_loop3A_193, %parallel_loop3A_192 : i32
        %parallel_loop3A_195 = arith.index_cast %parallel_loop3A_194 : i32 to index
        %parallel_loop3A_196 = tpu.vector_load %arg13[%parallel_loop3A_195] {strides = array<i32>} : memref<10240xf32, #tpu.memory_space<vmem>>, vector<16xf32>,
        %parallel_loop3A_197 = arith.addf %parallel_loop3A_190, %parallel_loop3A_196 : vector<16xf32>
        %parallel_loop3A_198 = arith.constant 16 : i32
        %parallel_loop3A_199 = arith.muli %parallel_loop3A_144, %parallel_loop3A_198 : i32
        %parallel_loop3A_200 = arith.constant 5120 : i32
        %parallel_loop3A_201 = arith.addi %parallel_loop3A_200, %parallel_loop3A_199 : i32
        %parallel_loop3A_202 = arith.index_cast %parallel_loop3A_201 : i32 to index
        %parallel_loop3A_203 = tpu.vector_load %arg13[%parallel_loop3A_202] {strides = array<i32>} : memref<10240xf32, #tpu.memory_space<vmem>>, vector<16xf32>,
        %parallel_loop3A_204 = arith.addf %parallel_loop3A_197, %parallel_loop3A_203 : vector<16xf32>
        %parallel_loop3A_205 = arith.constant 16 : i32
        %parallel_loop3A_206 = arith.muli %parallel_loop3A_144, %parallel_loop3A_205 : i32
        %parallel_loop3A_207 = arith.constant 5760 : i32
        %parallel_loop3A_208 = arith.addi %parallel_loop3A_207, %parallel_loop3A_206 : i32
        %parallel_loop3A_209 = arith.index_cast %parallel_loop3A_208 : i32 to index
        %parallel_loop3A_210 = tpu.vector_load %arg13[%parallel_loop3A_209] {strides = array<i32>} : memref<10240xf32, #tpu.memory_space<vmem>>, vector<16xf32>,
        %parallel_loop3A_211 = arith.addf %parallel_loop3A_204, %parallel_loop3A_210 : vector<16xf32>
        %parallel_loop3A_212 = arith.constant 16 : i32
        %parallel_loop3A_213 = arith.muli %parallel_loop3A_144, %parallel_loop3A_212 : i32
        %parallel_loop3A_214 = arith.constant 6400 : i32
        %parallel_loop3A_215 = arith.addi %parallel_loop3A_214, %parallel_loop3A_213 : i32
        %parallel_loop3A_216 = arith.index_cast %parallel_loop3A_215 : i32 to index
        %parallel_loop3A_217 = tpu.vector_load %arg13[%parallel_loop3A_216] {strides = array<i32>} : memref<10240xf32, #tpu.memory_space<vmem>>, vector<16xf32>,
        %parallel_loop3A_218 = arith.addf %parallel_loop3A_211, %parallel_loop3A_217 : vector<16xf32>
        %parallel_loop3A_219 = arith.constant 16 : i32
        %parallel_loop3A_220 = arith.muli %parallel_loop3A_144, %parallel_loop3A_219 : i32
        %parallel_loop3A_221 = arith.constant 7040 : i32
        %parallel_loop3A_222 = arith.addi %parallel_loop3A_221, %parallel_loop3A_220 : i32
        %parallel_loop3A_223 = arith.index_cast %parallel_loop3A_222 : i32 to index
        %parallel_loop3A_224 = tpu.vector_load %arg13[%parallel_loop3A_223] {strides = array<i32>} : memref<10240xf32, #tpu.memory_space<vmem>>, vector<16xf32>,
        %parallel_loop3A_225 = arith.addf %parallel_loop3A_218, %parallel_loop3A_224 : vector<16xf32>
        %parallel_loop3A_226 = arith.constant 16 : i32
        %parallel_loop3A_227 = arith.muli %parallel_loop3A_144, %parallel_loop3A_226 : i32
        %parallel_loop3A_228 = arith.constant 7680 : i32
        %parallel_loop3A_229 = arith.addi %parallel_loop3A_228, %parallel_loop3A_227 : i32
        %parallel_loop3A_230 = arith.index_cast %parallel_loop3A_229 : i32 to index
        %parallel_loop3A_231 = tpu.vector_load %arg13[%parallel_loop3A_230] {strides = array<i32>} : memref<10240xf32, #tpu.memory_space<vmem>>, vector<16xf32>,
        %parallel_loop3A_232 = arith.addf %parallel_loop3A_225, %parallel_loop3A_231 : vector<16xf32>
        %parallel_loop3A_233 = arith.constant 16 : i32
        %parallel_loop3A_234 = arith.muli %parallel_loop3A_144, %parallel_loop3A_233 : i32
        %parallel_loop3A_235 = arith.constant 8320 : i32
        %parallel_loop3A_236 = arith.addi %parallel_loop3A_235, %parallel_loop3A_234 : i32
        %parallel_loop3A_237 = arith.index_cast %parallel_loop3A_236 : i32 to index
        %parallel_loop3A_238 = tpu.vector_load %arg13[%parallel_loop3A_237] {strides = array<i32>} : memref<10240xf32, #tpu.memory_space<vmem>>, vector<16xf32>,
        %parallel_loop3A_239 = arith.addf %parallel_loop3A_232, %parallel_loop3A_238 : vector<16xf32>
        %parallel_loop3A_240 = arith.constant 16 : i32
        %parallel_loop3A_241 = arith.muli %parallel_loop3A_144, %parallel_loop3A_240 : i32
        %parallel_loop3A_242 = arith.constant 8960 : i32
        %parallel_loop3A_243 = arith.addi %parallel_loop3A_242, %parallel_loop3A_241 : i32
        %parallel_loop3A_244 = arith.index_cast %parallel_loop3A_243 : i32 to index
        %parallel_loop3A_245 = tpu.vector_load %arg13[%parallel_loop3A_244] {strides = array<i32>} : memref<10240xf32, #tpu.memory_space<vmem>>, vector<16xf32>,
        %parallel_loop3A_246 = arith.addf %parallel_loop3A_239, %parallel_loop3A_245 : vector<16xf32>
        %parallel_loop3A_247 = arith.constant 16 : i32
        %parallel_loop3A_248 = arith.muli %parallel_loop3A_144, %parallel_loop3A_247 : i32
        %parallel_loop3A_249 = arith.constant 9600 : i32
        %parallel_loop3A_250 = arith.addi %parallel_loop3A_249, %parallel_loop3A_248 : i32
        %parallel_loop3A_251 = arith.index_cast %parallel_loop3A_250 : i32 to index
        %parallel_loop3A_252 = tpu.vector_load %arg13[%parallel_loop3A_251] {strides = array<i32>} : memref<10240xf32, #tpu.memory_space<vmem>>, vector<16xf32>,
        %parallel_loop3A_253 = arith.addf %parallel_loop3A_246, %parallel_loop3A_252 : vector<16xf32>
        %parallel_loop3A_254 = arith.constant 16 : i32
        %parallel_loop3A_255 = arith.muli %parallel_loop3A_144, %parallel_loop3A_254 : i32
        %parallel_loop3A_256 = arith.index_cast %parallel_loop3A_255 : i32 to index
        %parallel_loop3A_257 = tpu.vector_load %arg14[%parallel_loop3A_256] {strides = array<i32>} : memref<640xf32, #tpu.memory_space<vmem>>, vector<16xf32>,
        tpu.vector_store %arg14[%parallel_loop3A_256], %parallel_loop3A_253 {strides = array<i32>} : memref<640xf32, #tpu.memory_space<vmem>>, vector<16xf32>,
      } {sc.loop_unroll_factor = 2 : i64, sc.parallel_access}
      %add3A_132 = arith.constant 64 : i32
      %add3A_133 = arith.addi %add3A_132, %arg0 : i32
      %mul3A_134 = arith.constant 8 : i32
      %mul3A_135 = arith.muli %add3A_133, %mul3A_134 : i32
      %add3A_136 = arith.addi %mul3A_135, %scan3A_12 : i32
      %mul3A_137 = arith.constant 10240 : i32
      %mul3A_138 = arith.muli %add3A_136, %mul3A_137 : i32
      %mul3A_139 = arith.constant 640 : i32
      %mul3A_140 = arith.muli %arg1, %mul3A_139 : i32
      %add3A_141 = arith.addi %mul3A_138, %mul3A_140 : i32
      "tpu.region"() ({
        %run_scoped3A = tpu.sem_alloc : memref<!tpu.dma_semaphore, #tpu.memory_space<semaphore_mem>>
        %dma_start3A_144 = tpu.memref_slice %arg5[%add3A_141] : memref<5406720xf32, #tpu.memory_space<hbm>> -> memref<640xf32, #tpu.memory_space<hbm>>
        %dma_start3A_145 = tpu.memref_slice %arg5[%add3A_141] : memref<5406720xf32, #tpu.memory_space<hbm>> -> memref<640xf32, #tpu.memory_space<hbm>>
        tpu.enqueue_dma source(%arg14 : memref<640xf32, #tpu.memory_space<vmem>>) target(%dma_start3A_145 : memref<640xf32, #tpu.memory_space<hbm>>) target_semaphore(%run_scoped3A : memref<!tpu.dma_semaphore, #tpu.memory_space<semaphore_mem>>)
        %dma_wait3A = tpu.memref_slice %arg5[%add3A_141] : memref<5406720xf32, #tpu.memory_space<hbm>> -> memref<640xf32, #tpu.memory_space<hbm>>
        %dma_wait3A_146 = tpu.memref_slice %arg5[%add3A_141] : memref<5406720xf32, #tpu.memory_space<hbm>> -> memref<640xf32, #tpu.memory_space<hbm>>
        tpu.wait_dma2 semaphore(%run_scoped3A : memref<!tpu.dma_semaphore, #tpu.memory_space<semaphore_mem>>) src(%arg14 : memref<640xf32, #tpu.memory_space<vmem>>) dst(%dma_wait3A_146 : memref<640xf32, #tpu.memory_space<hbm>>)
        tpu.yield
      }) : () -> ()
      %barrier3A_142 = arith.constant 0 : index
      tpu.barrier barrier_id(%barrier3A_142)
      %scan3A_143 = arith.constant 0 : i32
      scf.yield %scan3A_143 : i32
    }
    %scan3A_11 = arith.constant 8 : i32
    return
  }
}

module attributes {stable_mosaic.version = 14 : i64} {
  func.func @_tcA_body(%arg0: i32, %arg1: memref<3200x128xf32, #tpu.memory_space<vmem>>, %arg2: memref<128x32xf32, #tpu.memory_space<vmem>>, %arg3: memref<128x32xf32, #tpu.memory_space<vmem>>, %arg4: memref<8x32xf32, #tpu.memory_space<vmem>>, %arg5: memref<8x32xf32, #tpu.memory_space<vmem>>, %arg6: memref<32x3200xi32, #tpu.memory_space<vmem>>, %arg7: memref<2x3200xi32, #tpu.memory_space<vmem>>) attributes {dimension_semantics = [#tpu.dimension_semantics<arbitrary>], iteration_bounds = array<i64: 25>, scalar_prefetch = 0 : i64, scratch_operands = 0 : i64, tpu.core_type = #tpu.core_type<tc>, window_params = [{transform_indices = @transform_0, window_bounds = array<i64: 3200, 128>}, {pipeline_mode = #tpu.pipeline_mode<synchronous>, transform_indices = @transform_1, window_bounds = array<i64: 128, 32>}, {pipeline_mode = #tpu.pipeline_mode<synchronous>, transform_indices = @transform_2, window_bounds = array<i64: 128, 32>}, {pipeline_mode = #tpu.pipeline_mode<synchronous>, transform_indices = @transform_3, window_bounds = array<i64: 8, 32>}, {pipeline_mode = #tpu.pipeline_mode<synchronous>, transform_indices = @transform_4, window_bounds = array<i64: 8, 32>}, {transform_indices = @transform_5, window_bounds = array<i64: 32, 3200>}, {transform_indices = @transform_6, window_bounds = array<i64: 2, 3200>}]} {
    %get3A = arith.constant 0 : index
    %get3A_0 = arith.constant 0 : index
    %get3A_1 = vector.load %arg1[%get3A, %get3A_0] : memref<3200x128xf32, #tpu.memory_space<vmem>>, vector<3200x128xf32>
    %get3A_2 = arith.constant 0 : index
    %get3A_3 = arith.constant 0 : index
    %get3A_4 = vector.load %arg2[%get3A_2, %get3A_3] : memref<128x32xf32, #tpu.memory_space<vmem>>, vector<128x32xf32>
    %dot_general3A = arith.constant dense<0.000000e+00> : vector<32x3200xf32>
    %dot_general3A_5 = tpu.matmul %get3A_4, %get3A_1, %dot_general3A {dimension_numbers = #tpu.dot_dimension_numbers<[0], [1], [1], [0], [0, 1, 1, 0], [], []>, transpose_lhs_hint = false} : vector<128x32xf32>, vector<3200x128xf32>, vector<32x3200xf32> -> vector<32x3200xf32>
    %get3A_6 = arith.constant 0 : index
    %get3A_7 = arith.constant 0 : index
    %get3A_8 = vector.load %arg3[%get3A_6, %get3A_7] : memref<128x32xf32, #tpu.memory_space<vmem>>, vector<128x32xf32>
    %dot_general3A_9 = arith.constant dense<0.000000e+00> : vector<32x3200xf32>
    %dot_general3A_10 = tpu.matmul %get3A_8, %get3A_1, %dot_general3A_9 {dimension_numbers = #tpu.dot_dimension_numbers<[0], [1], [1], [0], [0, 1, 1, 0], [], []>, transpose_lhs_hint = false} : vector<128x32xf32>, vector<3200x128xf32>, vector<32x3200xf32> -> vector<32x3200xf32>
    %get3A_11 = arith.constant 0 : index
    %get3A_12 = arith.constant 0 : index
    %get3A_13 = vector.load %arg4[%get3A_11, %get3A_12] : memref<8x32xf32, #tpu.memory_space<vmem>>, vector<8x32xf32>
    %dot_general3A_14 = arith.constant dense<0.000000e+00> : vector<8x3200xf32>
    %dot_general3A_15 = tpu.matmul %get3A_13, %dot_general3A_5, %dot_general3A_14 {dimension_numbers = #tpu.dot_dimension_numbers<[1], [0], [0], [1], [0, 0, 1, 1], [], []>, transpose_lhs_hint = false} : vector<8x32xf32>, vector<32x3200xf32>, vector<8x3200xf32> -> vector<8x3200xf32>
    %get3A_16 = arith.constant 0 : index
    %get3A_17 = arith.constant 0 : index
    %get3A_18 = vector.load %arg5[%get3A_16, %get3A_17] : memref<8x32xf32, #tpu.memory_space<vmem>>, vector<8x32xf32>
    %dot_general3A_19 = arith.constant dense<0.000000e+00> : vector<8x3200xf32>
    %dot_general3A_20 = tpu.matmul %get3A_18, %dot_general3A_10, %dot_general3A_19 {dimension_numbers = #tpu.dot_dimension_numbers<[1], [0], [0], [1], [0, 0, 1, 1], [], []>, transpose_lhs_hint = false} : vector<8x32xf32>, vector<32x3200xf32>, vector<8x3200xf32> -> vector<8x3200xf32>
    %add3A = arith.addf %dot_general3A_15, %dot_general3A_20 : vector<8x3200xf32>
    %convert_element_type3A = arith.truncf %add3A : vector<8x3200xf32> to vector<8x3200xbf16>
    %bitcast_convert_type3A = tpu.bitcast %convert_element_type3A : vector<8x3200xbf16> -> vector<8x3200xi16>
    %convert_element_type3A_21 = arith.extui %bitcast_convert_type3A : vector<8x3200xi16> to vector<8x3200xi32>
    %slice3A = vector.extract_strided_slice %convert_element_type3A_21 {offsets = [0, 0], sizes = [1, 3200], strides = [1, 1]} : vector<8x3200xi32> to vector<1x3200xi32>
    %slice3A_22 = vector.extract_strided_slice %convert_element_type3A_21 {offsets = [1, 0], sizes = [1, 3200], strides = [1, 1]} : vector<8x3200xi32> to vector<1x3200xi32>
    %shift_left3A = arith.constant 16 : i32
    %shift_left3A_23 = vector.broadcast %shift_left3A : i32 to vector<1x3200xi32>
    %shift_left3A_24 = arith.shli %slice3A_22, %shift_left3A_23 : vector<1x3200xi32>
    %or3A = arith.ori %slice3A, %shift_left3A_24 : vector<1x3200xi32>
    %slice3A_25 = vector.extract_strided_slice %convert_element_type3A_21 {offsets = [2, 0], sizes = [1, 3200], strides = [1, 1]} : vector<8x3200xi32> to vector<1x3200xi32>
    %slice3A_26 = vector.extract_strided_slice %convert_element_type3A_21 {offsets = [3, 0], sizes = [1, 3200], strides = [1, 1]} : vector<8x3200xi32> to vector<1x3200xi32>
    %shift_left3A_27 = arith.constant 16 : i32
    %shift_left3A_28 = vector.broadcast %shift_left3A_27 : i32 to vector<1x3200xi32>
    %shift_left3A_29 = arith.shli %slice3A_26, %shift_left3A_28 : vector<1x3200xi32>
    %or3A_30 = arith.ori %slice3A_25, %shift_left3A_29 : vector<1x3200xi32>
    %concatenate3A = tpu.concatenate %or3A, %or3A_30 in 0 : vector<1x3200xi32>, vector<1x3200xi32> -> vector<2x3200xi32>
    %bitcast_convert_type3A_31 = tpu.bitcast %concatenate3A : vector<2x3200xi32> -> vector<2x3200xi32>
    %swap3A = arith.constant 0 : index
    %swap3A_32 = arith.constant 0 : index
    %swap3A_33 = vector.load %arg7[%swap3A, %swap3A_32] : memref<2x3200xi32, #tpu.memory_space<vmem>>, vector<2x3200xi32>
    tpu.vector_store %arg7[%swap3A, %swap3A_32], %bitcast_convert_type3A_31 {strides = array<i32>} : memref<2x3200xi32, #tpu.memory_space<vmem>>, vector<2x3200xi32>,
    %convert_element_type3A_34 = arith.truncf %dot_general3A_5 : vector<32x3200xf32> to vector<32x3200xbf16>
    %bitcast_convert_type3A_35 = tpu.bitcast %convert_element_type3A_34 : vector<32x3200xbf16> -> vector<32x3200xi16>
    %convert_element_type3A_36 = arith.extui %bitcast_convert_type3A_35 : vector<32x3200xi16> to vector<32x3200xi32>
    %convert_element_type3A_37 = arith.truncf %dot_general3A_10 : vector<32x3200xf32> to vector<32x3200xbf16>
    %bitcast_convert_type3A_38 = tpu.bitcast %convert_element_type3A_37 : vector<32x3200xbf16> -> vector<32x3200xi16>
    %convert_element_type3A_39 = arith.extui %bitcast_convert_type3A_38 : vector<32x3200xi16> to vector<32x3200xi32>
    %shift_left3A_40 = arith.constant 16 : i32
    %shift_left3A_41 = vector.broadcast %shift_left3A_40 : i32 to vector<32x3200xi32>
    %shift_left3A_42 = arith.shli %convert_element_type3A_39, %shift_left3A_41 : vector<32x3200xi32>
    %or3A_43 = arith.ori %convert_element_type3A_36, %shift_left3A_42 : vector<32x3200xi32>
    %bitcast_convert_type3A_44 = tpu.bitcast %or3A_43 : vector<32x3200xi32> -> vector<32x3200xi32>
    %swap3A_45 = arith.constant 0 : index
    %swap3A_46 = arith.constant 0 : index
    %swap3A_47 = vector.load %arg6[%swap3A_45, %swap3A_46] : memref<32x3200xi32, #tpu.memory_space<vmem>>, vector<32x3200xi32>
    tpu.vector_store %arg6[%swap3A_45, %swap3A_46], %bitcast_convert_type3A_44 {strides = array<i32>} : memref<32x3200xi32, #tpu.memory_space<vmem>>, vector<32x3200xi32>,
    return
  }
  func.func @transform_0(%arg0: i32) -> (i32, i32) {
    %c0_i32 = arith.constant 0 : i32
    %c0_i32_0 = arith.constant 0 : i32
    return %arg0, %c0_i32 : i32, i32
  }
  func.func @transform_1(%arg0: i32) -> (i32, i32) {
    %c0_i32 = arith.constant 0 : i32
    %c0_i32_0 = arith.constant 0 : i32
    %c0_i32_1 = arith.constant 0 : i32
    return %c0_i32, %c0_i32_0 : i32, i32
  }
  func.func @transform_2(%arg0: i32) -> (i32, i32) {
    %c0_i32 = arith.constant 0 : i32
    %c0_i32_0 = arith.constant 0 : i32
    %c0_i32_1 = arith.constant 0 : i32
    return %c0_i32, %c0_i32_0 : i32, i32
  }
  func.func @transform_3(%arg0: i32) -> (i32, i32) {
    %c0_i32 = arith.constant 0 : i32
    %c0_i32_0 = arith.constant 0 : i32
    %c0_i32_1 = arith.constant 0 : i32
    return %c0_i32, %c0_i32_0 : i32, i32
  }
  func.func @transform_4(%arg0: i32) -> (i32, i32) {
    %c0_i32 = arith.constant 0 : i32
    %c0_i32_0 = arith.constant 0 : i32
    %c0_i32_1 = arith.constant 0 : i32
    return %c0_i32, %c0_i32_0 : i32, i32
  }
  func.func @transform_5(%arg0: i32) -> (i32, i32) {
    %c0_i32 = arith.constant 0 : i32
    %c0_i32_0 = arith.constant 0 : i32
    return %c0_i32, %arg0 : i32, i32
  }
  func.func @transform_6(%arg0: i32) -> (i32, i32) {
    %c0_i32 = arith.constant 0 : i32
    %c0_i32_0 = arith.constant 0 : i32
    return %c0_i32, %arg0 : i32, i32
  }
}

module attributes {stable_mosaic.version = 14 : i64} {
  func.func @_tcB_body(%arg0: i32, %arg1: memref<66x8x1280xf32, #tpu.memory_space<vmem>>, %arg2: memref<128x32xf32, #tpu.memory_space<vmem>>, %arg3: memref<128x32xf32, #tpu.memory_space<vmem>>, %arg4: memref<128x1xf32, #tpu.memory_space<vmem>>, %arg5: memref<16x32xf32, #tpu.memory_space<vmem>>, %arg6: memref<16x1xf32, #tpu.memory_space<vmem>>, %arg7: memref<1x16xf32, #tpu.memory_space<vmem>>, %arg8: memref<1x1xf32, #tpu.memory_space<vmem>>, %arg9: memref<16x32xf32, #tpu.memory_space<vmem>>, %arg10: memref<16x1xf32, #tpu.memory_space<vmem>>, %arg11: memref<1x16xf32, #tpu.memory_space<vmem>>, %arg12: memref<1x1xf32, #tpu.memory_space<vmem>>, %arg13: memref<32x1xf32, #tpu.memory_space<vmem>>, %arg14: memref<8x1280xf32, #tpu.memory_space<vmem>>) attributes {dimension_semantics = [#tpu.dimension_semantics<arbitrary>], iteration_bounds = array<i64: 8>, scalar_prefetch = 0 : i64, scratch_operands = 0 : i64, tpu.core_type = #tpu.core_type<tc>, window_params = [{transform_indices = @transform_0, window_bounds = array<i64: 66, 8, 1280>}, {pipeline_mode = #tpu.pipeline_mode<synchronous>, transform_indices = @transform_1, window_bounds = array<i64: 128, 32>}, {pipeline_mode = #tpu.pipeline_mode<synchronous>, transform_indices = @transform_2, window_bounds = array<i64: 128, 32>}, {pipeline_mode = #tpu.pipeline_mode<synchronous>, transform_indices = @transform_3, window_bounds = array<i64: 128, 1>}, {pipeline_mode = #tpu.pipeline_mode<synchronous>, transform_indices = @transform_4, window_bounds = array<i64: 16, 32>}, {pipeline_mode = #tpu.pipeline_mode<synchronous>, transform_indices = @transform_5, window_bounds = array<i64: 16, 1>}, {pipeline_mode = #tpu.pipeline_mode<synchronous>, transform_indices = @transform_6, window_bounds = array<i64: 1, 16>}, {pipeline_mode = #tpu.pipeline_mode<synchronous>, transform_indices = @transform_7, window_bounds = array<i64: 1, 1>}, {pipeline_mode = #tpu.pipeline_mode<synchronous>, transform_indices = @transform_8, window_bounds = array<i64: 16, 32>}, {pipeline_mode = #tpu.pipeline_mode<synchronous>, transform_indices = @transform_9, window_bounds = array<i64: 16, 1>}, {pipeline_mode = #tpu.pipeline_mode<synchronous>, transform_indices = @transform_10, window_bounds = array<i64: 1, 16>}, {pipeline_mode = #tpu.pipeline_mode<synchronous>, transform_indices = @transform_11, window_bounds = array<i64: 1, 1>}, {pipeline_mode = #tpu.pipeline_mode<synchronous>, transform_indices = @transform_12, window_bounds = array<i64: 32, 1>}, {transform_indices = @transform_13, window_bounds = array<i64: 8, 1280>}]} {
    %get3A = arith.constant 0 : index
    %get3A_0 = arith.constant 0 : index
    %get3A_1 = vector.load %arg2[%get3A, %get3A_0] : memref<128x32xf32, #tpu.memory_space<vmem>>, vector<128x32xf32>
    %get3A_2 = arith.constant 0 : index
    %get3A_3 = arith.constant 0 : index
    %get3A_4 = vector.load %arg3[%get3A_2, %get3A_3] : memref<128x32xf32, #tpu.memory_space<vmem>>, vector<128x32xf32>
    %get3A_5 = arith.constant 0 : index
    %get3A_6 = arith.constant 0 : index
    %get3A_7 = vector.load %arg4[%get3A_5, %get3A_6] : memref<128x1xf32, #tpu.memory_space<vmem>>, vector<128x1xf32>
    %get3A_8 = arith.constant 0 : index
    %get3A_9 = arith.constant 0 : index
    %get3A_10 = vector.load %arg13[%get3A_8, %get3A_9] : memref<32x1xf32, #tpu.memory_space<vmem>>, vector<32x1xf32>
    %broadcast_in_dim3A = arith.constant 0.000000e+00 : f32
    %broadcast_in_dim3A_11 = vector.broadcast %broadcast_in_dim3A : f32 to vector<32x1280xf32>
    %broadcast_in_dim3A_12 = arith.constant 0.000000e+00 : f32
    %broadcast_in_dim3A_13 = vector.broadcast %broadcast_in_dim3A_12 : f32 to vector<32x1280xf32>
    %get3A_14 = arith.constant 0 : index
    %get3A_15 = arith.constant 0 : index
    %get3A_16 = arith.constant 0 : index
    %get3A_17 = vector.load %arg1[%get3A_14, %get3A_15, %get3A_16] : memref<66x8x1280xf32, #tpu.memory_space<vmem>>, vector<32x1x1280xf32>
    %get3A_18 = vector.shape_cast %get3A_17 : vector<32x1x1280xf32> to vector<32x1280xf32>
    %get3A_19 = arith.constant 32 : index
    %get3A_20 = arith.constant 0 : index
    %get3A_21 = arith.constant 0 : index
    %get3A_22 = vector.load %arg1[%get3A_19, %get3A_20, %get3A_21] : memref<66x8x1280xf32, #tpu.memory_space<vmem>>, vector<32x1x1280xf32>
    %get3A_23 = vector.shape_cast %get3A_22 : vector<32x1x1280xf32> to vector<32x1280xf32>
    %get3A_24 = arith.constant 64 : index
    %get3A_25 = arith.constant 0 : index
    %get3A_26 = arith.constant 0 : index
    %get3A_27 = vector.load %arg1[%get3A_24, %get3A_25, %get3A_26] : memref<66x8x1280xf32, #tpu.memory_space<vmem>>, vector<1x1x1280xf32>
    %get3A_28 = vector.shape_cast %get3A_27 : vector<1x1x1280xf32> to vector<1280xf32>
    %get3A_29 = arith.constant 65 : index
    %get3A_30 = arith.constant 0 : index
    %get3A_31 = arith.constant 0 : index
    %get3A_32 = vector.load %arg1[%get3A_29, %get3A_30, %get3A_31] : memref<66x8x1280xf32, #tpu.memory_space<vmem>>, vector<1x1x1280xf32>
    %get3A_33 = vector.shape_cast %get3A_32 : vector<1x1x1280xf32> to vector<1280xf32>
    %broadcast_in_dim3A_34 = vector.shape_cast %get3A_28 : vector<1280xf32> to vector<1x1280xf32>
    %add3A = arith.constant 1.000000e-16 : f32
    %add3A_35 = vector.broadcast %add3A : f32 to vector<1x1280xf32>
    %add3A_36 = arith.addf %broadcast_in_dim3A_34, %add3A_35 : vector<1x1280xf32>
    %div3A = vector.broadcast %add3A_36 : vector<1x1280xf32> to vector<32x1280xf32>
    %div3A_37 = arith.divf %get3A_18, %div3A : vector<32x1280xf32>
    %broadcast_in_dim3A_38 = vector.shape_cast %get3A_33 : vector<1280xf32> to vector<1x1280xf32>
    %add3A_39 = arith.constant 1.000000e-16 : f32
    %add3A_40 = vector.broadcast %add3A_39 : f32 to vector<1x1280xf32>
    %add3A_41 = arith.addf %broadcast_in_dim3A_38, %add3A_40 : vector<1x1280xf32>
    %div3A_42 = vector.broadcast %add3A_41 : vector<1x1280xf32> to vector<32x1280xf32>
    %div3A_43 = arith.divf %get3A_23, %div3A_42 : vector<32x1280xf32>
    %add3A_44 = arith.addf %div3A_37, %div3A_43 : vector<32x1280xf32>
    %mul3A = arith.constant 5.000000e-01 : f32
    %mul3A_45 = vector.broadcast %mul3A : f32 to vector<32x1280xf32>
    %mul3A_46 = arith.mulf %mul3A_45, %add3A_44 : vector<32x1280xf32>
    %add3A_47 = vector.broadcast %get3A_10 : vector<32x1xf32> to vector<32x1280xf32>
    %add3A_48 = arith.addf %mul3A_46, %add3A_47 : vector<32x1280xf32>
    %gt3A = arith.constant 0.000000e+00 : f32
    %gt3A_49 = vector.broadcast %gt3A : f32 to vector<32x1280xf32>
    %gt3A_50 = arith.cmpf ogt, %add3A_48, %gt3A_49 : vector<32x1280xf32>
    %min3A = arith.constant 0.000000e+00 : f32
    %min3A_51 = vector.broadcast %min3A : f32 to vector<32x1280xf32>
    %min3A_52 = arith.minimumf %add3A_48, %min3A_51 : vector<32x1280xf32>
    %exp3A = math.exp %min3A_52 : vector<32x1280xf32>
    %sub3A = arith.constant 1.000000e+00 : f32
    %sub3A_53 = vector.broadcast %sub3A : f32 to vector<32x1280xf32>
    %sub3A_54 = arith.subf %exp3A, %sub3A_53 : vector<32x1280xf32>
    %select_n3A = arith.select %gt3A_50, %add3A_48, %sub3A_54 : vector<32x1280xi1>, vector<32x1280xf32>
    %dot_general3A = arith.constant dense<0.000000e+00> : vector<128x1280xf32>
    %dot_general3A_55 = tpu.matmul %get3A_1, %select_n3A, %dot_general3A {dimension_numbers = #tpu.dot_dimension_numbers<[1], [0], [0], [1], [0, 0, 1, 1], [], []>, transpose_lhs_hint = false} : vector<128x32xf32>, vector<32x1280xf32>, vector<128x1280xf32> -> vector<128x1280xf32>
    %dot_general3A_56 = arith.constant dense<0.000000e+00> : vector<128x1280xf32>
    %dot_general3A_57 = tpu.matmul %get3A_4, %broadcast_in_dim3A_11, %dot_general3A_56 {dimension_numbers = #tpu.dot_dimension_numbers<[1], [0], [0], [1], [0, 0, 1, 1], [], []>, transpose_lhs_hint = false} : vector<128x32xf32>, vector<32x1280xf32>, vector<128x1280xf32> -> vector<128x1280xf32>
    %add3A_58 = arith.addf %dot_general3A_55, %dot_general3A_57 : vector<128x1280xf32>
    %add3A_59 = vector.broadcast %get3A_7 : vector<128x1xf32> to vector<128x1280xf32>
    %add3A_60 = arith.addf %add3A_58, %add3A_59 : vector<128x1280xf32>
    %slice3A = vector.extract_strided_slice %add3A_60 {offsets = [0, 0], sizes = [32, 1280], strides = [1, 1]} : vector<128x1280xf32> to vector<32x1280xf32>
    %logistic3A = arith.negf %slice3A : vector<32x1280xf32>
    %logistic3A_61 = math.exp %logistic3A : vector<32x1280xf32>
    %logistic3A_62 = arith.constant 1.000000e+00 : f32
    %logistic3A_63 = vector.broadcast %logistic3A_62 : f32 to vector<32x1280xf32>
    %logistic3A_64 = arith.addf %logistic3A_63, %logistic3A_61 : vector<32x1280xf32>
    %logistic3A_65 = arith.divf %logistic3A_63, %logistic3A_64 : vector<32x1280xf32>
    %slice3A_66 = vector.extract_strided_slice %add3A_60 {offsets = [32, 0], sizes = [32, 1280], strides = [1, 1]} : vector<128x1280xf32> to vector<32x1280xf32>
    %logistic3A_67 = arith.negf %slice3A_66 : vector<32x1280xf32>
    %logistic3A_68 = math.exp %logistic3A_67 : vector<32x1280xf32>
    %logistic3A_69 = arith.constant 1.000000e+00 : f32
    %logistic3A_70 = vector.broadcast %logistic3A_69 : f32 to vector<32x1280xf32>
    %logistic3A_71 = arith.addf %logistic3A_70, %logistic3A_68 : vector<32x1280xf32>
    %logistic3A_72 = arith.divf %logistic3A_70, %logistic3A_71 : vector<32x1280xf32>
    %slice3A_73 = vector.extract_strided_slice %add3A_60 {offsets = [64, 0], sizes = [32, 1280], strides = [1, 1]} : vector<128x1280xf32> to vector<32x1280xf32>
    %tanh3A = math.tanh %slice3A_73 : vector<32x1280xf32>
    %slice3A_74 = vector.extract_strided_slice %add3A_60 {offsets = [96, 0], sizes = [32, 1280], strides = [1, 1]} : vector<128x1280xf32> to vector<32x1280xf32>
    %logistic3A_75 = arith.negf %slice3A_74 : vector<32x1280xf32>
    %logistic3A_76 = math.exp %logistic3A_75 : vector<32x1280xf32>
    %logistic3A_77 = arith.constant 1.000000e+00 : f32
    %logistic3A_78 = vector.broadcast %logistic3A_77 : f32 to vector<32x1280xf32>
    %logistic3A_79 = arith.addf %logistic3A_78, %logistic3A_76 : vector<32x1280xf32>
    %logistic3A_80 = arith.divf %logistic3A_78, %logistic3A_79 : vector<32x1280xf32>
    %mul3A_81 = arith.mulf %logistic3A_72, %broadcast_in_dim3A_13 : vector<32x1280xf32>
    %mul3A_82 = arith.mulf %logistic3A_65, %tanh3A : vector<32x1280xf32>
    %add3A_83 = arith.addf %mul3A_81, %mul3A_82 : vector<32x1280xf32>
    %tanh3A_84 = math.tanh %add3A_83 : vector<32x1280xf32>
    %mul3A_85 = arith.mulf %logistic3A_80, %tanh3A_84 : vector<32x1280xf32>
    %get3A_86 = arith.constant 0 : index
    %get3A_87 = arith.constant 1 : index
    %get3A_88 = arith.constant 0 : index
    %get3A_89 = vector.load %arg1[%get3A_86, %get3A_87, %get3A_88] : memref<66x8x1280xf32, #tpu.memory_space<vmem>>, vector<32x1x1280xf32>
    %get3A_90 = vector.shape_cast %get3A_89 : vector<32x1x1280xf32> to vector<32x1280xf32>
    %get3A_91 = arith.constant 32 : index
    %get3A_92 = arith.constant 1 : index
    %get3A_93 = arith.constant 0 : index
    %get3A_94 = vector.load %arg1[%get3A_91, %get3A_92, %get3A_93] : memref<66x8x1280xf32, #tpu.memory_space<vmem>>, vector<32x1x1280xf32>
    %get3A_95 = vector.shape_cast %get3A_94 : vector<32x1x1280xf32> to vector<32x1280xf32>
    %get3A_96 = arith.constant 64 : index
    %get3A_97 = arith.constant 1 : index
    %get3A_98 = arith.constant 0 : index
    %get3A_99 = vector.load %arg1[%get3A_96, %get3A_97, %get3A_98] : memref<66x8x1280xf32, #tpu.memory_space<vmem>>, vector<1x1x1280xf32>
    %get3A_100 = vector.shape_cast %get3A_99 : vector<1x1x1280xf32> to vector<1280xf32>
    %get3A_101 = arith.constant 65 : index
    %get3A_102 = arith.constant 1 : index
    %get3A_103 = arith.constant 0 : index
    %get3A_104 = vector.load %arg1[%get3A_101, %get3A_102, %get3A_103] : memref<66x8x1280xf32, #tpu.memory_space<vmem>>, vector<1x1x1280xf32>
    %get3A_105 = vector.shape_cast %get3A_104 : vector<1x1x1280xf32> to vector<1280xf32>
    %broadcast_in_dim3A_106 = vector.shape_cast %get3A_100 : vector<1280xf32> to vector<1x1280xf32>
    %add3A_107 = arith.constant 1.000000e-16 : f32
    %add3A_108 = vector.broadcast %add3A_107 : f32 to vector<1x1280xf32>
    %add3A_109 = arith.addf %broadcast_in_dim3A_106, %add3A_108 : vector<1x1280xf32>
    %div3A_110 = vector.broadcast %add3A_109 : vector<1x1280xf32> to vector<32x1280xf32>
    %div3A_111 = arith.divf %get3A_90, %div3A_110 : vector<32x1280xf32>
    %broadcast_in_dim3A_112 = vector.shape_cast %get3A_105 : vector<1280xf32> to vector<1x1280xf32>
    %add3A_113 = arith.constant 1.000000e-16 : f32
    %add3A_114 = vector.broadcast %add3A_113 : f32 to vector<1x1280xf32>
    %add3A_115 = arith.addf %broadcast_in_dim3A_112, %add3A_114 : vector<1x1280xf32>
    %div3A_116 = vector.broadcast %add3A_115 : vector<1x1280xf32> to vector<32x1280xf32>
    %div3A_117 = arith.divf %get3A_95, %div3A_116 : vector<32x1280xf32>
    %add3A_118 = arith.addf %div3A_111, %div3A_117 : vector<32x1280xf32>
    %mul3A_119 = arith.constant 5.000000e-01 : f32
    %mul3A_120 = vector.broadcast %mul3A_119 : f32 to vector<32x1280xf32>
    %mul3A_121 = arith.mulf %mul3A_120, %add3A_118 : vector<32x1280xf32>
    %add3A_122 = vector.broadcast %get3A_10 : vector<32x1xf32> to vector<32x1280xf32>
    %add3A_123 = arith.addf %mul3A_121, %add3A_122 : vector<32x1280xf32>
    %gt3A_124 = arith.constant 0.000000e+00 : f32
    %gt3A_125 = vector.broadcast %gt3A_124 : f32 to vector<32x1280xf32>
    %gt3A_126 = arith.cmpf ogt, %add3A_123, %gt3A_125 : vector<32x1280xf32>
    %min3A_127 = arith.constant 0.000000e+00 : f32
    %min3A_128 = vector.broadcast %min3A_127 : f32 to vector<32x1280xf32>
    %min3A_129 = arith.minimumf %add3A_123, %min3A_128 : vector<32x1280xf32>
    %exp3A_130 = math.exp %min3A_129 : vector<32x1280xf32>
    %sub3A_131 = arith.constant 1.000000e+00 : f32
    %sub3A_132 = vector.broadcast %sub3A_131 : f32 to vector<32x1280xf32>
    %sub3A_133 = arith.subf %exp3A_130, %sub3A_132 : vector<32x1280xf32>
    %select_n3A_134 = arith.select %gt3A_126, %add3A_123, %sub3A_133 : vector<32x1280xi1>, vector<32x1280xf32>
    %dot_general3A_135 = arith.constant dense<0.000000e+00> : vector<128x1280xf32>
    %dot_general3A_136 = tpu.matmul %get3A_1, %select_n3A_134, %dot_general3A_135 {dimension_numbers = #tpu.dot_dimension_numbers<[1], [0], [0], [1], [0, 0, 1, 1], [], []>, transpose_lhs_hint = false} : vector<128x32xf32>, vector<32x1280xf32>, vector<128x1280xf32> -> vector<128x1280xf32>
    %dot_general3A_137 = arith.constant dense<0.000000e+00> : vector<128x1280xf32>
    %dot_general3A_138 = tpu.matmul %get3A_4, %mul3A_85, %dot_general3A_137 {dimension_numbers = #tpu.dot_dimension_numbers<[1], [0], [0], [1], [0, 0, 1, 1], [], []>, transpose_lhs_hint = false} : vector<128x32xf32>, vector<32x1280xf32>, vector<128x1280xf32> -> vector<128x1280xf32>
    %add3A_139 = arith.addf %dot_general3A_136, %dot_general3A_138 : vector<128x1280xf32>
    %add3A_140 = vector.broadcast %get3A_7 : vector<128x1xf32> to vector<128x1280xf32>
    %add3A_141 = arith.addf %add3A_139, %add3A_140 : vector<128x1280xf32>
    %slice3A_142 = vector.extract_strided_slice %add3A_141 {offsets = [0, 0], sizes = [32, 1280], strides = [1, 1]} : vector<128x1280xf32> to vector<32x1280xf32>
    %logistic3A_143 = arith.negf %slice3A_142 : vector<32x1280xf32>
    %logistic3A_144 = math.exp %logistic3A_143 : vector<32x1280xf32>
    %logistic3A_145 = arith.constant 1.000000e+00 : f32
    %logistic3A_146 = vector.broadcast %logistic3A_145 : f32 to vector<32x1280xf32>
    %logistic3A_147 = arith.addf %logistic3A_146, %logistic3A_144 : vector<32x1280xf32>
    %logistic3A_148 = arith.divf %logistic3A_146, %logistic3A_147 : vector<32x1280xf32>
    %slice3A_149 = vector.extract_strided_slice %add3A_141 {offsets = [32, 0], sizes = [32, 1280], strides = [1, 1]} : vector<128x1280xf32> to vector<32x1280xf32>
    %logistic3A_150 = arith.negf %slice3A_149 : vector<32x1280xf32>
    %logistic3A_151 = math.exp %logistic3A_150 : vector<32x1280xf32>
    %logistic3A_152 = arith.constant 1.000000e+00 : f32
    %logistic3A_153 = vector.broadcast %logistic3A_152 : f32 to vector<32x1280xf32>
    %logistic3A_154 = arith.addf %logistic3A_153, %logistic3A_151 : vector<32x1280xf32>
    %logistic3A_155 = arith.divf %logistic3A_153, %logistic3A_154 : vector<32x1280xf32>
    %slice3A_156 = vector.extract_strided_slice %add3A_141 {offsets = [64, 0], sizes = [32, 1280], strides = [1, 1]} : vector<128x1280xf32> to vector<32x1280xf32>
    %tanh3A_157 = math.tanh %slice3A_156 : vector<32x1280xf32>
    %slice3A_158 = vector.extract_strided_slice %add3A_141 {offsets = [96, 0], sizes = [32, 1280], strides = [1, 1]} : vector<128x1280xf32> to vector<32x1280xf32>
    %logistic3A_159 = arith.negf %slice3A_158 : vector<32x1280xf32>
    %logistic3A_160 = math.exp %logistic3A_159 : vector<32x1280xf32>
    %logistic3A_161 = arith.constant 1.000000e+00 : f32
    %logistic3A_162 = vector.broadcast %logistic3A_161 : f32 to vector<32x1280xf32>
    %logistic3A_163 = arith.addf %logistic3A_162, %logistic3A_160 : vector<32x1280xf32>
    %logistic3A_164 = arith.divf %logistic3A_162, %logistic3A_163 : vector<32x1280xf32>
    %mul3A_165 = arith.mulf %logistic3A_155, %add3A_83 : vector<32x1280xf32>
    %mul3A_166 = arith.mulf %logistic3A_148, %tanh3A_157 : vector<32x1280xf32>
    %add3A_167 = arith.addf %mul3A_165, %mul3A_166 : vector<32x1280xf32>
    %tanh3A_168 = math.tanh %add3A_167 : vector<32x1280xf32>
    %mul3A_169 = arith.mulf %logistic3A_164, %tanh3A_168 : vector<32x1280xf32>
    %get3A_170 = arith.constant 0 : index
    %get3A_171 = arith.constant 2 : index
    %get3A_172 = arith.constant 0 : index
    %get3A_173 = vector.load %arg1[%get3A_170, %get3A_171, %get3A_172] : memref<66x8x1280xf32, #tpu.memory_space<vmem>>, vector<32x1x1280xf32>
    %get3A_174 = vector.shape_cast %get3A_173 : vector<32x1x1280xf32> to vector<32x1280xf32>
    %get3A_175 = arith.constant 32 : index
    %get3A_176 = arith.constant 2 : index
    %get3A_177 = arith.constant 0 : index
    %get3A_178 = vector.load %arg1[%get3A_175, %get3A_176, %get3A_177] : memref<66x8x1280xf32, #tpu.memory_space<vmem>>, vector<32x1x1280xf32>
    %get3A_179 = vector.shape_cast %get3A_178 : vector<32x1x1280xf32> to vector<32x1280xf32>
    %get3A_180 = arith.constant 64 : index
    %get3A_181 = arith.constant 2 : index
    %get3A_182 = arith.constant 0 : index
    %get3A_183 = vector.load %arg1[%get3A_180, %get3A_181, %get3A_182] : memref<66x8x1280xf32, #tpu.memory_space<vmem>>, vector<1x1x1280xf32>
    %get3A_184 = vector.shape_cast %get3A_183 : vector<1x1x1280xf32> to vector<1280xf32>
    %get3A_185 = arith.constant 65 : index
    %get3A_186 = arith.constant 2 : index
    %get3A_187 = arith.constant 0 : index
    %get3A_188 = vector.load %arg1[%get3A_185, %get3A_186, %get3A_187] : memref<66x8x1280xf32, #tpu.memory_space<vmem>>, vector<1x1x1280xf32>
    %get3A_189 = vector.shape_cast %get3A_188 : vector<1x1x1280xf32> to vector<1280xf32>
    %broadcast_in_dim3A_190 = vector.shape_cast %get3A_184 : vector<1280xf32> to vector<1x1280xf32>
    %add3A_191 = arith.constant 1.000000e-16 : f32
    %add3A_192 = vector.broadcast %add3A_191 : f32 to vector<1x1280xf32>
    %add3A_193 = arith.addf %broadcast_in_dim3A_190, %add3A_192 : vector<1x1280xf32>
    %div3A_194 = vector.broadcast %add3A_193 : vector<1x1280xf32> to vector<32x1280xf32>
    %div3A_195 = arith.divf %get3A_174, %div3A_194 : vector<32x1280xf32>
    %broadcast_in_dim3A_196 = vector.shape_cast %get3A_189 : vector<1280xf32> to vector<1x1280xf32>
    %add3A_197 = arith.constant 1.000000e-16 : f32
    %add3A_198 = vector.broadcast %add3A_197 : f32 to vector<1x1280xf32>
    %add3A_199 = arith.addf %broadcast_in_dim3A_196, %add3A_198 : vector<1x1280xf32>
    %div3A_200 = vector.broadcast %add3A_199 : vector<1x1280xf32> to vector<32x1280xf32>
    %div3A_201 = arith.divf %get3A_179, %div3A_200 : vector<32x1280xf32>
    %add3A_202 = arith.addf %div3A_195, %div3A_201 : vector<32x1280xf32>
    %mul3A_203 = arith.constant 5.000000e-01 : f32
    %mul3A_204 = vector.broadcast %mul3A_203 : f32 to vector<32x1280xf32>
    %mul3A_205 = arith.mulf %mul3A_204, %add3A_202 : vector<32x1280xf32>
    %add3A_206 = vector.broadcast %get3A_10 : vector<32x1xf32> to vector<32x1280xf32>
    %add3A_207 = arith.addf %mul3A_205, %add3A_206 : vector<32x1280xf32>
    %gt3A_208 = arith.constant 0.000000e+00 : f32
    %gt3A_209 = vector.broadcast %gt3A_208 : f32 to vector<32x1280xf32>
    %gt3A_210 = arith.cmpf ogt, %add3A_207, %gt3A_209 : vector<32x1280xf32>
    %min3A_211 = arith.constant 0.000000e+00 : f32
    %min3A_212 = vector.broadcast %min3A_211 : f32 to vector<32x1280xf32>
    %min3A_213 = arith.minimumf %add3A_207, %min3A_212 : vector<32x1280xf32>
    %exp3A_214 = math.exp %min3A_213 : vector<32x1280xf32>
    %sub3A_215 = arith.constant 1.000000e+00 : f32
    %sub3A_216 = vector.broadcast %sub3A_215 : f32 to vector<32x1280xf32>
    %sub3A_217 = arith.subf %exp3A_214, %sub3A_216 : vector<32x1280xf32>
    %select_n3A_218 = arith.select %gt3A_210, %add3A_207, %sub3A_217 : vector<32x1280xi1>, vector<32x1280xf32>
    %dot_general3A_219 = arith.constant dense<0.000000e+00> : vector<128x1280xf32>
    %dot_general3A_220 = tpu.matmul %get3A_1, %select_n3A_218, %dot_general3A_219 {dimension_numbers = #tpu.dot_dimension_numbers<[1], [0], [0], [1], [0, 0, 1, 1], [], []>, transpose_lhs_hint = false} : vector<128x32xf32>, vector<32x1280xf32>, vector<128x1280xf32> -> vector<128x1280xf32>
    %dot_general3A_221 = arith.constant dense<0.000000e+00> : vector<128x1280xf32>
    %dot_general3A_222 = tpu.matmul %get3A_4, %mul3A_169, %dot_general3A_221 {dimension_numbers = #tpu.dot_dimension_numbers<[1], [0], [0], [1], [0, 0, 1, 1], [], []>, transpose_lhs_hint = false} : vector<128x32xf32>, vector<32x1280xf32>, vector<128x1280xf32> -> vector<128x1280xf32>
    %add3A_223 = arith.addf %dot_general3A_220, %dot_general3A_222 : vector<128x1280xf32>
    %add3A_224 = vector.broadcast %get3A_7 : vector<128x1xf32> to vector<128x1280xf32>
    %add3A_225 = arith.addf %add3A_223, %add3A_224 : vector<128x1280xf32>
    %slice3A_226 = vector.extract_strided_slice %add3A_225 {offsets = [0, 0], sizes = [32, 1280], strides = [1, 1]} : vector<128x1280xf32> to vector<32x1280xf32>
    %logistic3A_227 = arith.negf %slice3A_226 : vector<32x1280xf32>
    %logistic3A_228 = math.exp %logistic3A_227 : vector<32x1280xf32>
    %logistic3A_229 = arith.constant 1.000000e+00 : f32
    %logistic3A_230 = vector.broadcast %logistic3A_229 : f32 to vector<32x1280xf32>
    %logistic3A_231 = arith.addf %logistic3A_230, %logistic3A_228 : vector<32x1280xf32>
    %logistic3A_232 = arith.divf %logistic3A_230, %logistic3A_231 : vector<32x1280xf32>
    %slice3A_233 = vector.extract_strided_slice %add3A_225 {offsets = [32, 0], sizes = [32, 1280], strides = [1, 1]} : vector<128x1280xf32> to vector<32x1280xf32>
    %logistic3A_234 = arith.negf %slice3A_233 : vector<32x1280xf32>
    %logistic3A_235 = math.exp %logistic3A_234 : vector<32x1280xf32>
    %logistic3A_236 = arith.constant 1.000000e+00 : f32
    %logistic3A_237 = vector.broadcast %logistic3A_236 : f32 to vector<32x1280xf32>
    %logistic3A_238 = arith.addf %logistic3A_237, %logistic3A_235 : vector<32x1280xf32>
    %logistic3A_239 = arith.divf %logistic3A_237, %logistic3A_238 : vector<32x1280xf32>
    %slice3A_240 = vector.extract_strided_slice %add3A_225 {offsets = [64, 0], sizes = [32, 1280], strides = [1, 1]} : vector<128x1280xf32> to vector<32x1280xf32>
    %tanh3A_241 = math.tanh %slice3A_240 : vector<32x1280xf32>
    %slice3A_242 = vector.extract_strided_slice %add3A_225 {offsets = [96, 0], sizes = [32, 1280], strides = [1, 1]} : vector<128x1280xf32> to vector<32x1280xf32>
    %logistic3A_243 = arith.negf %slice3A_242 : vector<32x1280xf32>
    %logistic3A_244 = math.exp %logistic3A_243 : vector<32x1280xf32>
    %logistic3A_245 = arith.constant 1.000000e+00 : f32
    %logistic3A_246 = vector.broadcast %logistic3A_245 : f32 to vector<32x1280xf32>
    %logistic3A_247 = arith.addf %logistic3A_246, %logistic3A_244 : vector<32x1280xf32>
    %logistic3A_248 = arith.divf %logistic3A_246, %logistic3A_247 : vector<32x1280xf32>
    %mul3A_249 = arith.mulf %logistic3A_239, %add3A_167 : vector<32x1280xf32>
    %mul3A_250 = arith.mulf %logistic3A_232, %tanh3A_241 : vector<32x1280xf32>
    %add3A_251 = arith.addf %mul3A_249, %mul3A_250 : vector<32x1280xf32>
    %tanh3A_252 = math.tanh %add3A_251 : vector<32x1280xf32>
    %mul3A_253 = arith.mulf %logistic3A_248, %tanh3A_252 : vector<32x1280xf32>
    %get3A_254 = arith.constant 0 : index
    %get3A_255 = arith.constant 3 : index
    %get3A_256 = arith.constant 0 : index
    %get3A_257 = vector.load %arg1[%get3A_254, %get3A_255, %get3A_256] : memref<66x8x1280xf32, #tpu.memory_space<vmem>>, vector<32x1x1280xf32>
    %get3A_258 = vector.shape_cast %get3A_257 : vector<32x1x1280xf32> to vector<32x1280xf32>
    %get3A_259 = arith.constant 32 : index
    %get3A_260 = arith.constant 3 : index
    %get3A_261 = arith.constant 0 : index
    %get3A_262 = vector.load %arg1[%get3A_259, %get3A_260, %get3A_261] : memref<66x8x1280xf32, #tpu.memory_space<vmem>>, vector<32x1x1280xf32>
    %get3A_263 = vector.shape_cast %get3A_262 : vector<32x1x1280xf32> to vector<32x1280xf32>
    %get3A_264 = arith.constant 64 : index
    %get3A_265 = arith.constant 3 : index
    %get3A_266 = arith.constant 0 : index
    %get3A_267 = vector.load %arg1[%get3A_264, %get3A_265, %get3A_266] : memref<66x8x1280xf32, #tpu.memory_space<vmem>>, vector<1x1x1280xf32>
    %get3A_268 = vector.shape_cast %get3A_267 : vector<1x1x1280xf32> to vector<1280xf32>
    %get3A_269 = arith.constant 65 : index
    %get3A_270 = arith.constant 3 : index
    %get3A_271 = arith.constant 0 : index
    %get3A_272 = vector.load %arg1[%get3A_269, %get3A_270, %get3A_271] : memref<66x8x1280xf32, #tpu.memory_space<vmem>>, vector<1x1x1280xf32>
    %get3A_273 = vector.shape_cast %get3A_272 : vector<1x1x1280xf32> to vector<1280xf32>
    %broadcast_in_dim3A_274 = vector.shape_cast %get3A_268 : vector<1280xf32> to vector<1x1280xf32>
    %add3A_275 = arith.constant 1.000000e-16 : f32
    %add3A_276 = vector.broadcast %add3A_275 : f32 to vector<1x1280xf32>
    %add3A_277 = arith.addf %broadcast_in_dim3A_274, %add3A_276 : vector<1x1280xf32>
    %div3A_278 = vector.broadcast %add3A_277 : vector<1x1280xf32> to vector<32x1280xf32>
    %div3A_279 = arith.divf %get3A_258, %div3A_278 : vector<32x1280xf32>
    %broadcast_in_dim3A_280 = vector.shape_cast %get3A_273 : vector<1280xf32> to vector<1x1280xf32>
    %add3A_281 = arith.constant 1.000000e-16 : f32
    %add3A_282 = vector.broadcast %add3A_281 : f32 to vector<1x1280xf32>
    %add3A_283 = arith.addf %broadcast_in_dim3A_280, %add3A_282 : vector<1x1280xf32>
    %div3A_284 = vector.broadcast %add3A_283 : vector<1x1280xf32> to vector<32x1280xf32>
    %div3A_285 = arith.divf %get3A_263, %div3A_284 : vector<32x1280xf32>
    %add3A_286 = arith.addf %div3A_279, %div3A_285 : vector<32x1280xf32>
    %mul3A_287 = arith.constant 5.000000e-01 : f32
    %mul3A_288 = vector.broadcast %mul3A_287 : f32 to vector<32x1280xf32>
    %mul3A_289 = arith.mulf %mul3A_288, %add3A_286 : vector<32x1280xf32>
    %add3A_290 = vector.broadcast %get3A_10 : vector<32x1xf32> to vector<32x1280xf32>
    %add3A_291 = arith.addf %mul3A_289, %add3A_290 : vector<32x1280xf32>
    %gt3A_292 = arith.constant 0.000000e+00 : f32
    %gt3A_293 = vector.broadcast %gt3A_292 : f32 to vector<32x1280xf32>
    %gt3A_294 = arith.cmpf ogt, %add3A_291, %gt3A_293 : vector<32x1280xf32>
    %min3A_295 = arith.constant 0.000000e+00 : f32
    %min3A_296 = vector.broadcast %min3A_295 : f32 to vector<32x1280xf32>
    %min3A_297 = arith.minimumf %add3A_291, %min3A_296 : vector<32x1280xf32>
    %exp3A_298 = math.exp %min3A_297 : vector<32x1280xf32>
    %sub3A_299 = arith.constant 1.000000e+00 : f32
    %sub3A_300 = vector.broadcast %sub3A_299 : f32 to vector<32x1280xf32>
    %sub3A_301 = arith.subf %exp3A_298, %sub3A_300 : vector<32x1280xf32>
    %select_n3A_302 = arith.select %gt3A_294, %add3A_291, %sub3A_301 : vector<32x1280xi1>, vector<32x1280xf32>
    %dot_general3A_303 = arith.constant dense<0.000000e+00> : vector<128x1280xf32>
    %dot_general3A_304 = tpu.matmul %get3A_1, %select_n3A_302, %dot_general3A_303 {dimension_numbers = #tpu.dot_dimension_numbers<[1], [0], [0], [1], [0, 0, 1, 1], [], []>, transpose_lhs_hint = false} : vector<128x32xf32>, vector<32x1280xf32>, vector<128x1280xf32> -> vector<128x1280xf32>
    %dot_general3A_305 = arith.constant dense<0.000000e+00> : vector<128x1280xf32>
    %dot_general3A_306 = tpu.matmul %get3A_4, %mul3A_253, %dot_general3A_305 {dimension_numbers = #tpu.dot_dimension_numbers<[1], [0], [0], [1], [0, 0, 1, 1], [], []>, transpose_lhs_hint = false} : vector<128x32xf32>, vector<32x1280xf32>, vector<128x1280xf32> -> vector<128x1280xf32>
    %add3A_307 = arith.addf %dot_general3A_304, %dot_general3A_306 : vector<128x1280xf32>
    %add3A_308 = vector.broadcast %get3A_7 : vector<128x1xf32> to vector<128x1280xf32>
    %add3A_309 = arith.addf %add3A_307, %add3A_308 : vector<128x1280xf32>
    %slice3A_310 = vector.extract_strided_slice %add3A_309 {offsets = [0, 0], sizes = [32, 1280], strides = [1, 1]} : vector<128x1280xf32> to vector<32x1280xf32>
    %logistic3A_311 = arith.negf %slice3A_310 : vector<32x1280xf32>
    %logistic3A_312 = math.exp %logistic3A_311 : vector<32x1280xf32>
    %logistic3A_313 = arith.constant 1.000000e+00 : f32
    %logistic3A_314 = vector.broadcast %logistic3A_313 : f32 to vector<32x1280xf32>
    %logistic3A_315 = arith.addf %logistic3A_314, %logistic3A_312 : vector<32x1280xf32>
    %logistic3A_316 = arith.divf %logistic3A_314, %logistic3A_315 : vector<32x1280xf32>
    %slice3A_317 = vector.extract_strided_slice %add3A_309 {offsets = [32, 0], sizes = [32, 1280], strides = [1, 1]} : vector<128x1280xf32> to vector<32x1280xf32>
    %logistic3A_318 = arith.negf %slice3A_317 : vector<32x1280xf32>
    %logistic3A_319 = math.exp %logistic3A_318 : vector<32x1280xf32>
    %logistic3A_320 = arith.constant 1.000000e+00 : f32
    %logistic3A_321 = vector.broadcast %logistic3A_320 : f32 to vector<32x1280xf32>
    %logistic3A_322 = arith.addf %logistic3A_321, %logistic3A_319 : vector<32x1280xf32>
    %logistic3A_323 = arith.divf %logistic3A_321, %logistic3A_322 : vector<32x1280xf32>
    %slice3A_324 = vector.extract_strided_slice %add3A_309 {offsets = [64, 0], sizes = [32, 1280], strides = [1, 1]} : vector<128x1280xf32> to vector<32x1280xf32>
    %tanh3A_325 = math.tanh %slice3A_324 : vector<32x1280xf32>
    %slice3A_326 = vector.extract_strided_slice %add3A_309 {offsets = [96, 0], sizes = [32, 1280], strides = [1, 1]} : vector<128x1280xf32> to vector<32x1280xf32>
    %logistic3A_327 = arith.negf %slice3A_326 : vector<32x1280xf32>
    %logistic3A_328 = math.exp %logistic3A_327 : vector<32x1280xf32>
    %logistic3A_329 = arith.constant 1.000000e+00 : f32
    %logistic3A_330 = vector.broadcast %logistic3A_329 : f32 to vector<32x1280xf32>
    %logistic3A_331 = arith.addf %logistic3A_330, %logistic3A_328 : vector<32x1280xf32>
    %logistic3A_332 = arith.divf %logistic3A_330, %logistic3A_331 : vector<32x1280xf32>
    %mul3A_333 = arith.mulf %logistic3A_323, %add3A_251 : vector<32x1280xf32>
    %mul3A_334 = arith.mulf %logistic3A_316, %tanh3A_325 : vector<32x1280xf32>
    %add3A_335 = arith.addf %mul3A_333, %mul3A_334 : vector<32x1280xf32>
    %tanh3A_336 = math.tanh %add3A_335 : vector<32x1280xf32>
    %mul3A_337 = arith.mulf %logistic3A_332, %tanh3A_336 : vector<32x1280xf32>
    %get3A_338 = arith.constant 0 : index
    %get3A_339 = arith.constant 4 : index
    %get3A_340 = arith.constant 0 : index
    %get3A_341 = vector.load %arg1[%get3A_338, %get3A_339, %get3A_340] : memref<66x8x1280xf32, #tpu.memory_space<vmem>>, vector<32x1x1280xf32>
    %get3A_342 = vector.shape_cast %get3A_341 : vector<32x1x1280xf32> to vector<32x1280xf32>
    %get3A_343 = arith.constant 32 : index
    %get3A_344 = arith.constant 4 : index
    %get3A_345 = arith.constant 0 : index
    %get3A_346 = vector.load %arg1[%get3A_343, %get3A_344, %get3A_345] : memref<66x8x1280xf32, #tpu.memory_space<vmem>>, vector<32x1x1280xf32>
    %get3A_347 = vector.shape_cast %get3A_346 : vector<32x1x1280xf32> to vector<32x1280xf32>
    %get3A_348 = arith.constant 64 : index
    %get3A_349 = arith.constant 4 : index
    %get3A_350 = arith.constant 0 : index
    %get3A_351 = vector.load %arg1[%get3A_348, %get3A_349, %get3A_350] : memref<66x8x1280xf32, #tpu.memory_space<vmem>>, vector<1x1x1280xf32>
    %get3A_352 = vector.shape_cast %get3A_351 : vector<1x1x1280xf32> to vector<1280xf32>
    %get3A_353 = arith.constant 65 : index
    %get3A_354 = arith.constant 4 : index
    %get3A_355 = arith.constant 0 : index
    %get3A_356 = vector.load %arg1[%get3A_353, %get3A_354, %get3A_355] : memref<66x8x1280xf32, #tpu.memory_space<vmem>>, vector<1x1x1280xf32>
    %get3A_357 = vector.shape_cast %get3A_356 : vector<1x1x1280xf32> to vector<1280xf32>
    %broadcast_in_dim3A_358 = vector.shape_cast %get3A_352 : vector<1280xf32> to vector<1x1280xf32>
    %add3A_359 = arith.constant 1.000000e-16 : f32
    %add3A_360 = vector.broadcast %add3A_359 : f32 to vector<1x1280xf32>
    %add3A_361 = arith.addf %broadcast_in_dim3A_358, %add3A_360 : vector<1x1280xf32>
    %div3A_362 = vector.broadcast %add3A_361 : vector<1x1280xf32> to vector<32x1280xf32>
    %div3A_363 = arith.divf %get3A_342, %div3A_362 : vector<32x1280xf32>
    %broadcast_in_dim3A_364 = vector.shape_cast %get3A_357 : vector<1280xf32> to vector<1x1280xf32>
    %add3A_365 = arith.constant 1.000000e-16 : f32
    %add3A_366 = vector.broadcast %add3A_365 : f32 to vector<1x1280xf32>
    %add3A_367 = arith.addf %broadcast_in_dim3A_364, %add3A_366 : vector<1x1280xf32>
    %div3A_368 = vector.broadcast %add3A_367 : vector<1x1280xf32> to vector<32x1280xf32>
    %div3A_369 = arith.divf %get3A_347, %div3A_368 : vector<32x1280xf32>
    %add3A_370 = arith.addf %div3A_363, %div3A_369 : vector<32x1280xf32>
    %mul3A_371 = arith.constant 5.000000e-01 : f32
    %mul3A_372 = vector.broadcast %mul3A_371 : f32 to vector<32x1280xf32>
    %mul3A_373 = arith.mulf %mul3A_372, %add3A_370 : vector<32x1280xf32>
    %add3A_374 = vector.broadcast %get3A_10 : vector<32x1xf32> to vector<32x1280xf32>
    %add3A_375 = arith.addf %mul3A_373, %add3A_374 : vector<32x1280xf32>
    %gt3A_376 = arith.constant 0.000000e+00 : f32
    %gt3A_377 = vector.broadcast %gt3A_376 : f32 to vector<32x1280xf32>
    %gt3A_378 = arith.cmpf ogt, %add3A_375, %gt3A_377 : vector<32x1280xf32>
    %min3A_379 = arith.constant 0.000000e+00 : f32
    %min3A_380 = vector.broadcast %min3A_379 : f32 to vector<32x1280xf32>
    %min3A_381 = arith.minimumf %add3A_375, %min3A_380 : vector<32x1280xf32>
    %exp3A_382 = math.exp %min3A_381 : vector<32x1280xf32>
    %sub3A_383 = arith.constant 1.000000e+00 : f32
    %sub3A_384 = vector.broadcast %sub3A_383 : f32 to vector<32x1280xf32>
    %sub3A_385 = arith.subf %exp3A_382, %sub3A_384 : vector<32x1280xf32>
    %select_n3A_386 = arith.select %gt3A_378, %add3A_375, %sub3A_385 : vector<32x1280xi1>, vector<32x1280xf32>
    %dot_general3A_387 = arith.constant dense<0.000000e+00> : vector<128x1280xf32>
    %dot_general3A_388 = tpu.matmul %get3A_1, %select_n3A_386, %dot_general3A_387 {dimension_numbers = #tpu.dot_dimension_numbers<[1], [0], [0], [1], [0, 0, 1, 1], [], []>, transpose_lhs_hint = false} : vector<128x32xf32>, vector<32x1280xf32>, vector<128x1280xf32> -> vector<128x1280xf32>
    %dot_general3A_389 = arith.constant dense<0.000000e+00> : vector<128x1280xf32>
    %dot_general3A_390 = tpu.matmul %get3A_4, %mul3A_337, %dot_general3A_389 {dimension_numbers = #tpu.dot_dimension_numbers<[1], [0], [0], [1], [0, 0, 1, 1], [], []>, transpose_lhs_hint = false} : vector<128x32xf32>, vector<32x1280xf32>, vector<128x1280xf32> -> vector<128x1280xf32>
    %add3A_391 = arith.addf %dot_general3A_388, %dot_general3A_390 : vector<128x1280xf32>
    %add3A_392 = vector.broadcast %get3A_7 : vector<128x1xf32> to vector<128x1280xf32>
    %add3A_393 = arith.addf %add3A_391, %add3A_392 : vector<128x1280xf32>
    %slice3A_394 = vector.extract_strided_slice %add3A_393 {offsets = [0, 0], sizes = [32, 1280], strides = [1, 1]} : vector<128x1280xf32> to vector<32x1280xf32>
    %logistic3A_395 = arith.negf %slice3A_394 : vector<32x1280xf32>
    %logistic3A_396 = math.exp %logistic3A_395 : vector<32x1280xf32>
    %logistic3A_397 = arith.constant 1.000000e+00 : f32
    %logistic3A_398 = vector.broadcast %logistic3A_397 : f32 to vector<32x1280xf32>
    %logistic3A_399 = arith.addf %logistic3A_398, %logistic3A_396 : vector<32x1280xf32>
    %logistic3A_400 = arith.divf %logistic3A_398, %logistic3A_399 : vector<32x1280xf32>
    %slice3A_401 = vector.extract_strided_slice %add3A_393 {offsets = [32, 0], sizes = [32, 1280], strides = [1, 1]} : vector<128x1280xf32> to vector<32x1280xf32>
    %logistic3A_402 = arith.negf %slice3A_401 : vector<32x1280xf32>
    %logistic3A_403 = math.exp %logistic3A_402 : vector<32x1280xf32>
    %logistic3A_404 = arith.constant 1.000000e+00 : f32
    %logistic3A_405 = vector.broadcast %logistic3A_404 : f32 to vector<32x1280xf32>
    %logistic3A_406 = arith.addf %logistic3A_405, %logistic3A_403 : vector<32x1280xf32>
    %logistic3A_407 = arith.divf %logistic3A_405, %logistic3A_406 : vector<32x1280xf32>
    %slice3A_408 = vector.extract_strided_slice %add3A_393 {offsets = [64, 0], sizes = [32, 1280], strides = [1, 1]} : vector<128x1280xf32> to vector<32x1280xf32>
    %tanh3A_409 = math.tanh %slice3A_408 : vector<32x1280xf32>
    %slice3A_410 = vector.extract_strided_slice %add3A_393 {offsets = [96, 0], sizes = [32, 1280], strides = [1, 1]} : vector<128x1280xf32> to vector<32x1280xf32>
    %logistic3A_411 = arith.negf %slice3A_410 : vector<32x1280xf32>
    %logistic3A_412 = math.exp %logistic3A_411 : vector<32x1280xf32>
    %logistic3A_413 = arith.constant 1.000000e+00 : f32
    %logistic3A_414 = vector.broadcast %logistic3A_413 : f32 to vector<32x1280xf32>
    %logistic3A_415 = arith.addf %logistic3A_414, %logistic3A_412 : vector<32x1280xf32>
    %logistic3A_416 = arith.divf %logistic3A_414, %logistic3A_415 : vector<32x1280xf32>
    %mul3A_417 = arith.mulf %logistic3A_407, %add3A_335 : vector<32x1280xf32>
    %mul3A_418 = arith.mulf %logistic3A_400, %tanh3A_409 : vector<32x1280xf32>
    %add3A_419 = arith.addf %mul3A_417, %mul3A_418 : vector<32x1280xf32>
    %tanh3A_420 = math.tanh %add3A_419 : vector<32x1280xf32>
    %mul3A_421 = arith.mulf %logistic3A_416, %tanh3A_420 : vector<32x1280xf32>
    %get3A_422 = arith.constant 0 : index
    %get3A_423 = arith.constant 5 : index
    %get3A_424 = arith.constant 0 : index
    %get3A_425 = vector.load %arg1[%get3A_422, %get3A_423, %get3A_424] : memref<66x8x1280xf32, #tpu.memory_space<vmem>>, vector<32x1x1280xf32>
    %get3A_426 = vector.shape_cast %get3A_425 : vector<32x1x1280xf32> to vector<32x1280xf32>
    %get3A_427 = arith.constant 32 : index
    %get3A_428 = arith.constant 5 : index
    %get3A_429 = arith.constant 0 : index
    %get3A_430 = vector.load %arg1[%get3A_427, %get3A_428, %get3A_429] : memref<66x8x1280xf32, #tpu.memory_space<vmem>>, vector<32x1x1280xf32>
    %get3A_431 = vector.shape_cast %get3A_430 : vector<32x1x1280xf32> to vector<32x1280xf32>
    %get3A_432 = arith.constant 64 : index
    %get3A_433 = arith.constant 5 : index
    %get3A_434 = arith.constant 0 : index
    %get3A_435 = vector.load %arg1[%get3A_432, %get3A_433, %get3A_434] : memref<66x8x1280xf32, #tpu.memory_space<vmem>>, vector<1x1x1280xf32>
    %get3A_436 = vector.shape_cast %get3A_435 : vector<1x1x1280xf32> to vector<1280xf32>
    %get3A_437 = arith.constant 65 : index
    %get3A_438 = arith.constant 5 : index
    %get3A_439 = arith.constant 0 : index
    %get3A_440 = vector.load %arg1[%get3A_437, %get3A_438, %get3A_439] : memref<66x8x1280xf32, #tpu.memory_space<vmem>>, vector<1x1x1280xf32>
    %get3A_441 = vector.shape_cast %get3A_440 : vector<1x1x1280xf32> to vector<1280xf32>
    %broadcast_in_dim3A_442 = vector.shape_cast %get3A_436 : vector<1280xf32> to vector<1x1280xf32>
    %add3A_443 = arith.constant 1.000000e-16 : f32
    %add3A_444 = vector.broadcast %add3A_443 : f32 to vector<1x1280xf32>
    %add3A_445 = arith.addf %broadcast_in_dim3A_442, %add3A_444 : vector<1x1280xf32>
    %div3A_446 = vector.broadcast %add3A_445 : vector<1x1280xf32> to vector<32x1280xf32>
    %div3A_447 = arith.divf %get3A_426, %div3A_446 : vector<32x1280xf32>
    %broadcast_in_dim3A_448 = vector.shape_cast %get3A_441 : vector<1280xf32> to vector<1x1280xf32>
    %add3A_449 = arith.constant 1.000000e-16 : f32
    %add3A_450 = vector.broadcast %add3A_449 : f32 to vector<1x1280xf32>
    %add3A_451 = arith.addf %broadcast_in_dim3A_448, %add3A_450 : vector<1x1280xf32>
    %div3A_452 = vector.broadcast %add3A_451 : vector<1x1280xf32> to vector<32x1280xf32>
    %div3A_453 = arith.divf %get3A_431, %div3A_452 : vector<32x1280xf32>
    %add3A_454 = arith.addf %div3A_447, %div3A_453 : vector<32x1280xf32>
    %mul3A_455 = arith.constant 5.000000e-01 : f32
    %mul3A_456 = vector.broadcast %mul3A_455 : f32 to vector<32x1280xf32>
    %mul3A_457 = arith.mulf %mul3A_456, %add3A_454 : vector<32x1280xf32>
    %add3A_458 = vector.broadcast %get3A_10 : vector<32x1xf32> to vector<32x1280xf32>
    %add3A_459 = arith.addf %mul3A_457, %add3A_458 : vector<32x1280xf32>
    %gt3A_460 = arith.constant 0.000000e+00 : f32
    %gt3A_461 = vector.broadcast %gt3A_460 : f32 to vector<32x1280xf32>
    %gt3A_462 = arith.cmpf ogt, %add3A_459, %gt3A_461 : vector<32x1280xf32>
    %min3A_463 = arith.constant 0.000000e+00 : f32
    %min3A_464 = vector.broadcast %min3A_463 : f32 to vector<32x1280xf32>
    %min3A_465 = arith.minimumf %add3A_459, %min3A_464 : vector<32x1280xf32>
    %exp3A_466 = math.exp %min3A_465 : vector<32x1280xf32>
    %sub3A_467 = arith.constant 1.000000e+00 : f32
    %sub3A_468 = vector.broadcast %sub3A_467 : f32 to vector<32x1280xf32>
    %sub3A_469 = arith.subf %exp3A_466, %sub3A_468 : vector<32x1280xf32>
    %select_n3A_470 = arith.select %gt3A_462, %add3A_459, %sub3A_469 : vector<32x1280xi1>, vector<32x1280xf32>
    %dot_general3A_471 = arith.constant dense<0.000000e+00> : vector<128x1280xf32>
    %dot_general3A_472 = tpu.matmul %get3A_1, %select_n3A_470, %dot_general3A_471 {dimension_numbers = #tpu.dot_dimension_numbers<[1], [0], [0], [1], [0, 0, 1, 1], [], []>, transpose_lhs_hint = false} : vector<128x32xf32>, vector<32x1280xf32>, vector<128x1280xf32> -> vector<128x1280xf32>
    %dot_general3A_473 = arith.constant dense<0.000000e+00> : vector<128x1280xf32>
    %dot_general3A_474 = tpu.matmul %get3A_4, %mul3A_421, %dot_general3A_473 {dimension_numbers = #tpu.dot_dimension_numbers<[1], [0], [0], [1], [0, 0, 1, 1], [], []>, transpose_lhs_hint = false} : vector<128x32xf32>, vector<32x1280xf32>, vector<128x1280xf32> -> vector<128x1280xf32>
    %add3A_475 = arith.addf %dot_general3A_472, %dot_general3A_474 : vector<128x1280xf32>
    %add3A_476 = vector.broadcast %get3A_7 : vector<128x1xf32> to vector<128x1280xf32>
    %add3A_477 = arith.addf %add3A_475, %add3A_476 : vector<128x1280xf32>
    %slice3A_478 = vector.extract_strided_slice %add3A_477 {offsets = [0, 0], sizes = [32, 1280], strides = [1, 1]} : vector<128x1280xf32> to vector<32x1280xf32>
    %logistic3A_479 = arith.negf %slice3A_478 : vector<32x1280xf32>
    %logistic3A_480 = math.exp %logistic3A_479 : vector<32x1280xf32>
    %logistic3A_481 = arith.constant 1.000000e+00 : f32
    %logistic3A_482 = vector.broadcast %logistic3A_481 : f32 to vector<32x1280xf32>
    %logistic3A_483 = arith.addf %logistic3A_482, %logistic3A_480 : vector<32x1280xf32>
    %logistic3A_484 = arith.divf %logistic3A_482, %logistic3A_483 : vector<32x1280xf32>
    %slice3A_485 = vector.extract_strided_slice %add3A_477 {offsets = [32, 0], sizes = [32, 1280], strides = [1, 1]} : vector<128x1280xf32> to vector<32x1280xf32>
    %logistic3A_486 = arith.negf %slice3A_485 : vector<32x1280xf32>
    %logistic3A_487 = math.exp %logistic3A_486 : vector<32x1280xf32>
    %logistic3A_488 = arith.constant 1.000000e+00 : f32
    %logistic3A_489 = vector.broadcast %logistic3A_488 : f32 to vector<32x1280xf32>
    %logistic3A_490 = arith.addf %logistic3A_489, %logistic3A_487 : vector<32x1280xf32>
    %logistic3A_491 = arith.divf %logistic3A_489, %logistic3A_490 : vector<32x1280xf32>
    %slice3A_492 = vector.extract_strided_slice %add3A_477 {offsets = [64, 0], sizes = [32, 1280], strides = [1, 1]} : vector<128x1280xf32> to vector<32x1280xf32>
    %tanh3A_493 = math.tanh %slice3A_492 : vector<32x1280xf32>
    %slice3A_494 = vector.extract_strided_slice %add3A_477 {offsets = [96, 0], sizes = [32, 1280], strides = [1, 1]} : vector<128x1280xf32> to vector<32x1280xf32>
    %logistic3A_495 = arith.negf %slice3A_494 : vector<32x1280xf32>
    %logistic3A_496 = math.exp %logistic3A_495 : vector<32x1280xf32>
    %logistic3A_497 = arith.constant 1.000000e+00 : f32
    %logistic3A_498 = vector.broadcast %logistic3A_497 : f32 to vector<32x1280xf32>
    %logistic3A_499 = arith.addf %logistic3A_498, %logistic3A_496 : vector<32x1280xf32>
    %logistic3A_500 = arith.divf %logistic3A_498, %logistic3A_499 : vector<32x1280xf32>
    %mul3A_501 = arith.mulf %logistic3A_491, %add3A_419 : vector<32x1280xf32>
    %mul3A_502 = arith.mulf %logistic3A_484, %tanh3A_493 : vector<32x1280xf32>
    %add3A_503 = arith.addf %mul3A_501, %mul3A_502 : vector<32x1280xf32>
    %tanh3A_504 = math.tanh %add3A_503 : vector<32x1280xf32>
    %mul3A_505 = arith.mulf %logistic3A_500, %tanh3A_504 : vector<32x1280xf32>
    %get3A_506 = arith.constant 0 : index
    %get3A_507 = arith.constant 6 : index
    %get3A_508 = arith.constant 0 : index
    %get3A_509 = vector.load %arg1[%get3A_506, %get3A_507, %get3A_508] : memref<66x8x1280xf32, #tpu.memory_space<vmem>>, vector<32x1x1280xf32>
    %get3A_510 = vector.shape_cast %get3A_509 : vector<32x1x1280xf32> to vector<32x1280xf32>
    %get3A_511 = arith.constant 32 : index
    %get3A_512 = arith.constant 6 : index
    %get3A_513 = arith.constant 0 : index
    %get3A_514 = vector.load %arg1[%get3A_511, %get3A_512, %get3A_513] : memref<66x8x1280xf32, #tpu.memory_space<vmem>>, vector<32x1x1280xf32>
    %get3A_515 = vector.shape_cast %get3A_514 : vector<32x1x1280xf32> to vector<32x1280xf32>
    %get3A_516 = arith.constant 64 : index
    %get3A_517 = arith.constant 6 : index
    %get3A_518 = arith.constant 0 : index
    %get3A_519 = vector.load %arg1[%get3A_516, %get3A_517, %get3A_518] : memref<66x8x1280xf32, #tpu.memory_space<vmem>>, vector<1x1x1280xf32>
    %get3A_520 = vector.shape_cast %get3A_519 : vector<1x1x1280xf32> to vector<1280xf32>
    %get3A_521 = arith.constant 65 : index
    %get3A_522 = arith.constant 6 : index
    %get3A_523 = arith.constant 0 : index
    %get3A_524 = vector.load %arg1[%get3A_521, %get3A_522, %get3A_523] : memref<66x8x1280xf32, #tpu.memory_space<vmem>>, vector<1x1x1280xf32>
    %get3A_525 = vector.shape_cast %get3A_524 : vector<1x1x1280xf32> to vector<1280xf32>
    %broadcast_in_dim3A_526 = vector.shape_cast %get3A_520 : vector<1280xf32> to vector<1x1280xf32>
    %add3A_527 = arith.constant 1.000000e-16 : f32
    %add3A_528 = vector.broadcast %add3A_527 : f32 to vector<1x1280xf32>
    %add3A_529 = arith.addf %broadcast_in_dim3A_526, %add3A_528 : vector<1x1280xf32>
    %div3A_530 = vector.broadcast %add3A_529 : vector<1x1280xf32> to vector<32x1280xf32>
    %div3A_531 = arith.divf %get3A_510, %div3A_530 : vector<32x1280xf32>
    %broadcast_in_dim3A_532 = vector.shape_cast %get3A_525 : vector<1280xf32> to vector<1x1280xf32>
    %add3A_533 = arith.constant 1.000000e-16 : f32
    %add3A_534 = vector.broadcast %add3A_533 : f32 to vector<1x1280xf32>
    %add3A_535 = arith.addf %broadcast_in_dim3A_532, %add3A_534 : vector<1x1280xf32>
    %div3A_536 = vector.broadcast %add3A_535 : vector<1x1280xf32> to vector<32x1280xf32>
    %div3A_537 = arith.divf %get3A_515, %div3A_536 : vector<32x1280xf32>
    %add3A_538 = arith.addf %div3A_531, %div3A_537 : vector<32x1280xf32>
    %mul3A_539 = arith.constant 5.000000e-01 : f32
    %mul3A_540 = vector.broadcast %mul3A_539 : f32 to vector<32x1280xf32>
    %mul3A_541 = arith.mulf %mul3A_540, %add3A_538 : vector<32x1280xf32>
    %add3A_542 = vector.broadcast %get3A_10 : vector<32x1xf32> to vector<32x1280xf32>
    %add3A_543 = arith.addf %mul3A_541, %add3A_542 : vector<32x1280xf32>
    %gt3A_544 = arith.constant 0.000000e+00 : f32
    %gt3A_545 = vector.broadcast %gt3A_544 : f32 to vector<32x1280xf32>
    %gt3A_546 = arith.cmpf ogt, %add3A_543, %gt3A_545 : vector<32x1280xf32>
    %min3A_547 = arith.constant 0.000000e+00 : f32
    %min3A_548 = vector.broadcast %min3A_547 : f32 to vector<32x1280xf32>
    %min3A_549 = arith.minimumf %add3A_543, %min3A_548 : vector<32x1280xf32>
    %exp3A_550 = math.exp %min3A_549 : vector<32x1280xf32>
    %sub3A_551 = arith.constant 1.000000e+00 : f32
    %sub3A_552 = vector.broadcast %sub3A_551 : f32 to vector<32x1280xf32>
    %sub3A_553 = arith.subf %exp3A_550, %sub3A_552 : vector<32x1280xf32>
    %select_n3A_554 = arith.select %gt3A_546, %add3A_543, %sub3A_553 : vector<32x1280xi1>, vector<32x1280xf32>
    %dot_general3A_555 = arith.constant dense<0.000000e+00> : vector<128x1280xf32>
    %dot_general3A_556 = tpu.matmul %get3A_1, %select_n3A_554, %dot_general3A_555 {dimension_numbers = #tpu.dot_dimension_numbers<[1], [0], [0], [1], [0, 0, 1, 1], [], []>, transpose_lhs_hint = false} : vector<128x32xf32>, vector<32x1280xf32>, vector<128x1280xf32> -> vector<128x1280xf32>
    %dot_general3A_557 = arith.constant dense<0.000000e+00> : vector<128x1280xf32>
    %dot_general3A_558 = tpu.matmul %get3A_4, %mul3A_505, %dot_general3A_557 {dimension_numbers = #tpu.dot_dimension_numbers<[1], [0], [0], [1], [0, 0, 1, 1], [], []>, transpose_lhs_hint = false} : vector<128x32xf32>, vector<32x1280xf32>, vector<128x1280xf32> -> vector<128x1280xf32>
    %add3A_559 = arith.addf %dot_general3A_556, %dot_general3A_558 : vector<128x1280xf32>
    %add3A_560 = vector.broadcast %get3A_7 : vector<128x1xf32> to vector<128x1280xf32>
    %add3A_561 = arith.addf %add3A_559, %add3A_560 : vector<128x1280xf32>
    %slice3A_562 = vector.extract_strided_slice %add3A_561 {offsets = [0, 0], sizes = [32, 1280], strides = [1, 1]} : vector<128x1280xf32> to vector<32x1280xf32>
    %logistic3A_563 = arith.negf %slice3A_562 : vector<32x1280xf32>
    %logistic3A_564 = math.exp %logistic3A_563 : vector<32x1280xf32>
    %logistic3A_565 = arith.constant 1.000000e+00 : f32
    %logistic3A_566 = vector.broadcast %logistic3A_565 : f32 to vector<32x1280xf32>
    %logistic3A_567 = arith.addf %logistic3A_566, %logistic3A_564 : vector<32x1280xf32>
    %logistic3A_568 = arith.divf %logistic3A_566, %logistic3A_567 : vector<32x1280xf32>
    %slice3A_569 = vector.extract_strided_slice %add3A_561 {offsets = [32, 0], sizes = [32, 1280], strides = [1, 1]} : vector<128x1280xf32> to vector<32x1280xf32>
    %logistic3A_570 = arith.negf %slice3A_569 : vector<32x1280xf32>
    %logistic3A_571 = math.exp %logistic3A_570 : vector<32x1280xf32>
    %logistic3A_572 = arith.constant 1.000000e+00 : f32
    %logistic3A_573 = vector.broadcast %logistic3A_572 : f32 to vector<32x1280xf32>
    %logistic3A_574 = arith.addf %logistic3A_573, %logistic3A_571 : vector<32x1280xf32>
    %logistic3A_575 = arith.divf %logistic3A_573, %logistic3A_574 : vector<32x1280xf32>
    %slice3A_576 = vector.extract_strided_slice %add3A_561 {offsets = [64, 0], sizes = [32, 1280], strides = [1, 1]} : vector<128x1280xf32> to vector<32x1280xf32>
    %tanh3A_577 = math.tanh %slice3A_576 : vector<32x1280xf32>
    %slice3A_578 = vector.extract_strided_slice %add3A_561 {offsets = [96, 0], sizes = [32, 1280], strides = [1, 1]} : vector<128x1280xf32> to vector<32x1280xf32>
    %logistic3A_579 = arith.negf %slice3A_578 : vector<32x1280xf32>
    %logistic3A_580 = math.exp %logistic3A_579 : vector<32x1280xf32>
    %logistic3A_581 = arith.constant 1.000000e+00 : f32
    %logistic3A_582 = vector.broadcast %logistic3A_581 : f32 to vector<32x1280xf32>
    %logistic3A_583 = arith.addf %logistic3A_582, %logistic3A_580 : vector<32x1280xf32>
    %logistic3A_584 = arith.divf %logistic3A_582, %logistic3A_583 : vector<32x1280xf32>
    %mul3A_585 = arith.mulf %logistic3A_575, %add3A_503 : vector<32x1280xf32>
    %mul3A_586 = arith.mulf %logistic3A_568, %tanh3A_577 : vector<32x1280xf32>
    %add3A_587 = arith.addf %mul3A_585, %mul3A_586 : vector<32x1280xf32>
    %tanh3A_588 = math.tanh %add3A_587 : vector<32x1280xf32>
    %mul3A_589 = arith.mulf %logistic3A_584, %tanh3A_588 : vector<32x1280xf32>
    %get3A_590 = arith.constant 0 : index
    %get3A_591 = arith.constant 7 : index
    %get3A_592 = arith.constant 0 : index
    %get3A_593 = vector.load %arg1[%get3A_590, %get3A_591, %get3A_592] : memref<66x8x1280xf32, #tpu.memory_space<vmem>>, vector<32x1x1280xf32>
    %get3A_594 = vector.shape_cast %get3A_593 : vector<32x1x1280xf32> to vector<32x1280xf32>
    %get3A_595 = arith.constant 32 : index
    %get3A_596 = arith.constant 7 : index
    %get3A_597 = arith.constant 0 : index
    %get3A_598 = vector.load %arg1[%get3A_595, %get3A_596, %get3A_597] : memref<66x8x1280xf32, #tpu.memory_space<vmem>>, vector<32x1x1280xf32>
    %get3A_599 = vector.shape_cast %get3A_598 : vector<32x1x1280xf32> to vector<32x1280xf32>
    %get3A_600 = arith.constant 64 : index
    %get3A_601 = arith.constant 7 : index
    %get3A_602 = arith.constant 0 : index
    %get3A_603 = vector.load %arg1[%get3A_600, %get3A_601, %get3A_602] : memref<66x8x1280xf32, #tpu.memory_space<vmem>>, vector<1x1x1280xf32>
    %get3A_604 = vector.shape_cast %get3A_603 : vector<1x1x1280xf32> to vector<1280xf32>
    %get3A_605 = arith.constant 65 : index
    %get3A_606 = arith.constant 7 : index
    %get3A_607 = arith.constant 0 : index
    %get3A_608 = vector.load %arg1[%get3A_605, %get3A_606, %get3A_607] : memref<66x8x1280xf32, #tpu.memory_space<vmem>>, vector<1x1x1280xf32>
    %get3A_609 = vector.shape_cast %get3A_608 : vector<1x1x1280xf32> to vector<1280xf32>
    %broadcast_in_dim3A_610 = vector.shape_cast %get3A_604 : vector<1280xf32> to vector<1x1280xf32>
    %add3A_611 = arith.constant 1.000000e-16 : f32
    %add3A_612 = vector.broadcast %add3A_611 : f32 to vector<1x1280xf32>
    %add3A_613 = arith.addf %broadcast_in_dim3A_610, %add3A_612 : vector<1x1280xf32>
    %div3A_614 = vector.broadcast %add3A_613 : vector<1x1280xf32> to vector<32x1280xf32>
    %div3A_615 = arith.divf %get3A_594, %div3A_614 : vector<32x1280xf32>
    %broadcast_in_dim3A_616 = vector.shape_cast %get3A_609 : vector<1280xf32> to vector<1x1280xf32>
    %add3A_617 = arith.constant 1.000000e-16 : f32
    %add3A_618 = vector.broadcast %add3A_617 : f32 to vector<1x1280xf32>
    %add3A_619 = arith.addf %broadcast_in_dim3A_616, %add3A_618 : vector<1x1280xf32>
    %div3A_620 = vector.broadcast %add3A_619 : vector<1x1280xf32> to vector<32x1280xf32>
    %div3A_621 = arith.divf %get3A_599, %div3A_620 : vector<32x1280xf32>
    %add3A_622 = arith.addf %div3A_615, %div3A_621 : vector<32x1280xf32>
    %mul3A_623 = arith.constant 5.000000e-01 : f32
    %mul3A_624 = vector.broadcast %mul3A_623 : f32 to vector<32x1280xf32>
    %mul3A_625 = arith.mulf %mul3A_624, %add3A_622 : vector<32x1280xf32>
    %add3A_626 = vector.broadcast %get3A_10 : vector<32x1xf32> to vector<32x1280xf32>
    %add3A_627 = arith.addf %mul3A_625, %add3A_626 : vector<32x1280xf32>
    %gt3A_628 = arith.constant 0.000000e+00 : f32
    %gt3A_629 = vector.broadcast %gt3A_628 : f32 to vector<32x1280xf32>
    %gt3A_630 = arith.cmpf ogt, %add3A_627, %gt3A_629 : vector<32x1280xf32>
    %min3A_631 = arith.constant 0.000000e+00 : f32
    %min3A_632 = vector.broadcast %min3A_631 : f32 to vector<32x1280xf32>
    %min3A_633 = arith.minimumf %add3A_627, %min3A_632 : vector<32x1280xf32>
    %exp3A_634 = math.exp %min3A_633 : vector<32x1280xf32>
    %sub3A_635 = arith.constant 1.000000e+00 : f32
    %sub3A_636 = vector.broadcast %sub3A_635 : f32 to vector<32x1280xf32>
    %sub3A_637 = arith.subf %exp3A_634, %sub3A_636 : vector<32x1280xf32>
    %select_n3A_638 = arith.select %gt3A_630, %add3A_627, %sub3A_637 : vector<32x1280xi1>, vector<32x1280xf32>
    %dot_general3A_639 = arith.constant dense<0.000000e+00> : vector<128x1280xf32>
    %dot_general3A_640 = tpu.matmul %get3A_1, %select_n3A_638, %dot_general3A_639 {dimension_numbers = #tpu.dot_dimension_numbers<[1], [0], [0], [1], [0, 0, 1, 1], [], []>, transpose_lhs_hint = false} : vector<128x32xf32>, vector<32x1280xf32>, vector<128x1280xf32> -> vector<128x1280xf32>
    %dot_general3A_641 = arith.constant dense<0.000000e+00> : vector<128x1280xf32>
    %dot_general3A_642 = tpu.matmul %get3A_4, %mul3A_589, %dot_general3A_641 {dimension_numbers = #tpu.dot_dimension_numbers<[1], [0], [0], [1], [0, 0, 1, 1], [], []>, transpose_lhs_hint = false} : vector<128x32xf32>, vector<32x1280xf32>, vector<128x1280xf32> -> vector<128x1280xf32>
    %add3A_643 = arith.addf %dot_general3A_640, %dot_general3A_642 : vector<128x1280xf32>
    %add3A_644 = vector.broadcast %get3A_7 : vector<128x1xf32> to vector<128x1280xf32>
    %add3A_645 = arith.addf %add3A_643, %add3A_644 : vector<128x1280xf32>
    %slice3A_646 = vector.extract_strided_slice %add3A_645 {offsets = [0, 0], sizes = [32, 1280], strides = [1, 1]} : vector<128x1280xf32> to vector<32x1280xf32>
    %logistic3A_647 = arith.negf %slice3A_646 : vector<32x1280xf32>
    %logistic3A_648 = math.exp %logistic3A_647 : vector<32x1280xf32>
    %logistic3A_649 = arith.constant 1.000000e+00 : f32
    %logistic3A_650 = vector.broadcast %logistic3A_649 : f32 to vector<32x1280xf32>
    %logistic3A_651 = arith.addf %logistic3A_650, %logistic3A_648 : vector<32x1280xf32>
    %logistic3A_652 = arith.divf %logistic3A_650, %logistic3A_651 : vector<32x1280xf32>
    %slice3A_653 = vector.extract_strided_slice %add3A_645 {offsets = [32, 0], sizes = [32, 1280], strides = [1, 1]} : vector<128x1280xf32> to vector<32x1280xf32>
    %logistic3A_654 = arith.negf %slice3A_653 : vector<32x1280xf32>
    %logistic3A_655 = math.exp %logistic3A_654 : vector<32x1280xf32>
    %logistic3A_656 = arith.constant 1.000000e+00 : f32
    %logistic3A_657 = vector.broadcast %logistic3A_656 : f32 to vector<32x1280xf32>
    %logistic3A_658 = arith.addf %logistic3A_657, %logistic3A_655 : vector<32x1280xf32>
    %logistic3A_659 = arith.divf %logistic3A_657, %logistic3A_658 : vector<32x1280xf32>
    %slice3A_660 = vector.extract_strided_slice %add3A_645 {offsets = [64, 0], sizes = [32, 1280], strides = [1, 1]} : vector<128x1280xf32> to vector<32x1280xf32>
    %tanh3A_661 = math.tanh %slice3A_660 : vector<32x1280xf32>
    %slice3A_662 = vector.extract_strided_slice %add3A_645 {offsets = [96, 0], sizes = [32, 1280], strides = [1, 1]} : vector<128x1280xf32> to vector<32x1280xf32>
    %logistic3A_663 = arith.negf %slice3A_662 : vector<32x1280xf32>
    %logistic3A_664 = math.exp %logistic3A_663 : vector<32x1280xf32>
    %logistic3A_665 = arith.constant 1.000000e+00 : f32
    %logistic3A_666 = vector.broadcast %logistic3A_665 : f32 to vector<32x1280xf32>
    %logistic3A_667 = arith.addf %logistic3A_666, %logistic3A_664 : vector<32x1280xf32>
    %logistic3A_668 = arith.divf %logistic3A_666, %logistic3A_667 : vector<32x1280xf32>
    %mul3A_669 = arith.mulf %logistic3A_659, %add3A_587 : vector<32x1280xf32>
    %mul3A_670 = arith.mulf %logistic3A_652, %tanh3A_661 : vector<32x1280xf32>
    %add3A_671 = arith.addf %mul3A_669, %mul3A_670 : vector<32x1280xf32>
    %tanh3A_672 = math.tanh %add3A_671 : vector<32x1280xf32>
    %mul3A_673 = arith.mulf %logistic3A_668, %tanh3A_672 : vector<32x1280xf32>
    %get3A_674 = arith.constant 0 : index
    %get3A_675 = arith.constant 0 : index
    %get3A_676 = vector.load %arg5[%get3A_674, %get3A_675] : memref<16x32xf32, #tpu.memory_space<vmem>>, vector<16x32xf32>
    %get3A_677 = arith.constant 0 : index
    %get3A_678 = arith.constant 0 : index
    %get3A_679 = vector.load %arg6[%get3A_677, %get3A_678] : memref<16x1xf32, #tpu.memory_space<vmem>>, vector<16x1xf32>
    %get3A_680 = arith.constant 0 : index
    %get3A_681 = arith.constant 0 : index
    %get3A_682 = vector.load %arg7[%get3A_680, %get3A_681] : memref<1x16xf32, #tpu.memory_space<vmem>>, vector<1x16xf32>
    %get3A_683 = arith.constant 0 : index
    %get3A_684 = arith.constant 0 : index
    %get3A_685 = vector.load %arg8[%get3A_683, %get3A_684] : memref<1x1xf32, #tpu.memory_space<vmem>>, vector<1x1xf32>
    %dot_general3A_686 = arith.constant dense<0.000000e+00> : vector<16x1280xf32>
    %dot_general3A_687 = tpu.matmul %get3A_676, %mul3A_85, %dot_general3A_686 {dimension_numbers = #tpu.dot_dimension_numbers<[1], [0], [0], [1], [0, 0, 1, 1], [], []>, transpose_lhs_hint = false} : vector<16x32xf32>, vector<32x1280xf32>, vector<16x1280xf32> -> vector<16x1280xf32>
    %add3A_688 = vector.broadcast %get3A_679 : vector<16x1xf32> to vector<16x1280xf32>
    %add3A_689 = arith.addf %dot_general3A_687, %add3A_688 : vector<16x1280xf32>
    %tanh3A_690 = math.tanh %add3A_689 : vector<16x1280xf32>
    %dot_general3A_691 = arith.constant dense<0.000000e+00> : vector<1x1280xf32>
    %dot_general3A_692 = tpu.matmul %get3A_682, %tanh3A_690, %dot_general3A_691 {dimension_numbers = #tpu.dot_dimension_numbers<[1], [0], [0], [1], [0, 0, 1, 1], [], []>, transpose_lhs_hint = false} : vector<1x16xf32>, vector<16x1280xf32>, vector<1x1280xf32> -> vector<1x1280xf32>
    %add3A_693 = vector.broadcast %get3A_685 : vector<1x1xf32> to vector<1x1280xf32>
    %add3A_694 = arith.addf %dot_general3A_692, %add3A_693 : vector<1x1280xf32>
    %dot_general3A_695 = arith.constant dense<0.000000e+00> : vector<16x1280xf32>
    %dot_general3A_696 = tpu.matmul %get3A_676, %mul3A_169, %dot_general3A_695 {dimension_numbers = #tpu.dot_dimension_numbers<[1], [0], [0], [1], [0, 0, 1, 1], [], []>, transpose_lhs_hint = false} : vector<16x32xf32>, vector<32x1280xf32>, vector<16x1280xf32> -> vector<16x1280xf32>
    %add3A_697 = vector.broadcast %get3A_679 : vector<16x1xf32> to vector<16x1280xf32>
    %add3A_698 = arith.addf %dot_general3A_696, %add3A_697 : vector<16x1280xf32>
    %tanh3A_699 = math.tanh %add3A_698 : vector<16x1280xf32>
    %dot_general3A_700 = arith.constant dense<0.000000e+00> : vector<1x1280xf32>
    %dot_general3A_701 = tpu.matmul %get3A_682, %tanh3A_699, %dot_general3A_700 {dimension_numbers = #tpu.dot_dimension_numbers<[1], [0], [0], [1], [0, 0, 1, 1], [], []>, transpose_lhs_hint = false} : vector<1x16xf32>, vector<16x1280xf32>, vector<1x1280xf32> -> vector<1x1280xf32>
    %add3A_702 = vector.broadcast %get3A_685 : vector<1x1xf32> to vector<1x1280xf32>
    %add3A_703 = arith.addf %dot_general3A_701, %add3A_702 : vector<1x1280xf32>
    %dot_general3A_704 = arith.constant dense<0.000000e+00> : vector<16x1280xf32>
    %dot_general3A_705 = tpu.matmul %get3A_676, %mul3A_253, %dot_general3A_704 {dimension_numbers = #tpu.dot_dimension_numbers<[1], [0], [0], [1], [0, 0, 1, 1], [], []>, transpose_lhs_hint = false} : vector<16x32xf32>, vector<32x1280xf32>, vector<16x1280xf32> -> vector<16x1280xf32>
    %add3A_706 = vector.broadcast %get3A_679 : vector<16x1xf32> to vector<16x1280xf32>
    %add3A_707 = arith.addf %dot_general3A_705, %add3A_706 : vector<16x1280xf32>
    %tanh3A_708 = math.tanh %add3A_707 : vector<16x1280xf32>
    %dot_general3A_709 = arith.constant dense<0.000000e+00> : vector<1x1280xf32>
    %dot_general3A_710 = tpu.matmul %get3A_682, %tanh3A_708, %dot_general3A_709 {dimension_numbers = #tpu.dot_dimension_numbers<[1], [0], [0], [1], [0, 0, 1, 1], [], []>, transpose_lhs_hint = false} : vector<1x16xf32>, vector<16x1280xf32>, vector<1x1280xf32> -> vector<1x1280xf32>
    %add3A_711 = vector.broadcast %get3A_685 : vector<1x1xf32> to vector<1x1280xf32>
    %add3A_712 = arith.addf %dot_general3A_710, %add3A_711 : vector<1x1280xf32>
    %dot_general3A_713 = arith.constant dense<0.000000e+00> : vector<16x1280xf32>
    %dot_general3A_714 = tpu.matmul %get3A_676, %mul3A_337, %dot_general3A_713 {dimension_numbers = #tpu.dot_dimension_numbers<[1], [0], [0], [1], [0, 0, 1, 1], [], []>, transpose_lhs_hint = false} : vector<16x32xf32>, vector<32x1280xf32>, vector<16x1280xf32> -> vector<16x1280xf32>
    %add3A_715 = vector.broadcast %get3A_679 : vector<16x1xf32> to vector<16x1280xf32>
    %add3A_716 = arith.addf %dot_general3A_714, %add3A_715 : vector<16x1280xf32>
    %tanh3A_717 = math.tanh %add3A_716 : vector<16x1280xf32>
    %dot_general3A_718 = arith.constant dense<0.000000e+00> : vector<1x1280xf32>
    %dot_general3A_719 = tpu.matmul %get3A_682, %tanh3A_717, %dot_general3A_718 {dimension_numbers = #tpu.dot_dimension_numbers<[1], [0], [0], [1], [0, 0, 1, 1], [], []>, transpose_lhs_hint = false} : vector<1x16xf32>, vector<16x1280xf32>, vector<1x1280xf32> -> vector<1x1280xf32>
    %add3A_720 = vector.broadcast %get3A_685 : vector<1x1xf32> to vector<1x1280xf32>
    %add3A_721 = arith.addf %dot_general3A_719, %add3A_720 : vector<1x1280xf32>
    %dot_general3A_722 = arith.constant dense<0.000000e+00> : vector<16x1280xf32>
    %dot_general3A_723 = tpu.matmul %get3A_676, %mul3A_421, %dot_general3A_722 {dimension_numbers = #tpu.dot_dimension_numbers<[1], [0], [0], [1], [0, 0, 1, 1], [], []>, transpose_lhs_hint = false} : vector<16x32xf32>, vector<32x1280xf32>, vector<16x1280xf32> -> vector<16x1280xf32>
    %add3A_724 = vector.broadcast %get3A_679 : vector<16x1xf32> to vector<16x1280xf32>
    %add3A_725 = arith.addf %dot_general3A_723, %add3A_724 : vector<16x1280xf32>
    %tanh3A_726 = math.tanh %add3A_725 : vector<16x1280xf32>
    %dot_general3A_727 = arith.constant dense<0.000000e+00> : vector<1x1280xf32>
    %dot_general3A_728 = tpu.matmul %get3A_682, %tanh3A_726, %dot_general3A_727 {dimension_numbers = #tpu.dot_dimension_numbers<[1], [0], [0], [1], [0, 0, 1, 1], [], []>, transpose_lhs_hint = false} : vector<1x16xf32>, vector<16x1280xf32>, vector<1x1280xf32> -> vector<1x1280xf32>
    %add3A_729 = vector.broadcast %get3A_685 : vector<1x1xf32> to vector<1x1280xf32>
    %add3A_730 = arith.addf %dot_general3A_728, %add3A_729 : vector<1x1280xf32>
    %dot_general3A_731 = arith.constant dense<0.000000e+00> : vector<16x1280xf32>
    %dot_general3A_732 = tpu.matmul %get3A_676, %mul3A_505, %dot_general3A_731 {dimension_numbers = #tpu.dot_dimension_numbers<[1], [0], [0], [1], [0, 0, 1, 1], [], []>, transpose_lhs_hint = false} : vector<16x32xf32>, vector<32x1280xf32>, vector<16x1280xf32> -> vector<16x1280xf32>
    %add3A_733 = vector.broadcast %get3A_679 : vector<16x1xf32> to vector<16x1280xf32>
    %add3A_734 = arith.addf %dot_general3A_732, %add3A_733 : vector<16x1280xf32>
    %tanh3A_735 = math.tanh %add3A_734 : vector<16x1280xf32>
    %dot_general3A_736 = arith.constant dense<0.000000e+00> : vector<1x1280xf32>
    %dot_general3A_737 = tpu.matmul %get3A_682, %tanh3A_735, %dot_general3A_736 {dimension_numbers = #tpu.dot_dimension_numbers<[1], [0], [0], [1], [0, 0, 1, 1], [], []>, transpose_lhs_hint = false} : vector<1x16xf32>, vector<16x1280xf32>, vector<1x1280xf32> -> vector<1x1280xf32>
    %add3A_738 = vector.broadcast %get3A_685 : vector<1x1xf32> to vector<1x1280xf32>
    %add3A_739 = arith.addf %dot_general3A_737, %add3A_738 : vector<1x1280xf32>
    %dot_general3A_740 = arith.constant dense<0.000000e+00> : vector<16x1280xf32>
    %dot_general3A_741 = tpu.matmul %get3A_676, %mul3A_589, %dot_general3A_740 {dimension_numbers = #tpu.dot_dimension_numbers<[1], [0], [0], [1], [0, 0, 1, 1], [], []>, transpose_lhs_hint = false} : vector<16x32xf32>, vector<32x1280xf32>, vector<16x1280xf32> -> vector<16x1280xf32>
    %add3A_742 = vector.broadcast %get3A_679 : vector<16x1xf32> to vector<16x1280xf32>
    %add3A_743 = arith.addf %dot_general3A_741, %add3A_742 : vector<16x1280xf32>
    %tanh3A_744 = math.tanh %add3A_743 : vector<16x1280xf32>
    %dot_general3A_745 = arith.constant dense<0.000000e+00> : vector<1x1280xf32>
    %dot_general3A_746 = tpu.matmul %get3A_682, %tanh3A_744, %dot_general3A_745 {dimension_numbers = #tpu.dot_dimension_numbers<[1], [0], [0], [1], [0, 0, 1, 1], [], []>, transpose_lhs_hint = false} : vector<1x16xf32>, vector<16x1280xf32>, vector<1x1280xf32> -> vector<1x1280xf32>
    %add3A_747 = vector.broadcast %get3A_685 : vector<1x1xf32> to vector<1x1280xf32>
    %add3A_748 = arith.addf %dot_general3A_746, %add3A_747 : vector<1x1280xf32>
    %dot_general3A_749 = arith.constant dense<0.000000e+00> : vector<16x1280xf32>
    %dot_general3A_750 = tpu.matmul %get3A_676, %mul3A_673, %dot_general3A_749 {dimension_numbers = #tpu.dot_dimension_numbers<[1], [0], [0], [1], [0, 0, 1, 1], [], []>, transpose_lhs_hint = false} : vector<16x32xf32>, vector<32x1280xf32>, vector<16x1280xf32> -> vector<16x1280xf32>
    %add3A_751 = vector.broadcast %get3A_679 : vector<16x1xf32> to vector<16x1280xf32>
    %add3A_752 = arith.addf %dot_general3A_750, %add3A_751 : vector<16x1280xf32>
    %tanh3A_753 = math.tanh %add3A_752 : vector<16x1280xf32>
    %dot_general3A_754 = arith.constant dense<0.000000e+00> : vector<1x1280xf32>
    %dot_general3A_755 = tpu.matmul %get3A_682, %tanh3A_753, %dot_general3A_754 {dimension_numbers = #tpu.dot_dimension_numbers<[1], [0], [0], [1], [0, 0, 1, 1], [], []>, transpose_lhs_hint = false} : vector<1x16xf32>, vector<16x1280xf32>, vector<1x1280xf32> -> vector<1x1280xf32>
    %add3A_756 = vector.broadcast %get3A_685 : vector<1x1xf32> to vector<1x1280xf32>
    %add3A_757 = arith.addf %dot_general3A_755, %add3A_756 : vector<1x1280xf32>
    %concatenate3A = tpu.concatenate %add3A_694, %add3A_703, %add3A_712, %add3A_721, %add3A_730, %add3A_739, %add3A_748, %add3A_757 in 0 : vector<1x1280xf32>, vector<1x1280xf32>, vector<1x1280xf32>, vector<1x1280xf32>, vector<1x1280xf32>, vector<1x1280xf32>, vector<1x1280xf32>, vector<1x1280xf32> -> vector<8x1280xf32>
    %reduce_max3A = arith.constant dense<0xFF800000> : vector<1280xf32>
    %reduce_max3A_758 = vector.multi_reduction <maximumf>, %concatenate3A, %reduce_max3A [0] : vector<8x1280xf32> to vector<1280xf32>
    %broadcast_in_dim3A_759 = vector.shape_cast %reduce_max3A_758 : vector<1280xf32> to vector<1x1280xf32>
    %sub3A_760 = vector.broadcast %broadcast_in_dim3A_759 : vector<1x1280xf32> to vector<8x1280xf32>
    %sub3A_761 = arith.subf %concatenate3A, %sub3A_760 : vector<8x1280xf32>
    %exp3A_762 = math.exp %sub3A_761 : vector<8x1280xf32>
    %reduce_sum3A = arith.constant dense<0.000000e+00> : vector<1280xf32>
    %reduce_sum3A_763 = vector.multi_reduction <add>, %exp3A_762, %reduce_sum3A [0] : vector<8x1280xf32> to vector<1280xf32>
    %broadcast_in_dim3A_764 = vector.shape_cast %reduce_sum3A_763 : vector<1280xf32> to vector<1x1280xf32>
    %div3A_765 = vector.broadcast %broadcast_in_dim3A_764 : vector<1x1280xf32> to vector<8x1280xf32>
    %div3A_766 = arith.divf %exp3A_762, %div3A_765 : vector<8x1280xf32>
    %slice3A_767 = vector.extract_strided_slice %div3A_766 {offsets = [0, 0], sizes = [1, 1280], strides = [1, 1]} : vector<8x1280xf32> to vector<1x1280xf32>
    %squeeze3A = vector.shape_cast %slice3A_767 : vector<1x1280xf32> to vector<1280xf32>
    %broadcast_in_dim3A_768 = vector.shape_cast %squeeze3A : vector<1280xf32> to vector<1x1280xf32>
    %mul3A_769 = vector.broadcast %broadcast_in_dim3A_768 : vector<1x1280xf32> to vector<32x1280xf32>
    %mul3A_770 = arith.mulf %mul3A_769, %mul3A_85 : vector<32x1280xf32>
    %slice3A_771 = vector.extract_strided_slice %div3A_766 {offsets = [1, 0], sizes = [1, 1280], strides = [1, 1]} : vector<8x1280xf32> to vector<1x1280xf32>
    %squeeze3A_772 = vector.shape_cast %slice3A_771 : vector<1x1280xf32> to vector<1280xf32>
    %broadcast_in_dim3A_773 = vector.shape_cast %squeeze3A_772 : vector<1280xf32> to vector<1x1280xf32>
    %mul3A_774 = vector.broadcast %broadcast_in_dim3A_773 : vector<1x1280xf32> to vector<32x1280xf32>
    %mul3A_775 = arith.mulf %mul3A_774, %mul3A_169 : vector<32x1280xf32>
    %add3A_776 = arith.addf %mul3A_770, %mul3A_775 : vector<32x1280xf32>
    %slice3A_777 = vector.extract_strided_slice %div3A_766 {offsets = [2, 0], sizes = [1, 1280], strides = [1, 1]} : vector<8x1280xf32> to vector<1x1280xf32>
    %squeeze3A_778 = vector.shape_cast %slice3A_777 : vector<1x1280xf32> to vector<1280xf32>
    %broadcast_in_dim3A_779 = vector.shape_cast %squeeze3A_778 : vector<1280xf32> to vector<1x1280xf32>
    %mul3A_780 = vector.broadcast %broadcast_in_dim3A_779 : vector<1x1280xf32> to vector<32x1280xf32>
    %mul3A_781 = arith.mulf %mul3A_780, %mul3A_253 : vector<32x1280xf32>
    %add3A_782 = arith.addf %add3A_776, %mul3A_781 : vector<32x1280xf32>
    %slice3A_783 = vector.extract_strided_slice %div3A_766 {offsets = [3, 0], sizes = [1, 1280], strides = [1, 1]} : vector<8x1280xf32> to vector<1x1280xf32>
    %squeeze3A_784 = vector.shape_cast %slice3A_783 : vector<1x1280xf32> to vector<1280xf32>
    %broadcast_in_dim3A_785 = vector.shape_cast %squeeze3A_784 : vector<1280xf32> to vector<1x1280xf32>
    %mul3A_786 = vector.broadcast %broadcast_in_dim3A_785 : vector<1x1280xf32> to vector<32x1280xf32>
    %mul3A_787 = arith.mulf %mul3A_786, %mul3A_337 : vector<32x1280xf32>
    %add3A_788 = arith.addf %add3A_782, %mul3A_787 : vector<32x1280xf32>
    %slice3A_789 = vector.extract_strided_slice %div3A_766 {offsets = [4, 0], sizes = [1, 1280], strides = [1, 1]} : vector<8x1280xf32> to vector<1x1280xf32>
    %squeeze3A_790 = vector.shape_cast %slice3A_789 : vector<1x1280xf32> to vector<1280xf32>
    %broadcast_in_dim3A_791 = vector.shape_cast %squeeze3A_790 : vector<1280xf32> to vector<1x1280xf32>
    %mul3A_792 = vector.broadcast %broadcast_in_dim3A_791 : vector<1x1280xf32> to vector<32x1280xf32>
    %mul3A_793 = arith.mulf %mul3A_792, %mul3A_421 : vector<32x1280xf32>
    %add3A_794 = arith.addf %add3A_788, %mul3A_793 : vector<32x1280xf32>
    %slice3A_795 = vector.extract_strided_slice %div3A_766 {offsets = [5, 0], sizes = [1, 1280], strides = [1, 1]} : vector<8x1280xf32> to vector<1x1280xf32>
    %squeeze3A_796 = vector.shape_cast %slice3A_795 : vector<1x1280xf32> to vector<1280xf32>
    %broadcast_in_dim3A_797 = vector.shape_cast %squeeze3A_796 : vector<1280xf32> to vector<1x1280xf32>
    %mul3A_798 = vector.broadcast %broadcast_in_dim3A_797 : vector<1x1280xf32> to vector<32x1280xf32>
    %mul3A_799 = arith.mulf %mul3A_798, %mul3A_505 : vector<32x1280xf32>
    %add3A_800 = arith.addf %add3A_794, %mul3A_799 : vector<32x1280xf32>
    %slice3A_801 = vector.extract_strided_slice %div3A_766 {offsets = [6, 0], sizes = [1, 1280], strides = [1, 1]} : vector<8x1280xf32> to vector<1x1280xf32>
    %squeeze3A_802 = vector.shape_cast %slice3A_801 : vector<1x1280xf32> to vector<1280xf32>
    %broadcast_in_dim3A_803 = vector.shape_cast %squeeze3A_802 : vector<1280xf32> to vector<1x1280xf32>
    %mul3A_804 = vector.broadcast %broadcast_in_dim3A_803 : vector<1x1280xf32> to vector<32x1280xf32>
    %mul3A_805 = arith.mulf %mul3A_804, %mul3A_589 : vector<32x1280xf32>
    %add3A_806 = arith.addf %add3A_800, %mul3A_805 : vector<32x1280xf32>
    %slice3A_807 = vector.extract_strided_slice %div3A_766 {offsets = [7, 0], sizes = [1, 1280], strides = [1, 1]} : vector<8x1280xf32> to vector<1x1280xf32>
    %squeeze3A_808 = vector.shape_cast %slice3A_807 : vector<1x1280xf32> to vector<1280xf32>
    %broadcast_in_dim3A_809 = vector.shape_cast %squeeze3A_808 : vector<1280xf32> to vector<1x1280xf32>
    %mul3A_810 = vector.broadcast %broadcast_in_dim3A_809 : vector<1x1280xf32> to vector<32x1280xf32>
    %mul3A_811 = arith.mulf %mul3A_810, %mul3A_673 : vector<32x1280xf32>
    %add3A_812 = arith.addf %add3A_806, %mul3A_811 : vector<32x1280xf32>
    %get3A_813 = arith.constant 0 : index
    %get3A_814 = arith.constant 0 : index
    %get3A_815 = vector.load %arg9[%get3A_813, %get3A_814] : memref<16x32xf32, #tpu.memory_space<vmem>>, vector<16x32xf32>
    %dot_general3A_816 = arith.constant dense<0.000000e+00> : vector<16x1280xf32>
    %dot_general3A_817 = tpu.matmul %get3A_815, %add3A_812, %dot_general3A_816 {dimension_numbers = #tpu.dot_dimension_numbers<[1], [0], [0], [1], [0, 0, 1, 1], [], []>, transpose_lhs_hint = false} : vector<16x32xf32>, vector<32x1280xf32>, vector<16x1280xf32> -> vector<16x1280xf32>
    %get3A_818 = arith.constant 0 : index
    %get3A_819 = arith.constant 0 : index
    %get3A_820 = vector.load %arg10[%get3A_818, %get3A_819] : memref<16x1xf32, #tpu.memory_space<vmem>>, vector<16x1xf32>
    %add3A_821 = vector.broadcast %get3A_820 : vector<16x1xf32> to vector<16x1280xf32>
    %add3A_822 = arith.addf %dot_general3A_817, %add3A_821 : vector<16x1280xf32>
    %max3A = arith.constant 0.000000e+00 : f32
    %max3A_823 = vector.broadcast %max3A : f32 to vector<16x1280xf32>
    %max3A_824 = arith.maximumf %add3A_822, %max3A_823 : vector<16x1280xf32>
    %get3A_825 = arith.constant 0 : index
    %get3A_826 = arith.constant 0 : index
    %get3A_827 = vector.load %arg11[%get3A_825, %get3A_826] : memref<1x16xf32, #tpu.memory_space<vmem>>, vector<1x16xf32>
    %dot_general3A_828 = arith.constant dense<0.000000e+00> : vector<1x1280xf32>
    %dot_general3A_829 = tpu.matmul %get3A_827, %max3A_824, %dot_general3A_828 {dimension_numbers = #tpu.dot_dimension_numbers<[1], [0], [0], [1], [0, 0, 1, 1], [], []>, transpose_lhs_hint = false} : vector<1x16xf32>, vector<16x1280xf32>, vector<1x1280xf32> -> vector<1x1280xf32>
    %get3A_830 = arith.constant 0 : index
    %get3A_831 = arith.constant 0 : index
    %get3A_832 = vector.load %arg12[%get3A_830, %get3A_831] : memref<1x1xf32, #tpu.memory_space<vmem>>, vector<1x1xf32>
    %add3A_833 = vector.broadcast %get3A_832 : vector<1x1xf32> to vector<1x1280xf32>
    %add3A_834 = arith.addf %dot_general3A_829, %add3A_833 : vector<1x1280xf32>
    %broadcast_in_dim3A_835 = vector.shape_cast %add3A_834 : vector<1x1280xf32> to vector<1x1280xf32>
    %broadcast_in_dim3A_836 = vector.broadcast %broadcast_in_dim3A_835 : vector<1x1280xf32> to vector<8x1280xf32>
    %swap3A = arith.constant 0 : index
    %swap3A_837 = arith.constant 0 : index
    %swap3A_838 = vector.load %arg14[%swap3A, %swap3A_837] : memref<8x1280xf32, #tpu.memory_space<vmem>>, vector<8x1280xf32>
    tpu.vector_store %arg14[%swap3A, %swap3A_837], %broadcast_in_dim3A_836 {strides = array<i32>} : memref<8x1280xf32, #tpu.memory_space<vmem>>, vector<8x1280xf32>,
    return
  }
  func.func @transform_0(%arg0: i32) -> (i32, i32, i32) {
    %c0_i32 = arith.constant 0 : i32
    %c0_i32_0 = arith.constant 0 : i32
    %c0_i32_1 = arith.constant 0 : i32
    return %c0_i32, %c0_i32_0, %arg0 : i32, i32, i32
  }
  func.func @transform_1(%arg0: i32) -> (i32, i32) {
    %c0_i32 = arith.constant 0 : i32
    %c0_i32_0 = arith.constant 0 : i32
    %c0_i32_1 = arith.constant 0 : i32
    return %c0_i32, %c0_i32_0 : i32, i32
  }
  func.func @transform_2(%arg0: i32) -> (i32, i32) {
    %c0_i32 = arith.constant 0 : i32
    %c0_i32_0 = arith.constant 0 : i32
    %c0_i32_1 = arith.constant 0 : i32
    return %c0_i32, %c0_i32_0 : i32, i32
  }
  func.func @transform_3(%arg0: i32) -> (i32, i32) {
    %c0_i32 = arith.constant 0 : i32
    %c0_i32_0 = arith.constant 0 : i32
    %c0_i32_1 = arith.constant 0 : i32
    return %c0_i32, %c0_i32_0 : i32, i32
  }
  func.func @transform_4(%arg0: i32) -> (i32, i32) {
    %c0_i32 = arith.constant 0 : i32
    %c0_i32_0 = arith.constant 0 : i32
    %c0_i32_1 = arith.constant 0 : i32
    return %c0_i32, %c0_i32_0 : i32, i32
  }
  func.func @transform_5(%arg0: i32) -> (i32, i32) {
    %c0_i32 = arith.constant 0 : i32
    %c0_i32_0 = arith.constant 0 : i32
    %c0_i32_1 = arith.constant 0 : i32
    return %c0_i32, %c0_i32_0 : i32, i32
  }
  func.func @transform_6(%arg0: i32) -> (i32, i32) {
    %c0_i32 = arith.constant 0 : i32
    %c0_i32_0 = arith.constant 0 : i32
    %c0_i32_1 = arith.constant 0 : i32
    return %c0_i32, %c0_i32_0 : i32, i32
  }
  func.func @transform_7(%arg0: i32) -> (i32, i32) {
    %c0_i32 = arith.constant 0 : i32
    %c0_i32_0 = arith.constant 0 : i32
    %c0_i32_1 = arith.constant 0 : i32
    return %c0_i32, %c0_i32_0 : i32, i32
  }
  func.func @transform_8(%arg0: i32) -> (i32, i32) {
    %c0_i32 = arith.constant 0 : i32
    %c0_i32_0 = arith.constant 0 : i32
    %c0_i32_1 = arith.constant 0 : i32
    return %c0_i32, %c0_i32_0 : i32, i32
  }
  func.func @transform_9(%arg0: i32) -> (i32, i32) {
    %c0_i32 = arith.constant 0 : i32
    %c0_i32_0 = arith.constant 0 : i32
    %c0_i32_1 = arith.constant 0 : i32
    return %c0_i32, %c0_i32_0 : i32, i32
  }
  func.func @transform_10(%arg0: i32) -> (i32, i32) {
    %c0_i32 = arith.constant 0 : i32
    %c0_i32_0 = arith.constant 0 : i32
    %c0_i32_1 = arith.constant 0 : i32
    return %c0_i32, %c0_i32_0 : i32, i32
  }
  func.func @transform_11(%arg0: i32) -> (i32, i32) {
    %c0_i32 = arith.constant 0 : i32
    %c0_i32_0 = arith.constant 0 : i32
    %c0_i32_1 = arith.constant 0 : i32
    return %c0_i32, %c0_i32_0 : i32, i32
  }
  func.func @transform_12(%arg0: i32) -> (i32, i32) {
    %c0_i32 = arith.constant 0 : i32
    %c0_i32_0 = arith.constant 0 : i32
    %c0_i32_1 = arith.constant 0 : i32
    return %c0_i32, %c0_i32_0 : i32, i32
  }
  func.func @transform_13(%arg0: i32) -> (i32, i32) {
    %c0_i32 = arith.constant 0 : i32
    %c0_i32_0 = arith.constant 0 : i32
    return %c0_i32, %arg0 : i32, i32
  }
}

</mosaic_0001>

<sc_bundles>
// kernel: kernel.6.cloned.1.call-start
scs
__scs_entry_jumppad:
0x0: {  	(pc) =	sbr.rel $0x88, $3  }
0x1: {  	(tag) =	ssettag $0x0;
	lr =	simm.s32 $0x1  }
0x2: {  	[smem:$0x3F8F] =	sst lr;
	_ =	strace $0xD0000000  }
0x3: {  	_ = 	snop  }
0x4: {  	_ = 	snop  }
0x5: {  	_ = 	snop  }
0x6: {  	_ = 	snop  }
0x7: {  	_ = 	snop  }
__scs_overlays_trampoline_lowered:
0x8: {  	[smem:$0x3F9E] =	sst s0  }
0x9: {  	[smem:$0x3F9F] =	sst s1  }
0xa: {  	[smem:$0x3FA0] =	sst s2  }
0xb: {  	[smem:$0x3FA1] =	sst s3  }
0xc: {  	[smem:$0x3FA2] =	sst s4  }
0xd: {  	[smem:$0x3FA3] =	sst s5  }
0xe: {  	[smem:$0x3FA4] =	sst s6  }
0xf: {  	[smem:$0x3FA5] =	sst s7  }
0x10: {  	[smem:$0x3FA6] =	sst s8  }
0x11: {  	[smem:$0x3FA7] =	sst s9;
	s0 =	simm.s32 @!p0 $0x0  }
0x12: {  	s1 =	sld [smem:$0x3F8D];
	s0 =	simm.s32 @p0 $0x1  }
0x13: {  	[smem:$0x3FA8] =	sst s0;
	s0 =	simm.s32 @!p1 $0x0  }
0x14: {  	s2 =	sld [smem:$0x3F8C];
	s0 =	simm.s32 @p1 $0x1  }
0x15: {  	[smem:$0x3FA9] =	sst s0;
	s0 =	simm.s32 @!p2 $0x0  }
0x16: {  	s3 =	sld [smem:$0x3FDB];
	s0 =	simm.s32 @p2 $0x1  }
0x17: {  	s4 =	simm.s32 $0x1BF5;
	[smem:$0x3FAB] =	sst s0  }
0x18: {  	s0 =	sld [smem:$0x3F8E];
	_ =	swait.ge [sflag:s4], $0x0  }
0x19: {  	s7 =	sld [smem:$0x3F8F]  }
0x1a: {  	s8 =	sadd.s32 $0xFFFFE003, lr  }
0x1b: {  	s9 =	sadd.s32 $0xFFFFFEF7, lr;
	s5 =	simm.s32 $0xFFFFFFFF;
	p2 =	slt.u32 s8, $0xFFFFF086  }
0x1c: {  	p1 =	slt.u32 s9, $0xF7A;
	s5 =	simm.s32 @!p2 $0x0  }
0x1d: {  	s5 =	simm.s32 @p1 $0x1;
	p0 =	seq.s32 s7, s2  }
0x1e: {  	s7 =	smul.u32 @!p0 $0xF7A, s2;
	p2 =	seq.s32 @!p0 s5, $0x0  }
0x1f: {  	s9 =	smul.u32 $0xF7A, s1;
	s8 =	simm.s32 @!p0 $0x1BF5;
	p2 =	por !p2, p0  }
0x20: {  	[sflag:s8] =	ssyncset.s32 @!p0 $0xFFFFF086;
	s6 =	sadd.s32 @!p0 s3, s7;
	s7 =	simm.s32 @!p0 $0x108  }
0x21: {  	s3 =	sadd.s32 s3, s9;
	s6 =	sadd.s32 @!p0 $0x88, s6;
	s7 =	simm.s32 @p2 $0x1082  }
0x22: {  	[simem:s7], [sflag:s8] =	dma.local @!p0 [hbm:s6], $0xF7A  }
0x23: {  	s9 =	sor.u32 $0xD0000000, s2;
	s6 =	simm.s32 $0x108;
	_ =	swait.ge @!p0 [sflag:s8], $0x0  }
0x24: {  	s3 =	sadd.s32 $0x88, s3;
	s6 =	simm.s32 @!p1 $0x1082;
	[sflag:s4] =	ssyncset.s32 $0xFFFFF086  }
0x25: {  	[simem:s6], [sflag:s4] =	dma.local [hbm:s3], $0xF7A  }
0x26: {  	[smem:$0x3F8F] =	sst s1;
	(tag) =	ssettag s2;
	_ =	strace s9  }
0x27: {  	s1 =	sld [smem:$0x3F9F]  }
0x28: {  	s2 =	sld [smem:$0x3FA0]  }
0x29: {  	s4 =	sld [smem:$0x3FA2]  }
0x2a: {  	p0 =	seq.s32 s5, $0x0;
	s5 =	sld [smem:$0x3FA3]  }
0x2b: {  	s6 =	sld [smem:$0x3FA4]  }
0x2c: {  	s7 =	sld [smem:$0x3FA5]  }
0x2d: {  	s3 =	simm.s32 $0x108;
	s8 =	sld [smem:$0x3FA6]  }
0x2e: {  	s3 =	simm.s32 @!p0 $0x1082;
	s9 =	sld [smem:$0x3FA7]  }
0x2f: {  	lr =	sadd.s32 s0, s3;
	s0 =	sld [smem:$0x3F9E]  }
0x30: {  	s3 =	sld [smem:$0x3FA1]  }
0x31: {  	[smem:$0x3FAA] =	sst s10  }
0x32: {  	s10 =	sld [smem:$0x3FA8];
	_ =	sdelay $0x3  }
0x33: {  	p0 =	seq.s32 s10, $0x1;
	s10 =	sld [smem:$0x3FAA];
	_ =	sdelay $0x3  }
0x34: {  	[smem:$0x3FAA] =	sst s10  }
0x35: {  	s10 =	sld [smem:$0x3FA9];
	_ =	sdelay $0x3  }
0x36: {  	p1 =	seq.s32 s10, $0x1;
	s10 =	sld [smem:$0x3FAA];
	_ =	sdelay $0x3  }
0x37: {  	[smem:$0x3FAA] =	sst s10  }
0x38: {  	s10 =	sld [smem:$0x3FAB]  }
0x39: {  	_ = 	snop;
	(pc) =	sbr.ind lr, $3  }
0x3a: {  	_ = 	snop  }
0x3b: {  	_ = 	snop  }
0x3c: {  	p2 =	seq.s32 s10, $0x1;
	s10 =	sld [smem:$0x3FAA]  }
0x3d: {  	_ =	shalt  }
0x3e: {  	_ =	shalt  }
0x3f: {  	_ =	shalt  }
0x40: {  	_ =	shalt  }
0x41: {  	_ =	shalt  }
0x42: {  	_ =	shalt  }
0x43: {  	_ =	shalt  }
0x44: {  	_ =	shalt  }
0x45: {  	_ =	shalt  }
0x46: {  	_ =	shalt  }
0x47: {  	_ =	shalt  }
0x48: {  	_ =	shalt  }
0x49: {  	_ =	shalt  }
0x4a: {  	_ =	shalt  }
0x4b: {  	_ =	shalt  }
0x4c: {  	_ =	shalt  }
0x4d: {  	_ =	shalt  }
0x4e: {  	_ =	shalt  }
0x4f: {  	_ =	shalt  }
0x50: {  	_ =	shalt  }
0x51: {  	_ =	shalt  }
0x52: {  	_ =	shalt  }
0x53: {  	_ =	shalt  }
0x54: {  	_ =	shalt  }
0x55: {  	_ =	shalt  }
0x56: {  	_ =	shalt  }
0x57: {  	_ =	shalt  }
0x58: {  	_ =	shalt  }
0x59: {  	_ =	shalt  }
0x5a: {  	_ =	shalt  }
0x5b: {  	_ =	shalt  }
0x5c: {  	_ =	shalt  }
0x5d: {  	_ =	shalt  }
0x5e: {  	_ =	shalt  }
0x5f: {  	_ =	shalt  }
0x60: {  	_ =	shalt  }
0x61: {  	_ =	shalt  }
0x62: {  	_ =	shalt  }
0x63: {  	_ =	shalt  }
0x64: {  	_ =	shalt  }
0x65: {  	_ =	shalt  }
0x66: {  	_ =	shalt  }
0x67: {  	_ =	shalt  }
0x68: {  	_ =	shalt  }
0x69: {  	_ =	shalt  }
0x6a: {  	_ =	shalt  }
0x6b: {  	_ =	shalt  }
0x6c: {  	_ =	shalt  }
0x6d: {  	_ =	shalt  }
0x6e: {  	_ =	shalt  }
0x6f: {  	_ =	shalt  }
0x70: {  	_ =	shalt  }
0x71: {  	_ =	shalt  }
0x72: {  	_ =	shalt  }
0x73: {  	_ =	shalt  }
0x74: {  	_ =	shalt  }
0x75: {  	_ =	shalt  }
0x76: {  	_ =	shalt  }
0x77: {  	_ =	shalt  }
0x78: {  	_ =	shalt  }
0x79: {  	_ =	shalt  }
0x7a: {  	_ =	shalt  }
0x7b: {  	_ =	shalt  }
0x7c: {  	_ =	shalt  }
0x7d: {  	_ =	shalt  }
0x7e: {  	_ =	shalt  }
0x7f: {  	_ =	shalt  }
0x80: {  	_ =	shalt  }
0x81: {  	_ =	shalt  }
0x82: {  	_ =	shalt  }
0x83: {  	_ =	shalt  }
0x84: {  	_ =	shalt  }
0x85: {  	_ =	shalt  }
0x86: {  	_ =	shalt  }
0x87: {  	_ =	shalt  }
.Lfunc_end0:
.L_simem_size_0:
called_computation_lowered:
.L_overlay_start_0:
0x88: {  	s2 =	sld [smem:$0x3FD9]  }
0x89: {  	s3 =	sld [smem:$0x3FFE];
	_ =	sdelay $0x1  }
0x8a: {  	s1 =	srdreg.scid  }
0x8b: {  	s0 =	sand.u32 $0x1, s1  }
0x8c: {  	s16 =	sshll.u32 s0, $0xA;
	s2 =	sadd.s32 s3, s2  }
0x8d: {  	s2 =	sadd.s32 s2, s16  }
0x8e: {  	[smem:$0x3FB6] =	sst s2  }
0x8f: {  	_ = 	snop  }
0x90: {  	(tm) =	ssettm $0x1  }
0x91: {  	s17 =	sld [smem:$0x3FFB];
	_ =	sdelay $0x3  }
0x92: {  	_ =	strace s17  }
0x93: {  	s2 =	sld [smem:$0x3FFC];
	_ =	sdelay $0x3  }
0x94: {  	_ =	strace s2  }
0x95: {  	s2 =	sld [smem:$0x3FFD];
	_ =	sdelay $0x3  }
0x96: {  	_ =	strace s2  }
0x97: {  	_ =	strace $0x8FFFFFFF  }
0x98: {  	s18 =	sld [smem:$0x3FDB];
	_ =	sdelay $0x1  }
0x99: {  	s19 =	simm.s32 $_scs_section_size  }
0x9a: {  	s4 =	simm.s32 $_size__tile_overlayer_lowered;
	s5 =	simm.s32 $_tile_overlayer_lowered  }
0x9b: {  	s22 =	simm.s32 $0x1BFF;
	s21 =	sshll.u32 s5, $0x1;
	s2 =	sadd.s32 s19, s18  }
0x9c: {  	s6 =	simm.s32 $0x0;
	s20 =	sshll.u32 s4, $0x1;
	s4 =	sadd.s32 s21, s2  }
0x9d: {  	[timem:s6], [sflag:s22] =	dma.local [hbm:s4], s20  }
0x9e: {  	_ =	swait.ge [sflag:s22], s20  }
0x9f: {  	s3 =	ssub.s32 $0x0, s20;
	[sflag:s22] =	ssyncset.done $0x0  }
0xa0: {  	[sflag:s22] =	ssyncadd.s32 s3;
	_ =	sdelay $0x1  }
0xa1: {  	s23 =	simm.s32 $0x1B8B  }
0xa2: {  	_ =	swait.ge [sflag:s23], $0x1  }
0xa3: {  	[sflag:s23] =	ssyncset.done $0x0  }
0xa4: {  	s25 =	simm.s32 $0x1B8E;
	s24 =	sld [smem:$0x3FFE];
	[sflag:s23] =	ssyncadd.s32 $0xFFFFFFFF  }
0xa5: {  	s26 =	simm.s32 $execute0_lowered;
	[smem:$0x3FD2] =	sst s25  }
0xa6: {  	s4 =	sshll.u32 s26, $0x1;
	_ =	strace $0x80000046;
	[dreg:$0x1] =	wrdreg $0xFFFFFFFF  }
0xa7: {  	s28 =	simm.s32 $_size_execute0_lowered;
	s2 =	sadd.s32 s2, s4;
	[dreg:$0x0] =	wrdreg $0x0  }
0xa8: {  	s4 =	sshll.u32 s28, $0x1;
	[dreg:$0x2] =	wrdreg s2  }
0xa9: {  	[dreg:$0x3] =	wrdreg s4  }
0xaa: {  	[dreg:$0x4] =	wrdreg $0xC0  }
0xab: {  	_ =	task [dreg:s6], $0x5FFFF  }
0xac: {  	[dreg:$0x1] =	wrdreg $0xFFFFFFFF  }
0xad: {  	[dreg:$0x0] =	wrdreg $0x60  }
0xae: {  	[dreg:$0x2] =	wrdreg s24  }
0xaf: {  	[dreg:$0x3] =	wrdreg $0x9  }
0xb0: {  	_ =	task.clear_ibuf [dreg:s6], $0x4FFFF;
	_ =	strace $0x90000046  }
0xb1: {  	s29 =	simm.s32 $0x9;
	_ =	strace $0x80000048  }
0xb2: {  	_ =	swait.ge [sflag:s29], $0x1  }
0xb3: {  	[sflag:s29] =	ssyncadd.s32 $0xFFFFFFFF  }
0xb4: {  	_ =	strace $0x90000048  }
0xb5: {  	_ =	sfence  }
0xb6: {  	s30 =	sld [smem:$0x0];
	_ =	sdelay $0x2  }
0xb7: {  	s31 =	sshll.u32 s1, $0xD;
	s1 =	sshrl.u32 s1, $0x2  }
0xb8: {  	s3 =	sand.u32 $0x4000, s31;
	s1 =	sadd.s32 s1, s30  }
0xb9: {  	s0 =	sor.u32 s3, s0;
	s1 =	sshll.u32 s1, $0x11  }
0xba: {  	s0 =	sor.u32 s1, s0  }
0xbb: {  	s0 =	sadd.s32 $0x8F2B, s0  }
0xbc: {  	[sflag:s0] =	ssyncadd.remote.s32 $0x1  }
0xbd: {  	_ =	sfence.sel $0xFFFF  }
0xbe: {  	[dreg:$0x0] =	wrdreg $0xFFFFFFFF;
	(pc) =	sbr.abs _section_cstart, $3  }
0xbf: {  	[dreg:$0x1] =	wrdreg $0xFFFFFFFF  }
0xc0: {  	_ =	task.clear_ibuf [dreg:s6], $0x2FFFF;
	_ =	strace $0x9FFFFFFF  }
0xc1: {  	(tm) =	ssettm $0x7FFFFFFF  }
tec
execute0_lowered:
.L_overlay_start_1:
0x0: {  	(tag) =	ssettag $0x1  }
0x1: {  	s1 =	srdreg.scid  }
0x2: {  	s0 =	stileid.u32;
	s5 =	rddreg [dreg:$0x0]  }
0x3: {  	s2 =	simm.s32 $0x0;
	s9 =	simm.s32 $0x5000;
	s10 =	simm.s32 $0x1  }
0x4: {  	s11 =	simm.s32 $0x2800;
	s4 =	sand.u32 $0x1, s1;
	s3 =	sshll.u32 s0, $0x1  }
0x5: {  	s12 =	simm.s32 $0x6500;
	s13 =	simm.s32 $0x7A00;
	s3 =	sor.u32 s4, s3  }
0x6: {  	s1 =	rddreg [dreg:$0x1];
	s6 =	ssub.s32 $0x2, s4;
	s3 =	smul.u32 $0x1500, s3  }
0x7: {  	s14 =	simm.s32 $0x0;
	[smem:$0x7FF] =	sst s2;
	s8 =	sshrl.u32 s6, $0x1  }
0x8: {  	_ =	strace $0x80000047;
	s8 =	ssub.s32 s6, s8;
	s7 =	sshrl.u32 s3, $0x3  }
0x9: {  	s4 =	sadd.s32 $0x1E00, s5;
	s8 =	smax.u32 s8, $0x1;
	s7 =	sadd.s32 s7, s5  }
0xa: {  	v0 =	vimm.s32 $0x0;
	s5 =	sadd.s32 $0xC200, s5;
	s6 =	sadd.s32 $0x6E00, s7;
	s7 =	sadd.s32 $0x2A000, s3  }
.LBB2_1:
0xb: {  	[tilespmem:s9], [sflag:$0x1] =	stream.linear.gather [hbm4b:s6+s2], $0x1500, $0x38;
	[tilespmem:$0x8F00] =	vst v63  }
0xc: {  	_ =	swait.ge [sflag:s10], $0x1500  }
0xd: {  	[sflag:s10] =	ssyncset.done $0x0  }
0xe: {  	[sflag:s10] =	ssyncadd.s32 $0xFFFFEB00  }
0xf: {  	[tilespmem:$0x2710] =	vst v0  }
0x10: {  	[tilespmem:$0x4F10] =	vst v0  }
0x11: {  	[tilespmem:$0x2720] =	vst v0  }
0x12: {  	[tilespmem:$0x4F20] =	vst v0  }
0x13: {  	[tilespmem:$0x2730] =	vst v0  }
0x14: {  	[tilespmem:$0x4F30] =	vst v0  }
0x15: {  	[tilespmem:$0x2740] =	vst v0  }
0x16: {  	[tilespmem:$0x4F40] =	vst v0  }
0x17: {  	[tilespmem:$0x2750] =	vst v0  }
0x18: {  	[tilespmem:$0x4F50] =	vst v0  }
0x19: {  	[tilespmem:$0x2760] =	vst v0  }
0x1a: {  	[tilespmem:$0x4F60] =	vst v0  }
0x1b: {  	[tilespmem:$0x2770] =	vst v0  }
0x1c: {  	[tilespmem:$0x4F70] =	vst v0  }
0x1d: {  	[tilespmem:$0x2780] =	vst v0  }
0x1e: {  	[tilespmem:$0x4F80] =	vst v0  }
0x1f: {  	[tilespmem:$0x2790] =	vst v0  }
0x20: {  	[tilespmem:$0x4F90] =	vst v0  }
0x21: {  	[tilespmem:$0x27A0] =	vst v0  }
0x22: {  	[tilespmem:$0x4FA0] =	vst v0  }
0x23: {  	[tilespmem:$0x27B0] =	vst v0  }
0x24: {  	[tilespmem:$0x4FB0] =	vst v0  }
0x25: {  	[tilespmem:$0x27C0] =	vst v0  }
0x26: {  	[tilespmem:$0x4FC0] =	vst v0  }
0x27: {  	[tilespmem:$0x27D0] =	vst v0  }
0x28: {  	[tilespmem:$0x4FD0] =	vst v0  }
0x29: {  	[tilespmem:$0x27E0] =	vst v0  }
0x2a: {  	[tilespmem:$0x4FE0] =	vst v0  }
0x2b: {  	[tilespmem:$0x27F0] =	vst v0  }
0x2c: {  	s15 =	simm.s32 $0x0;
	[tilespmem:$0x4FF0] =	vst v0  }
.LBB2_2:
0x2d: {  	s16 =	smul.u32 $0x2710, s15;
	_ =	sdelay $0x1  }
0x2e: {  	s16 =	sshrl.u32 s16, $0x3  }
0x2f: {  	s16 =	sadd.s32 s4, s16  }
0x30: {  	[tilespmem:s2], [sflag:$0x1] =	stream.linear.gather [hbm4b:s16+s2], $0x2710, $0x38;
	[tilespmem:$0x8F00] =	vst v63  }
0x31: {  	_ =	swait.ge [sflag:s10], $0x2710  }
0x32: {  	[sflag:s10] =	ssyncset.done $0x0  }
0x33: {  	s16 =	sadd.s32 $0x2710, s16;
	[sflag:s10] =	ssyncadd.s32 $0xFFFFD8F0  }
0x34: {  	[tilespmem:s11], [sflag:$0x1] =	stream.linear.gather [hbm4b:s16+s2], $0x2710, $0x38;
	[tilespmem:$0x8F00] =	vst v63  }
0x35: {  	_ =	swait.ge [sflag:s10], $0x2710  }
0x36: {  	[sflag:s10] =	ssyncset.done $0x0  }
0x37: {  	s31 =	simm.s32 $0x5040;
	[sflag:s10] =	ssyncadd.s32 $0xFFFFD8F0  }
0x38: {  	v1 =	vld [tilespmem:s31+$0xFFFFFFD0];
	_ =	sdelay $0x1  }
0x39: {  	v2 =	vld [tilespmem:s31+$0x10]  }
0x3a: {  	v3 =	vld [tilespmem:s31+$0xFFFFFFF0]  }
0x3b: {  	v5 =	vld [tilespmem:s31+$0x0]  }
0x3c: {  	v4 =	vshrl.u32 v1, $0xE  }
0x3d: {  	v7 =	vld [tilespmem:s31+$0xFFFFFFC0];
	v1 =	vand.u32 $0x3FFF, v1  }
0x3e: {  	v9 =	vld [tilespmem:s31+$0x30];
	v8 =	vshrl.u32 v2, $0xE  }
0x3f: {  	v6 =	vld [tilespmem:s31+$0x20];
	v11 =	vand.u32 $0x3FFF, v3  }
0x40: {  	v10 =	vld [tilespmem:s31+$0xFFFFFFE0];
	v12 =	vand.u32 $0x3FFF, v5  }
0x41: {  	v5 =	vshrl.u32 v5, $0xE;
	v4 =	vld.idx.msk [tilespmem:v4+s11+$0x0], $0xffff  }
0x42: {  	v13 =	vand.u32 $0x3FFF, v7;
	v1 =	vld.idx.msk [tilespmem:v1+s2+$0x0], $0xffff  }
0x43: {  	v14 =	vshrl.u32 v9, $0xE;
	v8 =	vld.idx.msk [tilespmem:v8+s11+$0x0], $0xffff  }
0x44: {  	v3 =	vshrl.u32 v3, $0xE;
	v15 =	vld.idx.msk [tilespmem:v11+s2+$0x0], $0xffff  }
0x45: {  	v7 =	vshrl.u32 v7, $0xE;
	v12 =	vld.idx.msk [tilespmem:v12+s2+$0x0], $0xffff  }
0x46: {  	v2 =	vand.u32 $0x3FFF, v2;
	v16 =	vld.idx.msk [tilespmem:v5+s11+$0x0], $0xffff  }
0x47: {  	v13 =	vld.idx.msk [tilespmem:v13+s2+$0x0], $0xffff  }
0x48: {  	v14 =	vld.idx.msk [tilespmem:v14+s11+$0x0], $0xffff  }
0x49: {  	v9 =	vand.u32 $0x3FFF, v9;
	v11 =	vshrl.u32 v10, $0xE;
	v18 =	vld.idx.msk [tilespmem:v3+s11+$0x0], $0xffff  }
0x4a: {  	v5 =	vand.u32 $0x3FFF, v10;
	v7 =	vld.idx.msk [tilespmem:v7+s11+$0x0], $0xffff;
	v10 =	vand.u32 $0xFFFF0000, v4;
	v17 =	vand.u32 $0xFFFF0000, v1  }
0x4b: {  	v2 =	vld.idx.msk [tilespmem:v2+s2+$0x0], $0xffff;
	v4 =	vshll.u32 v4, $0x10;
	v1 =	vshll.u32 v1, $0x10;
	v19 =	vand.u32 $0xFFFF0000, v15  }
0x4c: {  	v20 =	vand.u32 $0xFFFF0000, v12;
	v22 =	vshll.u32 v13, $0x10;
	v12 =	vshll.u32 v12, $0x10  }
0x4d: {  	v23 =	vand.u32 $0xFFFF0000, v8;
	v24 =	vshll.u32 v16, $0x10;
	v25 =	vshll.u32 v14, $0x10  }
0x4e: {  	v13 =	vand.u32 $0xFFFF0000, v13;
	v10 =	vadd.f32 v10, v17;
	v17 =	vshrl.u32 v6, $0xE  }
0x4f: {  	v11 =	vld.idx.msk [tilespmem:v11+s11+$0x0], $0xffff;
	v26 =	vand.u32 $0xFFFF0000, v18;
	v27 =	vshll.u32 v7, $0x10;
	v6 =	vand.u32 $0x3FFF, v6  }
0x50: {  	v60 =	vand.u32 $0xFFFF0000, v2;
	v14 =	vand.u32 $0xFFFF0000, v14;
	v1 =	vadd.f32 v4, v1  }
0x51: {  	v15 =	vshll.u32 v15, $0x10;
	v4 =	vshll.u32 v8, $0x10;
	v8 =	vld.idx.msk [tilespmem:v5+s2+$0x0], $0xffff;
	v3 =	vmul.f32 $2.000000030e-01, v10  }
0x52: {  	v9 =	vld.idx.msk [tilespmem:v9+s2+$0x0], $0xffff;
	v5 =	vshll.u32 v2, $0x10;
	vm0 =	vge.f32 v10, $0.0e+00;
	v21 =	vmul.f32 $2.000000030e-01, v1  }
0x53: {  	v5 =	vadd.f32 v4, v5;
	vm1 =	vge.f32 v1, $0.0e+00;
	v10 =	vsel vm0, v10, v3;
	v17 =	vld.idx.msk [tilespmem:v17+s11+$0x0], $0xffff  }
0x54: {  	v3 =	vand.u32 $0xFFFF0000, v11;
	v4 =	vsel vm1, v1, v21;
	v1 =	vand.u32 $0xFFFF0000, v7;
	v6 =	vld.idx.msk [tilespmem:v6+s2+$0x0], $0xffff  }
0x55: {  	v7 =	vshll.u32 v11, $0x10;
	v10 =	vmul.f32 $1.442695020e+00, v10;
	v4 =	vmul.f32 $1.442695020e+00, v4  }
0x56: {  	v1 =	vadd.f32 v1, v13;
	v13 =	vadd.f32 v26, v19;
	v19 =	vshll.u32 v8, $0x10  }
0x57: {  	v11 =	vshll.u32 v9, $0x10;
	v19 =	vadd.f32 v7, v19;
	(erf) = vpow2.f32 v4  }
0x58: {  	v4 =	vmul.f32 $2.000000030e-01, v13;
	vm0 =	vge.f32 v13, $0.0e+00;
	(erf) = vpow2.f32 v10  }
0x59: {  	vm2 =	vge.f32 v19, $0.0e+00;
	v2 =	vshll.u32 v6, $0x10;
	v61 =	vshll.u32 v17, $0x10  }
0x5a: {  	v7 =	vand.u32 $0xFFFF0000, v6;
	v6 =	vadd.f32 v25, v11;
	v11 =	vadd.f32 v24, v12  }
0x5b: {  	v26 =	vadd.f32 v61, v2;
	v2 =	vsel vm0, v13, v4;
	v13 =	vand.u32 $0xFFFF0000, v17  }
0x5c: {  	v17 =	vand.u32 $0xFFFF0000, v9;
	vm0 =	vge.f32 v1, $0.0e+00;
	v9 =	vand.u32 $0xFFFF0000, v16  }
0x5d: {  	v4 =	vmul.f32 $2.000000030e-01, v1;
	v9 =	vadd.f32 v9, v20;
	v13 =	vadd.f32 v13, v7  }
0x5e: {  	v7 =	vand.u32 $0xFFFF0000, v8;
	v12 =	vmul.f32 $2.000000030e-01, v11;
	v8 =	vshll.u32 v18, $0x10  }
0x5f: {  	v14 =	vadd.f32 v14, v17;
	v17 =	vmul.f32 $2.000000030e-01, v19;
	v15 =	vadd.f32 v8, v15  }
0x60: {  	v10 =	vmul.f32 $2.000000030e-01, v26;
	vm5 =	vge.f32 v26, $0.0e+00;
	v16 =	vmul.f32 $2.000000030e-01, v13  }
0x61: {  	vm3 =	vge.f32 v13, $0.0e+00;
	v8 =	vmul.f32 $2.000000030e-01, v9;
	v20 =	vmul.f32 $2.000000030e-01, v15  }
0x62: {  	vm1 =	vge.f32 v9, $0.0e+00;
	v62 =	vmul.f32 $2.000000030e-01, v14;
	v18 =	vsel vm3, v13, v16  }
0x63: {  	v17 =	vsel vm2, v19, v17;
	vm4 =	vge.f32 v15, $0.0e+00;
	v18 =	vmul.f32 $1.442695020e+00, v18  }
0x64: {  	s18 =	simm.s32 $0x6540;
	v10 =	vsel vm5, v26, v10;
	v13 =	vadd.f32 v27, v22;
	v16 =	vadd.f32 v23, v60;
	v63 =	vpop (erf)  }
0x65: {  	s19 =	simm.s32 $0x7A40;
	s21 =	simm.s32 $0x50C0;
	v15 =	vsel vm4, v15, v20;
	[tilespmem:s18+$0xFFFFFFD0] =	vst v63;
	vm4 =	vge.f32 v14, $0.0e+00;
	v20 =	vpop (erf);
	(erf) = vpow2.f32 v18  }
0x66: {  	s20 =	simm.s32 $0x0;
	s17 =	simm.s32 $0x6540;
	s16 =	simm.s32 $0x7A40;
	vm3 =	vge.f32 v16, $0.0e+00;
	v14 =	vsel vm4, v14, v62;
	v18 =	vmul.f32 $2.000000030e-01, v16;
	[tilespmem:s19+$0xFFFFFFD0] =	vst v20  }
.LBB2_3:
0x67: {  	v19 =	vld [tilespmem:s21+$0xFFFFFFD0];
	s20 =	sadd.s32 $0x8, s20;
	v15 =	vmul.f32 $1.442695020e+00, v15;
	vm2 =	vge.f32 v11, $0.0e+00;
	v20 =	vmul.f32 $2.000000030e-01, v5;
	s18 =	sadd.s32 $0x80, s18;
	s19 =	sadd.s32 $0x80, s19  }
0x68: {  	v22 =	vmul.f32 $2.000000030e-01, v13;
	v17 =	vmul.f32 $1.442695020e+00, v17;
	v21 =	vld [tilespmem:s21+$0x20];
	v16 =	vsel vm3, v16, v18  }
0x69: {  	vm4 =	vge.f32 v5, $0.0e+00;
	p0 =	slt.u32 s20, $0x148;
	vm3 =	vge.f32 v13, $0.0e+00;
	v18 =	vld [tilespmem:s21+$0x30];
	v16 =	vmul.f32 $1.442695020e+00, v16  }
0x6a: {  	v11 =	vsel vm2, v11, v12;
	v13 =	vsel vm3, v13, v22;
	v5 =	vsel vm4, v5, v20;
	v23 =	vld [tilespmem:s21+$0x10]  }
0x6b: {  	vm2 =	vge.f32 v6, $0.0e+00;
	v20 =	vmul.f32 $2.000000030e-01, v6;
	v5 =	vmul.f32 $1.442695020e+00, v5;
	v12 =	vld [tilespmem:s21+$0xFFFFFFF0]  }
0x6c: {  	v8 =	vsel vm1, v9, v8;
	v22 =	vshrl.u32 v19, $0xE;
	v24 =	vld [tilespmem:s21+$0x0];
	(erf) = vpow2.f32 v17  }
0x6d: {  	v11 =	vmul.f32 $1.442695020e+00, v11;
	v6 =	vsel vm2, v6, v20;
	v17 =	vand.u32 $0x3FFF, v19;
	v9 =	vld [tilespmem:s21+$0xFFFFFFC0]  }
0x6e: {  	v3 =	vadd.f32 v3, v7;
	v6 =	vmul.f32 $1.442695020e+00, v6;
	v19 =	vld [tilespmem:s21+$0xFFFFFFE0];
	(erf) = vpow2.f32 v16;
	v7 =	vpop (erf)  }
0x6f: {  	v13 =	vmul.f32 $1.442695020e+00, v13;
	v16 =	vshrl.u32 v23, $0xE;
	v20 =	vand.u32 $0x3FFF, v23  }
0x70: {  	v14 =	vmul.f32 $1.442695020e+00, v14;
	v23 =	vshrl.u32 v21, $0xE;
	v21 =	vand.u32 $0x3FFF, v21  }
0x71: {  	vm1 =	vge.f32 v3, $0.0e+00;
	v26 =	vand.u32 $0x3FFF, v18;
	v25 =	vand.u32 $0x3FFF, v12;
	v22 =	vld.idx.msk [tilespmem:v22+s11+$0x0], $0xffff  }
0x72: {  	v29 =	vmul.f32 $2.000000030e-01, v3;
	v28 =	vand.u32 $0x3FFF, v24;
	v27 =	vshrl.u32 v9, $0xE;
	v17 =	vld.idx.msk [tilespmem:v17+s2+$0x0], $0xffff  }
0x73: {  	v30 =	vmul.f32 $1.442695020e+00, v8;
	v18 =	vshrl.u32 v18, $0xE;
	v24 =	vshrl.u32 v24, $0xE  }
0x74: {  	v12 =	vshrl.u32 v12, $0xE;
	v9 =	vand.u32 $0x3FFF, v9;
	v16 =	vld.idx.msk [tilespmem:v16+s11+$0x0], $0xffff;
	(erf) = vpow2.f32 v11  }
0x75: {  	v11 =	vshrl.u32 v19, $0xE;
	v19 =	vand.u32 $0x3FFF, v19;
	v20 =	vld.idx.msk [tilespmem:v20+s2+$0x0], $0xffff;
	v31 =	vpop (erf);
	(erf) = vpow2.f32 v5  }
0x76: {  	v3 =	vsel vm1, v3, v29;
	v5 =	vmul.f32 $1.442695020e+00, v10;
	v8 =	vld.idx.msk [tilespmem:v25+s2+$0x0], $0xffff;
	[tilespmem:s17+$0xFFFFFFE0] =	vst v31;
	(erf) = vpow2.f32 v6  }
0x77: {  	v3 =	vmul.f32 $1.442695020e+00, v3;
	v6 =	vshll.u32 v22, $0x10;
	v10 =	vld.idx.msk [tilespmem:v28+s2+$0x0], $0xffff;
	(erf) = vpow2.f32 v30;
	v25 =	vpop (erf)  }
0x78: {  	v22 =	vand.u32 $0xFFFF0000, v22;
	v28 =	vshll.u32 v17, $0x10;
	v24 =	vld.idx.msk [tilespmem:v24+s11+$0x0], $0xffff;
	(erf) = vpow2.f32 v5  }
0x79: {  	v6 =	vadd.f32 v6, v28;
	v5 =	vld.idx.msk [tilespmem:v9+s2+$0x0], $0xffff;
	v9 =	vand.u32 $0xFFFF0000, v17;
	(erf) = vpow2.f32 v3  }
0x7a: {  	v1 =	vsel vm0, v1, v4;
	v3 =	vadd.f32 v22, v9;
	v9 =	vld.idx.msk [tilespmem:v18+s11+$0x0], $0xffff;
	(erf) = vpow2.f32 v14  }
0x7b: {  	v4 =	vshll.u32 v16, $0x10;
	v17 =	vmul.f32 $1.442695020e+00, v1;
	v14 =	vld.idx.msk [tilespmem:v12+s11+$0x0], $0xffff;
	(erf) = vpow2.f32 v13  }
0x7c: {  	v2 =	vmul.f32 $1.442695020e+00, v2;
	vm0 =	vge.f32 v3, $0.0e+00;
	v11 =	vld.idx.msk [tilespmem:v11+s11+$0x0], $0xffff;
	(erf) = vpow2.f32 v15  }
0x7d: {  	v13 =	vand.u32 $0xFFFF0000, v8;
	v15 =	vand.u32 $0xFFFF0000, v10;
	v12 =	vld.idx.msk [tilespmem:v27+s11+$0x0], $0xffff;
	(erf) = vpow2.f32 v17;
	v1 =	vpop (erf)  }
0x7e: {  	vm1 =	vge.f32 v6, $0.0e+00;
	v17 =	vmul.f32 $2.000000030e-01, v6;
	v18 =	vld.idx.msk [tilespmem:v26+s2+$0x0], $0xffff;
	[tilespmem:s17+$0x0] =	vst v1;
	(erf) = vpow2.f32 v2;
	v1 =	vpop (erf)  }
0x7f: {  	v16 =	vand.u32 $0xFFFF0000, v16;
	v10 =	vshll.u32 v10, $0x10;
	v22 =	vshll.u32 v5, $0x10;
	v19 =	vld.idx.msk [tilespmem:v19+s2+$0x0], $0xffff;
	[tilespmem:s17+$0x10] =	vst v1;
	v1 =	vpop (erf)  }
0x80: {  	v2 =	vmul.f32 $2.000000030e-01, v3;
	v26 =	vshll.u32 v24, $0x10;
	v27 =	vshll.u32 v9, $0x10;
	v23 =	vld.idx.msk [tilespmem:v23+s11+$0x0], $0xffff;
	[tilespmem:s16+$0x10] =	vst v25;
	v25 =	vpop (erf)  }
0x81: {  	v28 =	vand.u32 $0xFFFF0000, v5;
	v5 =	vshll.u32 v20, $0x10;
	v29 =	vand.u32 $0xFFFF0000, v14;
	v21 =	vld.idx.msk [tilespmem:v21+s2+$0x0], $0xffff;
	[tilespmem:s16+$0x0] =	vst v25;
	v25 =	vpop (erf)  }
0x82: {  	v5 =	vadd.f32 v4, v5;
	v2 =	vsel vm0, v3, v2;
	v3 =	vand.u32 $0xFFFF0000, v11;
	[tilespmem:s17+$0x30] =	vst v1;
	v1 =	vpop (erf)  }
0x83: {  	v4 =	vsel vm1, v6, v17;
	v2 =	vmul.f32 $1.442695020e+00, v2;
	v30 =	vshll.u32 v12, $0x10;
	[tilespmem:s17+$0x20] =	vst v25;
	v6 =	vpop (erf)  }
0x84: {  	v11 =	vshll.u32 v11, $0x10;
	v12 =	vand.u32 $0xFFFF0000, v12;
	v17 =	vshll.u32 v18, $0x10;
	[tilespmem:s16+$0xFFFFFFE0] =	vst v1;
	v25 =	vpop (erf)  }
0x85: {  	v31 =	vmul.f32 $1.442695020e+00, v4;
	v1 =	vadd.f32 v12, v28;
	v12 =	vadd.f32 v29, v13;
	[tilespmem:s17+$0xFFFFFFC0] =	vst v25;
	v13 =	vpop (erf)  }
0x86: {  	v20 =	vand.u32 $0xFFFF0000, v20;
	v28 =	vand.u32 $0xFFFF0000, v9;
	v25 =	vshll.u32 v19, $0x10;
	[tilespmem:s17+$0xFFFFFFF0] =	vst v13;
	v9 =	vpop (erf);
	s17 =	smov.u32 s18  }
0x87: {  	v29 =	vshll.u32 v23, $0x10;
	v13 =	vshll.u32 v21, $0x10;
	(erf) = vpow2.f32 v31;
	[tilespmem:s16+$0x30] =	vst v6;
	v4 =	vpop (erf)  }
0x88: {  	v25 =	vadd.f32 v11, v25;
	v11 =	vmul.f32 $2.000000030e-01, v12;
	v29 =	vadd.f32 v29, v13;
	[tilespmem:s16+$0xFFFFFFC0] =	vst v9  }
0x89: {  	v13 =	vand.u32 $0xFFFF0000, v21;
	v6 =	vadd.f32 v27, v17;
	(erf) = vpow2.f32 v2;
	[tilespmem:s16+$0xFFFFFFF0] =	vst v4  }
0x8a: {  	vm0 =	vge.f32 v12, $0.0e+00;
	vm2 =	vge.f32 v25, $0.0e+00;
	v17 =	vmul.f32 $2.000000030e-01, v29;
	[tilespmem:s16+$0x20] =	vst v7;
	s16 =	smov.u32 s19  }
0x8b: {  	v18 =	vand.u32 $0xFFFF0000, v18;
	v2 =	vsel vm0, v12, v11;
	v7 =	vand.u32 $0xFFFF0000, v23  }
0x8c: {  	v9 =	vand.u32 $0xFFFF0000, v24;
	vm0 =	vge.f32 v1, $0.0e+00;
	v11 =	vadd.f32 v26, v10  }
0x8d: {  	v4 =	vmul.f32 $2.000000030e-01, v1;
	v9 =	vadd.f32 v9, v15;
	v10 =	vadd.f32 v7, v13  }
0x8e: {  	v7 =	vand.u32 $0xFFFF0000, v19;
	v12 =	vmul.f32 $2.000000030e-01, v11;
	v19 =	vadd.f32 v28, v18  }
0x8f: {  	v18 =	vmul.f32 $2.000000030e-01, v25;
	v13 =	vshll.u32 v14, $0x10;
	v14 =	vmul.f32 $2.000000030e-01, v10  }
0x90: {  	v15 =	vshll.u32 v8, $0x10;
	v8 =	vmul.f32 $2.000000030e-01, v9;
	vm3 =	vge.f32 v10, $0.0e+00;
	v21 =	vpop (erf)  }
0x91: {  	vm1 =	vge.f32 v9, $0.0e+00;
	v15 =	vadd.f32 v13, v15;
	v23 =	vsel vm3, v10, v14  }
.Ltmp0:
0x92: {  	v16 =	vadd.f32 v16, v20;
	v13 =	vadd.f32 v30, v22;
	v14 =	vmul.f32 $1.442695020e+00, v23;
	[tilespmem:s18+$0xFFFFFFD0] =	vst v21;
	v10 =	vpop (erf);
	(pc) =	sbr.rel @p0 .LBB2_3-.Ltmp0, $4  }
0x93: {  	v20 =	vmul.f32 $2.000000030e-01, v19;
	vm4 =	vge.f32 v15, $0.0e+00;
	[tilespmem:s19+$0xFFFFFFD0] =	vst v10;
	v10 =	vmul.f32 $2.000000030e-01, v15  }
0x94: {  	vm5 =	vge.f32 v29, $0.0e+00;
	vm6 =	vge.f32 v19, $0.0e+00;
	vm3 =	vge.f32 v16, $0.0e+00  }
0x95: {  	v15 =	vsel vm4, v15, v10;
	v10 =	vsel vm5, v29, v17;
	(erf) = vpow2.f32 v14  }
0x96: {  	s21 =	sadd.s32 $0x80, s21;
	v17 =	vsel vm2, v25, v18;
	v18 =	vmul.f32 $2.000000030e-01, v16;
	v14 =	vsel vm6, v19, v20  }
0x97: {  	vm2 =	vge.f32 v11, $0.0e+00;
	v19 =	vmul.f32 $2.000000030e-01, v5;
	v20 =	vmul.f32 $2.000000030e-01, v13  }
0x98: {  	v17 =	vmul.f32 $1.442695020e+00, v17;
	vm12 =	vge.f32 v5, $0.0e+00;
	v54 =	vmul.f32 $2.000000030e-01, v6  }
0x99: {  	vm13 =	vge.f32 v6, $0.0e+00;
	v3 =	vadd.f32 v3, v7;
	v16 =	vsel vm3, v16, v18  }
0x9a: {  	v11 =	vsel vm2, v11, v12;
	v16 =	vmul.f32 $1.442695020e+00, v16;
	(erf) = vpow2.f32 v17  }
0x9b: {  	v5 =	vsel vm12, v5, v19;
	v11 =	vmul.f32 $1.442695020e+00, v11;
	v56 =	vmul.f32 $2.000000030e-01, v3  }
0x9c: {  	v6 =	vsel vm13, v6, v54;
	v5 =	vmul.f32 $1.442695020e+00, v5;
	(erf) = vpow2.f32 v16  }
0x9d: {  	v55 =	vsel vm1, v9, v8;
	v6 =	vmul.f32 $1.442695020e+00, v6;
	(erf) = vpow2.f32 v11  }
0x9e: {  	v7 =	vmul.f32 $1.442695020e+00, v55;
	vm14 =	vge.f32 v3, $0.0e+00;
	(erf) = vpow2.f32 v5  }
0x9f: {  	v57 =	vmul.f32 $1.442695020e+00, v10;
	v3 =	vsel vm14, v3, v56;
	(erf) = vpow2.f32 v6  }
0xa0: {  	vm15 =	vge.f32 v13, $0.0e+00;
	v3 =	vmul.f32 $1.442695020e+00, v3;
	(erf) = vpow2.f32 v7  }
0xa1: {  	v59 =	vmul.f32 $1.442695020e+00, v14;
	v1 =	vsel vm0, v1, v4;
	(erf) = vpow2.f32 v57  }
0xa2: {  	v58 =	vsel vm15, v13, v20;
	(erf) = vpow2.f32 v3;
	v3 =	vmul.f32 $1.442695020e+00, v15  }
0xa3: {  	v1 =	vmul.f32 $1.442695020e+00, v1;
	v60 =	vmul.f32 $1.442695020e+00, v58;
	v61 =	vpop (erf)  }
0xa4: {  	(erf) = vpow2.f32 v59;
	v62 =	vpop (erf)  }
0xa5: {  	(erf) = vpow2.f32 v60;
	v63 =	vpop (erf)  }
0xa6: {  	v2 =	vmul.f32 $1.442695020e+00, v2;
	[tilespmem:s17+$0xFFFFFFE0] =	vst v62;
	(erf) = vpow2.f32 v3;
	v3 =	vpop (erf)  }
0xa7: {  	(erf) = vpow2.f32 v1;
	[tilespmem:s17+$0x0] =	vst v3;
	v1 =	vpop (erf)  }
0xa8: {  	[tilespmem:s17+$0x10] =	vst v1  }
0xa9: {  	(erf) = vpow2.f32 v2;
	v1 =	vpop (erf);
	[tilespmem:s16+$0x10] =	vst v63  }
0xaa: {  	v2 =	vpop (erf);
	[tilespmem:s17+$0x30] =	vst v1  }
0xab: {  	[tilespmem:s16+$0x0] =	vst v2;
	v2 =	vpop (erf)  }
0xac: {  	v1 =	vpop (erf);
	[tilespmem:s17+$0x20] =	vst v2  }
0xad: {  	[tilespmem:s16+$0xFFFFFFE0] =	vst v1  }
0xae: {  	v2 =	vpop (erf);
	[tilespmem:s16+$0x20] =	vst v61  }
0xaf: {  	s29 =	smul.u32 $0x54000, s15;
	v1 =	vpop (erf);
	[tilespmem:s16+$0x30] =	vst v2  }
0xb0: {  	[tilespmem:s17+$0xFFFFFFC0] =	vst v1;
	v1 =	vpop (erf)  }
0xb1: {  	s18 =	sadd.s32 s3, s29;
	[tilespmem:s17+$0xFFFFFFF0] =	vst v1;
	v1 =	vpop (erf)  }
0xb2: {  	s18 =	sshrl.u32 s18, $0x3;
	v2 =	vpop (erf);
	[tilespmem:s16+$0xFFFFFFC0] =	vst v1  }
0xb3: {  	s30 =	sadd.s32 s5, s18;
	[tilespmem:s16+$0xFFFFFFF0] =	vst v2  }
0xb4: {  	[hbm4b:s30+s2] =	stream.linear.scatter [tilespmem:s12], [sflag:$0x1], $0x1500, $0x38;
	[tilespmem:$0x8F00] =	vst v63  }
0xb5: {  	s15 =	sadd.s32 $0x1, s15;
	s31 =	sadd.s32 s29, s7;
	_ =	swait.ge [sflag:s10], $0x1500  }
0xb6: {  	p0 =	sne.s32 s15, $0x8;
	s16 =	sshrl.u32 s31, $0x3;
	[sflag:s10] =	ssyncset.done $0x0  }
.Ltmp1:
0xb7: {  	s16 =	sadd.s32 s5, s16;
	[sflag:s10] =	ssyncadd.s32 $0xFFFFEB00;
	(pc) =	sbr.rel @p0 .LBB2_2-.Ltmp1, $4  }
0xb8: {  	[hbm4b:s16+s2] =	stream.linear.scatter [tilespmem:s13], [sflag:$0x1], $0x1500, $0x38;
	[tilespmem:$0x8F00] =	vst v63  }
0xb9: {  	_ =	swait.ge [sflag:s10], $0x1500  }
0xba: {  	[sflag:s10] =	ssyncset.done $0x0  }
0xbb: {  	[sflag:s10] =	ssyncadd.s32 $0xFFFFEB00  }
0xbc: {  	s14 =	sadd.s32 $0x1, s14  }
0xbd: {  	p0 =	sne.s32 s14, s8  }
.Ltmp2:
0xbe: {  	_ = 	snop;
	(pc) =	sbr.rel @p0 .LBB2_1-.Ltmp2, $1  }
0xbf: {  	_ =	sdelay $0x3  }
0xc0: {  	_ =	sfence.sel $0x180000  }
0xc1: {  	[bflag:$0x0] =	sbarrier.arrive $0xFFFF  }
0xc2: {  	p0 =	sne.s32 s0, $0x0;
	_ =	strace $0x90000047  }
0xc3: {  	s0 =	sadd.s32 @!p0 $0x100000, s1;
	[bflag:$0x2] =	sbarrier.arrive $0xFFFF  }
0xc4: {  	[sflag:s0] =	ssyncadd.tile.s32 @!p0 $0x1;
	_ =	shalt  }
.Lfunc_end2:
_tile_overlayer_lowered:
.L_overlay_start_2:
0xc5: {  	(tag) =	ssettag $0x2  }
0xc6: {  	s0 =	rddreg [dreg:$0x0];
	s2 =	stileid.u32  }
0xc7: {  	s1 =	rddreg [dreg:$0x1];
	p0 =	sne.s32 s2, $0x0  }
0xc8: {  	s3 =	rddreg [dreg:$0x2];
	[bflag:$0x3] =	sbarrier.arrive $0xFFFF;
	s2 =	simm.s32 @!p0 $0x1C01  }
0xc9: {  	[timem:s3], [sflag:s2] =	dma.local @!p0 [hbm:s0], s1  }
0xca: {  	s0 =	simm.s32 @!p0 $0x1  }
0xcb: {  	_ =	swait.ge @!p0 [sflag:s0], s1  }
0xcc: {  	s1 =	ssub.s32 @!p0 $0x0, s1;
	[sflag:s0] =	ssyncset.done @!p0 $0x0  }
0xcd: {  	[sflag:s0] =	ssyncadd.s32 @!p0 s1  }
0xce: {  	[bflag:$0x3] =	sbarrier.arrive $0xFFFF  }
0xcf: {  	_ =	shalt  }

// kernel: kernel.9.cloned.1.call-start
scs
__scs_entry_jumppad:
0x0: {  	(pc) =	sbr.rel $0x88, $3  }
0x1: {  	(tag) =	ssettag $0x0;
	lr =	simm.s32 $0x1  }
0x2: {  	[smem:$0x3F8F] =	sst lr;
	_ =	strace $0xD0000000  }
0x3: {  	_ = 	snop  }
0x4: {  	_ = 	snop  }
0x5: {  	_ = 	snop  }
0x6: {  	_ = 	snop  }
0x7: {  	_ = 	snop  }
__scs_overlays_trampoline_lowered:
0x8: {  	[smem:$0x3F9E] =	sst s0  }
0x9: {  	[smem:$0x3F9F] =	sst s1  }
0xa: {  	[smem:$0x3FA0] =	sst s2  }
0xb: {  	[smem:$0x3FA1] =	sst s3  }
0xc: {  	[smem:$0x3FA2] =	sst s4  }
0xd: {  	[smem:$0x3FA3] =	sst s5  }
0xe: {  	[smem:$0x3FA4] =	sst s6  }
0xf: {  	[smem:$0x3FA5] =	sst s7  }
0x10: {  	[smem:$0x3FA6] =	sst s8  }
0x11: {  	[smem:$0x3FA7] =	sst s9;
	s0 =	simm.s32 @!p0 $0x0  }
0x12: {  	s1 =	sld [smem:$0x3F8D];
	s0 =	simm.s32 @p0 $0x1  }
0x13: {  	[smem:$0x3FA8] =	sst s0;
	s0 =	simm.s32 @!p1 $0x0  }
0x14: {  	s2 =	sld [smem:$0x3F8C];
	s0 =	simm.s32 @p1 $0x1  }
0x15: {  	[smem:$0x3FA9] =	sst s0;
	s0 =	simm.s32 @!p2 $0x0  }
0x16: {  	s3 =	sld [smem:$0x3FDB];
	s0 =	simm.s32 @p2 $0x1  }
0x17: {  	s4 =	simm.s32 $0x1BF5;
	[smem:$0x3FAB] =	sst s0  }
0x18: {  	s0 =	sld [smem:$0x3F8E];
	_ =	swait.ge [sflag:s4], $0x0  }
0x19: {  	s7 =	sld [smem:$0x3F8F]  }
0x1a: {  	s8 =	sadd.s32 $0xFFFFE003, lr  }
0x1b: {  	s9 =	sadd.s32 $0xFFFFFEF7, lr;
	s5 =	simm.s32 $0xFFFFFFFF;
	p2 =	slt.u32 s8, $0xFFFFF086  }
0x1c: {  	p1 =	slt.u32 s9, $0xF7A;
	s5 =	simm.s32 @!p2 $0x0  }
0x1d: {  	s5 =	simm.s32 @p1 $0x1;
	p0 =	seq.s32 s7, s2  }
0x1e: {  	s7 =	smul.u32 @!p0 $0xF7A, s2;
	p2 =	seq.s32 @!p0 s5, $0x0  }
0x1f: {  	s9 =	smul.u32 $0xF7A, s1;
	s8 =	simm.s32 @!p0 $0x1BF5;
	p2 =	por !p2, p0  }
0x20: {  	[sflag:s8] =	ssyncset.s32 @!p0 $0xFFFFF086;
	s6 =	sadd.s32 @!p0 s3, s7;
	s7 =	simm.s32 @!p0 $0x108  }
0x21: {  	s3 =	sadd.s32 s3, s9;
	s6 =	sadd.s32 @!p0 $0x88, s6;
	s7 =	simm.s32 @p2 $0x1082  }
0x22: {  	[simem:s7], [sflag:s8] =	dma.local @!p0 [hbm:s6], $0xF7A  }
0x23: {  	s9 =	sor.u32 $0xD0000000, s2;
	s6 =	simm.s32 $0x108;
	_ =	swait.ge @!p0 [sflag:s8], $0x0  }
0x24: {  	s3 =	sadd.s32 $0x88, s3;
	s6 =	simm.s32 @!p1 $0x1082;
	[sflag:s4] =	ssyncset.s32 $0xFFFFF086  }
0x25: {  	[simem:s6], [sflag:s4] =	dma.local [hbm:s3], $0xF7A  }
0x26: {  	[smem:$0x3F8F] =	sst s1;
	(tag) =	ssettag s2;
	_ =	strace s9  }
0x27: {  	s1 =	sld [smem:$0x3F9F]  }
0x28: {  	s2 =	sld [smem:$0x3FA0]  }
0x29: {  	s4 =	sld [smem:$0x3FA2]  }
0x2a: {  	p0 =	seq.s32 s5, $0x0;
	s5 =	sld [smem:$0x3FA3]  }
0x2b: {  	s6 =	sld [smem:$0x3FA4]  }
0x2c: {  	s7 =	sld [smem:$0x3FA5]  }
0x2d: {  	s3 =	simm.s32 $0x108;
	s8 =	sld [smem:$0x3FA6]  }
0x2e: {  	s3 =	simm.s32 @!p0 $0x1082;
	s9 =	sld [smem:$0x3FA7]  }
0x2f: {  	lr =	sadd.s32 s0, s3;
	s0 =	sld [smem:$0x3F9E]  }
0x30: {  	s3 =	sld [smem:$0x3FA1]  }
0x31: {  	[smem:$0x3FAA] =	sst s10  }
0x32: {  	s10 =	sld [smem:$0x3FA8];
	_ =	sdelay $0x3  }
0x33: {  	p0 =	seq.s32 s10, $0x1;
	s10 =	sld [smem:$0x3FAA];
	_ =	sdelay $0x3  }
0x34: {  	[smem:$0x3FAA] =	sst s10  }
0x35: {  	s10 =	sld [smem:$0x3FA9];
	_ =	sdelay $0x3  }
0x36: {  	p1 =	seq.s32 s10, $0x1;
	s10 =	sld [smem:$0x3FAA];
	_ =	sdelay $0x3  }
0x37: {  	[smem:$0x3FAA] =	sst s10  }
0x38: {  	s10 =	sld [smem:$0x3FAB]  }
0x39: {  	_ = 	snop;
	(pc) =	sbr.ind lr, $3  }
0x3a: {  	_ = 	snop  }
0x3b: {  	_ = 	snop  }
0x3c: {  	p2 =	seq.s32 s10, $0x1;
	s10 =	sld [smem:$0x3FAA]  }
0x3d: {  	_ =	shalt  }
0x3e: {  	_ =	shalt  }
0x3f: {  	_ =	shalt  }
0x40: {  	_ =	shalt  }
0x41: {  	_ =	shalt  }
0x42: {  	_ =	shalt  }
0x43: {  	_ =	shalt  }
0x44: {  	_ =	shalt  }
0x45: {  	_ =	shalt  }
0x46: {  	_ =	shalt  }
0x47: {  	_ =	shalt  }
0x48: {  	_ =	shalt  }
0x49: {  	_ =	shalt  }
0x4a: {  	_ =	shalt  }
0x4b: {  	_ =	shalt  }
0x4c: {  	_ =	shalt  }
0x4d: {  	_ =	shalt  }
0x4e: {  	_ =	shalt  }
0x4f: {  	_ =	shalt  }
0x50: {  	_ =	shalt  }
0x51: {  	_ =	shalt  }
0x52: {  	_ =	shalt  }
0x53: {  	_ =	shalt  }
0x54: {  	_ =	shalt  }
0x55: {  	_ =	shalt  }
0x56: {  	_ =	shalt  }
0x57: {  	_ =	shalt  }
0x58: {  	_ =	shalt  }
0x59: {  	_ =	shalt  }
0x5a: {  	_ =	shalt  }
0x5b: {  	_ =	shalt  }
0x5c: {  	_ =	shalt  }
0x5d: {  	_ =	shalt  }
0x5e: {  	_ =	shalt  }
0x5f: {  	_ =	shalt  }
0x60: {  	_ =	shalt  }
0x61: {  	_ =	shalt  }
0x62: {  	_ =	shalt  }
0x63: {  	_ =	shalt  }
0x64: {  	_ =	shalt  }
0x65: {  	_ =	shalt  }
0x66: {  	_ =	shalt  }
0x67: {  	_ =	shalt  }
0x68: {  	_ =	shalt  }
0x69: {  	_ =	shalt  }
0x6a: {  	_ =	shalt  }
0x6b: {  	_ =	shalt  }
0x6c: {  	_ =	shalt  }
0x6d: {  	_ =	shalt  }
0x6e: {  	_ =	shalt  }
0x6f: {  	_ =	shalt  }
0x70: {  	_ =	shalt  }
0x71: {  	_ =	shalt  }
0x72: {  	_ =	shalt  }
0x73: {  	_ =	shalt  }
0x74: {  	_ =	shalt  }
0x75: {  	_ =	shalt  }
0x76: {  	_ =	shalt  }
0x77: {  	_ =	shalt  }
0x78: {  	_ =	shalt  }
0x79: {  	_ =	shalt  }
0x7a: {  	_ =	shalt  }
0x7b: {  	_ =	shalt  }
0x7c: {  	_ =	shalt  }
0x7d: {  	_ =	shalt  }
0x7e: {  	_ =	shalt  }
0x7f: {  	_ =	shalt  }
0x80: {  	_ =	shalt  }
0x81: {  	_ =	shalt  }
0x82: {  	_ =	shalt  }
0x83: {  	_ =	shalt  }
0x84: {  	_ =	shalt  }
0x85: {  	_ =	shalt  }
0x86: {  	_ =	shalt  }
0x87: {  	_ =	shalt  }
.Lfunc_end0:
.L_simem_size_0:
called_computation.1_lowered:
.L_overlay_start_0:
0x88: {  	s2 =	sld [smem:$0x3FD9]  }
0x89: {  	s3 =	sld [smem:$0x3FFE];
	_ =	sdelay $0x1  }
0x8a: {  	s1 =	srdreg.scid  }
0x8b: {  	s0 =	sand.u32 $0x1, s1  }
0x8c: {  	s16 =	sshll.u32 s0, $0xA;
	s2 =	sadd.s32 s3, s2  }
0x8d: {  	s2 =	sadd.s32 s2, s16  }
0x8e: {  	[smem:$0x3FB6] =	sst s2  }
0x8f: {  	_ = 	snop  }
0x90: {  	(tm) =	ssettm $0x1  }
0x91: {  	s17 =	sld [smem:$0x3FFB];
	_ =	sdelay $0x3  }
0x92: {  	_ =	strace s17  }
0x93: {  	s2 =	sld [smem:$0x3FFC];
	_ =	sdelay $0x3  }
0x94: {  	_ =	strace s2  }
0x95: {  	s2 =	sld [smem:$0x3FFD];
	_ =	sdelay $0x3  }
0x96: {  	_ =	strace s2  }
0x97: {  	_ =	strace $0x8FFFFFFF  }
0x98: {  	s18 =	sld [smem:$0x3FDB];
	_ =	sdelay $0x1  }
0x99: {  	s19 =	simm.s32 $_scs_section_size  }
0x9a: {  	s4 =	simm.s32 $_size__tile_overlayer_lowered;
	s5 =	simm.s32 $_tile_overlayer_lowered  }
0x9b: {  	s22 =	simm.s32 $0x1BFF;
	s21 =	sshll.u32 s5, $0x1;
	s2 =	sadd.s32 s19, s18  }
0x9c: {  	s6 =	simm.s32 $0x0;
	s20 =	sshll.u32 s4, $0x1;
	s4 =	sadd.s32 s21, s2  }
0x9d: {  	[timem:s6], [sflag:s22] =	dma.local [hbm:s4], s20  }
0x9e: {  	_ =	swait.ge [sflag:s22], s20  }
0x9f: {  	s3 =	ssub.s32 $0x0, s20;
	[sflag:s22] =	ssyncset.done $0x0  }
0xa0: {  	[sflag:s22] =	ssyncadd.s32 s3;
	_ =	sdelay $0x1  }
0xa1: {  	s23 =	simm.s32 $0x1B8B  }
0xa2: {  	_ =	swait.ge [sflag:s23], $0x1  }
0xa3: {  	[sflag:s23] =	ssyncset.done $0x0  }
0xa4: {  	s25 =	simm.s32 $0x1B8E;
	s24 =	sld [smem:$0x3FFE];
	[sflag:s23] =	ssyncadd.s32 $0xFFFFFFFF  }
0xa5: {  	s26 =	simm.s32 $execute0_lowered;
	[smem:$0x3FD2] =	sst s25  }
0xa6: {  	s4 =	sshll.u32 s26, $0x1;
	_ =	strace $0x80000049;
	[dreg:$0x1] =	wrdreg $0xFFFFFFFF  }
0xa7: {  	s28 =	simm.s32 $_size_execute0_lowered;
	s2 =	sadd.s32 s2, s4;
	[dreg:$0x0] =	wrdreg $0x0  }
0xa8: {  	s4 =	sshll.u32 s28, $0x1;
	[dreg:$0x2] =	wrdreg s2  }
0xa9: {  	[dreg:$0x3] =	wrdreg s4  }
0xaa: {  	[dreg:$0x4] =	wrdreg $0xC0  }
0xab: {  	_ =	task [dreg:s6], $0x5FFFF  }
0xac: {  	[dreg:$0x1] =	wrdreg $0xFFFFFFFF  }
0xad: {  	[dreg:$0x0] =	wrdreg $0x60  }
0xae: {  	[dreg:$0x2] =	wrdreg s24  }
0xaf: {  	[dreg:$0x3] =	wrdreg $0xF4000  }
0xb0: {  	[dreg:$0x4] =	wrdreg $0x9  }
0xb1: {  	_ =	task.clear_ibuf [dreg:s6], $0x5FFFF;
	_ =	strace $0x90000049  }
0xb2: {  	s29 =	simm.s32 $0x9;
	_ =	strace $0x8000004B  }
0xb3: {  	_ =	swait.ge [sflag:s29], $0x1  }
0xb4: {  	[sflag:s29] =	ssyncadd.s32 $0xFFFFFFFF  }
0xb5: {  	_ =	strace $0x9000004B  }
0xb6: {  	_ =	sfence  }
0xb7: {  	s30 =	sld [smem:$0x0];
	_ =	sdelay $0x2  }
0xb8: {  	s31 =	sshll.u32 s1, $0xD;
	s1 =	sshrl.u32 s1, $0x2  }
0xb9: {  	s3 =	sand.u32 $0x4000, s31;
	s1 =	sadd.s32 s1, s30  }
0xba: {  	s0 =	sor.u32 s3, s0;
	s1 =	sshll.u32 s1, $0x11  }
0xbb: {  	s0 =	sor.u32 s1, s0  }
0xbc: {  	s0 =	sadd.s32 $0x8F2B, s0  }
0xbd: {  	[sflag:s0] =	ssyncadd.remote.s32 $0x1  }
0xbe: {  	_ =	sfence.sel $0xFFFF  }
0xbf: {  	[dreg:$0x0] =	wrdreg $0xFFFFFFFF;
	(pc) =	sbr.abs _section_cstart, $3  }
0xc0: {  	[dreg:$0x1] =	wrdreg $0xFFFFFFFF  }
0xc1: {  	_ =	task.clear_ibuf [dreg:s6], $0x2FFFF;
	_ =	strace $0x9FFFFFFF  }
0xc2: {  	(tm) =	ssettm $0x7FFFFFFF  }
0xc3: {  	_ =	shalt  }
tec
execute0_lowered:
.L_overlay_start_1:
0x0: {  	(tag) =	ssettag $0x1  }
0x1: {  	s0 =	rddreg [dreg:$0x0]  }
0x2: {  	s3 =	rddreg [dreg:$0x1];
	s1 =	simm.s32 $0x0  }
0x3: {  	s14 =	srdreg.scid;
	[smem:$0x7FF] =	sst s1  }
0x4: {  	s2 =	sadd.s32 $0x60200, s0;
	s4 =	sadd.s32 $0xC200, s0;
	s12 =	sand.u32 $0x1, s14  }
0x5: {  	s6 =	sadd.s32 $0x6E00, s0;
	_ =	strace $0x8000004A;
	[dreg:$0x3] =	wrdreg s2  }
0x6: {  	s2 =	stileid.u32;
	s5 =	ssub.s32 $0x2, s12;
	s10 =	sshll.u32 s12, $0x4  }
0x7: {  	s8 =	smul.u32 $0xA000, s2;
	s9 =	sshrl.u32 s5, $0x1;
	s16 =	sor.u32 s2, s10  }
0x8: {  	s15 =	ssub.s32 s5, s9;
	s17 =	sshll.u32 s16, $0x4;
	s5 =	smul.u32 $0x13880, s16  }
0x9: {  	s7 =	sadd.s32 $0xAE400, s0;
	s11 =	smul.u32 $0x280, s2;
	[dreg:$0x4] =	wrdreg s17  }
0xa: {  	s8 =	sshrl.u32 s8, $0x2;
	s0 =	smax.u32 s15, $0x1;
	[dreg:$0x5] =	wrdreg s5  }
0xb: {  	s9 =	sadd.s32 s11, s3;
	s3 =	sadd.s32 s8, s3;
	[dreg:$0x10] =	wrdreg s0  }
0xc: {  	s18 =	sadd.s32 $0x2800, s9;
	[dreg:$0x6] =	wrdreg s3  }
0xd: {  	s19 =	sadd.s32 $0x5000, s9;
	[dreg:$0x7] =	wrdreg s18  }
0xe: {  	s31 =	simm.s32 $0xB500;
	s20 =	sadd.s32 $0x7800, s9;
	[dreg:$0x8] =	wrdreg s19  }
0xf: {  	s13 =	simm.s32 $0x0;
	s21 =	sadd.s32 $0xA000, s9;
	[dreg:$0x9] =	wrdreg s20  }
0x10: {  	s30 =	sshll.u32 s12, $0x3;
	s22 =	sadd.s32 $0xC800, s9;
	[dreg:$0xa] =	wrdreg s21  }
0x11: {  	s10 =	simm.s32 $0x7800;
	s23 =	sadd.s32 $0xF000, s9;
	[dreg:$0xb] =	wrdreg s22  }
0x12: {  	s24 =	sadd.s32 $0x11800, s9;
	s25 =	sadd.s32 $0x14000, s9;
	[dreg:$0xc] =	wrdreg s23  }
0x13: {  	s26 =	sadd.s32 $0x16800, s9;
	s28 =	sadd.s32 $0x23000, s9;
	[dreg:$0xd] =	wrdreg s24  }
0x14: {  	s29 =	sadd.s32 $0x25800, s9;
	s0 =	simm.s32 $0xDF00;
	[dreg:$0xe] =	wrdreg s25  }
0x15: {  	s5 =	simm.s32 $0x2800;
	s8 =	simm.s32 $0x5000;
	[dreg:$0xf] =	wrdreg s26  }
0x16: {  	s21 =	sadd.s32 $0x19000, s9;
	s22 =	sadd.s32 $0x1B800, s9;
	s23 =	sadd.s32 $0x1E000, s9  }
0x17: {  	s24 =	sor.u32 $0x500000, s11;
	s26 =	sadd.s32 $0x20800, s9;
	s20 =	smov.u32 s12  }
0x18: {  	v0 =	vimm.f32 $0.0e+00;
	v1 =	vimm.s32 $0x0;
	s25 =	simm.s32 $0x3;
	s3 =	simm.s32 $0x1;
	s11 =	simm.s32 $0x2  }
.LBB2_1:
0x19: {  	[dreg:$0x11] =	wrdreg s13;
	s12 =	simm.s32 $0x0  }
.LBB2_2:
0x1a: {  	s13 =	sshll.u32 s12, $0x1  }
0x1b: {  	s13 =	sor.u32 s20, s13  }
0x1c: {  	s14 =	simm.s32 $0xA000;
	s13 =	smul.u32 $0x2A000, s13  }
0x1d: {  	[tilespmem:s14], [sflag:$0x1] =	stream.linear.gather [hbm4b:s6+s1], $0x1500, $0x38;
	[tilespmem:$0x14680] =	vst v63  }
0x1e: {  	s15 =	smul.u32 $0x2710, s12;
	s16 =	sshrl.u32 s13, $0x3  }
0x1f: {  	s17 =	rddreg [dreg:$0x5];
	s14 =	sadd.s32 s4, s16;
	s16 =	simm.s32 $0xCA00  }
0x20: {  	[tilespmem:s16], [sflag:$0x1] =	stream.linear.gather [hbm4b:s14+s1], $0x1500, $0x38;
	[tilespmem:$0x14680] =	vst v63  }
0x21: {  	s14 =	sadd.s32 s17, s15  }
0x22: {  	s18 =	rddreg [dreg:$0x3];
	s14 =	sshrl.u32 s14, $0x3  }
0x23: {  	s14 =	sadd.s32 s18, s14  }
0x24: {  	[tilespmem:s1], [sflag:$0x3] =	stream.linear.gather [hbm4b:s14+s1], $0x2710, $0x38;
	[tilespmem:$0x14680] =	vst v63  }
0x25: {  	_ =	swait.ge [sflag:s25], $0x2710  }
0x26: {  	[sflag:s25] =	ssyncset.done $0x0  }
0x27: {  	s19 =	simm.s32 $0x2820;
	[sflag:s25] =	ssyncadd.s32 $0xFFFFD8F0  }
0x28: {  	[tilespmem:s19+$0xFFFFFFF0] =	vst v0  }
0x29: {  	[tilespmem:s19+$0x0] =	vst v0  }
0x2a: {  	[tilespmem:s19+$0x10] =	vst v0  }
0x2b: {  	s15 =	simm.s32 $0x5020;
	[tilespmem:s19+$0xFFFFFFE0] =	vst v0  }
0x2c: {  	[tilespmem:s15+$0xFFFFFFF0] =	vst v0  }
0x2d: {  	[tilespmem:s15+$0x0] =	vst v0  }
0x2e: {  	[tilespmem:s15+$0x10] =	vst v0  }
0x2f: {  	s16 =	simm.s32 $0x7820;
	[tilespmem:s15+$0xFFFFFFE0] =	vst v0  }
0x30: {  	[tilespmem:s16+$0xFFFFFFF0] =	vst v0  }
0x31: {  	[tilespmem:s16+$0x0] =	vst v0  }
0x32: {  	[tilespmem:s16+$0x10] =	vst v0  }
0x33: {  	s17 =	simm.s32 $0x0;
	s18 =	simm.s32 $0x2860;
	s14 =	simm.s32 $0x2720;
	[tilespmem:s16+$0xFFFFFFE0] =	vst v0  }
.LBB2_3:
0x34: {  	[tilespmem:s18+$0xFFFFFFF0] =	vst v0;
	s15 =	sadd.s32 $0x40, s15  }
0x35: {  	s16 =	sadd.s32 $0x40, s16;
	[tilespmem:s15+$0xFFFFFFF0] =	vst v0  }
0x36: {  	[tilespmem:s16+$0xFFFFFFF0] =	vst v0  }
0x37: {  	[tilespmem:s18+$0x0] =	vst v0  }
0x38: {  	[tilespmem:s15+$0x0] =	vst v0  }
0x39: {  	s17 =	sadd.s32 $0x4, s17;
	[tilespmem:s16+$0x0] =	vst v0  }
0x3a: {  	p0 =	slt.u32 s17, $0x27C;
	[tilespmem:s18+$0x10] =	vst v0  }
.Ltmp0:
0x3b: {  	[tilespmem:s15+$0x10] =	vst v0;
	(pc) =	sbr.rel @p0 .LBB2_3-.Ltmp0, $4  }
0x3c: {  	[tilespmem:s16+$0x10] =	vst v0  }
0x3d: {  	[tilespmem:s18+$0xFFFFFFE0] =	vst v0  }
0x3e: {  	[tilespmem:s15+$0xFFFFFFE0] =	vst v0  }
0x3f: {  	s18 =	sadd.s32 $0x40, s18;
	[tilespmem:s16+$0xFFFFFFE0] =	vst v0  }
0x40: {  	s15 =	simm.s32 $0x0;
	[tilespmem:s14+$0xFFFFFFF0] =	vst v1  }
.LBB2_5:
0x41: {  	s15 =	sadd.s32 $0x2, s15  }
0x42: {  	p0 =	slt.u32 s15, $0xC  }
.Ltmp1:
0x43: {  	_ = 	snop;
	(pc) =	sbr.rel @p0 .LBB2_5-.Ltmp1, $3  }
0x44: {  	_ =	sdelay $0x1  }
0x45: {  	[tilespmem:s14+$0x0] =	vst v1;
	s14 =	sadd.s32 $0x20, s14  }
0x46: {  	[tilespmem:s14+$0xFFFFFFF0] =	vst v1  }
.Ltmp2:
0x47: {  	(pc) =	sbr.rel .LBB2_7-.Ltmp2, $3  }
0x48: {  	_ =	sdelay $0x1  }
0x49: {  	[tilespmem:s14+$0x0] =	vst v1  }
0x4a: {  	s14 =	simm.s32 $0x0;
	[tilespmem:$0x27F0] =	vst v1  }
.LBB2_20:
0x4b: {  	_ =	sdelay $0x3  }
0x4c: {  	[tilespmem:v2+s5+$0x0] =	vst.idx.add.f32.msk $0xffff, v4  }
0x4d: {  	[tilespmem:v2+s8+$0x0] =	vst.idx.add.f32.msk $0xffff, v3  }
.LBB2_21:
0x4e: {  	s14 =	sadd.s32 $0x1, s14  }
0x4f: {  	p0 =	sne.s32 s14, $0x10  }
.Ltmp3:
0x50: {  	_ = 	snop;
	(pc) =	sbr.rel @!p0 .LBB2_22-.Ltmp3, $1  }
0x51: {  	_ =	sdelay $0x3  }
.LBB2_7:
0x52: {  	s15 =	sshllo.u32 s14, $0x1  }
0x53: {  	s16 =	smul.u32 $0x1500, s15;
	_ =	sdelay $0x1  }
0x54: {  	s17 =	sshrl.u32 s16, $0x3;
	s16 =	sadd.s32 s13, s16  }
0x55: {  	s17 =	sadd.s32 s6, s17;
	s16 =	sshrl.u32 s16, $0x3  }
0x56: {  	[tilespmem:s31], [sflag:$0x2] =	stream.linear.gather [hbm4b:s17+s1], $0x1500, $0x38;
	[tilespmem:$0x14680] =	vst v63  }
0x57: {  	s19 =	sshll.u32 s14, $0x1;
	s16 =	sadd.s32 s4, s16  }
0x58: {  	[tilespmem:s0], [sflag:$0x2] =	stream.linear.gather [hbm4b:s16+s1], $0x1500, $0x38;
	[tilespmem:$0x14680] =	vst v63  }
0x59: {  	s16 =	sand.u32 $0xE, s19  }
0x5a: {  	_ =	swait.ge [sflag:s3], $0x1500;
	p0 =	sne.s32 s16, s2  }
.Ltmp4:
0x5b: {  	[sflag:s3] =	ssyncset.done $0x0;
	(pc) =	sbr.rel @p0 .LBB2_11-.Ltmp4, $4  }
0x5c: {  	[sflag:s3] =	ssyncadd.s32 $0xFFFFEB00  }
0x5d: {  	_ =	swait.ge [sflag:s3], $0x1500  }
0x5e: {  	s18 =	simm.s32 $0xFFFFFFF8;
	[sflag:s3] =	ssyncset.done $0x0  }
0x5f: {  	s17 =	simm.s32 $0xA040;
	s16 =	simm.s32 $0xCA40;
	[sflag:s3] =	ssyncadd.s32 $0xFFFFEB00  }
0x60: {  	v2 =	vld [tilespmem:s17+$0x30];
	_ =	sdelay $0x2  }
0x61: {  	v3 =	vld [tilespmem:s17+$0xFFFFFFD0]  }
0x62: {  	v4 =	vld [tilespmem:s17+$0xFFFFFFE0]  }
0x63: {  	v5 =	vld [tilespmem:s17+$0xFFFFFFF0];
	v7 =	vand.u32 $0x3FFF, v2  }
0x64: {  	v6 =	vld [tilespmem:s17+$0x0]  }
0x65: {  	v10 =	vld [tilespmem:s17+$0xFFFFFFC0]  }
0x66: {  	v8 =	vld [tilespmem:s17+$0x10]  }
0x67: {  	v11 =	vld [tilespmem:s17+$0x20]  }
0x68: {  	v7 =	vld.idx.msk [tilespmem:v7+s1+$0x0], $0xffff  }
0x69: {  	v17 =	vld [tilespmem:s16+$0x30];
	v9 =	vand.u32 $0x3FFF, v3  }
0x6a: {  	v56 =	vld [tilespmem:s16+$0xFFFFFFE0];
	v16 =	vand.u32 $0x3FFF, v10  }
0x6b: {  	v57 =	vld [tilespmem:s16+$0xFFFFFFF0];
	v2 =	vshrl.u32 v2, $0xE  }
0x6c: {  	v21 =	vld [tilespmem:s16+$0x0]  }
0x6d: {  	v59 =	vld [tilespmem:s16+$0x10];
	v19 =	vshll.u32 v7, $0x10  }
0x6e: {  	v9 =	vld.idx.msk [tilespmem:v9+s1+$0x0], $0xffff;
	v7 =	vand.u32 $0xFFFF0000, v7;
	v19 =	vmul.f32 v19, v17  }
0x6f: {  	v16 =	vld.idx.msk [tilespmem:v16+s1+$0x0], $0xffff;
	v7 =	vmul.f32 v7, v17  }
0x70: {  	v12 =	vand.u32 $0x3FFF, v4;
	[tilespmem:v2+s5+$0x0] =	vst.idx.add.f32.msk $0xffff, v19  }
0x71: {  	v13 =	vand.u32 $0x3FFF, v5;
	[tilespmem:v2+s8+$0x0] =	vst.idx.add.f32.msk $0xffff, v7  }
0x72: {  	v14 =	vand.u32 $0x3FFF, v6;
	v7 =	vld [tilespmem:s16+$0xFFFFFFD0]  }
0x73: {  	v15 =	vand.u32 $0x3FFF, v8;
	[tilespmem:v2+s10+$0x0] =	vst.idx.add.f32.msk $0xffff, v17  }
0x74: {  	v18 =	vand.u32 $0x3FFF, v11;
	v2 =	vld [tilespmem:s16+$0xFFFFFFC0]  }
0x75: {  	v22 =	vshrl.u32 v3, $0xE;
	v12 =	vld.idx.msk [tilespmem:v12+s1+$0x0], $0xffff  }
0x76: {  	v10 =	vshrl.u32 v10, $0xE;
	v13 =	vld.idx.msk [tilespmem:v13+s1+$0x0], $0xffff  }
0x77: {  	v14 =	vld.idx.msk [tilespmem:v14+s1+$0x0], $0xffff;
	v24 =	vshll.u32 v9, $0x10  }
0x78: {  	v15 =	vld.idx.msk [tilespmem:v15+s1+$0x0], $0xffff;
	v20 =	vshll.u32 v16, $0x10;
	v60 =	vmul.f32 v24, v7  }
0x79: {  	v18 =	vld.idx.msk [tilespmem:v18+s1+$0x0], $0xffff;
	v9 =	vand.u32 $0xFFFF0000, v9;
	v58 =	vmul.f32 v20, v2  }
0x7a: {  	v3 =	vand.u32 $0xFFFF0000, v16;
	v9 =	vmul.f32 v9, v7;
	[tilespmem:v22+s5+$0x0] =	vst.idx.add.f32.msk $0xffff, v60  }
0x7b: {  	v23 =	vmul.f32 v3, v2;
	[tilespmem:v10+s5+$0x0] =	vst.idx.add.f32.msk $0xffff, v58  }
0x7c: {  	v5 =	vshrl.u32 v5, $0xE;
	[tilespmem:v22+s8+$0x0] =	vst.idx.add.f32.msk $0xffff, v9  }
0x7d: {  	v4 =	vshrl.u32 v4, $0xE;
	[tilespmem:v10+s8+$0x0] =	vst.idx.add.f32.msk $0xffff, v23  }
0x7e: {  	[tilespmem:v22+s10+$0x0] =	vst.idx.add.f32.msk $0xffff, v7;
	v7 =	vshll.u32 v13, $0x10  }
0x7f: {  	[tilespmem:v10+s10+$0x0] =	vst.idx.add.f32.msk $0xffff, v2;
	v2 =	vshll.u32 v12, $0x10;
	v7 =	vmul.f32 v7, v57  }
0x80: {  	v61 =	vand.u32 $0xFFFF0000, v12;
	v3 =	vld [tilespmem:s16+$0x20];
	v2 =	vmul.f32 v2, v56  }
0x81: {  	v62 =	vmul.f32 v61, v56;
	[tilespmem:v5+s5+$0x0] =	vst.idx.add.f32.msk $0xffff, v7  }
0x82: {  	v6 =	vshrl.u32 v6, $0xE;
	[tilespmem:v4+s5+$0x0] =	vst.idx.add.f32.msk $0xffff, v2;
	v2 =	vand.u32 $0xFFFF0000, v13  }
0x83: {  	[tilespmem:v4+s8+$0x0] =	vst.idx.add.f32.msk $0xffff, v62;
	v2 =	vmul.f32 v2, v57  }
0x84: {  	[tilespmem:v4+s10+$0x0] =	vst.idx.add.f32.msk $0xffff, v56;
	v4 =	vshll.u32 v14, $0x10  }
0x85: {  	v63 =	vand.u32 $0xFFFF0000, v14;
	v7 =	vshrl.u32 v8, $0xE;
	v4 =	vmul.f32 v4, v21;
	[tilespmem:v5+s8+$0x0] =	vst.idx.add.f32.msk $0xffff, v2  }
0x86: {  	v8 =	vmul.f32 v63, v21;
	[tilespmem:v5+s10+$0x0] =	vst.idx.add.f32.msk $0xffff, v57  }
0x87: {  	v5 =	vshll.u32 v15, $0x10;
	[tilespmem:v6+s5+$0x0] =	vst.idx.add.f32.msk $0xffff, v4  }
0x88: {  	v2 =	vshrl.u32 v11, $0xE;
	v4 =	vand.u32 $0xFFFF0000, v15;
	v5 =	vmul.f32 v5, v59;
	[tilespmem:v6+s8+$0x0] =	vst.idx.add.f32.msk $0xffff, v8  }
0x89: {  	v4 =	vmul.f32 v4, v59;
	[tilespmem:v6+s10+$0x0] =	vst.idx.add.f32.msk $0xffff, v21  }
0x8a: {  	v6 =	vshll.u32 v18, $0x10;
	[tilespmem:v7+s5+$0x0] =	vst.idx.add.f32.msk $0xffff, v5  }
0x8b: {  	v5 =	vmul.f32 v6, v3;
	[tilespmem:v7+s8+$0x0] =	vst.idx.add.f32.msk $0xffff, v4  }
0x8c: {  	v4 =	vand.u32 $0xFFFF0000, v18;
	[tilespmem:v7+s10+$0x0] =	vst.idx.add.f32.msk $0xffff, v59  }
0x8d: {  	s18 =	sadd.s32 $0x8, s18;
	s17 =	sadd.s32 $0x80, s17;
	v4 =	vmul.f32 v4, v3;
	[tilespmem:v2+s5+$0x0] =	vst.idx.add.f32.msk $0xffff, v5  }
.LBB2_9:
0x8e: {  	v5 =	vld [tilespmem:s17+$0x30]  }
0x8f: {  	v6 =	vld [tilespmem:s17+$0xFFFFFFD0]  }
0x90: {  	s18 =	sadd.s32 $0x8, s18;
	v7 =	vld [tilespmem:s17+$0xFFFFFFE0]  }
0x91: {  	p0 =	slt.u32 s18, $0x148;
	v8 =	vld [tilespmem:s17+$0xFFFFFFF0]  }
0x92: {  	v9 =	vld [tilespmem:s17+$0x0]  }
0x93: {  	v10 =	vld [tilespmem:s17+$0x10];
	v11 =	vand.u32 $0x3FFF, v5  }
0x94: {  	v12 =	vshrl.u32 v6, $0xE;
	v6 =	vand.u32 $0x3FFF, v6;
	v13 =	vld [tilespmem:s17+$0x20]  }
0x95: {  	v14 =	vld [tilespmem:s17+$0xFFFFFFC0];
	v15 =	vshrl.u32 v7, $0xE;
	v7 =	vand.u32 $0x3FFF, v7  }
0x96: {  	v16 =	vshrl.u32 v8, $0xE;
	v8 =	vand.u32 $0x3FFF, v8;
	[tilespmem:v2+s8+$0x0] =	vst.idx.add.f32.msk $0xffff, v4  }
0x97: {  	v17 =	vshrl.u32 v9, $0xE;
	v4 =	vand.u32 $0x3FFF, v9;
	[tilespmem:v2+s10+$0x0] =	vst.idx.add.f32.msk $0xffff, v3  }
0x98: {  	v9 =	vshrl.u32 v10, $0xE;
	v3 =	vand.u32 $0x3FFF, v10;
	v10 =	vld.idx.msk [tilespmem:v11+s1+$0x0], $0xffff  }
0x99: {  	s16 =	sadd.s32 $0x80, s16;
	v6 =	vld.idx.msk [tilespmem:v6+s1+$0x0], $0xffff;
	v2 =	vshrl.u32 v13, $0xE;
	v11 =	vand.u32 $0x3FFF, v13  }
0x9a: {  	v13 =	vshrl.u32 v14, $0xE;
	v14 =	vand.u32 $0x3FFF, v14;
	v18 =	vld [tilespmem:s16+$0x30]  }
0x9b: {  	v7 =	vld.idx.msk [tilespmem:v7+s1+$0x0], $0xffff  }
0x9c: {  	v5 =	vshrl.u32 v5, $0xE;
	v8 =	vld.idx.msk [tilespmem:v8+s1+$0x0], $0xffff  }
0x9d: {  	v4 =	vld.idx.msk [tilespmem:v4+s1+$0x0], $0xffff  }
0x9e: {  	v19 =	vshll.u32 v10, $0x10;
	v3 =	vld.idx.msk [tilespmem:v3+s1+$0x0], $0xffff  }
0x9f: {  	v10 =	vand.u32 $0xFFFF0000, v10;
	v20 =	vshll.u32 v6, $0x10;
	v14 =	vld.idx.msk [tilespmem:v14+s1+$0x0], $0xffff;
	v19 =	vmul.f32 v19, v18  }
0xa0: {  	v6 =	vand.u32 $0xFFFF0000, v6;
	v10 =	vmul.f32 v10, v18;
	v11 =	vld.idx.msk [tilespmem:v11+s1+$0x0], $0xffff  }
0xa1: {  	v21 =	vshll.u32 v7, $0x10;
	v7 =	vand.u32 $0xFFFF0000, v7;
	[tilespmem:v5+s5+$0x0] =	vst.idx.add.f32.msk $0xffff, v19  }
0xa2: {  	v19 =	vshll.u32 v8, $0x10;
	v8 =	vand.u32 $0xFFFF0000, v8;
	[tilespmem:v5+s8+$0x0] =	vst.idx.add.f32.msk $0xffff, v10  }
0xa3: {  	v10 =	vshll.u32 v4, $0x10;
	v4 =	vand.u32 $0xFFFF0000, v4;
	[tilespmem:v5+s10+$0x0] =	vst.idx.add.f32.msk $0xffff, v18  }
0xa4: {  	v18 =	vshll.u32 v3, $0x10;
	v22 =	vand.u32 $0xFFFF0000, v3;
	v5 =	vld [tilespmem:s16+$0xFFFFFFC0]  }
0xa5: {  	v3 =	vshll.u32 v14, $0x10;
	v14 =	vand.u32 $0xFFFF0000, v14;
	v23 =	vld [tilespmem:s16+$0xFFFFFFD0]  }
0xa6: {  	v25 =	vshll.u32 v11, $0x10;
	v11 =	vand.u32 $0xFFFF0000, v11;
	v24 =	vld [tilespmem:s16+$0xFFFFFFE0]  }
0xa7: {  	v26 =	vld [tilespmem:s16+$0xFFFFFFF0]  }
0xa8: {  	v27 =	vld [tilespmem:s16+$0x0]  }
0xa9: {  	v28 =	vmul.f32 v3, v5;
	v14 =	vmul.f32 v14, v5;
	v29 =	vld [tilespmem:s16+$0x10]  }
0xaa: {  	v20 =	vmul.f32 v20, v23;
	v6 =	vmul.f32 v6, v23;
	v3 =	vld [tilespmem:s16+$0x20]  }
0xab: {  	[tilespmem:v13+s5+$0x0] =	vst.idx.add.f32.msk $0xffff, v28;
	v21 =	vmul.f32 v21, v24;
	v7 =	vmul.f32 v7, v24  }
0xac: {  	[tilespmem:v13+s8+$0x0] =	vst.idx.add.f32.msk $0xffff, v14;
	v14 =	vmul.f32 v19, v26;
	v8 =	vmul.f32 v8, v26  }
0xad: {  	[tilespmem:v13+s10+$0x0] =	vst.idx.add.f32.msk $0xffff, v5;
	v5 =	vmul.f32 v10, v27;
	v10 =	vmul.f32 v4, v27  }
0xae: {  	[tilespmem:v12+s5+$0x0] =	vst.idx.add.f32.msk $0xffff, v20;
	v13 =	vmul.f32 v18, v29;
	v18 =	vmul.f32 v22, v29  }
0xaf: {  	[tilespmem:v12+s8+$0x0] =	vst.idx.add.f32.msk $0xffff, v6;
	v6 =	vmul.f32 v25, v3;
	v4 =	vmul.f32 v11, v3  }
0xb0: {  	[tilespmem:v12+s10+$0x0] =	vst.idx.add.f32.msk $0xffff, v23  }
0xb1: {  	[tilespmem:v15+s5+$0x0] =	vst.idx.add.f32.msk $0xffff, v21  }
0xb2: {  	[tilespmem:v15+s8+$0x0] =	vst.idx.add.f32.msk $0xffff, v7  }
0xb3: {  	[tilespmem:v15+s10+$0x0] =	vst.idx.add.f32.msk $0xffff, v24  }
0xb4: {  	[tilespmem:v16+s5+$0x0] =	vst.idx.add.f32.msk $0xffff, v14  }
0xb5: {  	[tilespmem:v16+s8+$0x0] =	vst.idx.add.f32.msk $0xffff, v8  }
0xb6: {  	[tilespmem:v16+s10+$0x0] =	vst.idx.add.f32.msk $0xffff, v26  }
0xb7: {  	[tilespmem:v17+s5+$0x0] =	vst.idx.add.f32.msk $0xffff, v5  }
0xb8: {  	[tilespmem:v17+s8+$0x0] =	vst.idx.add.f32.msk $0xffff, v10  }
.Ltmp5:
0xb9: {  	[tilespmem:v17+s10+$0x0] =	vst.idx.add.f32.msk $0xffff, v27;
	(pc) =	sbr.rel @p0 .LBB2_9-.Ltmp5, $4  }
0xba: {  	[tilespmem:v9+s5+$0x0] =	vst.idx.add.f32.msk $0xffff, v13  }
0xbb: {  	[tilespmem:v9+s8+$0x0] =	vst.idx.add.f32.msk $0xffff, v18  }
0xbc: {  	[tilespmem:v9+s10+$0x0] =	vst.idx.add.f32.msk $0xffff, v29  }
0xbd: {  	s17 =	sadd.s32 $0x80, s17;
	[tilespmem:v2+s5+$0x0] =	vst.idx.add.f32.msk $0xffff, v6  }
0xbe: {  	_ = 	snop  }
.Ltmp6:
0xbf: {  	_ = 	snop;
	(pc) =	sbr.rel .LBB2_14-.Ltmp6, $3  }
0xc0: {  	_ =	sdelay $0x1  }
0xc1: {  	[tilespmem:v2+s8+$0x0] =	vst.idx.add.f32.msk $0xffff, v4  }
0xc2: {  	[tilespmem:v2+s10+$0x0] =	vst.idx.add.f32.msk $0xffff, v3  }
.LBB2_11:
0xc3: {  	v2 =	vld [tilespmem:s17+$0x30];
	_ =	sdelay $0x1  }
0xc4: {  	v3 =	vld [tilespmem:s17+$0xFFFFFFD0]  }
0xc5: {  	v4 =	vld [tilespmem:s17+$0xFFFFFFE0]  }
0xc6: {  	v5 =	vld [tilespmem:s17+$0xFFFFFFF0]  }
0xc7: {  	v6 =	vld [tilespmem:s17+$0x0];
	v7 =	vand.u32 $0x3FFF, v2  }
0xc8: {  	v8 =	vld [tilespmem:s17+$0x10]  }
0xc9: {  	v10 =	vld [tilespmem:s17+$0xFFFFFFC0]  }
0xca: {  	v11 =	vld [tilespmem:s17+$0x20]  }
0xcb: {  	v17 =	vld [tilespmem:s16+$0x30]  }
0xcc: {  	v7 =	vld.idx.msk [tilespmem:v7+s1+$0x0], $0xffff  }
0xcd: {  	v57 =	vld [tilespmem:s16+$0xFFFFFFE0];
	v9 =	vand.u32 $0x3FFF, v3  }
0xce: {  	v58 =	vld [tilespmem:s16+$0xFFFFFFF0];
	v16 =	vand.u32 $0x3FFF, v10  }
0xcf: {  	v21 =	vld [tilespmem:s16+$0x0];
	v2 =	vshrl.u32 v2, $0xE  }
0xd0: {  	v22 =	vld [tilespmem:s16+$0x10]  }
0xd1: {  	v59 =	vld [tilespmem:s16+$0x20];
	v19 =	vshll.u32 v7, $0x10  }
0xd2: {  	v9 =	vld.idx.msk [tilespmem:v9+s1+$0x0], $0xffff;
	v7 =	vand.u32 $0xFFFF0000, v7;
	v19 =	vmul.f32 v19, v17  }
0xd3: {  	v12 =	vand.u32 $0x3FFF, v4;
	v16 =	vld.idx.msk [tilespmem:v16+s1+$0x0], $0xffff;
	v7 =	vmul.f32 v7, v17  }
0xd4: {  	v13 =	vand.u32 $0x3FFF, v5;
	[tilespmem:v2+s5+$0x0] =	vst.idx.add.f32.msk $0xffff, v19  }
0xd5: {  	v14 =	vand.u32 $0x3FFF, v6;
	[tilespmem:v2+s8+$0x0] =	vst.idx.add.f32.msk $0xffff, v7  }
0xd6: {  	v15 =	vand.u32 $0x3FFF, v8;
	v2 =	vld [tilespmem:s16+$0xFFFFFFC0]  }
0xd7: {  	v18 =	vand.u32 $0x3FFF, v11;
	v7 =	vld [tilespmem:s16+$0xFFFFFFD0]  }
0xd8: {  	v10 =	vshrl.u32 v10, $0xE;
	v12 =	vld.idx.msk [tilespmem:v12+s1+$0x0], $0xffff  }
0xd9: {  	v3 =	vshrl.u32 v3, $0xE;
	v13 =	vld.idx.msk [tilespmem:v13+s1+$0x0], $0xffff  }
0xda: {  	v14 =	vld.idx.msk [tilespmem:v14+s1+$0x0], $0xffff;
	v20 =	vshll.u32 v16, $0x10  }
0xdb: {  	v15 =	vld.idx.msk [tilespmem:v15+s1+$0x0], $0xffff;
	v23 =	vshll.u32 v9, $0x10;
	v20 =	vmul.f32 v20, v2  }
0xdc: {  	v4 =	vshrl.u32 v4, $0xE;
	v18 =	vld.idx.msk [tilespmem:v18+s1+$0x0], $0xffff;
	v16 =	vand.u32 $0xFFFF0000, v16;
	v23 =	vmul.f32 v23, v7  }
0xdd: {  	v5 =	vshrl.u32 v5, $0xE;
	v9 =	vand.u32 $0xFFFF0000, v9;
	v2 =	vmul.f32 v16, v2;
	[tilespmem:v10+s5+$0x0] =	vst.idx.add.f32.msk $0xffff, v20  }
0xde: {  	v60 =	vshll.u32 v12, $0x10;
	v7 =	vmul.f32 v9, v7;
	[tilespmem:v3+s5+$0x0] =	vst.idx.add.f32.msk $0xffff, v23  }
0xdf: {  	v62 =	vshll.u32 v13, $0x10;
	v61 =	vmul.f32 v60, v57;
	[tilespmem:v10+s8+$0x0] =	vst.idx.add.f32.msk $0xffff, v2  }
0xe0: {  	v6 =	vshrl.u32 v6, $0xE;
	v2 =	vand.u32 $0xFFFF0000, v12;
	[tilespmem:v3+s8+$0x0] =	vst.idx.add.f32.msk $0xffff, v7;
	v7 =	vmul.f32 v62, v58  }
0xe1: {  	v8 =	vshrl.u32 v8, $0xE;
	[tilespmem:v4+s5+$0x0] =	vst.idx.add.f32.msk $0xffff, v61;
	v3 =	vand.u32 $0xFFFF0000, v13;
	v2 =	vmul.f32 v2, v57  }
0xe2: {  	v63 =	vshll.u32 v14, $0x10;
	v3 =	vmul.f32 v3, v58;
	[tilespmem:v5+s5+$0x0] =	vst.idx.add.f32.msk $0xffff, v7  }
0xe3: {  	v7 =	vshll.u32 v15, $0x10;
	[tilespmem:v4+s8+$0x0] =	vst.idx.add.f32.msk $0xffff, v2;
	v4 =	vmul.f32 v63, v21  }
0xe4: {  	v2 =	vand.u32 $0xFFFF0000, v14;
	[tilespmem:v5+s8+$0x0] =	vst.idx.add.f32.msk $0xffff, v3;
	v5 =	vmul.f32 v7, v22  }
0xe5: {  	v3 =	vand.u32 $0xFFFF0000, v15;
	v2 =	vmul.f32 v2, v21;
	[tilespmem:v6+s5+$0x0] =	vst.idx.add.f32.msk $0xffff, v4  }
0xe6: {  	v7 =	vmul.f32 v3, v22;
	[tilespmem:v8+s5+$0x0] =	vst.idx.add.f32.msk $0xffff, v5  }
0xe7: {  	v3 =	vshll.u32 v18, $0x10;
	[tilespmem:v6+s8+$0x0] =	vst.idx.add.f32.msk $0xffff, v2;
	v6 =	vand.u32 $0xFFFF0000, v18  }
0xe8: {  	s18 =	sadd.s32 $0x8, s18;
	s17 =	sadd.s32 $0x80, s17;
	v4 =	vmul.f32 v3, v59;
	v2 =	vshrl.u32 v11, $0xE;
	[tilespmem:v8+s8+$0x0] =	vst.idx.add.f32.msk $0xffff, v7;
	v3 =	vmul.f32 v6, v59  }
.LBB2_12:
0xe9: {  	v5 =	vld [tilespmem:s17+$0x30]  }
0xea: {  	s18 =	sadd.s32 $0x8, s18;
	v6 =	vld [tilespmem:s17+$0xFFFFFFD0]  }
0xeb: {  	p0 =	slt.u32 s18, $0x148;
	v7 =	vld [tilespmem:s17+$0xFFFFFFE0]  }
0xec: {  	v8 =	vld [tilespmem:s17+$0xFFFFFFF0]  }
0xed: {  	v9 =	vld [tilespmem:s17+$0x0]  }
0xee: {  	v10 =	vld [tilespmem:s17+$0x10];
	v11 =	vand.u32 $0x3FFF, v5  }
0xef: {  	v12 =	vshrl.u32 v6, $0xE;
	v6 =	vand.u32 $0x3FFF, v6;
	v13 =	vld [tilespmem:s17+$0x20]  }
0xf0: {  	v14 =	vld [tilespmem:s17+$0xFFFFFFC0];
	v15 =	vshrl.u32 v7, $0xE;
	v7 =	vand.u32 $0x3FFF, v7  }
0xf1: {  	v16 =	vshrl.u32 v8, $0xE;
	v8 =	vand.u32 $0x3FFF, v8;
	[tilespmem:v2+s5+$0x0] =	vst.idx.add.f32.msk $0xffff, v4  }
0xf2: {  	v17 =	vshrl.u32 v9, $0xE;
	v4 =	vand.u32 $0x3FFF, v9;
	[tilespmem:v2+s8+$0x0] =	vst.idx.add.f32.msk $0xffff, v3  }
0xf3: {  	v9 =	vshrl.u32 v10, $0xE;
	v3 =	vand.u32 $0x3FFF, v10;
	v10 =	vld.idx.msk [tilespmem:v11+s1+$0x0], $0xffff  }
0xf4: {  	s16 =	sadd.s32 $0x80, s16;
	v6 =	vld.idx.msk [tilespmem:v6+s1+$0x0], $0xffff;
	v2 =	vshrl.u32 v13, $0xE;
	v11 =	vand.u32 $0x3FFF, v13  }
0xf5: {  	v13 =	vshrl.u32 v14, $0xE;
	v14 =	vand.u32 $0x3FFF, v14;
	v18 =	vld [tilespmem:s16+$0x30]  }
0xf6: {  	v7 =	vld.idx.msk [tilespmem:v7+s1+$0x0], $0xffff  }
0xf7: {  	v5 =	vshrl.u32 v5, $0xE;
	v8 =	vld.idx.msk [tilespmem:v8+s1+$0x0], $0xffff  }
0xf8: {  	v4 =	vld.idx.msk [tilespmem:v4+s1+$0x0], $0xffff  }
0xf9: {  	v19 =	vshll.u32 v10, $0x10;
	v3 =	vld.idx.msk [tilespmem:v3+s1+$0x0], $0xffff  }
0xfa: {  	v10 =	vand.u32 $0xFFFF0000, v10;
	v20 =	vshll.u32 v6, $0x10;
	v14 =	vld.idx.msk [tilespmem:v14+s1+$0x0], $0xffff;
	v19 =	vmul.f32 v19, v18  }
0xfb: {  	v6 =	vand.u32 $0xFFFF0000, v6;
	v10 =	vmul.f32 v10, v18;
	v11 =	vld.idx.msk [tilespmem:v11+s1+$0x0], $0xffff  }
0xfc: {  	v18 =	vshll.u32 v7, $0x10;
	v7 =	vand.u32 $0xFFFF0000, v7;
	[tilespmem:v5+s5+$0x0] =	vst.idx.add.f32.msk $0xffff, v19  }
0xfd: {  	v19 =	vshll.u32 v8, $0x10;
	v8 =	vand.u32 $0xFFFF0000, v8;
	[tilespmem:v5+s8+$0x0] =	vst.idx.add.f32.msk $0xffff, v10  }
0xfe: {  	v10 =	vshll.u32 v4, $0x10;
	v4 =	vand.u32 $0xFFFF0000, v4;
	v5 =	vld [tilespmem:s16+$0xFFFFFFC0]  }
0xff: {  	v22 =	vshll.u32 v3, $0x10;
	v3 =	vand.u32 $0xFFFF0000, v3;
	v21 =	vld [tilespmem:s16+$0xFFFFFFD0]  }
0x100: {  	v23 =	vshll.u32 v14, $0x10;
	v14 =	vand.u32 $0xFFFF0000, v14;
	v24 =	vld [tilespmem:s16+$0xFFFFFFE0]  }
0x101: {  	v26 =	vshll.u32 v11, $0x10;
	v11 =	vand.u32 $0xFFFF0000, v11;
	v25 =	vld [tilespmem:s16+$0xFFFFFFF0]  }
0x102: {  	v27 =	vld [tilespmem:s16+$0x0]  }
0x103: {  	v23 =	vmul.f32 v23, v5;
	v5 =	vmul.f32 v14, v5;
	v14 =	vld [tilespmem:s16+$0x10]  }
0x104: {  	v20 =	vmul.f32 v20, v21;
	v6 =	vmul.f32 v6, v21;
	v21 =	vld [tilespmem:s16+$0x20]  }
0x105: {  	[tilespmem:v13+s5+$0x0] =	vst.idx.add.f32.msk $0xffff, v23;
	v18 =	vmul.f32 v18, v24;
	v7 =	vmul.f32 v7, v24  }
0x106: {  	[tilespmem:v13+s8+$0x0] =	vst.idx.add.f32.msk $0xffff, v5;
	v5 =	vmul.f32 v19, v25;
	v8 =	vmul.f32 v8, v25  }
0x107: {  	[tilespmem:v12+s5+$0x0] =	vst.idx.add.f32.msk $0xffff, v20;
	v10 =	vmul.f32 v10, v27;
	v13 =	vmul.f32 v4, v27  }
0x108: {  	[tilespmem:v12+s8+$0x0] =	vst.idx.add.f32.msk $0xffff, v6;
	v6 =	vmul.f32 v22, v14;
	v12 =	vmul.f32 v3, v14  }
0x109: {  	[tilespmem:v15+s5+$0x0] =	vst.idx.add.f32.msk $0xffff, v18;
	v4 =	vmul.f32 v26, v21;
	v3 =	vmul.f32 v11, v21  }
0x10a: {  	[tilespmem:v15+s8+$0x0] =	vst.idx.add.f32.msk $0xffff, v7  }
0x10b: {  	[tilespmem:v16+s5+$0x0] =	vst.idx.add.f32.msk $0xffff, v5  }
.Ltmp7:
0x10c: {  	[tilespmem:v16+s8+$0x0] =	vst.idx.add.f32.msk $0xffff, v8;
	(pc) =	sbr.rel @p0 .LBB2_12-.Ltmp7, $4  }
0x10d: {  	[tilespmem:v17+s5+$0x0] =	vst.idx.add.f32.msk $0xffff, v10  }
0x10e: {  	[tilespmem:v17+s8+$0x0] =	vst.idx.add.f32.msk $0xffff, v13  }
0x10f: {  	[tilespmem:v9+s5+$0x0] =	vst.idx.add.f32.msk $0xffff, v6  }
0x110: {  	s17 =	sadd.s32 $0x80, s17;
	[tilespmem:v9+s8+$0x0] =	vst.idx.add.f32.msk $0xffff, v12  }
0x111: {  	_ =	sdelay $0x3  }
0x112: {  	[tilespmem:v2+s5+$0x0] =	vst.idx.add.f32.msk $0xffff, v4  }
0x113: {  	[tilespmem:v2+s8+$0x0] =	vst.idx.add.f32.msk $0xffff, v3  }
.LBB2_14:
0x114: {  	p0 =	seq.s32 s14, $0xF  }
0x115: {  	s16 =	smul.u32 @!p0 $0x2A00, s14;
	_ =	sdelay $0x1  }
0x116: {  	s16 =	sadd.s32 @!p0 $0x2A00, s16  }
0x117: {  	s18 =	simm.s32 @!p0 $0x0;
	s17 =	sshrl.u32 @!p0 s16, $0x3;
	s16 =	sadd.s32 @!p0 s13, s16  }
0x118: {  	s19 =	simm.s32 @!p0 $0xA000;
	s17 =	sadd.s32 @!p0 s6, s17;
	s16 =	sshrl.u32 @!p0 s16, $0x3  }
0x119: {  	[tilespmem:s19], [sflag:$0x1] =	stream.linear.gather @!p0 [hbm4b:s17+s18], $0x1500, $0x38;
	[tilespmem:$0x14680] =	vst v63  }
0x11a: {  	s15 =	sand.u32 $0xF, s15;
	s16 =	sadd.s32 @!p0 s4, s16;
	s17 =	simm.s32 @!p0 $0xCA00  }
0x11b: {  	[tilespmem:s17], [sflag:$0x1] =	stream.linear.gather @!p0 [hbm4b:s16+s18], $0x1500, $0x38;
	[tilespmem:$0x14680] =	vst v63  }
0x11c: {  	p0 =	sne.s32 s15, s2;
	_ =	swait.ge [sflag:s11], $0x1500  }
.Ltmp8:
0x11d: {  	[sflag:s11] =	ssyncset.done $0x0;
	(pc) =	sbr.rel @p0 .LBB2_18-.Ltmp8, $4  }
0x11e: {  	[sflag:s11] =	ssyncadd.s32 $0xFFFFEB00  }
0x11f: {  	_ =	swait.ge [sflag:s11], $0x1500  }
0x120: {  	s17 =	simm.s32 $0xFFFFFFF8;
	[sflag:s11] =	ssyncset.done $0x0  }
0x121: {  	s15 =	simm.s32 $0xDF70;
	s16 =	simm.s32 $0xB570;
	[sflag:s11] =	ssyncadd.s32 $0xFFFFEB00  }
0x122: {  	v2 =	vld [tilespmem:s16+$0x0];
	_ =	sdelay $0x2  }
0x123: {  	v3 =	vld [tilespmem:s16+$0xFFFFFFA0]  }
0x124: {  	v4 =	vld [tilespmem:s16+$0xFFFFFFB0]  }
0x125: {  	v5 =	vld [tilespmem:s16+$0xFFFFFFC0];
	v7 =	vand.u32 $0x3FFF, v2  }
0x126: {  	v6 =	vld [tilespmem:s16+$0xFFFFFFD0]  }
0x127: {  	v10 =	vld [tilespmem:s16+$0xFFFFFF90]  }
0x128: {  	v8 =	vld [tilespmem:s16+$0xFFFFFFE0]  }
0x129: {  	v11 =	vld [tilespmem:s16+$0xFFFFFFF0]  }
0x12a: {  	v7 =	vld.idx.msk [tilespmem:v7+s1+$0x0], $0xffff  }
0x12b: {  	v17 =	vld [tilespmem:s15+$0x0];
	v9 =	vand.u32 $0x3FFF, v3  }
0x12c: {  	v56 =	vld [tilespmem:s15+$0xFFFFFFB0];
	v16 =	vand.u32 $0x3FFF, v10  }
0x12d: {  	v57 =	vld [tilespmem:s15+$0xFFFFFFC0];
	v2 =	vshrl.u32 v2, $0xE  }
0x12e: {  	v21 =	vld [tilespmem:s15+$0xFFFFFFD0]  }
0x12f: {  	v59 =	vld [tilespmem:s15+$0xFFFFFFE0];
	v19 =	vshll.u32 v7, $0x10  }
0x130: {  	v9 =	vld.idx.msk [tilespmem:v9+s1+$0x0], $0xffff;
	v7 =	vand.u32 $0xFFFF0000, v7;
	v19 =	vmul.f32 v19, v17  }
0x131: {  	v16 =	vld.idx.msk [tilespmem:v16+s1+$0x0], $0xffff;
	v7 =	vmul.f32 v7, v17  }
0x132: {  	v12 =	vand.u32 $0x3FFF, v4;
	[tilespmem:v2+s5+$0x0] =	vst.idx.add.f32.msk $0xffff, v19  }
0x133: {  	v13 =	vand.u32 $0x3FFF, v5;
	[tilespmem:v2+s8+$0x0] =	vst.idx.add.f32.msk $0xffff, v7  }
0x134: {  	v14 =	vand.u32 $0x3FFF, v6;
	v7 =	vld [tilespmem:s15+$0xFFFFFFA0]  }
0x135: {  	v15 =	vand.u32 $0x3FFF, v8;
	[tilespmem:v2+s10+$0x0] =	vst.idx.add.f32.msk $0xffff, v17  }
0x136: {  	v18 =	vand.u32 $0x3FFF, v11;
	v2 =	vld [tilespmem:s15+$0xFFFFFF90]  }
0x137: {  	v22 =	vshrl.u32 v3, $0xE;
	v12 =	vld.idx.msk [tilespmem:v12+s1+$0x0], $0xffff  }
0x138: {  	v10 =	vshrl.u32 v10, $0xE;
	v13 =	vld.idx.msk [tilespmem:v13+s1+$0x0], $0xffff  }
0x139: {  	v14 =	vld.idx.msk [tilespmem:v14+s1+$0x0], $0xffff;
	v24 =	vshll.u32 v9, $0x10  }
0x13a: {  	v15 =	vld.idx.msk [tilespmem:v15+s1+$0x0], $0xffff;
	v20 =	vshll.u32 v16, $0x10;
	v60 =	vmul.f32 v24, v7  }
0x13b: {  	v18 =	vld.idx.msk [tilespmem:v18+s1+$0x0], $0xffff;
	v9 =	vand.u32 $0xFFFF0000, v9;
	v58 =	vmul.f32 v20, v2  }
0x13c: {  	v3 =	vand.u32 $0xFFFF0000, v16;
	v9 =	vmul.f32 v9, v7;
	[tilespmem:v22+s5+$0x0] =	vst.idx.add.f32.msk $0xffff, v60  }
0x13d: {  	v23 =	vmul.f32 v3, v2;
	[tilespmem:v10+s5+$0x0] =	vst.idx.add.f32.msk $0xffff, v58  }
0x13e: {  	v5 =	vshrl.u32 v5, $0xE;
	[tilespmem:v22+s8+$0x0] =	vst.idx.add.f32.msk $0xffff, v9  }
0x13f: {  	v4 =	vshrl.u32 v4, $0xE;
	[tilespmem:v10+s8+$0x0] =	vst.idx.add.f32.msk $0xffff, v23  }
0x140: {  	[tilespmem:v22+s10+$0x0] =	vst.idx.add.f32.msk $0xffff, v7;
	v7 =	vshll.u32 v13, $0x10  }
0x141: {  	[tilespmem:v10+s10+$0x0] =	vst.idx.add.f32.msk $0xffff, v2;
	v2 =	vshll.u32 v12, $0x10;
	v7 =	vmul.f32 v7, v57  }
0x142: {  	v61 =	vand.u32 $0xFFFF0000, v12;
	v3 =	vld [tilespmem:s15+$0xFFFFFFF0];
	v2 =	vmul.f32 v2, v56  }
0x143: {  	v62 =	vmul.f32 v61, v56;
	[tilespmem:v5+s5+$0x0] =	vst.idx.add.f32.msk $0xffff, v7  }
0x144: {  	v6 =	vshrl.u32 v6, $0xE;
	[tilespmem:v4+s5+$0x0] =	vst.idx.add.f32.msk $0xffff, v2;
	v2 =	vand.u32 $0xFFFF0000, v13  }
0x145: {  	[tilespmem:v4+s8+$0x0] =	vst.idx.add.f32.msk $0xffff, v62;
	v2 =	vmul.f32 v2, v57  }
0x146: {  	[tilespmem:v4+s10+$0x0] =	vst.idx.add.f32.msk $0xffff, v56;
	v4 =	vshll.u32 v14, $0x10  }
0x147: {  	v63 =	vand.u32 $0xFFFF0000, v14;
	v7 =	vshrl.u32 v8, $0xE;
	v4 =	vmul.f32 v4, v21;
	[tilespmem:v5+s8+$0x0] =	vst.idx.add.f32.msk $0xffff, v2  }
0x148: {  	v8 =	vmul.f32 v63, v21;
	[tilespmem:v5+s10+$0x0] =	vst.idx.add.f32.msk $0xffff, v57  }
0x149: {  	v5 =	vshll.u32 v15, $0x10;
	[tilespmem:v6+s5+$0x0] =	vst.idx.add.f32.msk $0xffff, v4  }
0x14a: {  	v2 =	vshrl.u32 v11, $0xE;
	v4 =	vand.u32 $0xFFFF0000, v15;
	v5 =	vmul.f32 v5, v59;
	[tilespmem:v6+s8+$0x0] =	vst.idx.add.f32.msk $0xffff, v8  }
0x14b: {  	v4 =	vmul.f32 v4, v59;
	[tilespmem:v6+s10+$0x0] =	vst.idx.add.f32.msk $0xffff, v21  }
0x14c: {  	v6 =	vshll.u32 v18, $0x10;
	[tilespmem:v7+s5+$0x0] =	vst.idx.add.f32.msk $0xffff, v5  }
0x14d: {  	v5 =	vmul.f32 v6, v3;
	[tilespmem:v7+s8+$0x0] =	vst.idx.add.f32.msk $0xffff, v4  }
0x14e: {  	v4 =	vand.u32 $0xFFFF0000, v18;
	[tilespmem:v7+s10+$0x0] =	vst.idx.add.f32.msk $0xffff, v59  }
0x14f: {  	s17 =	sadd.s32 $0x8, s17;
	s16 =	sadd.s32 $0x80, s16;
	v4 =	vmul.f32 v4, v3;
	[tilespmem:v2+s5+$0x0] =	vst.idx.add.f32.msk $0xffff, v5  }
.LBB2_16:
0x150: {  	v5 =	vld [tilespmem:s16+$0x0]  }
0x151: {  	v6 =	vld [tilespmem:s16+$0xFFFFFFA0]  }
0x152: {  	s17 =	sadd.s32 $0x8, s17;
	v7 =	vld [tilespmem:s16+$0xFFFFFFB0]  }
0x153: {  	p0 =	slt.u32 s17, $0x148;
	v8 =	vld [tilespmem:s16+$0xFFFFFFC0]  }
0x154: {  	v9 =	vld [tilespmem:s16+$0xFFFFFFD0]  }
0x155: {  	v10 =	vld [tilespmem:s16+$0xFFFFFFE0];
	v11 =	vand.u32 $0x3FFF, v5  }
0x156: {  	v12 =	vshrl.u32 v6, $0xE;
	v6 =	vand.u32 $0x3FFF, v6;
	v13 =	vld [tilespmem:s16+$0xFFFFFFF0]  }
0x157: {  	v14 =	vld [tilespmem:s16+$0xFFFFFF90];
	v15 =	vshrl.u32 v7, $0xE;
	v7 =	vand.u32 $0x3FFF, v7  }
0x158: {  	v16 =	vshrl.u32 v8, $0xE;
	v8 =	vand.u32 $0x3FFF, v8;
	[tilespmem:v2+s8+$0x0] =	vst.idx.add.f32.msk $0xffff, v4  }
0x159: {  	v17 =	vshrl.u32 v9, $0xE;
	v4 =	vand.u32 $0x3FFF, v9;
	[tilespmem:v2+s10+$0x0] =	vst.idx.add.f32.msk $0xffff, v3  }
0x15a: {  	v9 =	vshrl.u32 v10, $0xE;
	v3 =	vand.u32 $0x3FFF, v10;
	v10 =	vld.idx.msk [tilespmem:v11+s1+$0x0], $0xffff  }
0x15b: {  	s15 =	sadd.s32 $0x80, s15;
	v6 =	vld.idx.msk [tilespmem:v6+s1+$0x0], $0xffff;
	v2 =	vshrl.u32 v13, $0xE;
	v11 =	vand.u32 $0x3FFF, v13  }
0x15c: {  	v13 =	vshrl.u32 v14, $0xE;
	v14 =	vand.u32 $0x3FFF, v14;
	v18 =	vld [tilespmem:s15+$0x0]  }
0x15d: {  	v7 =	vld.idx.msk [tilespmem:v7+s1+$0x0], $0xffff  }
0x15e: {  	v5 =	vshrl.u32 v5, $0xE;
	v8 =	vld.idx.msk [tilespmem:v8+s1+$0x0], $0xffff  }
0x15f: {  	v4 =	vld.idx.msk [tilespmem:v4+s1+$0x0], $0xffff  }
0x160: {  	v19 =	vshll.u32 v10, $0x10;
	v3 =	vld.idx.msk [tilespmem:v3+s1+$0x0], $0xffff  }
0x161: {  	v10 =	vand.u32 $0xFFFF0000, v10;
	v20 =	vshll.u32 v6, $0x10;
	v14 =	vld.idx.msk [tilespmem:v14+s1+$0x0], $0xffff;
	v19 =	vmul.f32 v19, v18  }
0x162: {  	v6 =	vand.u32 $0xFFFF0000, v6;
	v10 =	vmul.f32 v10, v18;
	v11 =	vld.idx.msk [tilespmem:v11+s1+$0x0], $0xffff  }
0x163: {  	v21 =	vshll.u32 v7, $0x10;
	v7 =	vand.u32 $0xFFFF0000, v7;
	[tilespmem:v5+s5+$0x0] =	vst.idx.add.f32.msk $0xffff, v19  }
0x164: {  	v19 =	vshll.u32 v8, $0x10;
	v8 =	vand.u32 $0xFFFF0000, v8;
	[tilespmem:v5+s8+$0x0] =	vst.idx.add.f32.msk $0xffff, v10  }
0x165: {  	v10 =	vshll.u32 v4, $0x10;
	v4 =	vand.u32 $0xFFFF0000, v4;
	[tilespmem:v5+s10+$0x0] =	vst.idx.add.f32.msk $0xffff, v18  }
0x166: {  	v18 =	vshll.u32 v3, $0x10;
	v22 =	vand.u32 $0xFFFF0000, v3;
	v5 =	vld [tilespmem:s15+$0xFFFFFF90]  }
0x167: {  	v3 =	vshll.u32 v14, $0x10;
	v14 =	vand.u32 $0xFFFF0000, v14;
	v23 =	vld [tilespmem:s15+$0xFFFFFFA0]  }
0x168: {  	v25 =	vshll.u32 v11, $0x10;
	v11 =	vand.u32 $0xFFFF0000, v11;
	v24 =	vld [tilespmem:s15+$0xFFFFFFB0]  }
0x169: {  	v26 =	vld [tilespmem:s15+$0xFFFFFFC0]  }
0x16a: {  	v27 =	vld [tilespmem:s15+$0xFFFFFFD0]  }
0x16b: {  	v28 =	vmul.f32 v3, v5;
	v14 =	vmul.f32 v14, v5;
	v29 =	vld [tilespmem:s15+$0xFFFFFFE0]  }
0x16c: {  	v20 =	vmul.f32 v20, v23;
	v6 =	vmul.f32 v6, v23;
	v3 =	vld [tilespmem:s15+$0xFFFFFFF0]  }
0x16d: {  	[tilespmem:v13+s5+$0x0] =	vst.idx.add.f32.msk $0xffff, v28;
	v21 =	vmul.f32 v21, v24;
	v7 =	vmul.f32 v7, v24  }
0x16e: {  	[tilespmem:v13+s8+$0x0] =	vst.idx.add.f32.msk $0xffff, v14;
	v14 =	vmul.f32 v19, v26;
	v8 =	vmul.f32 v8, v26  }
0x16f: {  	[tilespmem:v13+s10+$0x0] =	vst.idx.add.f32.msk $0xffff, v5;
	v5 =	vmul.f32 v10, v27;
	v10 =	vmul.f32 v4, v27  }
0x170: {  	[tilespmem:v12+s5+$0x0] =	vst.idx.add.f32.msk $0xffff, v20;
	v13 =	vmul.f32 v18, v29;
	v18 =	vmul.f32 v22, v29  }
0x171: {  	[tilespmem:v12+s8+$0x0] =	vst.idx.add.f32.msk $0xffff, v6;
	v6 =	vmul.f32 v25, v3;
	v4 =	vmul.f32 v11, v3  }
0x172: {  	[tilespmem:v12+s10+$0x0] =	vst.idx.add.f32.msk $0xffff, v23  }
0x173: {  	[tilespmem:v15+s5+$0x0] =	vst.idx.add.f32.msk $0xffff, v21  }
0x174: {  	[tilespmem:v15+s8+$0x0] =	vst.idx.add.f32.msk $0xffff, v7  }
0x175: {  	[tilespmem:v15+s10+$0x0] =	vst.idx.add.f32.msk $0xffff, v24  }
0x176: {  	[tilespmem:v16+s5+$0x0] =	vst.idx.add.f32.msk $0xffff, v14  }
0x177: {  	[tilespmem:v16+s8+$0x0] =	vst.idx.add.f32.msk $0xffff, v8  }
0x178: {  	[tilespmem:v16+s10+$0x0] =	vst.idx.add.f32.msk $0xffff, v26  }
0x179: {  	[tilespmem:v17+s5+$0x0] =	vst.idx.add.f32.msk $0xffff, v5  }
0x17a: {  	[tilespmem:v17+s8+$0x0] =	vst.idx.add.f32.msk $0xffff, v10  }
.Ltmp9:
0x17b: {  	[tilespmem:v17+s10+$0x0] =	vst.idx.add.f32.msk $0xffff, v27;
	(pc) =	sbr.rel @p0 .LBB2_16-.Ltmp9, $4  }
0x17c: {  	[tilespmem:v9+s5+$0x0] =	vst.idx.add.f32.msk $0xffff, v13  }
0x17d: {  	[tilespmem:v9+s8+$0x0] =	vst.idx.add.f32.msk $0xffff, v18  }
0x17e: {  	[tilespmem:v9+s10+$0x0] =	vst.idx.add.f32.msk $0xffff, v29  }
0x17f: {  	s16 =	sadd.s32 $0x80, s16;
	[tilespmem:v2+s5+$0x0] =	vst.idx.add.f32.msk $0xffff, v6  }
0x180: {  	_ = 	snop  }
.Ltmp10:
0x181: {  	_ = 	snop;
	(pc) =	sbr.rel .LBB2_21-.Ltmp10, $3  }
0x182: {  	_ =	sdelay $0x1  }
0x183: {  	[tilespmem:v2+s8+$0x0] =	vst.idx.add.f32.msk $0xffff, v4  }
0x184: {  	[tilespmem:v2+s10+$0x0] =	vst.idx.add.f32.msk $0xffff, v3  }
.LBB2_18:
0x185: {  	v2 =	vld [tilespmem:s16+$0x0];
	_ =	sdelay $0x1  }
0x186: {  	v3 =	vld [tilespmem:s16+$0xFFFFFFA0]  }
0x187: {  	v4 =	vld [tilespmem:s16+$0xFFFFFFB0]  }
0x188: {  	v5 =	vld [tilespmem:s16+$0xFFFFFFC0]  }
0x189: {  	v6 =	vld [tilespmem:s16+$0xFFFFFFD0];
	v7 =	vand.u32 $0x3FFF, v2  }
0x18a: {  	v8 =	vld [tilespmem:s16+$0xFFFFFFE0]  }
0x18b: {  	v10 =	vld [tilespmem:s16+$0xFFFFFF90]  }
0x18c: {  	v11 =	vld [tilespmem:s16+$0xFFFFFFF0]  }
0x18d: {  	v17 =	vld [tilespmem:s15+$0x0]  }
0x18e: {  	v7 =	vld.idx.msk [tilespmem:v7+s1+$0x0], $0xffff  }
0x18f: {  	v57 =	vld [tilespmem:s15+$0xFFFFFFB0];
	v9 =	vand.u32 $0x3FFF, v3  }
0x190: {  	v58 =	vld [tilespmem:s15+$0xFFFFFFC0];
	v16 =	vand.u32 $0x3FFF, v10  }
0x191: {  	v21 =	vld [tilespmem:s15+$0xFFFFFFD0];
	v2 =	vshrl.u32 v2, $0xE  }
0x192: {  	v22 =	vld [tilespmem:s15+$0xFFFFFFE0]  }
0x193: {  	v59 =	vld [tilespmem:s15+$0xFFFFFFF0];
	v19 =	vshll.u32 v7, $0x10  }
0x194: {  	v9 =	vld.idx.msk [tilespmem:v9+s1+$0x0], $0xffff;
	v7 =	vand.u32 $0xFFFF0000, v7;
	v19 =	vmul.f32 v19, v17  }
0x195: {  	v12 =	vand.u32 $0x3FFF, v4;
	v16 =	vld.idx.msk [tilespmem:v16+s1+$0x0], $0xffff;
	v7 =	vmul.f32 v7, v17  }
0x196: {  	v13 =	vand.u32 $0x3FFF, v5;
	[tilespmem:v2+s5+$0x0] =	vst.idx.add.f32.msk $0xffff, v19  }
0x197: {  	v14 =	vand.u32 $0x3FFF, v6;
	[tilespmem:v2+s8+$0x0] =	vst.idx.add.f32.msk $0xffff, v7  }
0x198: {  	v15 =	vand.u32 $0x3FFF, v8;
	v2 =	vld [tilespmem:s15+$0xFFFFFF90]  }
0x199: {  	v18 =	vand.u32 $0x3FFF, v11;
	v7 =	vld [tilespmem:s15+$0xFFFFFFA0]  }
0x19a: {  	v10 =	vshrl.u32 v10, $0xE;
	v12 =	vld.idx.msk [tilespmem:v12+s1+$0x0], $0xffff  }
0x19b: {  	v3 =	vshrl.u32 v3, $0xE;
	v13 =	vld.idx.msk [tilespmem:v13+s1+$0x0], $0xffff  }
0x19c: {  	v14 =	vld.idx.msk [tilespmem:v14+s1+$0x0], $0xffff;
	v20 =	vshll.u32 v16, $0x10  }
0x19d: {  	v15 =	vld.idx.msk [tilespmem:v15+s1+$0x0], $0xffff;
	v23 =	vshll.u32 v9, $0x10;
	v20 =	vmul.f32 v20, v2  }
0x19e: {  	v4 =	vshrl.u32 v4, $0xE;
	v18 =	vld.idx.msk [tilespmem:v18+s1+$0x0], $0xffff;
	v16 =	vand.u32 $0xFFFF0000, v16;
	v23 =	vmul.f32 v23, v7  }
0x19f: {  	v5 =	vshrl.u32 v5, $0xE;
	v9 =	vand.u32 $0xFFFF0000, v9;
	v2 =	vmul.f32 v16, v2;
	[tilespmem:v10+s5+$0x0] =	vst.idx.add.f32.msk $0xffff, v20  }
0x1a0: {  	v60 =	vshll.u32 v12, $0x10;
	v7 =	vmul.f32 v9, v7;
	[tilespmem:v3+s5+$0x0] =	vst.idx.add.f32.msk $0xffff, v23  }
0x1a1: {  	v62 =	vshll.u32 v13, $0x10;
	v61 =	vmul.f32 v60, v57;
	[tilespmem:v10+s8+$0x0] =	vst.idx.add.f32.msk $0xffff, v2  }
0x1a2: {  	v6 =	vshrl.u32 v6, $0xE;
	v2 =	vand.u32 $0xFFFF0000, v12;
	[tilespmem:v3+s8+$0x0] =	vst.idx.add.f32.msk $0xffff, v7;
	v7 =	vmul.f32 v62, v58  }
0x1a3: {  	v8 =	vshrl.u32 v8, $0xE;
	[tilespmem:v4+s5+$0x0] =	vst.idx.add.f32.msk $0xffff, v61;
	v3 =	vand.u32 $0xFFFF0000, v13;
	v2 =	vmul.f32 v2, v57  }
0x1a4: {  	v63 =	vshll.u32 v14, $0x10;
	v3 =	vmul.f32 v3, v58;
	[tilespmem:v5+s5+$0x0] =	vst.idx.add.f32.msk $0xffff, v7  }
0x1a5: {  	v7 =	vshll.u32 v15, $0x10;
	[tilespmem:v4+s8+$0x0] =	vst.idx.add.f32.msk $0xffff, v2;
	v4 =	vmul.f32 v63, v21  }
0x1a6: {  	v2 =	vand.u32 $0xFFFF0000, v14;
	[tilespmem:v5+s8+$0x0] =	vst.idx.add.f32.msk $0xffff, v3;
	v5 =	vmul.f32 v7, v22  }
0x1a7: {  	v3 =	vand.u32 $0xFFFF0000, v15;
	v2 =	vmul.f32 v2, v21;
	[tilespmem:v6+s5+$0x0] =	vst.idx.add.f32.msk $0xffff, v4  }
0x1a8: {  	v7 =	vmul.f32 v3, v22;
	[tilespmem:v8+s5+$0x0] =	vst.idx.add.f32.msk $0xffff, v5  }
0x1a9: {  	v3 =	vshll.u32 v18, $0x10;
	[tilespmem:v6+s8+$0x0] =	vst.idx.add.f32.msk $0xffff, v2;
	v6 =	vand.u32 $0xFFFF0000, v18  }
0x1aa: {  	s17 =	sadd.s32 $0x8, s17;
	s16 =	sadd.s32 $0x80, s16;
	v4 =	vmul.f32 v3, v59;
	v2 =	vshrl.u32 v11, $0xE;
	[tilespmem:v8+s8+$0x0] =	vst.idx.add.f32.msk $0xffff, v7;
	v3 =	vmul.f32 v6, v59  }
.LBB2_19:
0x1ab: {  	v5 =	vld [tilespmem:s16+$0x0]  }
0x1ac: {  	s17 =	sadd.s32 $0x8, s17;
	v6 =	vld [tilespmem:s16+$0xFFFFFFA0]  }
0x1ad: {  	p0 =	slt.u32 s17, $0x148;
	v7 =	vld [tilespmem:s16+$0xFFFFFFB0]  }
0x1ae: {  	v8 =	vld [tilespmem:s16+$0xFFFFFFC0]  }
0x1af: {  	v9 =	vld [tilespmem:s16+$0xFFFFFFD0]  }
0x1b0: {  	v10 =	vld [tilespmem:s16+$0xFFFFFFE0];
	v11 =	vand.u32 $0x3FFF, v5  }
0x1b1: {  	v12 =	vshrl.u32 v6, $0xE;
	v6 =	vand.u32 $0x3FFF, v6;
	v13 =	vld [tilespmem:s16+$0xFFFFFFF0]  }
0x1b2: {  	v14 =	vld [tilespmem:s16+$0xFFFFFF90];
	v15 =	vshrl.u32 v7, $0xE;
	v7 =	vand.u32 $0x3FFF, v7  }
0x1b3: {  	v16 =	vshrl.u32 v8, $0xE;
	v8 =	vand.u32 $0x3FFF, v8;
	[tilespmem:v2+s5+$0x0] =	vst.idx.add.f32.msk $0xffff, v4  }
0x1b4: {  	v17 =	vshrl.u32 v9, $0xE;
	v4 =	vand.u32 $0x3FFF, v9;
	[tilespmem:v2+s8+$0x0] =	vst.idx.add.f32.msk $0xffff, v3  }
0x1b5: {  	v9 =	vshrl.u32 v10, $0xE;
	v3 =	vand.u32 $0x3FFF, v10;
	v10 =	vld.idx.msk [tilespmem:v11+s1+$0x0], $0xffff  }
0x1b6: {  	s15 =	sadd.s32 $0x80, s15;
	v6 =	vld.idx.msk [tilespmem:v6+s1+$0x0], $0xffff;
	v2 =	vshrl.u32 v13, $0xE;
	v11 =	vand.u32 $0x3FFF, v13  }
0x1b7: {  	v13 =	vshrl.u32 v14, $0xE;
	v14 =	vand.u32 $0x3FFF, v14;
	v18 =	vld [tilespmem:s15+$0x0]  }
0x1b8: {  	v7 =	vld.idx.msk [tilespmem:v7+s1+$0x0], $0xffff  }
0x1b9: {  	v5 =	vshrl.u32 v5, $0xE;
	v8 =	vld.idx.msk [tilespmem:v8+s1+$0x0], $0xffff  }
0x1ba: {  	v4 =	vld.idx.msk [tilespmem:v4+s1+$0x0], $0xffff  }
0x1bb: {  	v19 =	vshll.u32 v10, $0x10;
	v3 =	vld.idx.msk [tilespmem:v3+s1+$0x0], $0xffff  }
0x1bc: {  	v10 =	vand.u32 $0xFFFF0000, v10;
	v20 =	vshll.u32 v6, $0x10;
	v14 =	vld.idx.msk [tilespmem:v14+s1+$0x0], $0xffff;
	v19 =	vmul.f32 v19, v18  }
0x1bd: {  	v6 =	vand.u32 $0xFFFF0000, v6;
	v10 =	vmul.f32 v10, v18;
	v11 =	vld.idx.msk [tilespmem:v11+s1+$0x0], $0xffff  }
0x1be: {  	v18 =	vshll.u32 v7, $0x10;
	v7 =	vand.u32 $0xFFFF0000, v7;
	[tilespmem:v5+s5+$0x0] =	vst.idx.add.f32.msk $0xffff, v19  }
0x1bf: {  	v19 =	vshll.u32 v8, $0x10;
	v8 =	vand.u32 $0xFFFF0000, v8;
	[tilespmem:v5+s8+$0x0] =	vst.idx.add.f32.msk $0xffff, v10  }
0x1c0: {  	v10 =	vshll.u32 v4, $0x10;
	v4 =	vand.u32 $0xFFFF0000, v4;
	v5 =	vld [tilespmem:s15+$0xFFFFFF90]  }
0x1c1: {  	v22 =	vshll.u32 v3, $0x10;
	v3 =	vand.u32 $0xFFFF0000, v3;
	v21 =	vld [tilespmem:s15+$0xFFFFFFA0]  }
0x1c2: {  	v23 =	vshll.u32 v14, $0x10;
	v14 =	vand.u32 $0xFFFF0000, v14;
	v24 =	vld [tilespmem:s15+$0xFFFFFFB0]  }
0x1c3: {  	v26 =	vshll.u32 v11, $0x10;
	v11 =	vand.u32 $0xFFFF0000, v11;
	v25 =	vld [tilespmem:s15+$0xFFFFFFC0]  }
0x1c4: {  	v27 =	vld [tilespmem:s15+$0xFFFFFFD0]  }
0x1c5: {  	v23 =	vmul.f32 v23, v5;
	v5 =	vmul.f32 v14, v5;
	v14 =	vld [tilespmem:s15+$0xFFFFFFE0]  }
0x1c6: {  	v20 =	vmul.f32 v20, v21;
	v6 =	vmul.f32 v6, v21;
	v21 =	vld [tilespmem:s15+$0xFFFFFFF0]  }
0x1c7: {  	[tilespmem:v13+s5+$0x0] =	vst.idx.add.f32.msk $0xffff, v23;
	v18 =	vmul.f32 v18, v24;
	v7 =	vmul.f32 v7, v24  }
0x1c8: {  	[tilespmem:v13+s8+$0x0] =	vst.idx.add.f32.msk $0xffff, v5;
	v5 =	vmul.f32 v19, v25;
	v8 =	vmul.f32 v8, v25  }
0x1c9: {  	[tilespmem:v12+s5+$0x0] =	vst.idx.add.f32.msk $0xffff, v20;
	v10 =	vmul.f32 v10, v27;
	v13 =	vmul.f32 v4, v27  }
0x1ca: {  	[tilespmem:v12+s8+$0x0] =	vst.idx.add.f32.msk $0xffff, v6;
	v6 =	vmul.f32 v22, v14;
	v12 =	vmul.f32 v3, v14  }
0x1cb: {  	[tilespmem:v15+s5+$0x0] =	vst.idx.add.f32.msk $0xffff, v18;
	v4 =	vmul.f32 v26, v21;
	v3 =	vmul.f32 v11, v21  }
0x1cc: {  	[tilespmem:v15+s8+$0x0] =	vst.idx.add.f32.msk $0xffff, v7  }
0x1cd: {  	[tilespmem:v16+s5+$0x0] =	vst.idx.add.f32.msk $0xffff, v5  }
.Ltmp11:
0x1ce: {  	[tilespmem:v16+s8+$0x0] =	vst.idx.add.f32.msk $0xffff, v8;
	(pc) =	sbr.rel @p0 .LBB2_19-.Ltmp11, $4  }
0x1cf: {  	[tilespmem:v17+s5+$0x0] =	vst.idx.add.f32.msk $0xffff, v10  }
0x1d0: {  	[tilespmem:v17+s8+$0x0] =	vst.idx.add.f32.msk $0xffff, v13  }
0x1d1: {  	[tilespmem:v9+s5+$0x0] =	vst.idx.add.f32.msk $0xffff, v6  }
0x1d2: {  	s16 =	sadd.s32 $0x80, s16;
	[tilespmem:v9+s8+$0x0] =	vst.idx.add.f32.msk $0xffff, v12  }
.Ltmp12:
0x1d3: {  	_ = 	snop;
	(pc) =	sbr.rel .LBB2_20-.Ltmp12, $1  }
0x1d4: {  	_ =	sdelay $0x3  }
.LBB2_22:
0x1d5: {  	s13 =	rddreg [dreg:$0x4]  }
0x1d6: {  	s14 =	sadd.s32 s13, s12  }
0x1d7: {  	s13 =	smul.u32 $0x500, s14;
	_ =	sdelay $0x1  }
0x1d8: {  	s14 =	smul.u32 $0x2800, s14;
	s15 =	sadd.s32 s7, s13;
	s13 =	simm.s32 $0x0  }
0x1d9: {  	[hbm4b:s15+s13] =	stream.linear.scatter [tilespmem:s5], [sflag:$0x3], $0x2800, $0x38;
	[tilespmem:$0x14680] =	vst v63  }
0x1da: {  	s14 =	sshrl.u32 s14, $0x3;
	_ =	swait.ge [sflag:s25], $0x2800  }
0x1db: {  	s14 =	sadd.s32 s7, s14;
	[sflag:s25] =	ssyncset.done $0x0  }
0x1dc: {  	s14 =	sadd.s32 $0x2800, s14;
	[sflag:s25] =	ssyncadd.s32 $0xFFFFD800  }
0x1dd: {  	[hbm4b:s14+s13] =	stream.linear.scatter [tilespmem:s8], [sflag:$0x3], $0x2800, $0x38;
	[tilespmem:$0x14680] =	vst v63  }
0x1de: {  	_ =	swait.ge [sflag:s25], $0x2800  }
0x1df: {  	[sflag:s25] =	ssyncset.done $0x0  }
0x1e0: {  	s16 =	rddreg [dreg:$0x6];
	[sflag:s25] =	ssyncadd.s32 $0xFFFFD800  }
0x1e1: {  	[spmem:s16] =	stream.linear.scatter [tilespmem:s10], [sflag:$0x3], $0x2800, $0x38;
	[tilespmem:$0x14680] =	vst v63  }
0x1e2: {  	_ =	swait.ge [sflag:s25], $0x2800  }
0x1e3: {  	[sflag:s25] =	ssyncset.done $0x0  }
0x1e4: {  	[sflag:s25] =	ssyncadd.s32 $0xFFFFD800  }
0x1e5: {  	s17 =	simm.s32 $0x11C00;
	[bflag:$0x0] =	sbarrier.arrive $0xFFFF  }
0x1e6: {  	[tilespmem:s17], [sflag:$0x3] =	stream.linear.gather [spmem:s9], $0x280, $0x38;
	[tilespmem:$0x14680] =	vst v63  }
0x1e7: {  	_ =	swait.ge [sflag:s25], $0x280  }
0x1e8: {  	[sflag:s25] =	ssyncset.done $0x0  }
0x1e9: {  	s19 =	simm.s32 $0x11E80;
	s18 =	rddreg [dreg:$0x7];
	[sflag:s25] =	ssyncadd.s32 $0xFFFFFD80  }
0x1ea: {  	[tilespmem:s19], [sflag:$0x3] =	stream.linear.gather [spmem:s18], $0x280, $0x38;
	[tilespmem:$0x14680] =	vst v63  }
0x1eb: {  	_ =	swait.ge [sflag:s25], $0x280  }
0x1ec: {  	[sflag:s25] =	ssyncset.done $0x0  }
0x1ed: {  	s17 =	simm.s32 $0x12100;
	s16 =	rddreg [dreg:$0x8];
	[sflag:s25] =	ssyncadd.s32 $0xFFFFFD80  }
0x1ee: {  	[tilespmem:s17], [sflag:$0x3] =	stream.linear.gather [spmem:s16], $0x280, $0x38;
	[tilespmem:$0x14680] =	vst v63  }
0x1ef: {  	_ =	swait.ge [sflag:s25], $0x280  }
0x1f0: {  	[sflag:s25] =	ssyncset.done $0x0  }
0x1f1: {  	s19 =	simm.s32 $0x12380;
	s18 =	rddreg [dreg:$0x9];
	[sflag:s25] =	ssyncadd.s32 $0xFFFFFD80  }
0x1f2: {  	[tilespmem:s19], [sflag:$0x3] =	stream.linear.gather [spmem:s18], $0x280, $0x38;
	[tilespmem:$0x14680] =	vst v63  }
0x1f3: {  	_ =	swait.ge [sflag:s25], $0x280  }
0x1f4: {  	[sflag:s25] =	ssyncset.done $0x0  }
0x1f5: {  	s17 =	simm.s32 $0x12600;
	s16 =	rddreg [dreg:$0xa];
	[sflag:s25] =	ssyncadd.s32 $0xFFFFFD80  }
0x1f6: {  	[tilespmem:s17], [sflag:$0x3] =	stream.linear.gather [spmem:s16], $0x280, $0x38;
	[tilespmem:$0x14680] =	vst v63  }
0x1f7: {  	_ =	swait.ge [sflag:s25], $0x280  }
0x1f8: {  	[sflag:s25] =	ssyncset.done $0x0  }
0x1f9: {  	s19 =	simm.s32 $0x12880;
	s18 =	rddreg [dreg:$0xb];
	[sflag:s25] =	ssyncadd.s32 $0xFFFFFD80  }
0x1fa: {  	[tilespmem:s19], [sflag:$0x3] =	stream.linear.gather [spmem:s18], $0x280, $0x38;
	[tilespmem:$0x14680] =	vst v63  }
0x1fb: {  	_ =	swait.ge [sflag:s25], $0x280  }
0x1fc: {  	[sflag:s25] =	ssyncset.done $0x0  }
0x1fd: {  	s17 =	simm.s32 $0x12B00;
	s16 =	rddreg [dreg:$0xc];
	[sflag:s25] =	ssyncadd.s32 $0xFFFFFD80  }
0x1fe: {  	[tilespmem:s17], [sflag:$0x3] =	stream.linear.gather [spmem:s16], $0x280, $0x38;
	[tilespmem:$0x14680] =	vst v63  }
0x1ff: {  	_ =	swait.ge [sflag:s25], $0x280  }
0x200: {  	[sflag:s25] =	ssyncset.done $0x0  }
0x201: {  	s19 =	simm.s32 $0x12D80;
	s18 =	rddreg [dreg:$0xd];
	[sflag:s25] =	ssyncadd.s32 $0xFFFFFD80  }
0x202: {  	[tilespmem:s19], [sflag:$0x3] =	stream.linear.gather [spmem:s18], $0x280, $0x38;
	[tilespmem:$0x14680] =	vst v63  }
0x203: {  	_ =	swait.ge [sflag:s25], $0x280  }
0x204: {  	[sflag:s25] =	ssyncset.done $0x0  }
0x205: {  	s17 =	simm.s32 $0x13000;
	s16 =	rddreg [dreg:$0xe];
	[sflag:s25] =	ssyncadd.s32 $0xFFFFFD80  }
0x206: {  	[tilespmem:s17], [sflag:$0x3] =	stream.linear.gather [spmem:s16], $0x280, $0x38;
	[tilespmem:$0x14680] =	vst v63  }
0x207: {  	_ =	swait.ge [sflag:s25], $0x280  }
0x208: {  	[sflag:s25] =	ssyncset.done $0x0  }
0x209: {  	s19 =	simm.s32 $0x13280;
	s18 =	rddreg [dreg:$0xf];
	[sflag:s25] =	ssyncadd.s32 $0xFFFFFD80  }
0x20a: {  	[tilespmem:s19], [sflag:$0x3] =	stream.linear.gather [spmem:s18], $0x280, $0x38;
	[tilespmem:$0x14680] =	vst v63  }
0x20b: {  	_ =	swait.ge [sflag:s25], $0x280  }
0x20c: {  	[sflag:s25] =	ssyncset.done $0x0  }
0x20d: {  	s15 =	simm.s32 $0x13500;
	[sflag:s25] =	ssyncadd.s32 $0xFFFFFD80  }
0x20e: {  	[tilespmem:s15], [sflag:$0x3] =	stream.linear.gather [spmem:s21], $0x280, $0x38;
	[tilespmem:$0x14680] =	vst v63  }
0x20f: {  	_ =	swait.ge [sflag:s25], $0x280  }
0x210: {  	[sflag:s25] =	ssyncset.done $0x0  }
0x211: {  	s16 =	simm.s32 $0x13780;
	[sflag:s25] =	ssyncadd.s32 $0xFFFFFD80  }
0x212: {  	[tilespmem:s16], [sflag:$0x3] =	stream.linear.gather [spmem:s22], $0x280, $0x38;
	[tilespmem:$0x14680] =	vst v63  }
0x213: {  	_ =	swait.ge [sflag:s25], $0x280  }
0x214: {  	[sflag:s25] =	ssyncset.done $0x0  }
0x215: {  	s17 =	simm.s32 $0x13A00;
	[sflag:s25] =	ssyncadd.s32 $0xFFFFFD80  }
0x216: {  	[tilespmem:s17], [sflag:$0x3] =	stream.linear.gather [spmem:s23], $0x280, $0x38;
	[tilespmem:$0x14680] =	vst v63  }
0x217: {  	_ =	swait.ge [sflag:s25], $0x280  }
0x218: {  	[sflag:s25] =	ssyncset.done $0x0  }
0x219: {  	s18 =	simm.s32 $0x13C80;
	[sflag:s25] =	ssyncadd.s32 $0xFFFFFD80  }
0x21a: {  	[tilespmem:s18], [sflag:$0x3] =	stream.linear.gather [spmem:s26], $0x280, $0x38;
	[tilespmem:$0x14680] =	vst v63  }
0x21b: {  	_ =	swait.ge [sflag:s25], $0x280  }
0x21c: {  	[sflag:s25] =	ssyncset.done $0x0  }
0x21d: {  	s19 =	simm.s32 $0x13F00;
	[sflag:s25] =	ssyncadd.s32 $0xFFFFFD80  }
0x21e: {  	[tilespmem:s19], [sflag:$0x3] =	stream.linear.gather [spmem:s28], $0x280, $0x38;
	[tilespmem:$0x14680] =	vst v63  }
0x21f: {  	_ =	swait.ge [sflag:s25], $0x280  }
0x220: {  	[sflag:s25] =	ssyncset.done $0x0  }
0x221: {  	s15 =	simm.s32 $0x14180;
	[sflag:s25] =	ssyncadd.s32 $0xFFFFFD80  }
0x222: {  	[tilespmem:s15], [sflag:$0x3] =	stream.linear.gather [spmem:s29], $0x280, $0x38;
	[tilespmem:$0x14680] =	vst v63  }
0x223: {  	_ =	swait.ge [sflag:s25], $0x280  }
0x224: {  	[sflag:s25] =	ssyncset.done $0x0  }
0x225: {  	s16 =	simm.s32 $0x13010;
	[sflag:s25] =	ssyncadd.s32 $0xFFFFFD80  }
0x226: {  	s13 =	sand.u32 $0x3E0, s13;
	v2 =	vld [tilespmem:s16+$0xFFFFEBF0]  }
0x227: {  	v3 =	vld [tilespmem:s13+$0x11E80]  }
0x228: {  	v4 =	vld [tilespmem:s16+$0xFFFFEC00]  }
0x229: {  	v5 =	vld [tilespmem:s13+$0x12100]  }
0x22a: {  	v6 =	vld [tilespmem:s16+$0xFFFFEE80]  }
0x22b: {  	v7 =	vld [tilespmem:s13+$0x12380]  }
0x22c: {  	v8 =	vld [tilespmem:s16+$0xFFFFF100]  }
0x22d: {  	v9 =	vld [tilespmem:s13+$0x12600]  }
0x22e: {  	v10 =	vld [tilespmem:s16+$0xFFFFF380]  }
0x22f: {  	v11 =	vld [tilespmem:s13+$0x12880]  }
0x230: {  	v12 =	vld [tilespmem:s16+$0xFFFFF600]  }
0x231: {  	v13 =	vld [tilespmem:s13+$0x12B00]  }
0x232: {  	v14 =	vld [tilespmem:s16+$0xFFFFF880]  }
0x233: {  	v15 =	vld [tilespmem:s13+$0x12D80]  }
0x234: {  	v16 =	vld [tilespmem:s16+$0xFFFFFB00]  }
0x235: {  	v17 =	vld [tilespmem:s13+$0x13000]  }
0x236: {  	v18 =	vld [tilespmem:s16+$0xFFFFFD80]  }
0x237: {  	v19 =	vld [tilespmem:s13+$0x13280]  }
0x238: {  	v20 =	vld [tilespmem:s16+$0x0]  }
0x239: {  	v21 =	vld [tilespmem:s13+$0x13500]  }
0x23a: {  	v22 =	vld [tilespmem:s16+$0x280]  }
0x23b: {  	v23 =	vld [tilespmem:s13+$0x13780]  }
0x23c: {  	v24 =	vld [tilespmem:s16+$0x500]  }
0x23d: {  	v25 =	vld [tilespmem:s13+$0x13A00]  }
0x23e: {  	v26 =	vld [tilespmem:s16+$0x780]  }
0x23f: {  	v27 =	vld [tilespmem:s13+$0x13C80]  }
0x240: {  	v28 =	vld [tilespmem:s16+$0xA00]  }
0x241: {  	v29 =	vld [tilespmem:s13+$0x13F00]  }
0x242: {  	v30 =	vld [tilespmem:s16+$0xC80]  }
0x243: {  	v31 =	vld [tilespmem:s13+$0x14180]  }
0x244: {  	v32 =	vld [tilespmem:s16+$0xF00]  }
0x245: {  	s17 =	simm.s32 $0x13030;
	s18 =	simm.s32 $0x20;
	v33 =	vld [tilespmem:s16+$0x1180]  }
0x246: {  	s19 =	sand.u32 $0x3E0, s18;
	v2 =	vadd.f32 v3, v2;
	v3 =	vadd.f32 v6, v4;
	v4 =	vld [tilespmem:s17+$0xFFFFEBF0]  }
0x247: {  	v6 =	vld [tilespmem:s19+$0x11E80]  }
0x248: {  	v2 =	vadd.f32 v5, v2;
	v5 =	vld [tilespmem:s17+$0xFFFFEC00]  }
0x249: {  	v3 =	vadd.f32 v8, v3;
	v8 =	vld [tilespmem:s19+$0x12100]  }
0x24a: {  	v2 =	vadd.f32 v7, v2;
	v7 =	vld [tilespmem:s17+$0xFFFFEE80]  }
0x24b: {  	v3 =	vadd.f32 v10, v3;
	v10 =	vld [tilespmem:s19+$0x12380]  }
0x24c: {  	v4 =	vadd.f32 v6, v4;
	v2 =	vadd.f32 v9, v2;
	v9 =	vld [tilespmem:s17+$0xFFFFF100]  }
0x24d: {  	v6 =	vld [tilespmem:s19+$0x12600];
	v3 =	vadd.f32 v12, v3  }
0x24e: {  	v4 =	vadd.f32 v8, v4;
	v2 =	vadd.f32 v11, v2;
	v11 =	vld [tilespmem:s17+$0xFFFFF380]  }
0x24f: {  	v3 =	vadd.f32 v14, v3;
	v5 =	vadd.f32 v7, v5;
	v7 =	vld [tilespmem:s19+$0x12880]  }
0x250: {  	v8 =	vld [tilespmem:s17+$0xFFFFF600];
	v4 =	vadd.f32 v10, v4;
	v2 =	vadd.f32 v13, v2  }
0x251: {  	v3 =	vadd.f32 v16, v3;
	v5 =	vadd.f32 v9, v5;
	v9 =	vld [tilespmem:s19+$0x12B00]  }
0x252: {  	v10 =	vld [tilespmem:s17+$0xFFFFF880];
	v4 =	vadd.f32 v6, v4;
	v2 =	vadd.f32 v15, v2  }
0x253: {  	v6 =	vld [tilespmem:s19+$0x12D80];
	v3 =	vadd.f32 v18, v3;
	v5 =	vadd.f32 v11, v5  }
0x254: {  	v11 =	vld [tilespmem:s17+$0xFFFFFB00];
	v2 =	vadd.f32 v17, v2;
	v4 =	vadd.f32 v7, v4  }
0x255: {  	v3 =	vadd.f32 v20, v3;
	v7 =	vld [tilespmem:s19+$0x13000];
	v5 =	vadd.f32 v8, v5  }
0x256: {  	v8 =	vld [tilespmem:s17+$0xFFFFFD80];
	v2 =	vadd.f32 v19, v2;
	v4 =	vadd.f32 v9, v4  }
0x257: {  	v3 =	vadd.f32 v22, v3;
	v9 =	vld [tilespmem:s19+$0x13280];
	v5 =	vadd.f32 v10, v5  }
0x258: {  	v10 =	vld [tilespmem:s17+$0x0];
	v2 =	vadd.f32 v21, v2;
	v4 =	vadd.f32 v6, v4  }
0x259: {  	v3 =	vadd.f32 v24, v3;
	v6 =	vld [tilespmem:s19+$0x13500];
	v5 =	vadd.f32 v11, v5  }
0x25a: {  	v11 =	vld [tilespmem:s17+$0x280];
	v2 =	vadd.f32 v23, v2;
	v4 =	vadd.f32 v7, v4  }
0x25b: {  	v3 =	vadd.f32 v26, v3;
	v7 =	vld [tilespmem:s19+$0x13780];
	v5 =	vadd.f32 v8, v5  }
0x25c: {  	v8 =	vld [tilespmem:s17+$0x500];
	v2 =	vadd.f32 v25, v2;
	v4 =	vadd.f32 v9, v4  }
0x25d: {  	v3 =	vadd.f32 v28, v3;
	v9 =	vld [tilespmem:s19+$0x13A00];
	v5 =	vadd.f32 v10, v5  }
0x25e: {  	v10 =	vld [tilespmem:s17+$0x780];
	v2 =	vadd.f32 v27, v2;
	v4 =	vadd.f32 v6, v4  }
0x25f: {  	v3 =	vadd.f32 v30, v3;
	v5 =	vadd.f32 v11, v5;
	v11 =	vld [tilespmem:s19+$0x13C80]  }
0x260: {  	v63 =	vld [tilespmem:s17+$0xA00];
	v6 =	vadd.f32 v29, v2;
	v7 =	vadd.f32 v7, v4  }
0x261: {  	v3 =	vadd.f32 v32, v3;
	v2 =	vld [tilespmem:s19+$0x13F00];
	v5 =	vadd.f32 v8, v5  }
0x262: {  	v4 =	vld [tilespmem:s17+$0xC80];
	v6 =	vadd.f32 v31, v6;
	v7 =	vadd.f32 v9, v7  }
0x263: {  	s13 =	simm.s32 $0x14410;
	v8 =	vadd.f32 v33, v3;
	v3 =	vld [tilespmem:s19+$0x14180];
	v5 =	vadd.f32 v10, v5  }
0x264: {  	[tilespmem:s13+$0xFFFFFFF0] =	vst v6;
	v6 =	vld [tilespmem:s17+$0xF00];
	v7 =	vadd.f32 v11, v7  }
0x265: {  	s14 =	simm.s32 $0x2;
	s15 =	simm.s32 $0x13050;
	s16 =	simm.s32 $0x40;
	[tilespmem:s13+$0x0] =	vst v8;
	v8 =	vadd.f32 v63, v5;
	v5 =	vld [tilespmem:s17+$0x1180]  }
.LBB2_23:
0x266: {  	v9 =	vld [tilespmem:s15+$0xFFFFEBF0];
	s17 =	sand.u32 $0x3E0, s16;
	s14 =	sadd.s32 $0x2, s14;
	v2 =	vadd.f32 v2, v7  }
0x267: {  	v7 =	vld [tilespmem:s17+$0x11E80];
	p0 =	slt.u32 s14, $0x26;
	v4 =	vadd.f32 v4, v8  }
0x268: {  	v8 =	vld [tilespmem:s15+$0xFFFFEC00];
	v2 =	vadd.f32 v3, v2  }
0x269: {  	s13 =	sadd.s32 $0x20, s13;
	v3 =	vld [tilespmem:s17+$0x12100];
	v4 =	vadd.f32 v6, v4  }
0x26a: {  	v6 =	vld [tilespmem:s15+$0xFFFFEE80];
	[tilespmem:s13+$0xFFFFFFF0] =	vst v2  }
0x26b: {  	v2 =	vld [tilespmem:s17+$0x12380];
	v4 =	vadd.f32 v5, v4  }
0x26c: {  	v5 =	vadd.f32 v7, v9;
	v7 =	vld [tilespmem:s15+$0xFFFFF100]  }
0x26d: {  	v9 =	vld [tilespmem:s17+$0x12600];
	[tilespmem:s13+$0x0] =	vst v4  }
0x26e: {  	v3 =	vadd.f32 v3, v5;
	v4 =	vld [tilespmem:s15+$0xFFFFF380]  }
0x26f: {  	v5 =	vld [tilespmem:s17+$0x12880];
	v6 =	vadd.f32 v6, v8  }
0x270: {  	v2 =	vadd.f32 v2, v3;
	v3 =	vld [tilespmem:s15+$0xFFFFF600]  }
0x271: {  	v8 =	vld [tilespmem:s17+$0x12B00];
	v6 =	vadd.f32 v7, v6  }
0x272: {  	v2 =	vadd.f32 v9, v2;
	v7 =	vld [tilespmem:s15+$0xFFFFF880]  }
0x273: {  	v9 =	vld [tilespmem:s17+$0x12D80];
	v4 =	vadd.f32 v4, v6  }
0x274: {  	v2 =	vadd.f32 v5, v2;
	v5 =	vld [tilespmem:s15+$0xFFFFFB00]  }
0x275: {  	v6 =	vld [tilespmem:s17+$0x13000];
	v3 =	vadd.f32 v3, v4  }
0x276: {  	v2 =	vadd.f32 v8, v2;
	v4 =	vld [tilespmem:s15+$0xFFFFFD80]  }
0x277: {  	v8 =	vld [tilespmem:s17+$0x13280];
	v3 =	vadd.f32 v7, v3  }
0x278: {  	v2 =	vadd.f32 v9, v2;
	v7 =	vld [tilespmem:s15+$0x0]  }
0x279: {  	v9 =	vld [tilespmem:s17+$0x13500];
	v3 =	vadd.f32 v5, v3  }
0x27a: {  	v2 =	vadd.f32 v6, v2;
	v5 =	vld [tilespmem:s15+$0x280]  }
0x27b: {  	v6 =	vld [tilespmem:s17+$0x13780];
	v3 =	vadd.f32 v4, v3  }
0x27c: {  	v2 =	vadd.f32 v8, v2;
	v4 =	vld [tilespmem:s15+$0x500]  }
0x27d: {  	v8 =	vld [tilespmem:s17+$0x13A00];
	v3 =	vadd.f32 v7, v3  }
0x27e: {  	v2 =	vadd.f32 v9, v2;
	v7 =	vld [tilespmem:s15+$0x780]  }
0x27f: {  	v9 =	vld [tilespmem:s17+$0x13C80];
	v3 =	vadd.f32 v5, v3  }
0x280: {  	v5 =	vadd.f32 v6, v2;
	v10 =	vld [tilespmem:s15+$0xA00]  }
.Ltmp13:
0x281: {  	v2 =	vld [tilespmem:s17+$0x13F00];
	v6 =	vadd.f32 v4, v3;
	(pc) =	sbr.rel @p0 .LBB2_23-.Ltmp13, $4  }
0x282: {  	v5 =	vadd.f32 v8, v5;
	v4 =	vld [tilespmem:s15+$0xC80]  }
0x283: {  	v3 =	vld [tilespmem:s17+$0x14180];
	v8 =	vadd.f32 v7, v6  }
0x284: {  	v7 =	vadd.f32 v9, v5;
	v6 =	vld [tilespmem:s15+$0xF00]  }
0x285: {  	s16 =	sadd.s32 $0x20, s16;
	v8 =	vadd.f32 v10, v8;
	v5 =	vld [tilespmem:s15+$0x1180];
	s15 =	sadd.s32 $0x20, s15  }
0x286: {  	_ = 	snop  }
0x287: {  	v4 =	vadd.f32 v4, v8  }
0x288: {  	v2 =	vadd.f32 v2, v7;
	s14 =	sadd.s32 s30, s12  }
0x289: {  	s14 =	smul.u32 $0x2800, s14;
	v4 =	vadd.f32 v6, v4  }
0x28a: {  	v2 =	vadd.f32 v3, v2  }
0x28b: {  	s13 =	sadd.s32 $0x20, s13;
	s14 =	sadd.s32 s14, s24;
	v3 =	vadd.f32 v5, v4  }
0x28c: {  	s12 =	sadd.s32 $0x1, s12;
	[tilespmem:s13+$0xFFFFFFF0] =	vst v2;
	s14 =	sshrl.u32 s14, $0x3  }
0x28d: {  	s19 =	simm.s32 $0x14400;
	p0 =	sne.s32 s12, $0x8;
	s18 =	sadd.s32 s7, s14;
	[tilespmem:s13+$0x0] =	vst v3  }
0x28e: {  	[hbm4b:s18+s1] =	stream.linear.scatter [tilespmem:s19], [sflag:$0x3], $0x280, $0x38;
	[tilespmem:$0x14680] =	vst v63  }
.Ltmp14:
0x28f: {  	_ =	swait.ge [sflag:s25], $0x280;
	(pc) =	sbr.rel @p0 .LBB2_2-.Ltmp14, $3  }
0x290: {  	[sflag:s25] =	ssyncset.done $0x0  }
0x291: {  	[sflag:s25] =	ssyncadd.s32 $0xFFFFFD80  }
0x292: {  	[bflag:$0x0] =	sbarrier.arrive $0xFFFF;
	_ =	sdelay $0x1  }
0x293: {  	s13 =	rddreg [dreg:$0x11]  }
0x294: {  	s12 =	rddreg [dreg:$0x10];
	s13 =	sadd.s32 $0x1, s13  }
0x295: {  	p0 =	sne.s32 s13, s12  }
.Ltmp15:
0x296: {  	_ = 	snop;
	(pc) =	sbr.rel @p0 .LBB2_1-.Ltmp15, $1  }
0x297: {  	_ =	sdelay $0x3  }
0x298: {  	_ =	sfence.sel $0x180000  }
0x299: {  	[bflag:$0x0] =	sbarrier.arrive $0xFFFF  }
0x29a: {  	_ =	strace $0x9000004A  }
0x29b: {  	[bflag:$0x2] =	sbarrier.arrive $0xFFFF  }
0x29c: {  	p0 =	sne.s32 s2, $0x0;
	s0 =	rddreg [dreg:$0x2]  }
0x29d: {  	s0 =	sadd.s32 @!p0 $0x100000, s0  }
0x29e: {  	[sflag:s0] =	ssyncadd.tile.s32 @!p0 $0x1;
	_ =	shalt  }
.Lfunc_end2:
_tile_overlayer_lowered:
.L_overlay_start_2:
0x29f: {  	(tag) =	ssettag $0x2  }
0x2a0: {  	s0 =	rddreg [dreg:$0x0];
	s2 =	stileid.u32  }
0x2a1: {  	s1 =	rddreg [dreg:$0x1];
	p0 =	sne.s32 s2, $0x0  }
0x2a2: {  	s3 =	rddreg [dreg:$0x2];
	[bflag:$0x3] =	sbarrier.arrive $0xFFFF;
	s2 =	simm.s32 @!p0 $0x1C03  }
0x2a3: {  	[timem:s3], [sflag:s2] =	dma.local @!p0 [hbm:s0], s1  }
0x2a4: {  	s0 =	simm.s32 @!p0 $0x3  }
0x2a5: {  	_ =	swait.ge @!p0 [sflag:s0], s1  }
0x2a6: {  	s1 =	ssub.s32 @!p0 $0x0, s1;
	[sflag:s0] =	ssyncset.done @!p0 $0x0  }
0x2a7: {  	[sflag:s0] =	ssyncadd.s32 @!p0 s1  }
0x2a8: {  	[bflag:$0x3] =	sbarrier.arrive $0xFFFF  }
0x2a9: {  	_ =	shalt  }

</sc_bundles>
